<compile_context>
chip_gen: v7x
topology: tpu7x:2x2x1
jax: 0.10.2.dev20260603
libtpu: 0.0.44.dev20260713+nightly
codegen_flags: <defaults>
</compile_context>

<pallas_src>
import functools

import jax
import jax.numpy as jnp
from jax import lax
from jax.experimental import pallas as pl
from jax.experimental.pallas import tpu as pltpu
import jax.experimental.pallas.tpu_sc as plsc

N_NODES = 10000
NPAD = 10240
NC, NS = 2, 16
NW = NC * NS
RPT = NPAD // NS

AGG_CFG = {128: (160, 2), 64: (512, 2), 32: (1536, 2), 16: (3072, 2)}
K_DEG = 1024


def _epad_for(unit, e_tot):
    return -(-e_tot // unit) * unit



@functools.lru_cache(maxsize=None)
def _sc_agg(dout, ept, kk, nbg):
    nchunk = ept // kk
    ngroup = nchunk // nbg
    mesh = plsc.VectorSubcoreMesh(core_axis_name="c", subcore_axis_name="s", num_cores=NC, num_subcores=NS)

    scratch = []
    scratch += [pltpu.VMEM((kk,), jnp.int32) for _ in range(nbg)]
    scratch += [pltpu.VMEM((kk,), jnp.int32) for _ in range(nbg)]
    scratch += [pltpu.VMEM((kk, dout), jnp.float32) for _ in range(nbg)]
    scratch += [pltpu.VMEM_SHARED((NPAD, dout), jnp.float32)]
    scratch += [pltpu.SemaphoreType.DMA for _ in range(nbg)]

    @functools.partial(
        pl.kernel,
        out_type=jax.ShapeDtypeStruct((NC, NPAD, dout), jnp.float32),
        mesh=mesh,
        scratch_types=scratch,
        compiler_params=pltpu.CompilerParams(use_tc_tiling_on_sc=False),
    )
    def agg(hs_hbm, src_hbm, dst_hbm, zrows_hbm, out_hbm, *scr):
        idx_s = scr[0:nbg]
        idx_d = scr[nbg:2 * nbg]
        rows = scr[2 * nbg:3 * nbg]
        acc = scr[3 * nbg]
        sems = scr[3 * nbg + 1:3 * nbg + 1 + nbg]

        c = lax.axis_index("c")
        s = lax.axis_index("s")
        tile = c * NS + s
        base = tile * ept

        for b in range(nbg):
            off = base + b * kk
            pltpu.sync_copy(src_hbm.at[pl.ds(off, kk)], idx_s[b])
            pltpu.sync_copy(dst_hbm.at[pl.ds(off, kk)], idx_d[b])
            pltpu.async_copy(hs_hbm.at[idx_s[b]], rows[b], sems[b])
        pltpu.sync_copy(zrows_hbm, acc.at[pl.ds(s * RPT, RPT)])
        plsc.subcore_barrier()

        def group(g, carry):
            for b in range(nbg):
                pltpu.make_async_copy(hs_hbm.at[idx_s[b]], rows[b], sems[b]).wait()
                pltpu.sync_copy(rows[b], acc.at[idx_d[b]], add=True)
                off = base + ((g + 1) * nbg + b) * kk
                pltpu.sync_copy(src_hbm.at[pl.ds(off, kk)], idx_s[b])
                pltpu.sync_copy(dst_hbm.at[pl.ds(off, kk)], idx_d[b])
                pltpu.async_copy(hs_hbm.at[idx_s[b]], rows[b], sems[b])
            return carry

        lax.fori_loop(0, ngroup - 1, group, 0)

        for b in range(nbg):
            pltpu.make_async_copy(hs_hbm.at[idx_s[b]], rows[b], sems[b]).wait()
            pltpu.sync_copy(rows[b], acc.at[idx_d[b]], add=True)

        plsc.subcore_barrier()
        pltpu.sync_copy(acc.at[pl.ds(s * RPT, RPT)], out_hbm.at[c, pl.ds(s * RPT, RPT)])

    return agg


def _sc_deg(ept):
    nchunk = ept // K_DEG
    mesh = plsc.VectorSubcoreMesh(core_axis_name="c", subcore_axis_name="s", num_cores=NC, num_subcores=NS)

    @functools.partial(
        pl.kernel,
        out_type=jax.ShapeDtypeStruct((NC, NPAD, 16), jnp.float32),
        mesh=mesh,
        scratch_types=[
            pltpu.VMEM((K_DEG,), jnp.int32),
            pltpu.VMEM((K_DEG,), jnp.int32),
            pltpu.VMEM((K_DEG, 16), jnp.float32),
            pltpu.VMEM_SHARED((NPAD, 16), jnp.float32),
            pltpu.SemaphoreType.DMA,
            pltpu.SemaphoreType.DMA,
        ],
        compiler_params=pltpu.CompilerParams(use_tc_tiling_on_sc=False),
    )
    def deg(dst_hbm, ones_hbm, zrows_hbm, out_hbm, idx0, idx1, ones_v, acc, sem0, sem1):
        idx = (idx0, idx1)
        sems = (sem0, sem1)
        c = lax.axis_index("c")
        s = lax.axis_index("s")
        tile = c * NS + s
        base = tile * ept

        for b in range(2):
            off = base + b * K_DEG
            pltpu.async_copy(dst_hbm.at[pl.ds(off, K_DEG)], idx[b], sems[b])
        pltpu.sync_copy(zrows_hbm, acc.at[pl.ds(s * RPT, RPT)])
        pltpu.sync_copy(ones_hbm, ones_v)
        plsc.subcore_barrier()

        def group(g, carry):
            for b in range(2):
                pltpu.make_async_copy(dst_hbm.at[pl.ds(0, K_DEG)], idx[b], sems[b]).wait()
                pltpu.sync_copy(ones_v, acc.at[idx[b]], add=True)
                off = base + ((g + 1) * 2 + b) * K_DEG
                pltpu.async_copy(dst_hbm.at[pl.ds(off, K_DEG)], idx[b], sems[b])
            return carry

        lax.fori_loop(0, nchunk // 2 - 1, group, 0)
        for b in range(2):
            pltpu.make_async_copy(dst_hbm.at[pl.ds(0, K_DEG)], idx[b], sems[b]).wait()
            pltpu.sync_copy(ones_v, acc.at[idx[b]], add=True)

        plsc.subcore_barrier()
        pltpu.sync_copy(acc.at[pl.ds(s * RPT, RPT)], out_hbm.at[c, pl.ds(s * RPT, RPT)])

    return deg



def _tc_first(x_pad, d0, d1, w1):

    def body(x_ref, d0_ref, d1_ref, w_ref, dis_ref, hs_ref):
        deg = (d0_ref[...] + d1_ref[...])[:, 0:1]
        row = lax.broadcasted_iota(jnp.int32, (NPAD, 1), 0)
        valid = (row < N_NODES).astype(jnp.float32)
        dis = valid * lax.rsqrt(jnp.maximum(deg, 1.0))
        dis_ref[...] = dis
        hs_ref[...] = jnp.dot(x_ref[...], w_ref[...],
                              preferred_element_type=jnp.float32) * dis

    return pl.pallas_call(
        body,
        out_shape=[
            jax.ShapeDtypeStruct((NPAD, 1), jnp.float32),
            jax.ShapeDtypeStruct((NPAD, 128), jnp.float32),
        ],
    )(x_pad, d0, d1, w1)


def _tc_mid(a0, a1, dis, b, w):
    dout = w.shape[1]

    def body(a0_ref, a1_ref, dis_ref, b_ref, w_ref, hs_ref):
        dis_v = dis_ref[...]
        h = jnp.maximum((a0_ref[...] + a1_ref[...]) * dis_v + b_ref[...], 0.0)
        hs_ref[...] = jnp.dot(h, w_ref[...],
                              preferred_element_type=jnp.float32) * dis_v

    return pl.pallas_call(
        body,
        out_shape=jax.ShapeDtypeStruct((NPAD, dout), jnp.float32),
    )(a0, a1, dis, b, w)


def _tc_last(a0, a1, dis, b):
    dout = a0.shape[1]

    def body(a0_ref, a1_ref, dis_ref, b_ref, out_ref):
        out_ref[...] = (a0_ref[...] + a1_ref[...]) * dis_ref[...] + b_ref[...]

    return pl.pallas_call(
        body,
        out_shape=jax.ShapeDtypeStruct((NPAD, dout), jnp.float32),
    )(a0, a1, dis, b)



def kernel(x, edge_index, W1, b1, W2, b2, W3, b3, W4, b4, W5, b5):
    n = x.shape[0]
    e = edge_index.shape[1]
    e_tot = e + n

    douts = [w.shape[1] for w in (W1, W2, W3, W4, W5)]
    cfgs = [AGG_CFG[d] for d in douts]
    epads = [_epad_for(NW * kk * nbg, e_tot) for kk, nbg in cfgs]
    epad_deg = _epad_for(NW * K_DEG * 2, e_tot)
    epad_max = max(epads + [epad_deg])

    ei = edge_index.astype(jnp.int32)
    loop = jnp.arange(n, dtype=jnp.int32)
    pad = n + (jnp.arange(epad_max - e_tot, dtype=jnp.int32) % (NPAD - n))
    srcp = jnp.concatenate([ei[0], loop, pad])
    dstp = jnp.concatenate([ei[1], loop, pad])

    x_pad = jnp.pad(x, ((0, NPAD - n), (0, 0)))
    ones16 = jnp.ones((K_DEG, 16), jnp.float32)
    z16 = jnp.zeros((RPT, 16), jnp.float32)

    degp = _sc_deg(epad_deg // NW)(dstp, ones16, z16)
    dis, hs = _tc_first(x_pad, degp[0], degp[1], W1)

    ws = [W2, W3, W4, W5]
    bs = [b1, b2, b3, b4]
    for i in range(4):
        dout = hs.shape[1]
        kk, nbg = cfgs[i]
        zr = jnp.zeros((RPT, dout), jnp.float32)
        aggp = _sc_agg(dout, epads[i] // NW, kk, nbg)(hs, srcp, dstp, zr)
        hs = _tc_mid(aggp[0], aggp[1], dis, bs[i].reshape(1, -1), ws[i])

    dout = hs.shape[1]
    kk, nbg = cfgs[4]
    zr = jnp.zeros((RPT, dout), jnp.float32)
    aggp = _sc_agg(dout, epads[4] // NW, kk, nbg)(hs, srcp, dstp, zr)
    out = _tc_last(aggp[0], aggp[1], dis, b5.reshape(1, -1))
    return out[:n]

# --- scband reference (transcript-rebuilt; emitter-appended) ---
"""Pipeline reference for scband-gnn-88613765251253 (READ-ONLY COPY).

The authoritative reference and input builder live on the scoring server;
editing this copy changes nothing except your own understanding.
"""

import jax, jax.numpy as jnp
import numpy as np

N = 10000
E = 320000
DIMS = [(128, 128), (128, 64), (64, 32), (32, 16), (16, 16)]


def setup_inputs(seed: int = 0):
    key = jax.random.key(seed)
    ks = jax.random.split(key, 2 + 2 * len(DIMS))
    x = jax.random.normal(ks[0], (N, 128), dtype=jnp.float32)
    edge_index = jax.random.randint(ks[1], (2, E), 0, N)
    inp = {"x": x, "edge_index": edge_index}
    for i, (din, dout) in enumerate(DIMS):
        inp[f"W{i+1}"] = jax.random.normal(ks[2 + 2 * i], (din, dout), dtype=jnp.float32) * (1.0 / np.sqrt(din))
        inp[f"b{i+1}"] = jnp.zeros((dout,), dtype=jnp.float32)
    return inp


def _gcn_layer(x, src, dst, deg_inv_sqrt, W, b, n):
    # GCNConv: out = D^{-1/2} (A + I) D^{-1/2} X W + b
    h = x @ W
    coef = (deg_inv_sqrt[src] * deg_inv_sqrt[dst])[:, None]
    msg = h[src] * coef
    return jax.ops.segment_sum(msg, dst, num_segments=n) + b


def reference(x, edge_index, W1, b1, W2, b2, W3, b3, W4, b4, W5, b5):
    n = x.shape[0]
    loop = jnp.arange(n, dtype=edge_index.dtype)
    src = jnp.concatenate([edge_index[0], loop])
    dst = jnp.concatenate([edge_index[1], loop])
    deg = jax.ops.segment_sum(jnp.ones_like(src, dtype=x.dtype), dst, num_segments=n)
    deg_inv_sqrt = jnp.where(deg > 0, deg ** -0.5, 0.0)
    h = jax.nn.relu(_gcn_layer(x, src, dst, deg_inv_sqrt, W1, b1, n))
    h = jax.nn.relu(_gcn_layer(h, src, dst, deg_inv_sqrt, W2, b2, n))
    h = jax.nn.relu(_gcn_layer(h, src, dst, deg_inv_sqrt, W3, b3, n))
    h = jax.nn.relu(_gcn_layer(h, src, dst, deg_inv_sqrt, W4, b4, n))
    out = _gcn_layer(h, src, dst, deg_inv_sqrt, W5, b5, n)
    return out

if __name__ == "__main__":
    import jax
    _d = setup_inputs()
    print(jax.jit(kernel)(*tuple(_d.values())))

</pallas_src>

<mosaic_0001>
#map = affine_map<(d0, d1) -> (0)>
#map1 = affine_map<(d0, d1) -> (0, 0)>
#map2 = affine_map<(d0, d1) -> (0, 0, 0)>
module attributes {stable_mosaic.version = 14 : i64} {
  func.func @deg(%arg0: i32, %arg1: i32, %arg2: memref<393216xi32, #tpu.memory_space<hbm>>, %arg3: memref<1024x16xf32, #tpu.memory_space<hbm>>, %arg4: memref<640x16xf32, #tpu.memory_space<hbm>>, %arg5: memref<2x10240x16xf32, #tpu.memory_space<hbm>>, %arg6: memref<1024xi32, #tpu.memory_space<vmem>>, %arg7: memref<1024xi32, #tpu.memory_space<vmem>>, %arg8: memref<1024x16xf32, #tpu.memory_space<vmem>>, %arg9: memref<10240x16xf32, #tpu.memory_space<vmem_shared>>, %arg10: memref<!tpu.dma_semaphore, #tpu.memory_space<semaphore_mem>>, %arg11: memref<!tpu.dma_semaphore, #tpu.memory_space<semaphore_mem>>) attributes {dimension_semantics = [#tpu.dimension_semantics<core_parallel>, #tpu.dimension_semantics<subcore_parallel>], iteration_bounds = array<i64: 2, 16>, scalar_prefetch = 0 : i64, scratch_operands = 6 : i64, tpu.core_type = #tpu.core_type<sc_vector_subcore>, window_params = [{transform_indices = #map}, {transform_indices = #map1}, {transform_indices = #map1}, {transform_indices = #map2}]} {
    %mul3A = arith.constant 16 : i32
    %mul3A_0 = arith.muli %arg0, %mul3A : i32
    %add3A = arith.addi %mul3A_0, %arg1 : i32
    %mul3A_1 = arith.constant 12288 : i32
    %mul3A_2 = arith.muli %add3A, %mul3A_1 : i32
    %add3A_3 = arith.constant 0 : i32
    %add3A_4 = arith.addi %mul3A_2, %add3A_3 : i32
    %dma_start3A = tpu.memref_slice %arg2[%add3A_4] : memref<393216xi32, #tpu.memory_space<hbm>> -> memref<1024xi32, #tpu.memory_space<hbm>>
    %dma_start3A_5 = tpu.memref_slice %arg2[%add3A_4] : memref<393216xi32, #tpu.memory_space<hbm>> -> memref<1024xi32, #tpu.memory_space<hbm>>
    tpu.enqueue_dma source(%dma_start3A_5 : memref<1024xi32, #tpu.memory_space<hbm>>) target(%arg6 : memref<1024xi32, #tpu.memory_space<vmem>>) target_semaphore(%arg10 : memref<!tpu.dma_semaphore, #tpu.memory_space<semaphore_mem>>)
    %add3A_6 = arith.constant 1024 : i32
    %add3A_7 = arith.addi %mul3A_2, %add3A_6 : i32
    %dma_start3A_8 = tpu.memref_slice %arg2[%add3A_7] : memref<393216xi32, #tpu.memory_space<hbm>> -> memref<1024xi32, #tpu.memory_space<hbm>>
    %dma_start3A_9 = tpu.memref_slice %arg2[%add3A_7] : memref<393216xi32, #tpu.memory_space<hbm>> -> memref<1024xi32, #tpu.memory_space<hbm>>
    tpu.enqueue_dma source(%dma_start3A_9 : memref<1024xi32, #tpu.memory_space<hbm>>) target(%arg7 : memref<1024xi32, #tpu.memory_space<vmem>>) target_semaphore(%arg11 : memref<!tpu.dma_semaphore, #tpu.memory_space<semaphore_mem>>)
    %mul3A_10 = arith.constant 640 : i32
    %mul3A_11 = arith.muli %arg1, %mul3A_10 : i32
    "tpu.region"() ({
      %run_scoped3A = tpu.sem_alloc : memref<!tpu.dma_semaphore, #tpu.memory_space<semaphore_mem>>
      %dma_start3A_29 = arith.constant 0 : i32
      %dma_start3A_30 = tpu.memref_slice %arg9[%mul3A_11, %dma_start3A_29] : memref<10240x16xf32, #tpu.memory_space<vmem_shared>> -> memref<640x16xf32, #tpu.memory_space<vmem_shared>>
      tpu.enqueue_dma source(%arg4 : memref<640x16xf32, #tpu.memory_space<hbm>>) target(%dma_start3A_30 : memref<640x16xf32, #tpu.memory_space<vmem_shared>>) target_semaphore(%run_scoped3A : memref<!tpu.dma_semaphore, #tpu.memory_space<semaphore_mem>>)
      %dma_wait3A_31 = arith.constant 0 : i32
      %dma_wait3A_32 = tpu.memref_slice %arg9[%mul3A_11, %dma_wait3A_31] : memref<10240x16xf32, #tpu.memory_space<vmem_shared>> -> memref<640x16xf32, #tpu.memory_space<vmem_shared>>
      tpu.wait_dma2 semaphore(%run_scoped3A : memref<!tpu.dma_semaphore, #tpu.memory_space<semaphore_mem>>) src(%arg4 : memref<640x16xf32, #tpu.memory_space<hbm>>) dst(%dma_wait3A_32 : memref<640x16xf32, #tpu.memory_space<vmem_shared>>)
      tpu.yield
    }) : () -> ()
    "tpu.region"() ({
      %run_scoped3A = tpu.sem_alloc : memref<!tpu.dma_semaphore, #tpu.memory_space<semaphore_mem>>
      tpu.enqueue_dma source(%arg3 : memref<1024x16xf32, #tpu.memory_space<hbm>>) target(%arg8 : memref<1024x16xf32, #tpu.memory_space<vmem>>) target_semaphore(%run_scoped3A : memref<!tpu.dma_semaphore, #tpu.memory_space<semaphore_mem>>)
      tpu.wait_dma2 semaphore(%run_scoped3A : memref<!tpu.dma_semaphore, #tpu.memory_space<semaphore_mem>>) src(%arg3 : memref<1024x16xf32, #tpu.memory_space<hbm>>) dst(%arg8 : memref<1024x16xf32, #tpu.memory_space<vmem>>)
      tpu.yield
    }) : () -> ()
    %barrier3A = arith.constant 0 : index
    tpu.barrier barrier_id(%barrier3A)
    %scan3A = arith.constant 0 : i32
    %scan3A_12 = arith.constant 0 : i32
    %scan3A_13 = arith.constant 5 : i32
    %scan3A_14 = arith.addi %scan3A_12, %scan3A_13 : i32
    %scan3A_15 = arith.constant 1 : i32
    scf.for %scan3A_29 = %scan3A_12 to %scan3A_14 step %scan3A_15  : i32 {
      %dma_wait3A_30 = arith.constant 0 : i32
      %dma_wait3A_31 = tpu.memref_slice %arg2[%dma_wait3A_30] : memref<393216xi32, #tpu.memory_space<hbm>> -> memref<1024xi32, #tpu.memory_space<hbm>>
      %dma_wait3A_32 = arith.constant 0 : i32
      %dma_wait3A_33 = tpu.memref_slice %arg2[%dma_wait3A_32] : memref<393216xi32, #tpu.memory_space<hbm>> -> memref<1024xi32, #tpu.memory_space<hbm>>
      tpu.wait_dma2 semaphore(%arg10 : memref<!tpu.dma_semaphore, #tpu.memory_space<semaphore_mem>>) src(%dma_wait3A_33 : memref<1024xi32, #tpu.memory_space<hbm>>) dst(%arg6 : memref<1024xi32, #tpu.memory_space<vmem>>)
      "tpu.region"() ({
        %run_scoped3A = tpu.sem_alloc : memref<!tpu.dma_semaphore, #tpu.memory_space<semaphore_mem>>
        %dma_start3A_60 = arith.constant 0 : i32
        %dma_start3A_61 = arith.constant 0 : i32
        %dma_start3A_62 = tpu.memref_slice %arg9[%dma_start3A_60, %dma_start3A_61] : memref<10240x16xf32, #tpu.memory_space<vmem_shared>> -> memref<10240x16xf32, #tpu.memory_space<vmem_shared>>
        tpu.enqueue_indirect_dma source(%arg8 : memref<1024x16xf32, #tpu.memory_space<vmem>>) target(%dma_start3A_62 : memref<10240x16xf32, #tpu.memory_space<vmem_shared>>) offsets(%arg6 : memref<1024xi32, #tpu.memory_space<vmem>>) semaphore(%run_scoped3A : memref<!tpu.dma_semaphore, #tpu.memory_space<semaphore_mem>>) {add = true}
        %dma_wait3A_63 = arith.constant 0 : i32
        %dma_wait3A_64 = arith.constant 0 : i32
        %dma_wait3A_65 = tpu.memref_slice %arg9[%dma_wait3A_63, %dma_wait3A_64] : memref<10240x16xf32, #tpu.memory_space<vmem_shared>> -> memref<10240x16xf32, #tpu.memory_space<vmem_shared>>
        tpu.wait_indirect_dma semaphore(%run_scoped3A : memref<!tpu.dma_semaphore, #tpu.memory_space<semaphore_mem>>) src(%arg8 : memref<1024x16xf32, #tpu.memory_space<vmem>>) dst(%dma_wait3A_65 : memref<10240x16xf32, #tpu.memory_space<vmem_shared>>)
        tpu.yield
      }) : () -> ()
      %add3A_34 = arith.constant 1 : i32
      %add3A_35 = arith.addi %scan3A_29, %add3A_34 : i32
      %mul3A_36 = arith.constant 2 : i32
      %mul3A_37 = arith.muli %add3A_35, %mul3A_36 : i32
      %add3A_38 = arith.constant 0 : i32
      %add3A_39 = arith.addi %mul3A_37, %add3A_38 : i32
      %mul3A_40 = arith.constant 1024 : i32
      %mul3A_41 = arith.muli %add3A_39, %mul3A_40 : i32
      %add3A_42 = arith.addi %mul3A_2, %mul3A_41 : i32
      %dma_start3A_43 = tpu.memref_slice %arg2[%add3A_42] : memref<393216xi32, #tpu.memory_space<hbm>> -> memref<1024xi32, #tpu.memory_space<hbm>>
      %dma_start3A_44 = tpu.memref_slice %arg2[%add3A_42] : memref<393216xi32, #tpu.memory_space<hbm>> -> memref<1024xi32, #tpu.memory_space<hbm>>
      tpu.enqueue_dma source(%dma_start3A_44 : memref<1024xi32, #tpu.memory_space<hbm>>) target(%arg6 : memref<1024xi32, #tpu.memory_space<vmem>>) target_semaphore(%arg10 : memref<!tpu.dma_semaphore, #tpu.memory_space<semaphore_mem>>)
      %dma_wait3A_45 = arith.constant 0 : i32
      %dma_wait3A_46 = tpu.memref_slice %arg2[%dma_wait3A_45] : memref<393216xi32, #tpu.memory_space<hbm>> -> memref<1024xi32, #tpu.memory_space<hbm>>
      %dma_wait3A_47 = arith.constant 0 : i32
      %dma_wait3A_48 = tpu.memref_slice %arg2[%dma_wait3A_47] : memref<393216xi32, #tpu.memory_space<hbm>> -> memref<1024xi32, #tpu.memory_space<hbm>>
      tpu.wait_dma2 semaphore(%arg11 : memref<!tpu.dma_semaphore, #tpu.memory_space<semaphore_mem>>) src(%dma_wait3A_48 : memref<1024xi32, #tpu.memory_space<hbm>>) dst(%arg7 : memref<1024xi32, #tpu.memory_space<vmem>>)
      "tpu.region"() ({
        %run_scoped3A = tpu.sem_alloc : memref<!tpu.dma_semaphore, #tpu.memory_space<semaphore_mem>>
        %dma_start3A_60 = arith.constant 0 : i32
        %dma_start3A_61 = arith.constant 0 : i32
        %dma_start3A_62 = tpu.memref_slice %arg9[%dma_start3A_60, %dma_start3A_61] : memref<10240x16xf32, #tpu.memory_space<vmem_shared>> -> memref<10240x16xf32, #tpu.memory_space<vmem_shared>>
        tpu.enqueue_indirect_dma source(%arg8 : memref<1024x16xf32, #tpu.memory_space<vmem>>) target(%dma_start3A_62 : memref<10240x16xf32, #tpu.memory_space<vmem_shared>>) offsets(%arg7 : memref<1024xi32, #tpu.memory_space<vmem>>) semaphore(%run_scoped3A : memref<!tpu.dma_semaphore, #tpu.memory_space<semaphore_mem>>) {add = true}
        %dma_wait3A_63 = arith.constant 0 : i32
        %dma_wait3A_64 = arith.constant 0 : i32
        %dma_wait3A_65 = tpu.memref_slice %arg9[%dma_wait3A_63, %dma_wait3A_64] : memref<10240x16xf32, #tpu.memory_space<vmem_shared>> -> memref<10240x16xf32, #tpu.memory_space<vmem_shared>>
        tpu.wait_indirect_dma semaphore(%run_scoped3A : memref<!tpu.dma_semaphore, #tpu.memory_space<semaphore_mem>>) src(%arg8 : memref<1024x16xf32, #tpu.memory_space<vmem>>) dst(%dma_wait3A_65 : memref<10240x16xf32, #tpu.memory_space<vmem_shared>>)
        tpu.yield
      }) : () -> ()
      %add3A_49 = arith.constant 1 : i32
      %add3A_50 = arith.addi %scan3A_29, %add3A_49 : i32
      %mul3A_51 = arith.constant 2 : i32
      %mul3A_52 = arith.muli %add3A_50, %mul3A_51 : i32
      %add3A_53 = arith.constant 1 : i32
      %add3A_54 = arith.addi %mul3A_52, %add3A_53 : i32
      %mul3A_55 = arith.constant 1024 : i32
      %mul3A_56 = arith.muli %add3A_54, %mul3A_55 : i32
      %add3A_57 = arith.addi %mul3A_2, %mul3A_56 : i32
      %dma_start3A_58 = tpu.memref_slice %arg2[%add3A_57] : memref<393216xi32, #tpu.memory_space<hbm>> -> memref<1024xi32, #tpu.memory_space<hbm>>
      %dma_start3A_59 = tpu.memref_slice %arg2[%add3A_57] : memref<393216xi32, #tpu.memory_space<hbm>> -> memref<1024xi32, #tpu.memory_space<hbm>>
      tpu.enqueue_dma source(%dma_start3A_59 : memref<1024xi32, #tpu.memory_space<hbm>>) target(%arg7 : memref<1024xi32, #tpu.memory_space<vmem>>) target_semaphore(%arg11 : memref<!tpu.dma_semaphore, #tpu.memory_space<semaphore_mem>>)
    }
    %scan3A_16 = arith.constant 5 : i32
    %dma_wait3A = arith.constant 0 : i32
    %dma_wait3A_17 = tpu.memref_slice %arg2[%dma_wait3A] : memref<393216xi32, #tpu.memory_space<hbm>> -> memref<1024xi32, #tpu.memory_space<hbm>>
    %dma_wait3A_18 = arith.constant 0 : i32
    %dma_wait3A_19 = tpu.memref_slice %arg2[%dma_wait3A_18] : memref<393216xi32, #tpu.memory_space<hbm>> -> memref<1024xi32, #tpu.memory_space<hbm>>
    tpu.wait_dma2 semaphore(%arg10 : memref<!tpu.dma_semaphore, #tpu.memory_space<semaphore_mem>>) src(%dma_wait3A_19 : memref<1024xi32, #tpu.memory_space<hbm>>) dst(%arg6 : memref<1024xi32, #tpu.memory_space<vmem>>)
    "tpu.region"() ({
      %run_scoped3A = tpu.sem_alloc : memref<!tpu.dma_semaphore, #tpu.memory_space<semaphore_mem>>
      %dma_start3A_29 = arith.constant 0 : i32
      %dma_start3A_30 = arith.constant 0 : i32
      %dma_start3A_31 = tpu.memref_slice %arg9[%dma_start3A_29, %dma_start3A_30] : memref<10240x16xf32, #tpu.memory_space<vmem_shared>> -> memref<10240x16xf32, #tpu.memory_space<vmem_shared>>
      tpu.enqueue_indirect_dma source(%arg8 : memref<1024x16xf32, #tpu.memory_space<vmem>>) target(%dma_start3A_31 : memref<10240x16xf32, #tpu.memory_space<vmem_shared>>) offsets(%arg6 : memref<1024xi32, #tpu.memory_space<vmem>>) semaphore(%run_scoped3A : memref<!tpu.dma_semaphore, #tpu.memory_space<semaphore_mem>>) {add = true}
      %dma_wait3A_32 = arith.constant 0 : i32
      %dma_wait3A_33 = arith.constant 0 : i32
      %dma_wait3A_34 = tpu.memref_slice %arg9[%dma_wait3A_32, %dma_wait3A_33] : memref<10240x16xf32, #tpu.memory_space<vmem_shared>> -> memref<10240x16xf32, #tpu.memory_space<vmem_shared>>
      tpu.wait_indirect_dma semaphore(%run_scoped3A : memref<!tpu.dma_semaphore, #tpu.memory_space<semaphore_mem>>) src(%arg8 : memref<1024x16xf32, #tpu.memory_space<vmem>>) dst(%dma_wait3A_34 : memref<10240x16xf32, #tpu.memory_space<vmem_shared>>)
      tpu.yield
    }) : () -> ()
    %dma_wait3A_20 = arith.constant 0 : i32
    %dma_wait3A_21 = tpu.memref_slice %arg2[%dma_wait3A_20] : memref<393216xi32, #tpu.memory_space<hbm>> -> memref<1024xi32, #tpu.memory_space<hbm>>
    %dma_wait3A_22 = arith.constant 0 : i32
    %dma_wait3A_23 = tpu.memref_slice %arg2[%dma_wait3A_22] : memref<393216xi32, #tpu.memory_space<hbm>> -> memref<1024xi32, #tpu.memory_space<hbm>>
    tpu.wait_dma2 semaphore(%arg11 : memref<!tpu.dma_semaphore, #tpu.memory_space<semaphore_mem>>) src(%dma_wait3A_23 : memref<1024xi32, #tpu.memory_space<hbm>>) dst(%arg7 : memref<1024xi32, #tpu.memory_space<vmem>>)
    "tpu.region"() ({
      %run_scoped3A = tpu.sem_alloc : memref<!tpu.dma_semaphore, #tpu.memory_space<semaphore_mem>>
      %dma_start3A_29 = arith.constant 0 : i32
      %dma_start3A_30 = arith.constant 0 : i32
      %dma_start3A_31 = tpu.memref_slice %arg9[%dma_start3A_29, %dma_start3A_30] : memref<10240x16xf32, #tpu.memory_space<vmem_shared>> -> memref<10240x16xf32, #tpu.memory_space<vmem_shared>>
      tpu.enqueue_indirect_dma source(%arg8 : memref<1024x16xf32, #tpu.memory_space<vmem>>) target(%dma_start3A_31 : memref<10240x16xf32, #tpu.memory_space<vmem_shared>>) offsets(%arg7 : memref<1024xi32, #tpu.memory_space<vmem>>) semaphore(%run_scoped3A : memref<!tpu.dma_semaphore, #tpu.memory_space<semaphore_mem>>) {add = true}
      %dma_wait3A_32 = arith.constant 0 : i32
      %dma_wait3A_33 = arith.constant 0 : i32
      %dma_wait3A_34 = tpu.memref_slice %arg9[%dma_wait3A_32, %dma_wait3A_33] : memref<10240x16xf32, #tpu.memory_space<vmem_shared>> -> memref<10240x16xf32, #tpu.memory_space<vmem_shared>>
      tpu.wait_indirect_dma semaphore(%run_scoped3A : memref<!tpu.dma_semaphore, #tpu.memory_space<semaphore_mem>>) src(%arg8 : memref<1024x16xf32, #tpu.memory_space<vmem>>) dst(%dma_wait3A_34 : memref<10240x16xf32, #tpu.memory_space<vmem_shared>>)
      tpu.yield
    }) : () -> ()
    %barrier3A_24 = arith.constant 0 : index
    tpu.barrier barrier_id(%barrier3A_24)
    %mul3A_25 = arith.constant 640 : i32
    %mul3A_26 = arith.muli %arg1, %mul3A_25 : i32
    %mul3A_27 = arith.constant 640 : i32
    %mul3A_28 = arith.muli %arg1, %mul3A_27 : i32
    "tpu.region"() ({
      %run_scoped3A = tpu.sem_alloc : memref<!tpu.dma_semaphore, #tpu.memory_space<semaphore_mem>>
      %dma_start3A_29 = arith.constant 0 : i32
      %dma_start3A_30 = tpu.memref_slice %arg5[%arg0, %mul3A_28, %dma_start3A_29] : memref<2x10240x16xf32, #tpu.memory_space<hbm>> -> memref<1x640x16xf32, #tpu.memory_space<hbm>>
      %dma_start3A_31 = tpu.memref_squeeze %dma_start3A_30 : memref<1x640x16xf32, #tpu.memory_space<hbm>> -> memref<640x16xf32, #tpu.memory_space<hbm>>
      %dma_start3A_32 = arith.constant 0 : i32
      %dma_start3A_33 = tpu.memref_slice %arg9[%mul3A_26, %dma_start3A_32] : memref<10240x16xf32, #tpu.memory_space<vmem_shared>> -> memref<640x16xf32, #tpu.memory_space<vmem_shared>>
      tpu.enqueue_dma source(%dma_start3A_33 : memref<640x16xf32, #tpu.memory_space<vmem_shared>>) target(%dma_start3A_31 : memref<640x16xf32, #tpu.memory_space<hbm>>) target_semaphore(%run_scoped3A : memref<!tpu.dma_semaphore, #tpu.memory_space<semaphore_mem>>)
      %dma_wait3A_34 = arith.constant 0 : i32
      %dma_wait3A_35 = tpu.memref_slice %arg5[%arg0, %mul3A_28, %dma_wait3A_34] : memref<2x10240x16xf32, #tpu.memory_space<hbm>> -> memref<1x640x16xf32, #tpu.memory_space<hbm>>
      %dma_wait3A_36 = tpu.memref_squeeze %dma_wait3A_35 : memref<1x640x16xf32, #tpu.memory_space<hbm>> -> memref<640x16xf32, #tpu.memory_space<hbm>>
      %dma_wait3A_37 = arith.constant 0 : i32
      %dma_wait3A_38 = tpu.memref_slice %arg9[%mul3A_26, %dma_wait3A_37] : memref<10240x16xf32, #tpu.memory_space<vmem_shared>> -> memref<640x16xf32, #tpu.memory_space<vmem_shared>>
      tpu.wait_dma2 semaphore(%run_scoped3A : memref<!tpu.dma_semaphore, #tpu.memory_space<semaphore_mem>>) src(%dma_wait3A_38 : memref<640x16xf32, #tpu.memory_space<vmem_shared>>) dst(%dma_wait3A_36 : memref<640x16xf32, #tpu.memory_space<hbm>>)
      tpu.yield
    }) : () -> ()
    return
  }
}

#map = affine_map<(d0, d1) -> (0, 0)>
#map1 = affine_map<(d0, d1) -> (0)>
#map2 = affine_map<(d0, d1) -> (0, 0, 0)>
module attributes {stable_mosaic.version = 14 : i64} {
  func.func @agg(%arg0: i32, %arg1: i32, %arg2: memref<10240x32xf32, #tpu.memory_space<hbm>>, %arg3: memref<393216xi32, #tpu.memory_space<hbm>>, %arg4: memref<393216xi32, #tpu.memory_space<hbm>>, %arg5: memref<640x32xf32, #tpu.memory_space<hbm>>, %arg6: memref<2x10240x32xf32, #tpu.memory_space<hbm>>, %arg7: memref<1536xi32, #tpu.memory_space<vmem>>, %arg8: memref<1536xi32, #tpu.memory_space<vmem>>, %arg9: memref<1536xi32, #tpu.memory_space<vmem>>, %arg10: memref<1536xi32, #tpu.memory_space<vmem>>, %arg11: memref<1536x32xf32, #tpu.memory_space<vmem>>, %arg12: memref<1536x32xf32, #tpu.memory_space<vmem>>, %arg13: memref<10240x32xf32, #tpu.memory_space<vmem_shared>>, %arg14: memref<!tpu.dma_semaphore, #tpu.memory_space<semaphore_mem>>, %arg15: memref<!tpu.dma_semaphore, #tpu.memory_space<semaphore_mem>>) attributes {dimension_semantics = [#tpu.dimension_semantics<core_parallel>, #tpu.dimension_semantics<subcore_parallel>], iteration_bounds = array<i64: 2, 16>, scalar_prefetch = 0 : i64, scratch_operands = 9 : i64, tpu.core_type = #tpu.core_type<sc_vector_subcore>, window_params = [{transform_indices = #map}, {transform_indices = #map1}, {transform_indices = #map1}, {transform_indices = #map}, {transform_indices = #map2}]} {
    %mul3A = arith.constant 16 : i32
    %mul3A_0 = arith.muli %arg0, %mul3A : i32
    %add3A = arith.addi %mul3A_0, %arg1 : i32
    %mul3A_1 = arith.constant 12288 : i32
    %mul3A_2 = arith.muli %add3A, %mul3A_1 : i32
    %add3A_3 = arith.constant 0 : i32
    %add3A_4 = arith.addi %mul3A_2, %add3A_3 : i32
    "tpu.region"() ({
      %run_scoped3A = tpu.sem_alloc : memref<!tpu.dma_semaphore, #tpu.memory_space<semaphore_mem>>
      %dma_start3A_29 = tpu.memref_slice %arg3[%add3A_4] : memref<393216xi32, #tpu.memory_space<hbm>> -> memref<1536xi32, #tpu.memory_space<hbm>>
      %dma_start3A_30 = tpu.memref_slice %arg3[%add3A_4] : memref<393216xi32, #tpu.memory_space<hbm>> -> memref<1536xi32, #tpu.memory_space<hbm>>
      tpu.enqueue_dma source(%dma_start3A_30 : memref<1536xi32, #tpu.memory_space<hbm>>) target(%arg7 : memref<1536xi32, #tpu.memory_space<vmem>>) target_semaphore(%run_scoped3A : memref<!tpu.dma_semaphore, #tpu.memory_space<semaphore_mem>>)
      %dma_wait3A_31 = tpu.memref_slice %arg3[%add3A_4] : memref<393216xi32, #tpu.memory_space<hbm>> -> memref<1536xi32, #tpu.memory_space<hbm>>
      %dma_wait3A_32 = tpu.memref_slice %arg3[%add3A_4] : memref<393216xi32, #tpu.memory_space<hbm>> -> memref<1536xi32, #tpu.memory_space<hbm>>
      tpu.wait_dma2 semaphore(%run_scoped3A : memref<!tpu.dma_semaphore, #tpu.memory_space<semaphore_mem>>) src(%dma_wait3A_32 : memref<1536xi32, #tpu.memory_space<hbm>>) dst(%arg7 : memref<1536xi32, #tpu.memory_space<vmem>>)
      tpu.yield
    }) : () -> ()
    "tpu.region"() ({
      %run_scoped3A = tpu.sem_alloc : memref<!tpu.dma_semaphore, #tpu.memory_space<semaphore_mem>>
      %dma_start3A_29 = tpu.memref_slice %arg4[%add3A_4] : memref<393216xi32, #tpu.memory_space<hbm>> -> memref<1536xi32, #tpu.memory_space<hbm>>
      %dma_start3A_30 = tpu.memref_slice %arg4[%add3A_4] : memref<393216xi32, #tpu.memory_space<hbm>> -> memref<1536xi32, #tpu.memory_space<hbm>>
      tpu.enqueue_dma source(%dma_start3A_30 : memref<1536xi32, #tpu.memory_space<hbm>>) target(%arg9 : memref<1536xi32, #tpu.memory_space<vmem>>) target_semaphore(%run_scoped3A : memref<!tpu.dma_semaphore, #tpu.memory_space<semaphore_mem>>)
      %dma_wait3A_31 = tpu.memref_slice %arg4[%add3A_4] : memref<393216xi32, #tpu.memory_space<hbm>> -> memref<1536xi32, #tpu.memory_space<hbm>>
      %dma_wait3A_32 = tpu.memref_slice %arg4[%add3A_4] : memref<393216xi32, #tpu.memory_space<hbm>> -> memref<1536xi32, #tpu.memory_space<hbm>>
      tpu.wait_dma2 semaphore(%run_scoped3A : memref<!tpu.dma_semaphore, #tpu.memory_space<semaphore_mem>>) src(%dma_wait3A_32 : memref<1536xi32, #tpu.memory_space<hbm>>) dst(%arg9 : memref<1536xi32, #tpu.memory_space<vmem>>)
      tpu.yield
    }) : () -> ()
    %dma_start3A = arith.constant 0 : i32
    %dma_start3A_5 = arith.constant 0 : i32
    %dma_start3A_6 = tpu.memref_slice %arg2[%dma_start3A, %dma_start3A_5] : memref<10240x32xf32, #tpu.memory_space<hbm>> -> memref<10240x32xf32, #tpu.memory_space<hbm>>
    tpu.enqueue_indirect_dma source(%dma_start3A_6 : memref<10240x32xf32, #tpu.memory_space<hbm>>) target(%arg11 : memref<1536x32xf32, #tpu.memory_space<vmem>>) offsets(%arg7 : memref<1536xi32, #tpu.memory_space<vmem>>) semaphore(%arg14 : memref<!tpu.dma_semaphore, #tpu.memory_space<semaphore_mem>>)
    %add3A_7 = arith.constant 1536 : i32
    %add3A_8 = arith.addi %mul3A_2, %add3A_7 : i32
    "tpu.region"() ({
      %run_scoped3A = tpu.sem_alloc : memref<!tpu.dma_semaphore, #tpu.memory_space<semaphore_mem>>
      %dma_start3A_29 = tpu.memref_slice %arg3[%add3A_8] : memref<393216xi32, #tpu.memory_space<hbm>> -> memref<1536xi32, #tpu.memory_space<hbm>>
      %dma_start3A_30 = tpu.memref_slice %arg3[%add3A_8] : memref<393216xi32, #tpu.memory_space<hbm>> -> memref<1536xi32, #tpu.memory_space<hbm>>
      tpu.enqueue_dma source(%dma_start3A_30 : memref<1536xi32, #tpu.memory_space<hbm>>) target(%arg8 : memref<1536xi32, #tpu.memory_space<vmem>>) target_semaphore(%run_scoped3A : memref<!tpu.dma_semaphore, #tpu.memory_space<semaphore_mem>>)
      %dma_wait3A_31 = tpu.memref_slice %arg3[%add3A_8] : memref<393216xi32, #tpu.memory_space<hbm>> -> memref<1536xi32, #tpu.memory_space<hbm>>
      %dma_wait3A_32 = tpu.memref_slice %arg3[%add3A_8] : memref<393216xi32, #tpu.memory_space<hbm>> -> memref<1536xi32, #tpu.memory_space<hbm>>
      tpu.wait_dma2 semaphore(%run_scoped3A : memref<!tpu.dma_semaphore, #tpu.memory_space<semaphore_mem>>) src(%dma_wait3A_32 : memref<1536xi32, #tpu.memory_space<hbm>>) dst(%arg8 : memref<1536xi32, #tpu.memory_space<vmem>>)
      tpu.yield
    }) : () -> ()
    "tpu.region"() ({
      %run_scoped3A = tpu.sem_alloc : memref<!tpu.dma_semaphore, #tpu.memory_space<semaphore_mem>>
      %dma_start3A_29 = tpu.memref_slice %arg4[%add3A_8] : memref<393216xi32, #tpu.memory_space<hbm>> -> memref<1536xi32, #tpu.memory_space<hbm>>
      %dma_start3A_30 = tpu.memref_slice %arg4[%add3A_8] : memref<393216xi32, #tpu.memory_space<hbm>> -> memref<1536xi32, #tpu.memory_space<hbm>>
      tpu.enqueue_dma source(%dma_start3A_30 : memref<1536xi32, #tpu.memory_space<hbm>>) target(%arg10 : memref<1536xi32, #tpu.memory_space<vmem>>) target_semaphore(%run_scoped3A : memref<!tpu.dma_semaphore, #tpu.memory_space<semaphore_mem>>)
      %dma_wait3A_31 = tpu.memref_slice %arg4[%add3A_8] : memref<393216xi32, #tpu.memory_space<hbm>> -> memref<1536xi32, #tpu.memory_space<hbm>>
      %dma_wait3A_32 = tpu.memref_slice %arg4[%add3A_8] : memref<393216xi32, #tpu.memory_space<hbm>> -> memref<1536xi32, #tpu.memory_space<hbm>>
      tpu.wait_dma2 semaphore(%run_scoped3A : memref<!tpu.dma_semaphore, #tpu.memory_space<semaphore_mem>>) src(%dma_wait3A_32 : memref<1536xi32, #tpu.memory_space<hbm>>) dst(%arg10 : memref<1536xi32, #tpu.memory_space<vmem>>)
      tpu.yield
    }) : () -> ()
    %dma_start3A_9 = arith.constant 0 : i32
    %dma_start3A_10 = arith.constant 0 : i32
    %dma_start3A_11 = tpu.memref_slice %arg2[%dma_start3A_9, %dma_start3A_10] : memref<10240x32xf32, #tpu.memory_space<hbm>> -> memref<10240x32xf32, #tpu.memory_space<hbm>>
    tpu.enqueue_indirect_dma source(%dma_start3A_11 : memref<10240x32xf32, #tpu.memory_space<hbm>>) target(%arg12 : memref<1536x32xf32, #tpu.memory_space<vmem>>) offsets(%arg8 : memref<1536xi32, #tpu.memory_space<vmem>>) semaphore(%arg15 : memref<!tpu.dma_semaphore, #tpu.memory_space<semaphore_mem>>)
    %mul3A_12 = arith.constant 640 : i32
    %mul3A_13 = arith.muli %arg1, %mul3A_12 : i32
    "tpu.region"() ({
      %run_scoped3A = tpu.sem_alloc : memref<!tpu.dma_semaphore, #tpu.memory_space<semaphore_mem>>
      %dma_start3A_29 = arith.constant 0 : i32
      %dma_start3A_30 = tpu.memref_slice %arg13[%mul3A_13, %dma_start3A_29] : memref<10240x32xf32, #tpu.memory_space<vmem_shared>> -> memref<640x32xf32, #tpu.memory_space<vmem_shared>>
      tpu.enqueue_dma source(%arg5 : memref<640x32xf32, #tpu.memory_space<hbm>>) target(%dma_start3A_30 : memref<640x32xf32, #tpu.memory_space<vmem_shared>>) target_semaphore(%run_scoped3A : memref<!tpu.dma_semaphore, #tpu.memory_space<semaphore_mem>>)
      %dma_wait3A_31 = arith.constant 0 : i32
      %dma_wait3A_32 = tpu.memref_slice %arg13[%mul3A_13, %dma_wait3A_31] : memref<10240x32xf32, #tpu.memory_space<vmem_shared>> -> memref<640x32xf32, #tpu.memory_space<vmem_shared>>
      tpu.wait_dma2 semaphore(%run_scoped3A : memref<!tpu.dma_semaphore, #tpu.memory_space<semaphore_mem>>) src(%arg5 : memref<640x32xf32, #tpu.memory_space<hbm>>) dst(%dma_wait3A_32 : memref<640x32xf32, #tpu.memory_space<vmem_shared>>)
      tpu.yield
    }) : () -> ()
    %barrier3A = arith.constant 0 : index
    tpu.barrier barrier_id(%barrier3A)
    %scan3A = arith.constant 0 : i32
    %scan3A_14 = arith.constant 0 : i32
    %scan3A_15 = arith.constant 3 : i32
    %scan3A_16 = arith.addi %scan3A_14, %scan3A_15 : i32
    %scan3A_17 = arith.constant 1 : i32
    scf.for %scan3A_29 = %scan3A_14 to %scan3A_16 step %scan3A_17  : i32 {
      %dma_wait3A_30 = arith.constant 0 : i32
      %dma_wait3A_31 = arith.constant 0 : i32
      %dma_wait3A_32 = tpu.memref_slice %arg2[%dma_wait3A_30, %dma_wait3A_31] : memref<10240x32xf32, #tpu.memory_space<hbm>> -> memref<10240x32xf32, #tpu.memory_space<hbm>>
      tpu.wait_indirect_dma semaphore(%arg14 : memref<!tpu.dma_semaphore, #tpu.memory_space<semaphore_mem>>) src(%dma_wait3A_32 : memref<10240x32xf32, #tpu.memory_space<hbm>>) dst(%arg11 : memref<1536x32xf32, #tpu.memory_space<vmem>>)
      "tpu.region"() ({
        %run_scoped3A = tpu.sem_alloc : memref<!tpu.dma_semaphore, #tpu.memory_space<semaphore_mem>>
        %dma_start3A_60 = arith.constant 0 : i32
        %dma_start3A_61 = arith.constant 0 : i32
        %dma_start3A_62 = tpu.memref_slice %arg13[%dma_start3A_60, %dma_start3A_61] : memref<10240x32xf32, #tpu.memory_space<vmem_shared>> -> memref<10240x32xf32, #tpu.memory_space<vmem_shared>>
        tpu.enqueue_indirect_dma source(%arg11 : memref<1536x32xf32, #tpu.memory_space<vmem>>) target(%dma_start3A_62 : memref<10240x32xf32, #tpu.memory_space<vmem_shared>>) offsets(%arg9 : memref<1536xi32, #tpu.memory_space<vmem>>) semaphore(%run_scoped3A : memref<!tpu.dma_semaphore, #tpu.memory_space<semaphore_mem>>) {add = true}
        %dma_wait3A_63 = arith.constant 0 : i32
        %dma_wait3A_64 = arith.constant 0 : i32
        %dma_wait3A_65 = tpu.memref_slice %arg13[%dma_wait3A_63, %dma_wait3A_64] : memref<10240x32xf32, #tpu.memory_space<vmem_shared>> -> memref<10240x32xf32, #tpu.memory_space<vmem_shared>>
        tpu.wait_indirect_dma semaphore(%run_scoped3A : memref<!tpu.dma_semaphore, #tpu.memory_space<semaphore_mem>>) src(%arg11 : memref<1536x32xf32, #tpu.memory_space<vmem>>) dst(%dma_wait3A_65 : memref<10240x32xf32, #tpu.memory_space<vmem_shared>>)
        tpu.yield
      }) : () -> ()
      %add3A_33 = arith.constant 1 : i32
      %add3A_34 = arith.addi %scan3A_29, %add3A_33 : i32
      %mul3A_35 = arith.constant 2 : i32
      %mul3A_36 = arith.muli %add3A_34, %mul3A_35 : i32
      %add3A_37 = arith.constant 0 : i32
      %add3A_38 = arith.addi %mul3A_36, %add3A_37 : i32
      %mul3A_39 = arith.constant 1536 : i32
      %mul3A_40 = arith.muli %add3A_38, %mul3A_39 : i32
      %add3A_41 = arith.addi %mul3A_2, %mul3A_40 : i32
      "tpu.region"() ({
        %run_scoped3A = tpu.sem_alloc : memref<!tpu.dma_semaphore, #tpu.memory_space<semaphore_mem>>
        %dma_start3A_60 = tpu.memref_slice %arg3[%add3A_41] : memref<393216xi32, #tpu.memory_space<hbm>> -> memref<1536xi32, #tpu.memory_space<hbm>>
        %dma_start3A_61 = tpu.memref_slice %arg3[%add3A_41] : memref<393216xi32, #tpu.memory_space<hbm>> -> memref<1536xi32, #tpu.memory_space<hbm>>
        tpu.enqueue_dma source(%dma_start3A_61 : memref<1536xi32, #tpu.memory_space<hbm>>) target(%arg7 : memref<1536xi32, #tpu.memory_space<vmem>>) target_semaphore(%run_scoped3A : memref<!tpu.dma_semaphore, #tpu.memory_space<semaphore_mem>>)
        %dma_wait3A_62 = tpu.memref_slice %arg3[%add3A_41] : memref<393216xi32, #tpu.memory_space<hbm>> -> memref<1536xi32, #tpu.memory_space<hbm>>
        %dma_wait3A_63 = tpu.memref_slice %arg3[%add3A_41] : memref<393216xi32, #tpu.memory_space<hbm>> -> memref<1536xi32, #tpu.memory_space<hbm>>
        tpu.wait_dma2 semaphore(%run_scoped3A : memref<!tpu.dma_semaphore, #tpu.memory_space<semaphore_mem>>) src(%dma_wait3A_63 : memref<1536xi32, #tpu.memory_space<hbm>>) dst(%arg7 : memref<1536xi32, #tpu.memory_space<vmem>>)
        tpu.yield
      }) : () -> ()
      "tpu.region"() ({
        %run_scoped3A = tpu.sem_alloc : memref<!tpu.dma_semaphore, #tpu.memory_space<semaphore_mem>>
        %dma_start3A_60 = tpu.memref_slice %arg4[%add3A_41] : memref<393216xi32, #tpu.memory_space<hbm>> -> memref<1536xi32, #tpu.memory_space<hbm>>
        %dma_start3A_61 = tpu.memref_slice %arg4[%add3A_41] : memref<393216xi32, #tpu.memory_space<hbm>> -> memref<1536xi32, #tpu.memory_space<hbm>>
        tpu.enqueue_dma source(%dma_start3A_61 : memref<1536xi32, #tpu.memory_space<hbm>>) target(%arg9 : memref<1536xi32, #tpu.memory_space<vmem>>) target_semaphore(%run_scoped3A : memref<!tpu.dma_semaphore, #tpu.memory_space<semaphore_mem>>)
        %dma_wait3A_62 = tpu.memref_slice %arg4[%add3A_41] : memref<393216xi32, #tpu.memory_space<hbm>> -> memref<1536xi32, #tpu.memory_space<hbm>>
        %dma_wait3A_63 = tpu.memref_slice %arg4[%add3A_41] : memref<393216xi32, #tpu.memory_space<hbm>> -> memref<1536xi32, #tpu.memory_space<hbm>>
        tpu.wait_dma2 semaphore(%run_scoped3A : memref<!tpu.dma_semaphore, #tpu.memory_space<semaphore_mem>>) src(%dma_wait3A_63 : memref<1536xi32, #tpu.memory_space<hbm>>) dst(%arg9 : memref<1536xi32, #tpu.memory_space<vmem>>)
        tpu.yield
      }) : () -> ()
      %dma_start3A_42 = arith.constant 0 : i32
      %dma_start3A_43 = arith.constant 0 : i32
      %dma_start3A_44 = tpu.memref_slice %arg2[%dma_start3A_42, %dma_start3A_43] : memref<10240x32xf32, #tpu.memory_space<hbm>> -> memref<10240x32xf32, #tpu.memory_space<hbm>>
      tpu.enqueue_indirect_dma source(%dma_start3A_44 : memref<10240x32xf32, #tpu.memory_space<hbm>>) target(%arg11 : memref<1536x32xf32, #tpu.memory_space<vmem>>) offsets(%arg7 : memref<1536xi32, #tpu.memory_space<vmem>>) semaphore(%arg14 : memref<!tpu.dma_semaphore, #tpu.memory_space<semaphore_mem>>)
      %dma_wait3A_45 = arith.constant 0 : i32
      %dma_wait3A_46 = arith.constant 0 : i32
      %dma_wait3A_47 = tpu.memref_slice %arg2[%dma_wait3A_45, %dma_wait3A_46] : memref<10240x32xf32, #tpu.memory_space<hbm>> -> memref<10240x32xf32, #tpu.memory_space<hbm>>
      tpu.wait_indirect_dma semaphore(%arg15 : memref<!tpu.dma_semaphore, #tpu.memory_space<semaphore_mem>>) src(%dma_wait3A_47 : memref<10240x32xf32, #tpu.memory_space<hbm>>) dst(%arg12 : memref<1536x32xf32, #tpu.memory_space<vmem>>)
      "tpu.region"() ({
        %run_scoped3A = tpu.sem_alloc : memref<!tpu.dma_semaphore, #tpu.memory_space<semaphore_mem>>
        %dma_start3A_60 = arith.constant 0 : i32
        %dma_start3A_61 = arith.constant 0 : i32
        %dma_start3A_62 = tpu.memref_slice %arg13[%dma_start3A_60, %dma_start3A_61] : memref<10240x32xf32, #tpu.memory_space<vmem_shared>> -> memref<10240x32xf32, #tpu.memory_space<vmem_shared>>
        tpu.enqueue_indirect_dma source(%arg12 : memref<1536x32xf32, #tpu.memory_space<vmem>>) target(%dma_start3A_62 : memref<10240x32xf32, #tpu.memory_space<vmem_shared>>) offsets(%arg10 : memref<1536xi32, #tpu.memory_space<vmem>>) semaphore(%run_scoped3A : memref<!tpu.dma_semaphore, #tpu.memory_space<semaphore_mem>>) {add = true}
        %dma_wait3A_63 = arith.constant 0 : i32
        %dma_wait3A_64 = arith.constant 0 : i32
        %dma_wait3A_65 = tpu.memref_slice %arg13[%dma_wait3A_63, %dma_wait3A_64] : memref<10240x32xf32, #tpu.memory_space<vmem_shared>> -> memref<10240x32xf32, #tpu.memory_space<vmem_shared>>
        tpu.wait_indirect_dma semaphore(%run_scoped3A : memref<!tpu.dma_semaphore, #tpu.memory_space<semaphore_mem>>) src(%arg12 : memref<1536x32xf32, #tpu.memory_space<vmem>>) dst(%dma_wait3A_65 : memref<10240x32xf32, #tpu.memory_space<vmem_shared>>)
        tpu.yield
      }) : () -> ()
      %add3A_48 = arith.constant 1 : i32
      %add3A_49 = arith.addi %scan3A_29, %add3A_48 : i32
      %mul3A_50 = arith.constant 2 : i32
      %mul3A_51 = arith.muli %add3A_49, %mul3A_50 : i32
      %add3A_52 = arith.constant 1 : i32
      %add3A_53 = arith.addi %mul3A_51, %add3A_52 : i32
      %mul3A_54 = arith.constant 1536 : i32
      %mul3A_55 = arith.muli %add3A_53, %mul3A_54 : i32
      %add3A_56 = arith.addi %mul3A_2, %mul3A_55 : i32
      "tpu.region"() ({
        %run_scoped3A = tpu.sem_alloc : memref<!tpu.dma_semaphore, #tpu.memory_space<semaphore_mem>>
        %dma_start3A_60 = tpu.memref_slice %arg3[%add3A_56] : memref<393216xi32, #tpu.memory_space<hbm>> -> memref<1536xi32, #tpu.memory_space<hbm>>
        %dma_start3A_61 = tpu.memref_slice %arg3[%add3A_56] : memref<393216xi32, #tpu.memory_space<hbm>> -> memref<1536xi32, #tpu.memory_space<hbm>>
        tpu.enqueue_dma source(%dma_start3A_61 : memref<1536xi32, #tpu.memory_space<hbm>>) target(%arg8 : memref<1536xi32, #tpu.memory_space<vmem>>) target_semaphore(%run_scoped3A : memref<!tpu.dma_semaphore, #tpu.memory_space<semaphore_mem>>)
        %dma_wait3A_62 = tpu.memref_slice %arg3[%add3A_56] : memref<393216xi32, #tpu.memory_space<hbm>> -> memref<1536xi32, #tpu.memory_space<hbm>>
        %dma_wait3A_63 = tpu.memref_slice %arg3[%add3A_56] : memref<393216xi32, #tpu.memory_space<hbm>> -> memref<1536xi32, #tpu.memory_space<hbm>>
        tpu.wait_dma2 semaphore(%run_scoped3A : memref<!tpu.dma_semaphore, #tpu.memory_space<semaphore_mem>>) src(%dma_wait3A_63 : memref<1536xi32, #tpu.memory_space<hbm>>) dst(%arg8 : memref<1536xi32, #tpu.memory_space<vmem>>)
        tpu.yield
      }) : () -> ()
      "tpu.region"() ({
        %run_scoped3A = tpu.sem_alloc : memref<!tpu.dma_semaphore, #tpu.memory_space<semaphore_mem>>
        %dma_start3A_60 = tpu.memref_slice %arg4[%add3A_56] : memref<393216xi32, #tpu.memory_space<hbm>> -> memref<1536xi32, #tpu.memory_space<hbm>>
        %dma_start3A_61 = tpu.memref_slice %arg4[%add3A_56] : memref<393216xi32, #tpu.memory_space<hbm>> -> memref<1536xi32, #tpu.memory_space<hbm>>
        tpu.enqueue_dma source(%dma_start3A_61 : memref<1536xi32, #tpu.memory_space<hbm>>) target(%arg10 : memref<1536xi32, #tpu.memory_space<vmem>>) target_semaphore(%run_scoped3A : memref<!tpu.dma_semaphore, #tpu.memory_space<semaphore_mem>>)
        %dma_wait3A_62 = tpu.memref_slice %arg4[%add3A_56] : memref<393216xi32, #tpu.memory_space<hbm>> -> memref<1536xi32, #tpu.memory_space<hbm>>
        %dma_wait3A_63 = tpu.memref_slice %arg4[%add3A_56] : memref<393216xi32, #tpu.memory_space<hbm>> -> memref<1536xi32, #tpu.memory_space<hbm>>
        tpu.wait_dma2 semaphore(%run_scoped3A : memref<!tpu.dma_semaphore, #tpu.memory_space<semaphore_mem>>) src(%dma_wait3A_63 : memref<1536xi32, #tpu.memory_space<hbm>>) dst(%arg10 : memref<1536xi32, #tpu.memory_space<vmem>>)
        tpu.yield
      }) : () -> ()
      %dma_start3A_57 = arith.constant 0 : i32
      %dma_start3A_58 = arith.constant 0 : i32
      %dma_start3A_59 = tpu.memref_slice %arg2[%dma_start3A_57, %dma_start3A_58] : memref<10240x32xf32, #tpu.memory_space<hbm>> -> memref<10240x32xf32, #tpu.memory_space<hbm>>
      tpu.enqueue_indirect_dma source(%dma_start3A_59 : memref<10240x32xf32, #tpu.memory_space<hbm>>) target(%arg12 : memref<1536x32xf32, #tpu.memory_space<vmem>>) offsets(%arg8 : memref<1536xi32, #tpu.memory_space<vmem>>) semaphore(%arg15 : memref<!tpu.dma_semaphore, #tpu.memory_space<semaphore_mem>>)
    }
    %scan3A_18 = arith.constant 3 : i32
    %dma_wait3A = arith.constant 0 : i32
    %dma_wait3A_19 = arith.constant 0 : i32
    %dma_wait3A_20 = tpu.memref_slice %arg2[%dma_wait3A, %dma_wait3A_19] : memref<10240x32xf32, #tpu.memory_space<hbm>> -> memref<10240x32xf32, #tpu.memory_space<hbm>>
    tpu.wait_indirect_dma semaphore(%arg14 : memref<!tpu.dma_semaphore, #tpu.memory_space<semaphore_mem>>) src(%dma_wait3A_20 : memref<10240x32xf32, #tpu.memory_space<hbm>>) dst(%arg11 : memref<1536x32xf32, #tpu.memory_space<vmem>>)
    "tpu.region"() ({
      %run_scoped3A = tpu.sem_alloc : memref<!tpu.dma_semaphore, #tpu.memory_space<semaphore_mem>>
      %dma_start3A_29 = arith.constant 0 : i32
      %dma_start3A_30 = arith.constant 0 : i32
      %dma_start3A_31 = tpu.memref_slice %arg13[%dma_start3A_29, %dma_start3A_30] : memref<10240x32xf32, #tpu.memory_space<vmem_shared>> -> memref<10240x32xf32, #tpu.memory_space<vmem_shared>>
      tpu.enqueue_indirect_dma source(%arg11 : memref<1536x32xf32, #tpu.memory_space<vmem>>) target(%dma_start3A_31 : memref<10240x32xf32, #tpu.memory_space<vmem_shared>>) offsets(%arg9 : memref<1536xi32, #tpu.memory_space<vmem>>) semaphore(%run_scoped3A : memref<!tpu.dma_semaphore, #tpu.memory_space<semaphore_mem>>) {add = true}
      %dma_wait3A_32 = arith.constant 0 : i32
      %dma_wait3A_33 = arith.constant 0 : i32
      %dma_wait3A_34 = tpu.memref_slice %arg13[%dma_wait3A_32, %dma_wait3A_33] : memref<10240x32xf32, #tpu.memory_space<vmem_shared>> -> memref<10240x32xf32, #tpu.memory_space<vmem_shared>>
      tpu.wait_indirect_dma semaphore(%run_scoped3A : memref<!tpu.dma_semaphore, #tpu.memory_space<semaphore_mem>>) src(%arg11 : memref<1536x32xf32, #tpu.memory_space<vmem>>) dst(%dma_wait3A_34 : memref<10240x32xf32, #tpu.memory_space<vmem_shared>>)
      tpu.yield
    }) : () -> ()
    %dma_wait3A_21 = arith.constant 0 : i32
    %dma_wait3A_22 = arith.constant 0 : i32
    %dma_wait3A_23 = tpu.memref_slice %arg2[%dma_wait3A_21, %dma_wait3A_22] : memref<10240x32xf32, #tpu.memory_space<hbm>> -> memref<10240x32xf32, #tpu.memory_space<hbm>>
    tpu.wait_indirect_dma semaphore(%arg15 : memref<!tpu.dma_semaphore, #tpu.memory_space<semaphore_mem>>) src(%dma_wait3A_23 : memref<10240x32xf32, #tpu.memory_space<hbm>>) dst(%arg12 : memref<1536x32xf32, #tpu.memory_space<vmem>>)
    "tpu.region"() ({
      %run_scoped3A = tpu.sem_alloc : memref<!tpu.dma_semaphore, #tpu.memory_space<semaphore_mem>>
      %dma_start3A_29 = arith.constant 0 : i32
      %dma_start3A_30 = arith.constant 0 : i32
      %dma_start3A_31 = tpu.memref_slice %arg13[%dma_start3A_29, %dma_start3A_30] : memref<10240x32xf32, #tpu.memory_space<vmem_shared>> -> memref<10240x32xf32, #tpu.memory_space<vmem_shared>>
      tpu.enqueue_indirect_dma source(%arg12 : memref<1536x32xf32, #tpu.memory_space<vmem>>) target(%dma_start3A_31 : memref<10240x32xf32, #tpu.memory_space<vmem_shared>>) offsets(%arg10 : memref<1536xi32, #tpu.memory_space<vmem>>) semaphore(%run_scoped3A : memref<!tpu.dma_semaphore, #tpu.memory_space<semaphore_mem>>) {add = true}
      %dma_wait3A_32 = arith.constant 0 : i32
      %dma_wait3A_33 = arith.constant 0 : i32
      %dma_wait3A_34 = tpu.memref_slice %arg13[%dma_wait3A_32, %dma_wait3A_33] : memref<10240x32xf32, #tpu.memory_space<vmem_shared>> -> memref<10240x32xf32, #tpu.memory_space<vmem_shared>>
      tpu.wait_indirect_dma semaphore(%run_scoped3A : memref<!tpu.dma_semaphore, #tpu.memory_space<semaphore_mem>>) src(%arg12 : memref<1536x32xf32, #tpu.memory_space<vmem>>) dst(%dma_wait3A_34 : memref<10240x32xf32, #tpu.memory_space<vmem_shared>>)
      tpu.yield
    }) : () -> ()
    %barrier3A_24 = arith.constant 0 : index
    tpu.barrier barrier_id(%barrier3A_24)
    %mul3A_25 = arith.constant 640 : i32
    %mul3A_26 = arith.muli %arg1, %mul3A_25 : i32
    %mul3A_27 = arith.constant 640 : i32
    %mul3A_28 = arith.muli %arg1, %mul3A_27 : i32
    "tpu.region"() ({
      %run_scoped3A = tpu.sem_alloc : memref<!tpu.dma_semaphore, #tpu.memory_space<semaphore_mem>>
      %dma_start3A_29 = arith.constant 0 : i32
      %dma_start3A_30 = tpu.memref_slice %arg6[%arg0, %mul3A_28, %dma_start3A_29] : memref<2x10240x32xf32, #tpu.memory_space<hbm>> -> memref<1x640x32xf32, #tpu.memory_space<hbm>>
      %dma_start3A_31 = tpu.memref_squeeze %dma_start3A_30 : memref<1x640x32xf32, #tpu.memory_space<hbm>> -> memref<640x32xf32, #tpu.memory_space<hbm>>
      %dma_start3A_32 = arith.constant 0 : i32
      %dma_start3A_33 = tpu.memref_slice %arg13[%mul3A_26, %dma_start3A_32] : memref<10240x32xf32, #tpu.memory_space<vmem_shared>> -> memref<640x32xf32, #tpu.memory_space<vmem_shared>>
      tpu.enqueue_dma source(%dma_start3A_33 : memref<640x32xf32, #tpu.memory_space<vmem_shared>>) target(%dma_start3A_31 : memref<640x32xf32, #tpu.memory_space<hbm>>) target_semaphore(%run_scoped3A : memref<!tpu.dma_semaphore, #tpu.memory_space<semaphore_mem>>)
      %dma_wait3A_34 = arith.constant 0 : i32
      %dma_wait3A_35 = tpu.memref_slice %arg6[%arg0, %mul3A_28, %dma_wait3A_34] : memref<2x10240x32xf32, #tpu.memory_space<hbm>> -> memref<1x640x32xf32, #tpu.memory_space<hbm>>
      %dma_wait3A_36 = tpu.memref_squeeze %dma_wait3A_35 : memref<1x640x32xf32, #tpu.memory_space<hbm>> -> memref<640x32xf32, #tpu.memory_space<hbm>>
      %dma_wait3A_37 = arith.constant 0 : i32
      %dma_wait3A_38 = tpu.memref_slice %arg13[%mul3A_26, %dma_wait3A_37] : memref<10240x32xf32, #tpu.memory_space<vmem_shared>> -> memref<640x32xf32, #tpu.memory_space<vmem_shared>>
      tpu.wait_dma2 semaphore(%run_scoped3A : memref<!tpu.dma_semaphore, #tpu.memory_space<semaphore_mem>>) src(%dma_wait3A_38 : memref<640x32xf32, #tpu.memory_space<vmem_shared>>) dst(%dma_wait3A_36 : memref<640x32xf32, #tpu.memory_space<hbm>>)
      tpu.yield
    }) : () -> ()
    return
  }
}

#map = affine_map<(d0, d1) -> (0, 0)>
#map1 = affine_map<(d0, d1) -> (0)>
#map2 = affine_map<(d0, d1) -> (0, 0, 0)>
module attributes {stable_mosaic.version = 14 : i64} {
  func.func @agg(%arg0: i32, %arg1: i32, %arg2: memref<10240x128xf32, #tpu.memory_space<hbm>>, %arg3: memref<393216xi32, #tpu.memory_space<hbm>>, %arg4: memref<393216xi32, #tpu.memory_space<hbm>>, %arg5: memref<640x128xf32, #tpu.memory_space<hbm>>, %arg6: memref<2x10240x128xf32, #tpu.memory_space<hbm>>, %arg7: memref<160xi32, #tpu.memory_space<vmem>>, %arg8: memref<160xi32, #tpu.memory_space<vmem>>, %arg9: memref<160xi32, #tpu.memory_space<vmem>>, %arg10: memref<160xi32, #tpu.memory_space<vmem>>, %arg11: memref<160x128xf32, #tpu.memory_space<vmem>>, %arg12: memref<160x128xf32, #tpu.memory_space<vmem>>, %arg13: memref<10240x128xf32, #tpu.memory_space<vmem_shared>>, %arg14: memref<!tpu.dma_semaphore, #tpu.memory_space<semaphore_mem>>, %arg15: memref<!tpu.dma_semaphore, #tpu.memory_space<semaphore_mem>>) attributes {dimension_semantics = [#tpu.dimension_semantics<core_parallel>, #tpu.dimension_semantics<subcore_parallel>], iteration_bounds = array<i64: 2, 16>, scalar_prefetch = 0 : i64, scratch_operands = 9 : i64, tpu.core_type = #tpu.core_type<sc_vector_subcore>, window_params = [{transform_indices = #map}, {transform_indices = #map1}, {transform_indices = #map1}, {transform_indices = #map}, {transform_indices = #map2}]} {
    %mul3A = arith.constant 16 : i32
    %mul3A_0 = arith.muli %arg0, %mul3A : i32
    %add3A = arith.addi %mul3A_0, %arg1 : i32
    %mul3A_1 = arith.constant 10560 : i32
    %mul3A_2 = arith.muli %add3A, %mul3A_1 : i32
    %add3A_3 = arith.constant 0 : i32
    %add3A_4 = arith.addi %mul3A_2, %add3A_3 : i32
    "tpu.region"() ({
      %run_scoped3A = tpu.sem_alloc : memref<!tpu.dma_semaphore, #tpu.memory_space<semaphore_mem>>
      %dma_start3A_29 = tpu.memref_slice %arg3[%add3A_4] : memref<393216xi32, #tpu.memory_space<hbm>> -> memref<160xi32, #tpu.memory_space<hbm>>
      %dma_start3A_30 = tpu.memref_slice %arg3[%add3A_4] : memref<393216xi32, #tpu.memory_space<hbm>> -> memref<160xi32, #tpu.memory_space<hbm>>
      tpu.enqueue_dma source(%dma_start3A_30 : memref<160xi32, #tpu.memory_space<hbm>>) target(%arg7 : memref<160xi32, #tpu.memory_space<vmem>>) target_semaphore(%run_scoped3A : memref<!tpu.dma_semaphore, #tpu.memory_space<semaphore_mem>>)
      %dma_wait3A_31 = tpu.memref_slice %arg3[%add3A_4] : memref<393216xi32, #tpu.memory_space<hbm>> -> memref<160xi32, #tpu.memory_space<hbm>>
      %dma_wait3A_32 = tpu.memref_slice %arg3[%add3A_4] : memref<393216xi32, #tpu.memory_space<hbm>> -> memref<160xi32, #tpu.memory_space<hbm>>
      tpu.wait_dma2 semaphore(%run_scoped3A : memref<!tpu.dma_semaphore, #tpu.memory_space<semaphore_mem>>) src(%dma_wait3A_32 : memref<160xi32, #tpu.memory_space<hbm>>) dst(%arg7 : memref<160xi32, #tpu.memory_space<vmem>>)
      tpu.yield
    }) : () -> ()
    "tpu.region"() ({
      %run_scoped3A = tpu.sem_alloc : memref<!tpu.dma_semaphore, #tpu.memory_space<semaphore_mem>>
      %dma_start3A_29 = tpu.memref_slice %arg4[%add3A_4] : memref<393216xi32, #tpu.memory_space<hbm>> -> memref<160xi32, #tpu.memory_space<hbm>>
      %dma_start3A_30 = tpu.memref_slice %arg4[%add3A_4] : memref<393216xi32, #tpu.memory_space<hbm>> -> memref<160xi32, #tpu.memory_space<hbm>>
      tpu.enqueue_dma source(%dma_start3A_30 : memref<160xi32, #tpu.memory_space<hbm>>) target(%arg9 : memref<160xi32, #tpu.memory_space<vmem>>) target_semaphore(%run_scoped3A : memref<!tpu.dma_semaphore, #tpu.memory_space<semaphore_mem>>)
      %dma_wait3A_31 = tpu.memref_slice %arg4[%add3A_4] : memref<393216xi32, #tpu.memory_space<hbm>> -> memref<160xi32, #tpu.memory_space<hbm>>
      %dma_wait3A_32 = tpu.memref_slice %arg4[%add3A_4] : memref<393216xi32, #tpu.memory_space<hbm>> -> memref<160xi32, #tpu.memory_space<hbm>>
      tpu.wait_dma2 semaphore(%run_scoped3A : memref<!tpu.dma_semaphore, #tpu.memory_space<semaphore_mem>>) src(%dma_wait3A_32 : memref<160xi32, #tpu.memory_space<hbm>>) dst(%arg9 : memref<160xi32, #tpu.memory_space<vmem>>)
      tpu.yield
    }) : () -> ()
    %dma_start3A = arith.constant 0 : i32
    %dma_start3A_5 = arith.constant 0 : i32
    %dma_start3A_6 = tpu.memref_slice %arg2[%dma_start3A, %dma_start3A_5] : memref<10240x128xf32, #tpu.memory_space<hbm>> -> memref<10240x128xf32, #tpu.memory_space<hbm>>
    tpu.enqueue_indirect_dma source(%dma_start3A_6 : memref<10240x128xf32, #tpu.memory_space<hbm>>) target(%arg11 : memref<160x128xf32, #tpu.memory_space<vmem>>) offsets(%arg7 : memref<160xi32, #tpu.memory_space<vmem>>) semaphore(%arg14 : memref<!tpu.dma_semaphore, #tpu.memory_space<semaphore_mem>>)
    %add3A_7 = arith.constant 160 : i32
    %add3A_8 = arith.addi %mul3A_2, %add3A_7 : i32
    "tpu.region"() ({
      %run_scoped3A = tpu.sem_alloc : memref<!tpu.dma_semaphore, #tpu.memory_space<semaphore_mem>>
      %dma_start3A_29 = tpu.memref_slice %arg3[%add3A_8] : memref<393216xi32, #tpu.memory_space<hbm>> -> memref<160xi32, #tpu.memory_space<hbm>>
      %dma_start3A_30 = tpu.memref_slice %arg3[%add3A_8] : memref<393216xi32, #tpu.memory_space<hbm>> -> memref<160xi32, #tpu.memory_space<hbm>>
      tpu.enqueue_dma source(%dma_start3A_30 : memref<160xi32, #tpu.memory_space<hbm>>) target(%arg8 : memref<160xi32, #tpu.memory_space<vmem>>) target_semaphore(%run_scoped3A : memref<!tpu.dma_semaphore, #tpu.memory_space<semaphore_mem>>)
      %dma_wait3A_31 = tpu.memref_slice %arg3[%add3A_8] : memref<393216xi32, #tpu.memory_space<hbm>> -> memref<160xi32, #tpu.memory_space<hbm>>
      %dma_wait3A_32 = tpu.memref_slice %arg3[%add3A_8] : memref<393216xi32, #tpu.memory_space<hbm>> -> memref<160xi32, #tpu.memory_space<hbm>>
      tpu.wait_dma2 semaphore(%run_scoped3A : memref<!tpu.dma_semaphore, #tpu.memory_space<semaphore_mem>>) src(%dma_wait3A_32 : memref<160xi32, #tpu.memory_space<hbm>>) dst(%arg8 : memref<160xi32, #tpu.memory_space<vmem>>)
      tpu.yield
    }) : () -> ()
    "tpu.region"() ({
      %run_scoped3A = tpu.sem_alloc : memref<!tpu.dma_semaphore, #tpu.memory_space<semaphore_mem>>
      %dma_start3A_29 = tpu.memref_slice %arg4[%add3A_8] : memref<393216xi32, #tpu.memory_space<hbm>> -> memref<160xi32, #tpu.memory_space<hbm>>
      %dma_start3A_30 = tpu.memref_slice %arg4[%add3A_8] : memref<393216xi32, #tpu.memory_space<hbm>> -> memref<160xi32, #tpu.memory_space<hbm>>
      tpu.enqueue_dma source(%dma_start3A_30 : memref<160xi32, #tpu.memory_space<hbm>>) target(%arg10 : memref<160xi32, #tpu.memory_space<vmem>>) target_semaphore(%run_scoped3A : memref<!tpu.dma_semaphore, #tpu.memory_space<semaphore_mem>>)
      %dma_wait3A_31 = tpu.memref_slice %arg4[%add3A_8] : memref<393216xi32, #tpu.memory_space<hbm>> -> memref<160xi32, #tpu.memory_space<hbm>>
      %dma_wait3A_32 = tpu.memref_slice %arg4[%add3A_8] : memref<393216xi32, #tpu.memory_space<hbm>> -> memref<160xi32, #tpu.memory_space<hbm>>
      tpu.wait_dma2 semaphore(%run_scoped3A : memref<!tpu.dma_semaphore, #tpu.memory_space<semaphore_mem>>) src(%dma_wait3A_32 : memref<160xi32, #tpu.memory_space<hbm>>) dst(%arg10 : memref<160xi32, #tpu.memory_space<vmem>>)
      tpu.yield
    }) : () -> ()
    %dma_start3A_9 = arith.constant 0 : i32
    %dma_start3A_10 = arith.constant 0 : i32
    %dma_start3A_11 = tpu.memref_slice %arg2[%dma_start3A_9, %dma_start3A_10] : memref<10240x128xf32, #tpu.memory_space<hbm>> -> memref<10240x128xf32, #tpu.memory_space<hbm>>
    tpu.enqueue_indirect_dma source(%dma_start3A_11 : memref<10240x128xf32, #tpu.memory_space<hbm>>) target(%arg12 : memref<160x128xf32, #tpu.memory_space<vmem>>) offsets(%arg8 : memref<160xi32, #tpu.memory_space<vmem>>) semaphore(%arg15 : memref<!tpu.dma_semaphore, #tpu.memory_space<semaphore_mem>>)
    %mul3A_12 = arith.constant 640 : i32
    %mul3A_13 = arith.muli %arg1, %mul3A_12 : i32
    "tpu.region"() ({
      %run_scoped3A = tpu.sem_alloc : memref<!tpu.dma_semaphore, #tpu.memory_space<semaphore_mem>>
      %dma_start3A_29 = arith.constant 0 : i32
      %dma_start3A_30 = tpu.memref_slice %arg13[%mul3A_13, %dma_start3A_29] : memref<10240x128xf32, #tpu.memory_space<vmem_shared>> -> memref<640x128xf32, #tpu.memory_space<vmem_shared>>
      tpu.enqueue_dma source(%arg5 : memref<640x128xf32, #tpu.memory_space<hbm>>) target(%dma_start3A_30 : memref<640x128xf32, #tpu.memory_space<vmem_shared>>) target_semaphore(%run_scoped3A : memref<!tpu.dma_semaphore, #tpu.memory_space<semaphore_mem>>)
      %dma_wait3A_31 = arith.constant 0 : i32
      %dma_wait3A_32 = tpu.memref_slice %arg13[%mul3A_13, %dma_wait3A_31] : memref<10240x128xf32, #tpu.memory_space<vmem_shared>> -> memref<640x128xf32, #tpu.memory_space<vmem_shared>>
      tpu.wait_dma2 semaphore(%run_scoped3A : memref<!tpu.dma_semaphore, #tpu.memory_space<semaphore_mem>>) src(%arg5 : memref<640x128xf32, #tpu.memory_space<hbm>>) dst(%dma_wait3A_32 : memref<640x128xf32, #tpu.memory_space<vmem_shared>>)
      tpu.yield
    }) : () -> ()
    %barrier3A = arith.constant 0 : index
    tpu.barrier barrier_id(%barrier3A)
    %scan3A = arith.constant 0 : i32
    %scan3A_14 = arith.constant 0 : i32
    %scan3A_15 = arith.constant 32 : i32
    %scan3A_16 = arith.addi %scan3A_14, %scan3A_15 : i32
    %scan3A_17 = arith.constant 1 : i32
    scf.for %scan3A_29 = %scan3A_14 to %scan3A_16 step %scan3A_17  : i32 {
      %dma_wait3A_30 = arith.constant 0 : i32
      %dma_wait3A_31 = arith.constant 0 : i32
      %dma_wait3A_32 = tpu.memref_slice %arg2[%dma_wait3A_30, %dma_wait3A_31] : memref<10240x128xf32, #tpu.memory_space<hbm>> -> memref<10240x128xf32, #tpu.memory_space<hbm>>
      tpu.wait_indirect_dma semaphore(%arg14 : memref<!tpu.dma_semaphore, #tpu.memory_space<semaphore_mem>>) src(%dma_wait3A_32 : memref<10240x128xf32, #tpu.memory_space<hbm>>) dst(%arg11 : memref<160x128xf32, #tpu.memory_space<vmem>>)
      "tpu.region"() ({
        %run_scoped3A = tpu.sem_alloc : memref<!tpu.dma_semaphore, #tpu.memory_space<semaphore_mem>>
        %dma_start3A_60 = arith.constant 0 : i32
        %dma_start3A_61 = arith.constant 0 : i32
        %dma_start3A_62 = tpu.memref_slice %arg13[%dma_start3A_60, %dma_start3A_61] : memref<10240x128xf32, #tpu.memory_space<vmem_shared>> -> memref<10240x128xf32, #tpu.memory_space<vmem_shared>>
        tpu.enqueue_indirect_dma source(%arg11 : memref<160x128xf32, #tpu.memory_space<vmem>>) target(%dma_start3A_62 : memref<10240x128xf32, #tpu.memory_space<vmem_shared>>) offsets(%arg9 : memref<160xi32, #tpu.memory_space<vmem>>) semaphore(%run_scoped3A : memref<!tpu.dma_semaphore, #tpu.memory_space<semaphore_mem>>) {add = true}
        %dma_wait3A_63 = arith.constant 0 : i32
        %dma_wait3A_64 = arith.constant 0 : i32
        %dma_wait3A_65 = tpu.memref_slice %arg13[%dma_wait3A_63, %dma_wait3A_64] : memref<10240x128xf32, #tpu.memory_space<vmem_shared>> -> memref<10240x128xf32, #tpu.memory_space<vmem_shared>>
        tpu.wait_indirect_dma semaphore(%run_scoped3A : memref<!tpu.dma_semaphore, #tpu.memory_space<semaphore_mem>>) src(%arg11 : memref<160x128xf32, #tpu.memory_space<vmem>>) dst(%dma_wait3A_65 : memref<10240x128xf32, #tpu.memory_space<vmem_shared>>)
        tpu.yield
      }) : () -> ()
      %add3A_33 = arith.constant 1 : i32
      %add3A_34 = arith.addi %scan3A_29, %add3A_33 : i32
      %mul3A_35 = arith.constant 2 : i32
      %mul3A_36 = arith.muli %add3A_34, %mul3A_35 : i32
      %add3A_37 = arith.constant 0 : i32
      %add3A_38 = arith.addi %mul3A_36, %add3A_37 : i32
      %mul3A_39 = arith.constant 160 : i32
      %mul3A_40 = arith.muli %add3A_38, %mul3A_39 : i32
      %add3A_41 = arith.addi %mul3A_2, %mul3A_40 : i32
      "tpu.region"() ({
        %run_scoped3A = tpu.sem_alloc : memref<!tpu.dma_semaphore, #tpu.memory_space<semaphore_mem>>
        %dma_start3A_60 = tpu.memref_slice %arg3[%add3A_41] : memref<393216xi32, #tpu.memory_space<hbm>> -> memref<160xi32, #tpu.memory_space<hbm>>
        %dma_start3A_61 = tpu.memref_slice %arg3[%add3A_41] : memref<393216xi32, #tpu.memory_space<hbm>> -> memref<160xi32, #tpu.memory_space<hbm>>
        tpu.enqueue_dma source(%dma_start3A_61 : memref<160xi32, #tpu.memory_space<hbm>>) target(%arg7 : memref<160xi32, #tpu.memory_space<vmem>>) target_semaphore(%run_scoped3A : memref<!tpu.dma_semaphore, #tpu.memory_space<semaphore_mem>>)
        %dma_wait3A_62 = tpu.memref_slice %arg3[%add3A_41] : memref<393216xi32, #tpu.memory_space<hbm>> -> memref<160xi32, #tpu.memory_space<hbm>>
        %dma_wait3A_63 = tpu.memref_slice %arg3[%add3A_41] : memref<393216xi32, #tpu.memory_space<hbm>> -> memref<160xi32, #tpu.memory_space<hbm>>
        tpu.wait_dma2 semaphore(%run_scoped3A : memref<!tpu.dma_semaphore, #tpu.memory_space<semaphore_mem>>) src(%dma_wait3A_63 : memref<160xi32, #tpu.memory_space<hbm>>) dst(%arg7 : memref<160xi32, #tpu.memory_space<vmem>>)
        tpu.yield
      }) : () -> ()
      "tpu.region"() ({
        %run_scoped3A = tpu.sem_alloc : memref<!tpu.dma_semaphore, #tpu.memory_space<semaphore_mem>>
        %dma_start3A_60 = tpu.memref_slice %arg4[%add3A_41] : memref<393216xi32, #tpu.memory_space<hbm>> -> memref<160xi32, #tpu.memory_space<hbm>>
        %dma_start3A_61 = tpu.memref_slice %arg4[%add3A_41] : memref<393216xi32, #tpu.memory_space<hbm>> -> memref<160xi32, #tpu.memory_space<hbm>>
        tpu.enqueue_dma source(%dma_start3A_61 : memref<160xi32, #tpu.memory_space<hbm>>) target(%arg9 : memref<160xi32, #tpu.memory_space<vmem>>) target_semaphore(%run_scoped3A : memref<!tpu.dma_semaphore, #tpu.memory_space<semaphore_mem>>)
        %dma_wait3A_62 = tpu.memref_slice %arg4[%add3A_41] : memref<393216xi32, #tpu.memory_space<hbm>> -> memref<160xi32, #tpu.memory_space<hbm>>
        %dma_wait3A_63 = tpu.memref_slice %arg4[%add3A_41] : memref<393216xi32, #tpu.memory_space<hbm>> -> memref<160xi32, #tpu.memory_space<hbm>>
        tpu.wait_dma2 semaphore(%run_scoped3A : memref<!tpu.dma_semaphore, #tpu.memory_space<semaphore_mem>>) src(%dma_wait3A_63 : memref<160xi32, #tpu.memory_space<hbm>>) dst(%arg9 : memref<160xi32, #tpu.memory_space<vmem>>)
        tpu.yield
      }) : () -> ()
      %dma_start3A_42 = arith.constant 0 : i32
      %dma_start3A_43 = arith.constant 0 : i32
      %dma_start3A_44 = tpu.memref_slice %arg2[%dma_start3A_42, %dma_start3A_43] : memref<10240x128xf32, #tpu.memory_space<hbm>> -> memref<10240x128xf32, #tpu.memory_space<hbm>>
      tpu.enqueue_indirect_dma source(%dma_start3A_44 : memref<10240x128xf32, #tpu.memory_space<hbm>>) target(%arg11 : memref<160x128xf32, #tpu.memory_space<vmem>>) offsets(%arg7 : memref<160xi32, #tpu.memory_space<vmem>>) semaphore(%arg14 : memref<!tpu.dma_semaphore, #tpu.memory_space<semaphore_mem>>)
      %dma_wait3A_45 = arith.constant 0 : i32
      %dma_wait3A_46 = arith.constant 0 : i32
      %dma_wait3A_47 = tpu.memref_slice %arg2[%dma_wait3A_45, %dma_wait3A_46] : memref<10240x128xf32, #tpu.memory_space<hbm>> -> memref<10240x128xf32, #tpu.memory_space<hbm>>
      tpu.wait_indirect_dma semaphore(%arg15 : memref<!tpu.dma_semaphore, #tpu.memory_space<semaphore_mem>>) src(%dma_wait3A_47 : memref<10240x128xf32, #tpu.memory_space<hbm>>) dst(%arg12 : memref<160x128xf32, #tpu.memory_space<vmem>>)
      "tpu.region"() ({
        %run_scoped3A = tpu.sem_alloc : memref<!tpu.dma_semaphore, #tpu.memory_space<semaphore_mem>>
        %dma_start3A_60 = arith.constant 0 : i32
        %dma_start3A_61 = arith.constant 0 : i32
        %dma_start3A_62 = tpu.memref_slice %arg13[%dma_start3A_60, %dma_start3A_61] : memref<10240x128xf32, #tpu.memory_space<vmem_shared>> -> memref<10240x128xf32, #tpu.memory_space<vmem_shared>>
        tpu.enqueue_indirect_dma source(%arg12 : memref<160x128xf32, #tpu.memory_space<vmem>>) target(%dma_start3A_62 : memref<10240x128xf32, #tpu.memory_space<vmem_shared>>) offsets(%arg10 : memref<160xi32, #tpu.memory_space<vmem>>) semaphore(%run_scoped3A : memref<!tpu.dma_semaphore, #tpu.memory_space<semaphore_mem>>) {add = true}
        %dma_wait3A_63 = arith.constant 0 : i32
        %dma_wait3A_64 = arith.constant 0 : i32
        %dma_wait3A_65 = tpu.memref_slice %arg13[%dma_wait3A_63, %dma_wait3A_64] : memref<10240x128xf32, #tpu.memory_space<vmem_shared>> -> memref<10240x128xf32, #tpu.memory_space<vmem_shared>>
        tpu.wait_indirect_dma semaphore(%run_scoped3A : memref<!tpu.dma_semaphore, #tpu.memory_space<semaphore_mem>>) src(%arg12 : memref<160x128xf32, #tpu.memory_space<vmem>>) dst(%dma_wait3A_65 : memref<10240x128xf32, #tpu.memory_space<vmem_shared>>)
        tpu.yield
      }) : () -> ()
      %add3A_48 = arith.constant 1 : i32
      %add3A_49 = arith.addi %scan3A_29, %add3A_48 : i32
      %mul3A_50 = arith.constant 2 : i32
      %mul3A_51 = arith.muli %add3A_49, %mul3A_50 : i32
      %add3A_52 = arith.constant 1 : i32
      %add3A_53 = arith.addi %mul3A_51, %add3A_52 : i32
      %mul3A_54 = arith.constant 160 : i32
      %mul3A_55 = arith.muli %add3A_53, %mul3A_54 : i32
      %add3A_56 = arith.addi %mul3A_2, %mul3A_55 : i32
      "tpu.region"() ({
        %run_scoped3A = tpu.sem_alloc : memref<!tpu.dma_semaphore, #tpu.memory_space<semaphore_mem>>
        %dma_start3A_60 = tpu.memref_slice %arg3[%add3A_56] : memref<393216xi32, #tpu.memory_space<hbm>> -> memref<160xi32, #tpu.memory_space<hbm>>
        %dma_start3A_61 = tpu.memref_slice %arg3[%add3A_56] : memref<393216xi32, #tpu.memory_space<hbm>> -> memref<160xi32, #tpu.memory_space<hbm>>
        tpu.enqueue_dma source(%dma_start3A_61 : memref<160xi32, #tpu.memory_space<hbm>>) target(%arg8 : memref<160xi32, #tpu.memory_space<vmem>>) target_semaphore(%run_scoped3A : memref<!tpu.dma_semaphore, #tpu.memory_space<semaphore_mem>>)
        %dma_wait3A_62 = tpu.memref_slice %arg3[%add3A_56] : memref<393216xi32, #tpu.memory_space<hbm>> -> memref<160xi32, #tpu.memory_space<hbm>>
        %dma_wait3A_63 = tpu.memref_slice %arg3[%add3A_56] : memref<393216xi32, #tpu.memory_space<hbm>> -> memref<160xi32, #tpu.memory_space<hbm>>
        tpu.wait_dma2 semaphore(%run_scoped3A : memref<!tpu.dma_semaphore, #tpu.memory_space<semaphore_mem>>) src(%dma_wait3A_63 : memref<160xi32, #tpu.memory_space<hbm>>) dst(%arg8 : memref<160xi32, #tpu.memory_space<vmem>>)
        tpu.yield
      }) : () -> ()
      "tpu.region"() ({
        %run_scoped3A = tpu.sem_alloc : memref<!tpu.dma_semaphore, #tpu.memory_space<semaphore_mem>>
        %dma_start3A_60 = tpu.memref_slice %arg4[%add3A_56] : memref<393216xi32, #tpu.memory_space<hbm>> -> memref<160xi32, #tpu.memory_space<hbm>>
        %dma_start3A_61 = tpu.memref_slice %arg4[%add3A_56] : memref<393216xi32, #tpu.memory_space<hbm>> -> memref<160xi32, #tpu.memory_space<hbm>>
        tpu.enqueue_dma source(%dma_start3A_61 : memref<160xi32, #tpu.memory_space<hbm>>) target(%arg10 : memref<160xi32, #tpu.memory_space<vmem>>) target_semaphore(%run_scoped3A : memref<!tpu.dma_semaphore, #tpu.memory_space<semaphore_mem>>)
        %dma_wait3A_62 = tpu.memref_slice %arg4[%add3A_56] : memref<393216xi32, #tpu.memory_space<hbm>> -> memref<160xi32, #tpu.memory_space<hbm>>
        %dma_wait3A_63 = tpu.memref_slice %arg4[%add3A_56] : memref<393216xi32, #tpu.memory_space<hbm>> -> memref<160xi32, #tpu.memory_space<hbm>>
        tpu.wait_dma2 semaphore(%run_scoped3A : memref<!tpu.dma_semaphore, #tpu.memory_space<semaphore_mem>>) src(%dma_wait3A_63 : memref<160xi32, #tpu.memory_space<hbm>>) dst(%arg10 : memref<160xi32, #tpu.memory_space<vmem>>)
        tpu.yield
      }) : () -> ()
      %dma_start3A_57 = arith.constant 0 : i32
      %dma_start3A_58 = arith.constant 0 : i32
      %dma_start3A_59 = tpu.memref_slice %arg2[%dma_start3A_57, %dma_start3A_58] : memref<10240x128xf32, #tpu.memory_space<hbm>> -> memref<10240x128xf32, #tpu.memory_space<hbm>>
      tpu.enqueue_indirect_dma source(%dma_start3A_59 : memref<10240x128xf32, #tpu.memory_space<hbm>>) target(%arg12 : memref<160x128xf32, #tpu.memory_space<vmem>>) offsets(%arg8 : memref<160xi32, #tpu.memory_space<vmem>>) semaphore(%arg15 : memref<!tpu.dma_semaphore, #tpu.memory_space<semaphore_mem>>)
    }
    %scan3A_18 = arith.constant 32 : i32
    %dma_wait3A = arith.constant 0 : i32
    %dma_wait3A_19 = arith.constant 0 : i32
    %dma_wait3A_20 = tpu.memref_slice %arg2[%dma_wait3A, %dma_wait3A_19] : memref<10240x128xf32, #tpu.memory_space<hbm>> -> memref<10240x128xf32, #tpu.memory_space<hbm>>
    tpu.wait_indirect_dma semaphore(%arg14 : memref<!tpu.dma_semaphore, #tpu.memory_space<semaphore_mem>>) src(%dma_wait3A_20 : memref<10240x128xf32, #tpu.memory_space<hbm>>) dst(%arg11 : memref<160x128xf32, #tpu.memory_space<vmem>>)
    "tpu.region"() ({
      %run_scoped3A = tpu.sem_alloc : memref<!tpu.dma_semaphore, #tpu.memory_space<semaphore_mem>>
      %dma_start3A_29 = arith.constant 0 : i32
      %dma_start3A_30 = arith.constant 0 : i32
      %dma_start3A_31 = tpu.memref_slice %arg13[%dma_start3A_29, %dma_start3A_30] : memref<10240x128xf32, #tpu.memory_space<vmem_shared>> -> memref<10240x128xf32, #tpu.memory_space<vmem_shared>>
      tpu.enqueue_indirect_dma source(%arg11 : memref<160x128xf32, #tpu.memory_space<vmem>>) target(%dma_start3A_31 : memref<10240x128xf32, #tpu.memory_space<vmem_shared>>) offsets(%arg9 : memref<160xi32, #tpu.memory_space<vmem>>) semaphore(%run_scoped3A : memref<!tpu.dma_semaphore, #tpu.memory_space<semaphore_mem>>) {add = true}
      %dma_wait3A_32 = arith.constant 0 : i32
      %dma_wait3A_33 = arith.constant 0 : i32
      %dma_wait3A_34 = tpu.memref_slice %arg13[%dma_wait3A_32, %dma_wait3A_33] : memref<10240x128xf32, #tpu.memory_space<vmem_shared>> -> memref<10240x128xf32, #tpu.memory_space<vmem_shared>>
      tpu.wait_indirect_dma semaphore(%run_scoped3A : memref<!tpu.dma_semaphore, #tpu.memory_space<semaphore_mem>>) src(%arg11 : memref<160x128xf32, #tpu.memory_space<vmem>>) dst(%dma_wait3A_34 : memref<10240x128xf32, #tpu.memory_space<vmem_shared>>)
      tpu.yield
    }) : () -> ()
    %dma_wait3A_21 = arith.constant 0 : i32
    %dma_wait3A_22 = arith.constant 0 : i32
    %dma_wait3A_23 = tpu.memref_slice %arg2[%dma_wait3A_21, %dma_wait3A_22] : memref<10240x128xf32, #tpu.memory_space<hbm>> -> memref<10240x128xf32, #tpu.memory_space<hbm>>
    tpu.wait_indirect_dma semaphore(%arg15 : memref<!tpu.dma_semaphore, #tpu.memory_space<semaphore_mem>>) src(%dma_wait3A_23 : memref<10240x128xf32, #tpu.memory_space<hbm>>) dst(%arg12 : memref<160x128xf32, #tpu.memory_space<vmem>>)
    "tpu.region"() ({
      %run_scoped3A = tpu.sem_alloc : memref<!tpu.dma_semaphore, #tpu.memory_space<semaphore_mem>>
      %dma_start3A_29 = arith.constant 0 : i32
      %dma_start3A_30 = arith.constant 0 : i32
      %dma_start3A_31 = tpu.memref_slice %arg13[%dma_start3A_29, %dma_start3A_30] : memref<10240x128xf32, #tpu.memory_space<vmem_shared>> -> memref<10240x128xf32, #tpu.memory_space<vmem_shared>>
      tpu.enqueue_indirect_dma source(%arg12 : memref<160x128xf32, #tpu.memory_space<vmem>>) target(%dma_start3A_31 : memref<10240x128xf32, #tpu.memory_space<vmem_shared>>) offsets(%arg10 : memref<160xi32, #tpu.memory_space<vmem>>) semaphore(%run_scoped3A : memref<!tpu.dma_semaphore, #tpu.memory_space<semaphore_mem>>) {add = true}
      %dma_wait3A_32 = arith.constant 0 : i32
      %dma_wait3A_33 = arith.constant 0 : i32
      %dma_wait3A_34 = tpu.memref_slice %arg13[%dma_wait3A_32, %dma_wait3A_33] : memref<10240x128xf32, #tpu.memory_space<vmem_shared>> -> memref<10240x128xf32, #tpu.memory_space<vmem_shared>>
      tpu.wait_indirect_dma semaphore(%run_scoped3A : memref<!tpu.dma_semaphore, #tpu.memory_space<semaphore_mem>>) src(%arg12 : memref<160x128xf32, #tpu.memory_space<vmem>>) dst(%dma_wait3A_34 : memref<10240x128xf32, #tpu.memory_space<vmem_shared>>)
      tpu.yield
    }) : () -> ()
    %barrier3A_24 = arith.constant 0 : index
    tpu.barrier barrier_id(%barrier3A_24)
    %mul3A_25 = arith.constant 640 : i32
    %mul3A_26 = arith.muli %arg1, %mul3A_25 : i32
    %mul3A_27 = arith.constant 640 : i32
    %mul3A_28 = arith.muli %arg1, %mul3A_27 : i32
    "tpu.region"() ({
      %run_scoped3A = tpu.sem_alloc : memref<!tpu.dma_semaphore, #tpu.memory_space<semaphore_mem>>
      %dma_start3A_29 = arith.constant 0 : i32
      %dma_start3A_30 = tpu.memref_slice %arg6[%arg0, %mul3A_28, %dma_start3A_29] : memref<2x10240x128xf32, #tpu.memory_space<hbm>> -> memref<1x640x128xf32, #tpu.memory_space<hbm>>
      %dma_start3A_31 = tpu.memref_squeeze %dma_start3A_30 : memref<1x640x128xf32, #tpu.memory_space<hbm>> -> memref<640x128xf32, #tpu.memory_space<hbm>>
      %dma_start3A_32 = arith.constant 0 : i32
      %dma_start3A_33 = tpu.memref_slice %arg13[%mul3A_26, %dma_start3A_32] : memref<10240x128xf32, #tpu.memory_space<vmem_shared>> -> memref<640x128xf32, #tpu.memory_space<vmem_shared>>
      tpu.enqueue_dma source(%dma_start3A_33 : memref<640x128xf32, #tpu.memory_space<vmem_shared>>) target(%dma_start3A_31 : memref<640x128xf32, #tpu.memory_space<hbm>>) target_semaphore(%run_scoped3A : memref<!tpu.dma_semaphore, #tpu.memory_space<semaphore_mem>>)
      %dma_wait3A_34 = arith.constant 0 : i32
      %dma_wait3A_35 = tpu.memref_slice %arg6[%arg0, %mul3A_28, %dma_wait3A_34] : memref<2x10240x128xf32, #tpu.memory_space<hbm>> -> memref<1x640x128xf32, #tpu.memory_space<hbm>>
      %dma_wait3A_36 = tpu.memref_squeeze %dma_wait3A_35 : memref<1x640x128xf32, #tpu.memory_space<hbm>> -> memref<640x128xf32, #tpu.memory_space<hbm>>
      %dma_wait3A_37 = arith.constant 0 : i32
      %dma_wait3A_38 = tpu.memref_slice %arg13[%mul3A_26, %dma_wait3A_37] : memref<10240x128xf32, #tpu.memory_space<vmem_shared>> -> memref<640x128xf32, #tpu.memory_space<vmem_shared>>
      tpu.wait_dma2 semaphore(%run_scoped3A : memref<!tpu.dma_semaphore, #tpu.memory_space<semaphore_mem>>) src(%dma_wait3A_38 : memref<640x128xf32, #tpu.memory_space<vmem_shared>>) dst(%dma_wait3A_36 : memref<640x128xf32, #tpu.memory_space<hbm>>)
      tpu.yield
    }) : () -> ()
    return
  }
}

#map = affine_map<(d0, d1) -> (0, 0)>
#map1 = affine_map<(d0, d1) -> (0)>
#map2 = affine_map<(d0, d1) -> (0, 0, 0)>
module attributes {stable_mosaic.version = 14 : i64} {
  func.func @agg(%arg0: i32, %arg1: i32, %arg2: memref<10240x64xf32, #tpu.memory_space<hbm>>, %arg3: memref<393216xi32, #tpu.memory_space<hbm>>, %arg4: memref<393216xi32, #tpu.memory_space<hbm>>, %arg5: memref<640x64xf32, #tpu.memory_space<hbm>>, %arg6: memref<2x10240x64xf32, #tpu.memory_space<hbm>>, %arg7: memref<512xi32, #tpu.memory_space<vmem>>, %arg8: memref<512xi32, #tpu.memory_space<vmem>>, %arg9: memref<512xi32, #tpu.memory_space<vmem>>, %arg10: memref<512xi32, #tpu.memory_space<vmem>>, %arg11: memref<512x64xf32, #tpu.memory_space<vmem>>, %arg12: memref<512x64xf32, #tpu.memory_space<vmem>>, %arg13: memref<10240x64xf32, #tpu.memory_space<vmem_shared>>, %arg14: memref<!tpu.dma_semaphore, #tpu.memory_space<semaphore_mem>>, %arg15: memref<!tpu.dma_semaphore, #tpu.memory_space<semaphore_mem>>) attributes {dimension_semantics = [#tpu.dimension_semantics<core_parallel>, #tpu.dimension_semantics<subcore_parallel>], iteration_bounds = array<i64: 2, 16>, scalar_prefetch = 0 : i64, scratch_operands = 9 : i64, tpu.core_type = #tpu.core_type<sc_vector_subcore>, window_params = [{transform_indices = #map}, {transform_indices = #map1}, {transform_indices = #map1}, {transform_indices = #map}, {transform_indices = #map2}]} {
    %mul3A = arith.constant 16 : i32
    %mul3A_0 = arith.muli %arg0, %mul3A : i32
    %add3A = arith.addi %mul3A_0, %arg1 : i32
    %mul3A_1 = arith.constant 11264 : i32
    %mul3A_2 = arith.muli %add3A, %mul3A_1 : i32
    %add3A_3 = arith.constant 0 : i32
    %add3A_4 = arith.addi %mul3A_2, %add3A_3 : i32
    "tpu.region"() ({
      %run_scoped3A = tpu.sem_alloc : memref<!tpu.dma_semaphore, #tpu.memory_space<semaphore_mem>>
      %dma_start3A_29 = tpu.memref_slice %arg3[%add3A_4] : memref<393216xi32, #tpu.memory_space<hbm>> -> memref<512xi32, #tpu.memory_space<hbm>>
      %dma_start3A_30 = tpu.memref_slice %arg3[%add3A_4] : memref<393216xi32, #tpu.memory_space<hbm>> -> memref<512xi32, #tpu.memory_space<hbm>>
      tpu.enqueue_dma source(%dma_start3A_30 : memref<512xi32, #tpu.memory_space<hbm>>) target(%arg7 : memref<512xi32, #tpu.memory_space<vmem>>) target_semaphore(%run_scoped3A : memref<!tpu.dma_semaphore, #tpu.memory_space<semaphore_mem>>)
      %dma_wait3A_31 = tpu.memref_slice %arg3[%add3A_4] : memref<393216xi32, #tpu.memory_space<hbm>> -> memref<512xi32, #tpu.memory_space<hbm>>
      %dma_wait3A_32 = tpu.memref_slice %arg3[%add3A_4] : memref<393216xi32, #tpu.memory_space<hbm>> -> memref<512xi32, #tpu.memory_space<hbm>>
      tpu.wait_dma2 semaphore(%run_scoped3A : memref<!tpu.dma_semaphore, #tpu.memory_space<semaphore_mem>>) src(%dma_wait3A_32 : memref<512xi32, #tpu.memory_space<hbm>>) dst(%arg7 : memref<512xi32, #tpu.memory_space<vmem>>)
      tpu.yield
    }) : () -> ()
    "tpu.region"() ({
      %run_scoped3A = tpu.sem_alloc : memref<!tpu.dma_semaphore, #tpu.memory_space<semaphore_mem>>
      %dma_start3A_29 = tpu.memref_slice %arg4[%add3A_4] : memref<393216xi32, #tpu.memory_space<hbm>> -> memref<512xi32, #tpu.memory_space<hbm>>
      %dma_start3A_30 = tpu.memref_slice %arg4[%add3A_4] : memref<393216xi32, #tpu.memory_space<hbm>> -> memref<512xi32, #tpu.memory_space<hbm>>
      tpu.enqueue_dma source(%dma_start3A_30 : memref<512xi32, #tpu.memory_space<hbm>>) target(%arg9 : memref<512xi32, #tpu.memory_space<vmem>>) target_semaphore(%run_scoped3A : memref<!tpu.dma_semaphore, #tpu.memory_space<semaphore_mem>>)
      %dma_wait3A_31 = tpu.memref_slice %arg4[%add3A_4] : memref<393216xi32, #tpu.memory_space<hbm>> -> memref<512xi32, #tpu.memory_space<hbm>>
      %dma_wait3A_32 = tpu.memref_slice %arg4[%add3A_4] : memref<393216xi32, #tpu.memory_space<hbm>> -> memref<512xi32, #tpu.memory_space<hbm>>
      tpu.wait_dma2 semaphore(%run_scoped3A : memref<!tpu.dma_semaphore, #tpu.memory_space<semaphore_mem>>) src(%dma_wait3A_32 : memref<512xi32, #tpu.memory_space<hbm>>) dst(%arg9 : memref<512xi32, #tpu.memory_space<vmem>>)
      tpu.yield
    }) : () -> ()
    %dma_start3A = arith.constant 0 : i32
    %dma_start3A_5 = arith.constant 0 : i32
    %dma_start3A_6 = tpu.memref_slice %arg2[%dma_start3A, %dma_start3A_5] : memref<10240x64xf32, #tpu.memory_space<hbm>> -> memref<10240x64xf32, #tpu.memory_space<hbm>>
    tpu.enqueue_indirect_dma source(%dma_start3A_6 : memref<10240x64xf32, #tpu.memory_space<hbm>>) target(%arg11 : memref<512x64xf32, #tpu.memory_space<vmem>>) offsets(%arg7 : memref<512xi32, #tpu.memory_space<vmem>>) semaphore(%arg14 : memref<!tpu.dma_semaphore, #tpu.memory_space<semaphore_mem>>)
    %add3A_7 = arith.constant 512 : i32
    %add3A_8 = arith.addi %mul3A_2, %add3A_7 : i32
    "tpu.region"() ({
      %run_scoped3A = tpu.sem_alloc : memref<!tpu.dma_semaphore, #tpu.memory_space<semaphore_mem>>
      %dma_start3A_29 = tpu.memref_slice %arg3[%add3A_8] : memref<393216xi32, #tpu.memory_space<hbm>> -> memref<512xi32, #tpu.memory_space<hbm>>
      %dma_start3A_30 = tpu.memref_slice %arg3[%add3A_8] : memref<393216xi32, #tpu.memory_space<hbm>> -> memref<512xi32, #tpu.memory_space<hbm>>
      tpu.enqueue_dma source(%dma_start3A_30 : memref<512xi32, #tpu.memory_space<hbm>>) target(%arg8 : memref<512xi32, #tpu.memory_space<vmem>>) target_semaphore(%run_scoped3A : memref<!tpu.dma_semaphore, #tpu.memory_space<semaphore_mem>>)
      %dma_wait3A_31 = tpu.memref_slice %arg3[%add3A_8] : memref<393216xi32, #tpu.memory_space<hbm>> -> memref<512xi32, #tpu.memory_space<hbm>>
      %dma_wait3A_32 = tpu.memref_slice %arg3[%add3A_8] : memref<393216xi32, #tpu.memory_space<hbm>> -> memref<512xi32, #tpu.memory_space<hbm>>
      tpu.wait_dma2 semaphore(%run_scoped3A : memref<!tpu.dma_semaphore, #tpu.memory_space<semaphore_mem>>) src(%dma_wait3A_32 : memref<512xi32, #tpu.memory_space<hbm>>) dst(%arg8 : memref<512xi32, #tpu.memory_space<vmem>>)
      tpu.yield
    }) : () -> ()
    "tpu.region"() ({
      %run_scoped3A = tpu.sem_alloc : memref<!tpu.dma_semaphore, #tpu.memory_space<semaphore_mem>>
      %dma_start3A_29 = tpu.memref_slice %arg4[%add3A_8] : memref<393216xi32, #tpu.memory_space<hbm>> -> memref<512xi32, #tpu.memory_space<hbm>>
      %dma_start3A_30 = tpu.memref_slice %arg4[%add3A_8] : memref<393216xi32, #tpu.memory_space<hbm>> -> memref<512xi32, #tpu.memory_space<hbm>>
      tpu.enqueue_dma source(%dma_start3A_30 : memref<512xi32, #tpu.memory_space<hbm>>) target(%arg10 : memref<512xi32, #tpu.memory_space<vmem>>) target_semaphore(%run_scoped3A : memref<!tpu.dma_semaphore, #tpu.memory_space<semaphore_mem>>)
      %dma_wait3A_31 = tpu.memref_slice %arg4[%add3A_8] : memref<393216xi32, #tpu.memory_space<hbm>> -> memref<512xi32, #tpu.memory_space<hbm>>
      %dma_wait3A_32 = tpu.memref_slice %arg4[%add3A_8] : memref<393216xi32, #tpu.memory_space<hbm>> -> memref<512xi32, #tpu.memory_space<hbm>>
      tpu.wait_dma2 semaphore(%run_scoped3A : memref<!tpu.dma_semaphore, #tpu.memory_space<semaphore_mem>>) src(%dma_wait3A_32 : memref<512xi32, #tpu.memory_space<hbm>>) dst(%arg10 : memref<512xi32, #tpu.memory_space<vmem>>)
      tpu.yield
    }) : () -> ()
    %dma_start3A_9 = arith.constant 0 : i32
    %dma_start3A_10 = arith.constant 0 : i32
    %dma_start3A_11 = tpu.memref_slice %arg2[%dma_start3A_9, %dma_start3A_10] : memref<10240x64xf32, #tpu.memory_space<hbm>> -> memref<10240x64xf32, #tpu.memory_space<hbm>>
    tpu.enqueue_indirect_dma source(%dma_start3A_11 : memref<10240x64xf32, #tpu.memory_space<hbm>>) target(%arg12 : memref<512x64xf32, #tpu.memory_space<vmem>>) offsets(%arg8 : memref<512xi32, #tpu.memory_space<vmem>>) semaphore(%arg15 : memref<!tpu.dma_semaphore, #tpu.memory_space<semaphore_mem>>)
    %mul3A_12 = arith.constant 640 : i32
    %mul3A_13 = arith.muli %arg1, %mul3A_12 : i32
    "tpu.region"() ({
      %run_scoped3A = tpu.sem_alloc : memref<!tpu.dma_semaphore, #tpu.memory_space<semaphore_mem>>
      %dma_start3A_29 = arith.constant 0 : i32
      %dma_start3A_30 = tpu.memref_slice %arg13[%mul3A_13, %dma_start3A_29] : memref<10240x64xf32, #tpu.memory_space<vmem_shared>> -> memref<640x64xf32, #tpu.memory_space<vmem_shared>>
      tpu.enqueue_dma source(%arg5 : memref<640x64xf32, #tpu.memory_space<hbm>>) target(%dma_start3A_30 : memref<640x64xf32, #tpu.memory_space<vmem_shared>>) target_semaphore(%run_scoped3A : memref<!tpu.dma_semaphore, #tpu.memory_space<semaphore_mem>>)
      %dma_wait3A_31 = arith.constant 0 : i32
      %dma_wait3A_32 = tpu.memref_slice %arg13[%mul3A_13, %dma_wait3A_31] : memref<10240x64xf32, #tpu.memory_space<vmem_shared>> -> memref<640x64xf32, #tpu.memory_space<vmem_shared>>
      tpu.wait_dma2 semaphore(%run_scoped3A : memref<!tpu.dma_semaphore, #tpu.memory_space<semaphore_mem>>) src(%arg5 : memref<640x64xf32, #tpu.memory_space<hbm>>) dst(%dma_wait3A_32 : memref<640x64xf32, #tpu.memory_space<vmem_shared>>)
      tpu.yield
    }) : () -> ()
    %barrier3A = arith.constant 0 : index
    tpu.barrier barrier_id(%barrier3A)
    %scan3A = arith.constant 0 : i32
    %scan3A_14 = arith.constant 0 : i32
    %scan3A_15 = arith.constant 10 : i32
    %scan3A_16 = arith.addi %scan3A_14, %scan3A_15 : i32
    %scan3A_17 = arith.constant 1 : i32
    scf.for %scan3A_29 = %scan3A_14 to %scan3A_16 step %scan3A_17  : i32 {
      %dma_wait3A_30 = arith.constant 0 : i32
      %dma_wait3A_31 = arith.constant 0 : i32
      %dma_wait3A_32 = tpu.memref_slice %arg2[%dma_wait3A_30, %dma_wait3A_31] : memref<10240x64xf32, #tpu.memory_space<hbm>> -> memref<10240x64xf32, #tpu.memory_space<hbm>>
      tpu.wait_indirect_dma semaphore(%arg14 : memref<!tpu.dma_semaphore, #tpu.memory_space<semaphore_mem>>) src(%dma_wait3A_32 : memref<10240x64xf32, #tpu.memory_space<hbm>>) dst(%arg11 : memref<512x64xf32, #tpu.memory_space<vmem>>)
      "tpu.region"() ({
        %run_scoped3A = tpu.sem_alloc : memref<!tpu.dma_semaphore, #tpu.memory_space<semaphore_mem>>
        %dma_start3A_60 = arith.constant 0 : i32
        %dma_start3A_61 = arith.constant 0 : i32
        %dma_start3A_62 = tpu.memref_slice %arg13[%dma_start3A_60, %dma_start3A_61] : memref<10240x64xf32, #tpu.memory_space<vmem_shared>> -> memref<10240x64xf32, #tpu.memory_space<vmem_shared>>
        tpu.enqueue_indirect_dma source(%arg11 : memref<512x64xf32, #tpu.memory_space<vmem>>) target(%dma_start3A_62 : memref<10240x64xf32, #tpu.memory_space<vmem_shared>>) offsets(%arg9 : memref<512xi32, #tpu.memory_space<vmem>>) semaphore(%run_scoped3A : memref<!tpu.dma_semaphore, #tpu.memory_space<semaphore_mem>>) {add = true}
        %dma_wait3A_63 = arith.constant 0 : i32
        %dma_wait3A_64 = arith.constant 0 : i32
        %dma_wait3A_65 = tpu.memref_slice %arg13[%dma_wait3A_63, %dma_wait3A_64] : memref<10240x64xf32, #tpu.memory_space<vmem_shared>> -> memref<10240x64xf32, #tpu.memory_space<vmem_shared>>
        tpu.wait_indirect_dma semaphore(%run_scoped3A : memref<!tpu.dma_semaphore, #tpu.memory_space<semaphore_mem>>) src(%arg11 : memref<512x64xf32, #tpu.memory_space<vmem>>) dst(%dma_wait3A_65 : memref<10240x64xf32, #tpu.memory_space<vmem_shared>>)
        tpu.yield
      }) : () -> ()
      %add3A_33 = arith.constant 1 : i32
      %add3A_34 = arith.addi %scan3A_29, %add3A_33 : i32
      %mul3A_35 = arith.constant 2 : i32
      %mul3A_36 = arith.muli %add3A_34, %mul3A_35 : i32
      %add3A_37 = arith.constant 0 : i32
      %add3A_38 = arith.addi %mul3A_36, %add3A_37 : i32
      %mul3A_39 = arith.constant 512 : i32
      %mul3A_40 = arith.muli %add3A_38, %mul3A_39 : i32
      %add3A_41 = arith.addi %mul3A_2, %mul3A_40 : i32
      "tpu.region"() ({
        %run_scoped3A = tpu.sem_alloc : memref<!tpu.dma_semaphore, #tpu.memory_space<semaphore_mem>>
        %dma_start3A_60 = tpu.memref_slice %arg3[%add3A_41] : memref<393216xi32, #tpu.memory_space<hbm>> -> memref<512xi32, #tpu.memory_space<hbm>>
        %dma_start3A_61 = tpu.memref_slice %arg3[%add3A_41] : memref<393216xi32, #tpu.memory_space<hbm>> -> memref<512xi32, #tpu.memory_space<hbm>>
        tpu.enqueue_dma source(%dma_start3A_61 : memref<512xi32, #tpu.memory_space<hbm>>) target(%arg7 : memref<512xi32, #tpu.memory_space<vmem>>) target_semaphore(%run_scoped3A : memref<!tpu.dma_semaphore, #tpu.memory_space<semaphore_mem>>)
        %dma_wait3A_62 = tpu.memref_slice %arg3[%add3A_41] : memref<393216xi32, #tpu.memory_space<hbm>> -> memref<512xi32, #tpu.memory_space<hbm>>
        %dma_wait3A_63 = tpu.memref_slice %arg3[%add3A_41] : memref<393216xi32, #tpu.memory_space<hbm>> -> memref<512xi32, #tpu.memory_space<hbm>>
        tpu.wait_dma2 semaphore(%run_scoped3A : memref<!tpu.dma_semaphore, #tpu.memory_space<semaphore_mem>>) src(%dma_wait3A_63 : memref<512xi32, #tpu.memory_space<hbm>>) dst(%arg7 : memref<512xi32, #tpu.memory_space<vmem>>)
        tpu.yield
      }) : () -> ()
      "tpu.region"() ({
        %run_scoped3A = tpu.sem_alloc : memref<!tpu.dma_semaphore, #tpu.memory_space<semaphore_mem>>
        %dma_start3A_60 = tpu.memref_slice %arg4[%add3A_41] : memref<393216xi32, #tpu.memory_space<hbm>> -> memref<512xi32, #tpu.memory_space<hbm>>
        %dma_start3A_61 = tpu.memref_slice %arg4[%add3A_41] : memref<393216xi32, #tpu.memory_space<hbm>> -> memref<512xi32, #tpu.memory_space<hbm>>
        tpu.enqueue_dma source(%dma_start3A_61 : memref<512xi32, #tpu.memory_space<hbm>>) target(%arg9 : memref<512xi32, #tpu.memory_space<vmem>>) target_semaphore(%run_scoped3A : memref<!tpu.dma_semaphore, #tpu.memory_space<semaphore_mem>>)
        %dma_wait3A_62 = tpu.memref_slice %arg4[%add3A_41] : memref<393216xi32, #tpu.memory_space<hbm>> -> memref<512xi32, #tpu.memory_space<hbm>>
        %dma_wait3A_63 = tpu.memref_slice %arg4[%add3A_41] : memref<393216xi32, #tpu.memory_space<hbm>> -> memref<512xi32, #tpu.memory_space<hbm>>
        tpu.wait_dma2 semaphore(%run_scoped3A : memref<!tpu.dma_semaphore, #tpu.memory_space<semaphore_mem>>) src(%dma_wait3A_63 : memref<512xi32, #tpu.memory_space<hbm>>) dst(%arg9 : memref<512xi32, #tpu.memory_space<vmem>>)
        tpu.yield
      }) : () -> ()
      %dma_start3A_42 = arith.constant 0 : i32
      %dma_start3A_43 = arith.constant 0 : i32
      %dma_start3A_44 = tpu.memref_slice %arg2[%dma_start3A_42, %dma_start3A_43] : memref<10240x64xf32, #tpu.memory_space<hbm>> -> memref<10240x64xf32, #tpu.memory_space<hbm>>
      tpu.enqueue_indirect_dma source(%dma_start3A_44 : memref<10240x64xf32, #tpu.memory_space<hbm>>) target(%arg11 : memref<512x64xf32, #tpu.memory_space<vmem>>) offsets(%arg7 : memref<512xi32, #tpu.memory_space<vmem>>) semaphore(%arg14 : memref<!tpu.dma_semaphore, #tpu.memory_space<semaphore_mem>>)
      %dma_wait3A_45 = arith.constant 0 : i32
      %dma_wait3A_46 = arith.constant 0 : i32
      %dma_wait3A_47 = tpu.memref_slice %arg2[%dma_wait3A_45, %dma_wait3A_46] : memref<10240x64xf32, #tpu.memory_space<hbm>> -> memref<10240x64xf32, #tpu.memory_space<hbm>>
      tpu.wait_indirect_dma semaphore(%arg15 : memref<!tpu.dma_semaphore, #tpu.memory_space<semaphore_mem>>) src(%dma_wait3A_47 : memref<10240x64xf32, #tpu.memory_space<hbm>>) dst(%arg12 : memref<512x64xf32, #tpu.memory_space<vmem>>)
      "tpu.region"() ({
        %run_scoped3A = tpu.sem_alloc : memref<!tpu.dma_semaphore, #tpu.memory_space<semaphore_mem>>
        %dma_start3A_60 = arith.constant 0 : i32
        %dma_start3A_61 = arith.constant 0 : i32
        %dma_start3A_62 = tpu.memref_slice %arg13[%dma_start3A_60, %dma_start3A_61] : memref<10240x64xf32, #tpu.memory_space<vmem_shared>> -> memref<10240x64xf32, #tpu.memory_space<vmem_shared>>
        tpu.enqueue_indirect_dma source(%arg12 : memref<512x64xf32, #tpu.memory_space<vmem>>) target(%dma_start3A_62 : memref<10240x64xf32, #tpu.memory_space<vmem_shared>>) offsets(%arg10 : memref<512xi32, #tpu.memory_space<vmem>>) semaphore(%run_scoped3A : memref<!tpu.dma_semaphore, #tpu.memory_space<semaphore_mem>>) {add = true}
        %dma_wait3A_63 = arith.constant 0 : i32
        %dma_wait3A_64 = arith.constant 0 : i32
        %dma_wait3A_65 = tpu.memref_slice %arg13[%dma_wait3A_63, %dma_wait3A_64] : memref<10240x64xf32, #tpu.memory_space<vmem_shared>> -> memref<10240x64xf32, #tpu.memory_space<vmem_shared>>
        tpu.wait_indirect_dma semaphore(%run_scoped3A : memref<!tpu.dma_semaphore, #tpu.memory_space<semaphore_mem>>) src(%arg12 : memref<512x64xf32, #tpu.memory_space<vmem>>) dst(%dma_wait3A_65 : memref<10240x64xf32, #tpu.memory_space<vmem_shared>>)
        tpu.yield
      }) : () -> ()
      %add3A_48 = arith.constant 1 : i32
      %add3A_49 = arith.addi %scan3A_29, %add3A_48 : i32
      %mul3A_50 = arith.constant 2 : i32
      %mul3A_51 = arith.muli %add3A_49, %mul3A_50 : i32
      %add3A_52 = arith.constant 1 : i32
      %add3A_53 = arith.addi %mul3A_51, %add3A_52 : i32
      %mul3A_54 = arith.constant 512 : i32
      %mul3A_55 = arith.muli %add3A_53, %mul3A_54 : i32
      %add3A_56 = arith.addi %mul3A_2, %mul3A_55 : i32
      "tpu.region"() ({
        %run_scoped3A = tpu.sem_alloc : memref<!tpu.dma_semaphore, #tpu.memory_space<semaphore_mem>>
        %dma_start3A_60 = tpu.memref_slice %arg3[%add3A_56] : memref<393216xi32, #tpu.memory_space<hbm>> -> memref<512xi32, #tpu.memory_space<hbm>>
        %dma_start3A_61 = tpu.memref_slice %arg3[%add3A_56] : memref<393216xi32, #tpu.memory_space<hbm>> -> memref<512xi32, #tpu.memory_space<hbm>>
        tpu.enqueue_dma source(%dma_start3A_61 : memref<512xi32, #tpu.memory_space<hbm>>) target(%arg8 : memref<512xi32, #tpu.memory_space<vmem>>) target_semaphore(%run_scoped3A : memref<!tpu.dma_semaphore, #tpu.memory_space<semaphore_mem>>)
        %dma_wait3A_62 = tpu.memref_slice %arg3[%add3A_56] : memref<393216xi32, #tpu.memory_space<hbm>> -> memref<512xi32, #tpu.memory_space<hbm>>
        %dma_wait3A_63 = tpu.memref_slice %arg3[%add3A_56] : memref<393216xi32, #tpu.memory_space<hbm>> -> memref<512xi32, #tpu.memory_space<hbm>>
        tpu.wait_dma2 semaphore(%run_scoped3A : memref<!tpu.dma_semaphore, #tpu.memory_space<semaphore_mem>>) src(%dma_wait3A_63 : memref<512xi32, #tpu.memory_space<hbm>>) dst(%arg8 : memref<512xi32, #tpu.memory_space<vmem>>)
        tpu.yield
      }) : () -> ()
      "tpu.region"() ({
        %run_scoped3A = tpu.sem_alloc : memref<!tpu.dma_semaphore, #tpu.memory_space<semaphore_mem>>
        %dma_start3A_60 = tpu.memref_slice %arg4[%add3A_56] : memref<393216xi32, #tpu.memory_space<hbm>> -> memref<512xi32, #tpu.memory_space<hbm>>
        %dma_start3A_61 = tpu.memref_slice %arg4[%add3A_56] : memref<393216xi32, #tpu.memory_space<hbm>> -> memref<512xi32, #tpu.memory_space<hbm>>
        tpu.enqueue_dma source(%dma_start3A_61 : memref<512xi32, #tpu.memory_space<hbm>>) target(%arg10 : memref<512xi32, #tpu.memory_space<vmem>>) target_semaphore(%run_scoped3A : memref<!tpu.dma_semaphore, #tpu.memory_space<semaphore_mem>>)
        %dma_wait3A_62 = tpu.memref_slice %arg4[%add3A_56] : memref<393216xi32, #tpu.memory_space<hbm>> -> memref<512xi32, #tpu.memory_space<hbm>>
        %dma_wait3A_63 = tpu.memref_slice %arg4[%add3A_56] : memref<393216xi32, #tpu.memory_space<hbm>> -> memref<512xi32, #tpu.memory_space<hbm>>
        tpu.wait_dma2 semaphore(%run_scoped3A : memref<!tpu.dma_semaphore, #tpu.memory_space<semaphore_mem>>) src(%dma_wait3A_63 : memref<512xi32, #tpu.memory_space<hbm>>) dst(%arg10 : memref<512xi32, #tpu.memory_space<vmem>>)
        tpu.yield
      }) : () -> ()
      %dma_start3A_57 = arith.constant 0 : i32
      %dma_start3A_58 = arith.constant 0 : i32
      %dma_start3A_59 = tpu.memref_slice %arg2[%dma_start3A_57, %dma_start3A_58] : memref<10240x64xf32, #tpu.memory_space<hbm>> -> memref<10240x64xf32, #tpu.memory_space<hbm>>
      tpu.enqueue_indirect_dma source(%dma_start3A_59 : memref<10240x64xf32, #tpu.memory_space<hbm>>) target(%arg12 : memref<512x64xf32, #tpu.memory_space<vmem>>) offsets(%arg8 : memref<512xi32, #tpu.memory_space<vmem>>) semaphore(%arg15 : memref<!tpu.dma_semaphore, #tpu.memory_space<semaphore_mem>>)
    }
    %scan3A_18 = arith.constant 10 : i32
    %dma_wait3A = arith.constant 0 : i32
    %dma_wait3A_19 = arith.constant 0 : i32
    %dma_wait3A_20 = tpu.memref_slice %arg2[%dma_wait3A, %dma_wait3A_19] : memref<10240x64xf32, #tpu.memory_space<hbm>> -> memref<10240x64xf32, #tpu.memory_space<hbm>>
    tpu.wait_indirect_dma semaphore(%arg14 : memref<!tpu.dma_semaphore, #tpu.memory_space<semaphore_mem>>) src(%dma_wait3A_20 : memref<10240x64xf32, #tpu.memory_space<hbm>>) dst(%arg11 : memref<512x64xf32, #tpu.memory_space<vmem>>)
    "tpu.region"() ({
      %run_scoped3A = tpu.sem_alloc : memref<!tpu.dma_semaphore, #tpu.memory_space<semaphore_mem>>
      %dma_start3A_29 = arith.constant 0 : i32
      %dma_start3A_30 = arith.constant 0 : i32
      %dma_start3A_31 = tpu.memref_slice %arg13[%dma_start3A_29, %dma_start3A_30] : memref<10240x64xf32, #tpu.memory_space<vmem_shared>> -> memref<10240x64xf32, #tpu.memory_space<vmem_shared>>
      tpu.enqueue_indirect_dma source(%arg11 : memref<512x64xf32, #tpu.memory_space<vmem>>) target(%dma_start3A_31 : memref<10240x64xf32, #tpu.memory_space<vmem_shared>>) offsets(%arg9 : memref<512xi32, #tpu.memory_space<vmem>>) semaphore(%run_scoped3A : memref<!tpu.dma_semaphore, #tpu.memory_space<semaphore_mem>>) {add = true}
      %dma_wait3A_32 = arith.constant 0 : i32
      %dma_wait3A_33 = arith.constant 0 : i32
      %dma_wait3A_34 = tpu.memref_slice %arg13[%dma_wait3A_32, %dma_wait3A_33] : memref<10240x64xf32, #tpu.memory_space<vmem_shared>> -> memref<10240x64xf32, #tpu.memory_space<vmem_shared>>
      tpu.wait_indirect_dma semaphore(%run_scoped3A : memref<!tpu.dma_semaphore, #tpu.memory_space<semaphore_mem>>) src(%arg11 : memref<512x64xf32, #tpu.memory_space<vmem>>) dst(%dma_wait3A_34 : memref<10240x64xf32, #tpu.memory_space<vmem_shared>>)
      tpu.yield
    }) : () -> ()
    %dma_wait3A_21 = arith.constant 0 : i32
    %dma_wait3A_22 = arith.constant 0 : i32
    %dma_wait3A_23 = tpu.memref_slice %arg2[%dma_wait3A_21, %dma_wait3A_22] : memref<10240x64xf32, #tpu.memory_space<hbm>> -> memref<10240x64xf32, #tpu.memory_space<hbm>>
    tpu.wait_indirect_dma semaphore(%arg15 : memref<!tpu.dma_semaphore, #tpu.memory_space<semaphore_mem>>) src(%dma_wait3A_23 : memref<10240x64xf32, #tpu.memory_space<hbm>>) dst(%arg12 : memref<512x64xf32, #tpu.memory_space<vmem>>)
    "tpu.region"() ({
      %run_scoped3A = tpu.sem_alloc : memref<!tpu.dma_semaphore, #tpu.memory_space<semaphore_mem>>
      %dma_start3A_29 = arith.constant 0 : i32
      %dma_start3A_30 = arith.constant 0 : i32
      %dma_start3A_31 = tpu.memref_slice %arg13[%dma_start3A_29, %dma_start3A_30] : memref<10240x64xf32, #tpu.memory_space<vmem_shared>> -> memref<10240x64xf32, #tpu.memory_space<vmem_shared>>
      tpu.enqueue_indirect_dma source(%arg12 : memref<512x64xf32, #tpu.memory_space<vmem>>) target(%dma_start3A_31 : memref<10240x64xf32, #tpu.memory_space<vmem_shared>>) offsets(%arg10 : memref<512xi32, #tpu.memory_space<vmem>>) semaphore(%run_scoped3A : memref<!tpu.dma_semaphore, #tpu.memory_space<semaphore_mem>>) {add = true}
      %dma_wait3A_32 = arith.constant 0 : i32
      %dma_wait3A_33 = arith.constant 0 : i32
      %dma_wait3A_34 = tpu.memref_slice %arg13[%dma_wait3A_32, %dma_wait3A_33] : memref<10240x64xf32, #tpu.memory_space<vmem_shared>> -> memref<10240x64xf32, #tpu.memory_space<vmem_shared>>
      tpu.wait_indirect_dma semaphore(%run_scoped3A : memref<!tpu.dma_semaphore, #tpu.memory_space<semaphore_mem>>) src(%arg12 : memref<512x64xf32, #tpu.memory_space<vmem>>) dst(%dma_wait3A_34 : memref<10240x64xf32, #tpu.memory_space<vmem_shared>>)
      tpu.yield
    }) : () -> ()
    %barrier3A_24 = arith.constant 0 : index
    tpu.barrier barrier_id(%barrier3A_24)
    %mul3A_25 = arith.constant 640 : i32
    %mul3A_26 = arith.muli %arg1, %mul3A_25 : i32
    %mul3A_27 = arith.constant 640 : i32
    %mul3A_28 = arith.muli %arg1, %mul3A_27 : i32
    "tpu.region"() ({
      %run_scoped3A = tpu.sem_alloc : memref<!tpu.dma_semaphore, #tpu.memory_space<semaphore_mem>>
      %dma_start3A_29 = arith.constant 0 : i32
      %dma_start3A_30 = tpu.memref_slice %arg6[%arg0, %mul3A_28, %dma_start3A_29] : memref<2x10240x64xf32, #tpu.memory_space<hbm>> -> memref<1x640x64xf32, #tpu.memory_space<hbm>>
      %dma_start3A_31 = tpu.memref_squeeze %dma_start3A_30 : memref<1x640x64xf32, #tpu.memory_space<hbm>> -> memref<640x64xf32, #tpu.memory_space<hbm>>
      %dma_start3A_32 = arith.constant 0 : i32
      %dma_start3A_33 = tpu.memref_slice %arg13[%mul3A_26, %dma_start3A_32] : memref<10240x64xf32, #tpu.memory_space<vmem_shared>> -> memref<640x64xf32, #tpu.memory_space<vmem_shared>>
      tpu.enqueue_dma source(%dma_start3A_33 : memref<640x64xf32, #tpu.memory_space<vmem_shared>>) target(%dma_start3A_31 : memref<640x64xf32, #tpu.memory_space<hbm>>) target_semaphore(%run_scoped3A : memref<!tpu.dma_semaphore, #tpu.memory_space<semaphore_mem>>)
      %dma_wait3A_34 = arith.constant 0 : i32
      %dma_wait3A_35 = tpu.memref_slice %arg6[%arg0, %mul3A_28, %dma_wait3A_34] : memref<2x10240x64xf32, #tpu.memory_space<hbm>> -> memref<1x640x64xf32, #tpu.memory_space<hbm>>
      %dma_wait3A_36 = tpu.memref_squeeze %dma_wait3A_35 : memref<1x640x64xf32, #tpu.memory_space<hbm>> -> memref<640x64xf32, #tpu.memory_space<hbm>>
      %dma_wait3A_37 = arith.constant 0 : i32
      %dma_wait3A_38 = tpu.memref_slice %arg13[%mul3A_26, %dma_wait3A_37] : memref<10240x64xf32, #tpu.memory_space<vmem_shared>> -> memref<640x64xf32, #tpu.memory_space<vmem_shared>>
      tpu.wait_dma2 semaphore(%run_scoped3A : memref<!tpu.dma_semaphore, #tpu.memory_space<semaphore_mem>>) src(%dma_wait3A_38 : memref<640x64xf32, #tpu.memory_space<vmem_shared>>) dst(%dma_wait3A_36 : memref<640x64xf32, #tpu.memory_space<hbm>>)
      tpu.yield
    }) : () -> ()
    return
  }
}

#map = affine_map<(d0, d1) -> (0, 0)>
#map1 = affine_map<(d0, d1) -> (0)>
#map2 = affine_map<(d0, d1) -> (0, 0, 0)>
module attributes {stable_mosaic.version = 14 : i64} {
  func.func @agg(%arg0: i32, %arg1: i32, %arg2: memref<10240x16xf32, #tpu.memory_space<hbm>>, %arg3: memref<393216xi32, #tpu.memory_space<hbm>>, %arg4: memref<393216xi32, #tpu.memory_space<hbm>>, %arg5: memref<640x16xf32, #tpu.memory_space<hbm>>, %arg6: memref<2x10240x16xf32, #tpu.memory_space<hbm>>, %arg7: memref<3072xi32, #tpu.memory_space<vmem>>, %arg8: memref<3072xi32, #tpu.memory_space<vmem>>, %arg9: memref<3072xi32, #tpu.memory_space<vmem>>, %arg10: memref<3072xi32, #tpu.memory_space<vmem>>, %arg11: memref<3072x16xf32, #tpu.memory_space<vmem>>, %arg12: memref<3072x16xf32, #tpu.memory_space<vmem>>, %arg13: memref<10240x16xf32, #tpu.memory_space<vmem_shared>>, %arg14: memref<!tpu.dma_semaphore, #tpu.memory_space<semaphore_mem>>, %arg15: memref<!tpu.dma_semaphore, #tpu.memory_space<semaphore_mem>>) attributes {dimension_semantics = [#tpu.dimension_semantics<core_parallel>, #tpu.dimension_semantics<subcore_parallel>], iteration_bounds = array<i64: 2, 16>, scalar_prefetch = 0 : i64, scratch_operands = 9 : i64, tpu.core_type = #tpu.core_type<sc_vector_subcore>, window_params = [{transform_indices = #map}, {transform_indices = #map1}, {transform_indices = #map1}, {transform_indices = #map}, {transform_indices = #map2}]} {
    %mul3A = arith.constant 16 : i32
    %mul3A_0 = arith.muli %arg0, %mul3A : i32
    %add3A = arith.addi %mul3A_0, %arg1 : i32
    %mul3A_1 = arith.constant 12288 : i32
    %mul3A_2 = arith.muli %add3A, %mul3A_1 : i32
    %add3A_3 = arith.constant 0 : i32
    %add3A_4 = arith.addi %mul3A_2, %add3A_3 : i32
    "tpu.region"() ({
      %run_scoped3A = tpu.sem_alloc : memref<!tpu.dma_semaphore, #tpu.memory_space<semaphore_mem>>
      %dma_start3A_56 = tpu.memref_slice %arg3[%add3A_4] : memref<393216xi32, #tpu.memory_space<hbm>> -> memref<3072xi32, #tpu.memory_space<hbm>>
      %dma_start3A_57 = tpu.memref_slice %arg3[%add3A_4] : memref<393216xi32, #tpu.memory_space<hbm>> -> memref<3072xi32, #tpu.memory_space<hbm>>
      tpu.enqueue_dma source(%dma_start3A_57 : memref<3072xi32, #tpu.memory_space<hbm>>) target(%arg7 : memref<3072xi32, #tpu.memory_space<vmem>>) target_semaphore(%run_scoped3A : memref<!tpu.dma_semaphore, #tpu.memory_space<semaphore_mem>>)
      %dma_wait3A_58 = tpu.memref_slice %arg3[%add3A_4] : memref<393216xi32, #tpu.memory_space<hbm>> -> memref<3072xi32, #tpu.memory_space<hbm>>
      %dma_wait3A_59 = tpu.memref_slice %arg3[%add3A_4] : memref<393216xi32, #tpu.memory_space<hbm>> -> memref<3072xi32, #tpu.memory_space<hbm>>
      tpu.wait_dma2 semaphore(%run_scoped3A : memref<!tpu.dma_semaphore, #tpu.memory_space<semaphore_mem>>) src(%dma_wait3A_59 : memref<3072xi32, #tpu.memory_space<hbm>>) dst(%arg7 : memref<3072xi32, #tpu.memory_space<vmem>>)
      tpu.yield
    }) : () -> ()
    "tpu.region"() ({
      %run_scoped3A = tpu.sem_alloc : memref<!tpu.dma_semaphore, #tpu.memory_space<semaphore_mem>>
      %dma_start3A_56 = tpu.memref_slice %arg4[%add3A_4] : memref<393216xi32, #tpu.memory_space<hbm>> -> memref<3072xi32, #tpu.memory_space<hbm>>
      %dma_start3A_57 = tpu.memref_slice %arg4[%add3A_4] : memref<393216xi32, #tpu.memory_space<hbm>> -> memref<3072xi32, #tpu.memory_space<hbm>>
      tpu.enqueue_dma source(%dma_start3A_57 : memref<3072xi32, #tpu.memory_space<hbm>>) target(%arg9 : memref<3072xi32, #tpu.memory_space<vmem>>) target_semaphore(%run_scoped3A : memref<!tpu.dma_semaphore, #tpu.memory_space<semaphore_mem>>)
      %dma_wait3A_58 = tpu.memref_slice %arg4[%add3A_4] : memref<393216xi32, #tpu.memory_space<hbm>> -> memref<3072xi32, #tpu.memory_space<hbm>>
      %dma_wait3A_59 = tpu.memref_slice %arg4[%add3A_4] : memref<393216xi32, #tpu.memory_space<hbm>> -> memref<3072xi32, #tpu.memory_space<hbm>>
      tpu.wait_dma2 semaphore(%run_scoped3A : memref<!tpu.dma_semaphore, #tpu.memory_space<semaphore_mem>>) src(%dma_wait3A_59 : memref<3072xi32, #tpu.memory_space<hbm>>) dst(%arg9 : memref<3072xi32, #tpu.memory_space<vmem>>)
      tpu.yield
    }) : () -> ()
    %dma_start3A = arith.constant 0 : i32
    %dma_start3A_5 = arith.constant 0 : i32
    %dma_start3A_6 = tpu.memref_slice %arg2[%dma_start3A, %dma_start3A_5] : memref<10240x16xf32, #tpu.memory_space<hbm>> -> memref<10240x16xf32, #tpu.memory_space<hbm>>
    tpu.enqueue_indirect_dma source(%dma_start3A_6 : memref<10240x16xf32, #tpu.memory_space<hbm>>) target(%arg11 : memref<3072x16xf32, #tpu.memory_space<vmem>>) offsets(%arg7 : memref<3072xi32, #tpu.memory_space<vmem>>) semaphore(%arg14 : memref<!tpu.dma_semaphore, #tpu.memory_space<semaphore_mem>>)
    %add3A_7 = arith.constant 3072 : i32
    %add3A_8 = arith.addi %mul3A_2, %add3A_7 : i32
    "tpu.region"() ({
      %run_scoped3A = tpu.sem_alloc : memref<!tpu.dma_semaphore, #tpu.memory_space<semaphore_mem>>
      %dma_start3A_56 = tpu.memref_slice %arg3[%add3A_8] : memref<393216xi32, #tpu.memory_space<hbm>> -> memref<3072xi32, #tpu.memory_space<hbm>>
      %dma_start3A_57 = tpu.memref_slice %arg3[%add3A_8] : memref<393216xi32, #tpu.memory_space<hbm>> -> memref<3072xi32, #tpu.memory_space<hbm>>
      tpu.enqueue_dma source(%dma_start3A_57 : memref<3072xi32, #tpu.memory_space<hbm>>) target(%arg8 : memref<3072xi32, #tpu.memory_space<vmem>>) target_semaphore(%run_scoped3A : memref<!tpu.dma_semaphore, #tpu.memory_space<semaphore_mem>>)
      %dma_wait3A_58 = tpu.memref_slice %arg3[%add3A_8] : memref<393216xi32, #tpu.memory_space<hbm>> -> memref<3072xi32, #tpu.memory_space<hbm>>
      %dma_wait3A_59 = tpu.memref_slice %arg3[%add3A_8] : memref<393216xi32, #tpu.memory_space<hbm>> -> memref<3072xi32, #tpu.memory_space<hbm>>
      tpu.wait_dma2 semaphore(%run_scoped3A : memref<!tpu.dma_semaphore, #tpu.memory_space<semaphore_mem>>) src(%dma_wait3A_59 : memref<3072xi32, #tpu.memory_space<hbm>>) dst(%arg8 : memref<3072xi32, #tpu.memory_space<vmem>>)
      tpu.yield
    }) : () -> ()
    "tpu.region"() ({
      %run_scoped3A = tpu.sem_alloc : memref<!tpu.dma_semaphore, #tpu.memory_space<semaphore_mem>>
      %dma_start3A_56 = tpu.memref_slice %arg4[%add3A_8] : memref<393216xi32, #tpu.memory_space<hbm>> -> memref<3072xi32, #tpu.memory_space<hbm>>
      %dma_start3A_57 = tpu.memref_slice %arg4[%add3A_8] : memref<393216xi32, #tpu.memory_space<hbm>> -> memref<3072xi32, #tpu.memory_space<hbm>>
      tpu.enqueue_dma source(%dma_start3A_57 : memref<3072xi32, #tpu.memory_space<hbm>>) target(%arg10 : memref<3072xi32, #tpu.memory_space<vmem>>) target_semaphore(%run_scoped3A : memref<!tpu.dma_semaphore, #tpu.memory_space<semaphore_mem>>)
      %dma_wait3A_58 = tpu.memref_slice %arg4[%add3A_8] : memref<393216xi32, #tpu.memory_space<hbm>> -> memref<3072xi32, #tpu.memory_space<hbm>>
      %dma_wait3A_59 = tpu.memref_slice %arg4[%add3A_8] : memref<393216xi32, #tpu.memory_space<hbm>> -> memref<3072xi32, #tpu.memory_space<hbm>>
      tpu.wait_dma2 semaphore(%run_scoped3A : memref<!tpu.dma_semaphore, #tpu.memory_space<semaphore_mem>>) src(%dma_wait3A_59 : memref<3072xi32, #tpu.memory_space<hbm>>) dst(%arg10 : memref<3072xi32, #tpu.memory_space<vmem>>)
      tpu.yield
    }) : () -> ()
    %dma_start3A_9 = arith.constant 0 : i32
    %dma_start3A_10 = arith.constant 0 : i32
    %dma_start3A_11 = tpu.memref_slice %arg2[%dma_start3A_9, %dma_start3A_10] : memref<10240x16xf32, #tpu.memory_space<hbm>> -> memref<10240x16xf32, #tpu.memory_space<hbm>>
    tpu.enqueue_indirect_dma source(%dma_start3A_11 : memref<10240x16xf32, #tpu.memory_space<hbm>>) target(%arg12 : memref<3072x16xf32, #tpu.memory_space<vmem>>) offsets(%arg8 : memref<3072xi32, #tpu.memory_space<vmem>>) semaphore(%arg15 : memref<!tpu.dma_semaphore, #tpu.memory_space<semaphore_mem>>)
    %mul3A_12 = arith.constant 640 : i32
    %mul3A_13 = arith.muli %arg1, %mul3A_12 : i32
    "tpu.region"() ({
      %run_scoped3A = tpu.sem_alloc : memref<!tpu.dma_semaphore, #tpu.memory_space<semaphore_mem>>
      %dma_start3A_56 = arith.constant 0 : i32
      %dma_start3A_57 = tpu.memref_slice %arg13[%mul3A_13, %dma_start3A_56] : memref<10240x16xf32, #tpu.memory_space<vmem_shared>> -> memref<640x16xf32, #tpu.memory_space<vmem_shared>>
      tpu.enqueue_dma source(%arg5 : memref<640x16xf32, #tpu.memory_space<hbm>>) target(%dma_start3A_57 : memref<640x16xf32, #tpu.memory_space<vmem_shared>>) target_semaphore(%run_scoped3A : memref<!tpu.dma_semaphore, #tpu.memory_space<semaphore_mem>>)
      %dma_wait3A_58 = arith.constant 0 : i32
      %dma_wait3A_59 = tpu.memref_slice %arg13[%mul3A_13, %dma_wait3A_58] : memref<10240x16xf32, #tpu.memory_space<vmem_shared>> -> memref<640x16xf32, #tpu.memory_space<vmem_shared>>
      tpu.wait_dma2 semaphore(%run_scoped3A : memref<!tpu.dma_semaphore, #tpu.memory_space<semaphore_mem>>) src(%arg5 : memref<640x16xf32, #tpu.memory_space<hbm>>) dst(%dma_wait3A_59 : memref<640x16xf32, #tpu.memory_space<vmem_shared>>)
      tpu.yield
    }) : () -> ()
    %barrier3A = arith.constant 0 : index
    tpu.barrier barrier_id(%barrier3A)
    %scan3A = arith.constant 0 : i32
    %scan3A_14 = arith.constant 0 : i32
    %dma_wait3A = arith.constant 0 : i32
    %dma_wait3A_15 = arith.constant 0 : i32
    %dma_wait3A_16 = tpu.memref_slice %arg2[%dma_wait3A, %dma_wait3A_15] : memref<10240x16xf32, #tpu.memory_space<hbm>> -> memref<10240x16xf32, #tpu.memory_space<hbm>>
    tpu.wait_indirect_dma semaphore(%arg14 : memref<!tpu.dma_semaphore, #tpu.memory_space<semaphore_mem>>) src(%dma_wait3A_16 : memref<10240x16xf32, #tpu.memory_space<hbm>>) dst(%arg11 : memref<3072x16xf32, #tpu.memory_space<vmem>>)
    "tpu.region"() ({
      %run_scoped3A = tpu.sem_alloc : memref<!tpu.dma_semaphore, #tpu.memory_space<semaphore_mem>>
      %dma_start3A_56 = arith.constant 0 : i32
      %dma_start3A_57 = arith.constant 0 : i32
      %dma_start3A_58 = tpu.memref_slice %arg13[%dma_start3A_56, %dma_start3A_57] : memref<10240x16xf32, #tpu.memory_space<vmem_shared>> -> memref<10240x16xf32, #tpu.memory_space<vmem_shared>>
      tpu.enqueue_indirect_dma source(%arg11 : memref<3072x16xf32, #tpu.memory_space<vmem>>) target(%dma_start3A_58 : memref<10240x16xf32, #tpu.memory_space<vmem_shared>>) offsets(%arg9 : memref<3072xi32, #tpu.memory_space<vmem>>) semaphore(%run_scoped3A : memref<!tpu.dma_semaphore, #tpu.memory_space<semaphore_mem>>) {add = true}
      %dma_wait3A_59 = arith.constant 0 : i32
      %dma_wait3A_60 = arith.constant 0 : i32
      %dma_wait3A_61 = tpu.memref_slice %arg13[%dma_wait3A_59, %dma_wait3A_60] : memref<10240x16xf32, #tpu.memory_space<vmem_shared>> -> memref<10240x16xf32, #tpu.memory_space<vmem_shared>>
      tpu.wait_indirect_dma semaphore(%run_scoped3A : memref<!tpu.dma_semaphore, #tpu.memory_space<semaphore_mem>>) src(%arg11 : memref<3072x16xf32, #tpu.memory_space<vmem>>) dst(%dma_wait3A_61 : memref<10240x16xf32, #tpu.memory_space<vmem_shared>>)
      tpu.yield
    }) : () -> ()
    %add3A_17 = arith.constant 1 : i32
    %add3A_18 = arith.addi %scan3A_14, %add3A_17 : i32
    %mul3A_19 = arith.constant 2 : i32
    %mul3A_20 = arith.muli %add3A_18, %mul3A_19 : i32
    %add3A_21 = arith.constant 0 : i32
    %add3A_22 = arith.addi %mul3A_20, %add3A_21 : i32
    %mul3A_23 = arith.constant 3072 : i32
    %mul3A_24 = arith.muli %add3A_22, %mul3A_23 : i32
    %add3A_25 = arith.addi %mul3A_2, %mul3A_24 : i32
    "tpu.region"() ({
      %run_scoped3A = tpu.sem_alloc : memref<!tpu.dma_semaphore, #tpu.memory_space<semaphore_mem>>
      %dma_start3A_56 = tpu.memref_slice %arg3[%add3A_25] : memref<393216xi32, #tpu.memory_space<hbm>> -> memref<3072xi32, #tpu.memory_space<hbm>>
      %dma_start3A_57 = tpu.memref_slice %arg3[%add3A_25] : memref<393216xi32, #tpu.memory_space<hbm>> -> memref<3072xi32, #tpu.memory_space<hbm>>
      tpu.enqueue_dma source(%dma_start3A_57 : memref<3072xi32, #tpu.memory_space<hbm>>) target(%arg7 : memref<3072xi32, #tpu.memory_space<vmem>>) target_semaphore(%run_scoped3A : memref<!tpu.dma_semaphore, #tpu.memory_space<semaphore_mem>>)
      %dma_wait3A_58 = tpu.memref_slice %arg3[%add3A_25] : memref<393216xi32, #tpu.memory_space<hbm>> -> memref<3072xi32, #tpu.memory_space<hbm>>
      %dma_wait3A_59 = tpu.memref_slice %arg3[%add3A_25] : memref<393216xi32, #tpu.memory_space<hbm>> -> memref<3072xi32, #tpu.memory_space<hbm>>
      tpu.wait_dma2 semaphore(%run_scoped3A : memref<!tpu.dma_semaphore, #tpu.memory_space<semaphore_mem>>) src(%dma_wait3A_59 : memref<3072xi32, #tpu.memory_space<hbm>>) dst(%arg7 : memref<3072xi32, #tpu.memory_space<vmem>>)
      tpu.yield
    }) : () -> ()
    "tpu.region"() ({
      %run_scoped3A = tpu.sem_alloc : memref<!tpu.dma_semaphore, #tpu.memory_space<semaphore_mem>>
      %dma_start3A_56 = tpu.memref_slice %arg4[%add3A_25] : memref<393216xi32, #tpu.memory_space<hbm>> -> memref<3072xi32, #tpu.memory_space<hbm>>
      %dma_start3A_57 = tpu.memref_slice %arg4[%add3A_25] : memref<393216xi32, #tpu.memory_space<hbm>> -> memref<3072xi32, #tpu.memory_space<hbm>>
      tpu.enqueue_dma source(%dma_start3A_57 : memref<3072xi32, #tpu.memory_space<hbm>>) target(%arg9 : memref<3072xi32, #tpu.memory_space<vmem>>) target_semaphore(%run_scoped3A : memref<!tpu.dma_semaphore, #tpu.memory_space<semaphore_mem>>)
      %dma_wait3A_58 = tpu.memref_slice %arg4[%add3A_25] : memref<393216xi32, #tpu.memory_space<hbm>> -> memref<3072xi32, #tpu.memory_space<hbm>>
      %dma_wait3A_59 = tpu.memref_slice %arg4[%add3A_25] : memref<393216xi32, #tpu.memory_space<hbm>> -> memref<3072xi32, #tpu.memory_space<hbm>>
      tpu.wait_dma2 semaphore(%run_scoped3A : memref<!tpu.dma_semaphore, #tpu.memory_space<semaphore_mem>>) src(%dma_wait3A_59 : memref<3072xi32, #tpu.memory_space<hbm>>) dst(%arg9 : memref<3072xi32, #tpu.memory_space<vmem>>)
      tpu.yield
    }) : () -> ()
    %dma_start3A_26 = arith.constant 0 : i32
    %dma_start3A_27 = arith.constant 0 : i32
    %dma_start3A_28 = tpu.memref_slice %arg2[%dma_start3A_26, %dma_start3A_27] : memref<10240x16xf32, #tpu.memory_space<hbm>> -> memref<10240x16xf32, #tpu.memory_space<hbm>>
    tpu.enqueue_indirect_dma source(%dma_start3A_28 : memref<10240x16xf32, #tpu.memory_space<hbm>>) target(%arg11 : memref<3072x16xf32, #tpu.memory_space<vmem>>) offsets(%arg7 : memref<3072xi32, #tpu.memory_space<vmem>>) semaphore(%arg14 : memref<!tpu.dma_semaphore, #tpu.memory_space<semaphore_mem>>)
    %dma_wait3A_29 = arith.constant 0 : i32
    %dma_wait3A_30 = arith.constant 0 : i32
    %dma_wait3A_31 = tpu.memref_slice %arg2[%dma_wait3A_29, %dma_wait3A_30] : memref<10240x16xf32, #tpu.memory_space<hbm>> -> memref<10240x16xf32, #tpu.memory_space<hbm>>
    tpu.wait_indirect_dma semaphore(%arg15 : memref<!tpu.dma_semaphore, #tpu.memory_space<semaphore_mem>>) src(%dma_wait3A_31 : memref<10240x16xf32, #tpu.memory_space<hbm>>) dst(%arg12 : memref<3072x16xf32, #tpu.memory_space<vmem>>)
    "tpu.region"() ({
      %run_scoped3A = tpu.sem_alloc : memref<!tpu.dma_semaphore, #tpu.memory_space<semaphore_mem>>
      %dma_start3A_56 = arith.constant 0 : i32
      %dma_start3A_57 = arith.constant 0 : i32
      %dma_start3A_58 = tpu.memref_slice %arg13[%dma_start3A_56, %dma_start3A_57] : memref<10240x16xf32, #tpu.memory_space<vmem_shared>> -> memref<10240x16xf32, #tpu.memory_space<vmem_shared>>
      tpu.enqueue_indirect_dma source(%arg12 : memref<3072x16xf32, #tpu.memory_space<vmem>>) target(%dma_start3A_58 : memref<10240x16xf32, #tpu.memory_space<vmem_shared>>) offsets(%arg10 : memref<3072xi32, #tpu.memory_space<vmem>>) semaphore(%run_scoped3A : memref<!tpu.dma_semaphore, #tpu.memory_space<semaphore_mem>>) {add = true}
      %dma_wait3A_59 = arith.constant 0 : i32
      %dma_wait3A_60 = arith.constant 0 : i32
      %dma_wait3A_61 = tpu.memref_slice %arg13[%dma_wait3A_59, %dma_wait3A_60] : memref<10240x16xf32, #tpu.memory_space<vmem_shared>> -> memref<10240x16xf32, #tpu.memory_space<vmem_shared>>
      tpu.wait_indirect_dma semaphore(%run_scoped3A : memref<!tpu.dma_semaphore, #tpu.memory_space<semaphore_mem>>) src(%arg12 : memref<3072x16xf32, #tpu.memory_space<vmem>>) dst(%dma_wait3A_61 : memref<10240x16xf32, #tpu.memory_space<vmem_shared>>)
      tpu.yield
    }) : () -> ()
    %add3A_32 = arith.constant 1 : i32
    %add3A_33 = arith.addi %scan3A_14, %add3A_32 : i32
    %mul3A_34 = arith.constant 2 : i32
    %mul3A_35 = arith.muli %add3A_33, %mul3A_34 : i32
    %add3A_36 = arith.constant 1 : i32
    %add3A_37 = arith.addi %mul3A_35, %add3A_36 : i32
    %mul3A_38 = arith.constant 3072 : i32
    %mul3A_39 = arith.muli %add3A_37, %mul3A_38 : i32
    %add3A_40 = arith.addi %mul3A_2, %mul3A_39 : i32
    "tpu.region"() ({
      %run_scoped3A = tpu.sem_alloc : memref<!tpu.dma_semaphore, #tpu.memory_space<semaphore_mem>>
      %dma_start3A_56 = tpu.memref_slice %arg3[%add3A_40] : memref<393216xi32, #tpu.memory_space<hbm>> -> memref<3072xi32, #tpu.memory_space<hbm>>
      %dma_start3A_57 = tpu.memref_slice %arg3[%add3A_40] : memref<393216xi32, #tpu.memory_space<hbm>> -> memref<3072xi32, #tpu.memory_space<hbm>>
      tpu.enqueue_dma source(%dma_start3A_57 : memref<3072xi32, #tpu.memory_space<hbm>>) target(%arg8 : memref<3072xi32, #tpu.memory_space<vmem>>) target_semaphore(%run_scoped3A : memref<!tpu.dma_semaphore, #tpu.memory_space<semaphore_mem>>)
      %dma_wait3A_58 = tpu.memref_slice %arg3[%add3A_40] : memref<393216xi32, #tpu.memory_space<hbm>> -> memref<3072xi32, #tpu.memory_space<hbm>>
      %dma_wait3A_59 = tpu.memref_slice %arg3[%add3A_40] : memref<393216xi32, #tpu.memory_space<hbm>> -> memref<3072xi32, #tpu.memory_space<hbm>>
      tpu.wait_dma2 semaphore(%run_scoped3A : memref<!tpu.dma_semaphore, #tpu.memory_space<semaphore_mem>>) src(%dma_wait3A_59 : memref<3072xi32, #tpu.memory_space<hbm>>) dst(%arg8 : memref<3072xi32, #tpu.memory_space<vmem>>)
      tpu.yield
    }) : () -> ()
    "tpu.region"() ({
      %run_scoped3A = tpu.sem_alloc : memref<!tpu.dma_semaphore, #tpu.memory_space<semaphore_mem>>
      %dma_start3A_56 = tpu.memref_slice %arg4[%add3A_40] : memref<393216xi32, #tpu.memory_space<hbm>> -> memref<3072xi32, #tpu.memory_space<hbm>>
      %dma_start3A_57 = tpu.memref_slice %arg4[%add3A_40] : memref<393216xi32, #tpu.memory_space<hbm>> -> memref<3072xi32, #tpu.memory_space<hbm>>
      tpu.enqueue_dma source(%dma_start3A_57 : memref<3072xi32, #tpu.memory_space<hbm>>) target(%arg10 : memref<3072xi32, #tpu.memory_space<vmem>>) target_semaphore(%run_scoped3A : memref<!tpu.dma_semaphore, #tpu.memory_space<semaphore_mem>>)
      %dma_wait3A_58 = tpu.memref_slice %arg4[%add3A_40] : memref<393216xi32, #tpu.memory_space<hbm>> -> memref<3072xi32, #tpu.memory_space<hbm>>
      %dma_wait3A_59 = tpu.memref_slice %arg4[%add3A_40] : memref<393216xi32, #tpu.memory_space<hbm>> -> memref<3072xi32, #tpu.memory_space<hbm>>
      tpu.wait_dma2 semaphore(%run_scoped3A : memref<!tpu.dma_semaphore, #tpu.memory_space<semaphore_mem>>) src(%dma_wait3A_59 : memref<3072xi32, #tpu.memory_space<hbm>>) dst(%arg10 : memref<3072xi32, #tpu.memory_space<vmem>>)
      tpu.yield
    }) : () -> ()
    %dma_start3A_41 = arith.constant 0 : i32
    %dma_start3A_42 = arith.constant 0 : i32
    %dma_start3A_43 = tpu.memref_slice %arg2[%dma_start3A_41, %dma_start3A_42] : memref<10240x16xf32, #tpu.memory_space<hbm>> -> memref<10240x16xf32, #tpu.memory_space<hbm>>
    tpu.enqueue_indirect_dma source(%dma_start3A_43 : memref<10240x16xf32, #tpu.memory_space<hbm>>) target(%arg12 : memref<3072x16xf32, #tpu.memory_space<vmem>>) offsets(%arg8 : memref<3072xi32, #tpu.memory_space<vmem>>) semaphore(%arg15 : memref<!tpu.dma_semaphore, #tpu.memory_space<semaphore_mem>>)
    %scan3A_44 = arith.constant 1 : i32
    %dma_wait3A_45 = arith.constant 0 : i32
    %dma_wait3A_46 = arith.constant 0 : i32
    %dma_wait3A_47 = tpu.memref_slice %arg2[%dma_wait3A_45, %dma_wait3A_46] : memref<10240x16xf32, #tpu.memory_space<hbm>> -> memref<10240x16xf32, #tpu.memory_space<hbm>>
    tpu.wait_indirect_dma semaphore(%arg14 : memref<!tpu.dma_semaphore, #tpu.memory_space<semaphore_mem>>) src(%dma_wait3A_47 : memref<10240x16xf32, #tpu.memory_space<hbm>>) dst(%arg11 : memref<3072x16xf32, #tpu.memory_space<vmem>>)
    "tpu.region"() ({
      %run_scoped3A = tpu.sem_alloc : memref<!tpu.dma_semaphore, #tpu.memory_space<semaphore_mem>>
      %dma_start3A_56 = arith.constant 0 : i32
      %dma_start3A_57 = arith.constant 0 : i32
      %dma_start3A_58 = tpu.memref_slice %arg13[%dma_start3A_56, %dma_start3A_57] : memref<10240x16xf32, #tpu.memory_space<vmem_shared>> -> memref<10240x16xf32, #tpu.memory_space<vmem_shared>>
      tpu.enqueue_indirect_dma source(%arg11 : memref<3072x16xf32, #tpu.memory_space<vmem>>) target(%dma_start3A_58 : memref<10240x16xf32, #tpu.memory_space<vmem_shared>>) offsets(%arg9 : memref<3072xi32, #tpu.memory_space<vmem>>) semaphore(%run_scoped3A : memref<!tpu.dma_semaphore, #tpu.memory_space<semaphore_mem>>) {add = true}
      %dma_wait3A_59 = arith.constant 0 : i32
      %dma_wait3A_60 = arith.constant 0 : i32
      %dma_wait3A_61 = tpu.memref_slice %arg13[%dma_wait3A_59, %dma_wait3A_60] : memref<10240x16xf32, #tpu.memory_space<vmem_shared>> -> memref<10240x16xf32, #tpu.memory_space<vmem_shared>>
      tpu.wait_indirect_dma semaphore(%run_scoped3A : memref<!tpu.dma_semaphore, #tpu.memory_space<semaphore_mem>>) src(%arg11 : memref<3072x16xf32, #tpu.memory_space<vmem>>) dst(%dma_wait3A_61 : memref<10240x16xf32, #tpu.memory_space<vmem_shared>>)
      tpu.yield
    }) : () -> ()
    %dma_wait3A_48 = arith.constant 0 : i32
    %dma_wait3A_49 = arith.constant 0 : i32
    %dma_wait3A_50 = tpu.memref_slice %arg2[%dma_wait3A_48, %dma_wait3A_49] : memref<10240x16xf32, #tpu.memory_space<hbm>> -> memref<10240x16xf32, #tpu.memory_space<hbm>>
    tpu.wait_indirect_dma semaphore(%arg15 : memref<!tpu.dma_semaphore, #tpu.memory_space<semaphore_mem>>) src(%dma_wait3A_50 : memref<10240x16xf32, #tpu.memory_space<hbm>>) dst(%arg12 : memref<3072x16xf32, #tpu.memory_space<vmem>>)
    "tpu.region"() ({
      %run_scoped3A = tpu.sem_alloc : memref<!tpu.dma_semaphore, #tpu.memory_space<semaphore_mem>>
      %dma_start3A_56 = arith.constant 0 : i32
      %dma_start3A_57 = arith.constant 0 : i32
      %dma_start3A_58 = tpu.memref_slice %arg13[%dma_start3A_56, %dma_start3A_57] : memref<10240x16xf32, #tpu.memory_space<vmem_shared>> -> memref<10240x16xf32, #tpu.memory_space<vmem_shared>>
      tpu.enqueue_indirect_dma source(%arg12 : memref<3072x16xf32, #tpu.memory_space<vmem>>) target(%dma_start3A_58 : memref<10240x16xf32, #tpu.memory_space<vmem_shared>>) offsets(%arg10 : memref<3072xi32, #tpu.memory_space<vmem>>) semaphore(%run_scoped3A : memref<!tpu.dma_semaphore, #tpu.memory_space<semaphore_mem>>) {add = true}
      %dma_wait3A_59 = arith.constant 0 : i32
      %dma_wait3A_60 = arith.constant 0 : i32
      %dma_wait3A_61 = tpu.memref_slice %arg13[%dma_wait3A_59, %dma_wait3A_60] : memref<10240x16xf32, #tpu.memory_space<vmem_shared>> -> memref<10240x16xf32, #tpu.memory_space<vmem_shared>>
      tpu.wait_indirect_dma semaphore(%run_scoped3A : memref<!tpu.dma_semaphore, #tpu.memory_space<semaphore_mem>>) src(%arg12 : memref<3072x16xf32, #tpu.memory_space<vmem>>) dst(%dma_wait3A_61 : memref<10240x16xf32, #tpu.memory_space<vmem_shared>>)
      tpu.yield
    }) : () -> ()
    %barrier3A_51 = arith.constant 0 : index
    tpu.barrier barrier_id(%barrier3A_51)
    %mul3A_52 = arith.constant 640 : i32
    %mul3A_53 = arith.muli %arg1, %mul3A_52 : i32
    %mul3A_54 = arith.constant 640 : i32
    %mul3A_55 = arith.muli %arg1, %mul3A_54 : i32
    "tpu.region"() ({
      %run_scoped3A = tpu.sem_alloc : memref<!tpu.dma_semaphore, #tpu.memory_space<semaphore_mem>>
      %dma_start3A_56 = arith.constant 0 : i32
      %dma_start3A_57 = tpu.memref_slice %arg6[%arg0, %mul3A_55, %dma_start3A_56] : memref<2x10240x16xf32, #tpu.memory_space<hbm>> -> memref<1x640x16xf32, #tpu.memory_space<hbm>>
      %dma_start3A_58 = tpu.memref_squeeze %dma_start3A_57 : memref<1x640x16xf32, #tpu.memory_space<hbm>> -> memref<640x16xf32, #tpu.memory_space<hbm>>
      %dma_start3A_59 = arith.constant 0 : i32
      %dma_start3A_60 = tpu.memref_slice %arg13[%mul3A_53, %dma_start3A_59] : memref<10240x16xf32, #tpu.memory_space<vmem_shared>> -> memref<640x16xf32, #tpu.memory_space<vmem_shared>>
      tpu.enqueue_dma source(%dma_start3A_60 : memref<640x16xf32, #tpu.memory_space<vmem_shared>>) target(%dma_start3A_58 : memref<640x16xf32, #tpu.memory_space<hbm>>) target_semaphore(%run_scoped3A : memref<!tpu.dma_semaphore, #tpu.memory_space<semaphore_mem>>)
      %dma_wait3A_61 = arith.constant 0 : i32
      %dma_wait3A_62 = tpu.memref_slice %arg6[%arg0, %mul3A_55, %dma_wait3A_61] : memref<2x10240x16xf32, #tpu.memory_space<hbm>> -> memref<1x640x16xf32, #tpu.memory_space<hbm>>
      %dma_wait3A_63 = tpu.memref_squeeze %dma_wait3A_62 : memref<1x640x16xf32, #tpu.memory_space<hbm>> -> memref<640x16xf32, #tpu.memory_space<hbm>>
      %dma_wait3A_64 = arith.constant 0 : i32
      %dma_wait3A_65 = tpu.memref_slice %arg13[%mul3A_53, %dma_wait3A_64] : memref<10240x16xf32, #tpu.memory_space<vmem_shared>> -> memref<640x16xf32, #tpu.memory_space<vmem_shared>>
      tpu.wait_dma2 semaphore(%run_scoped3A : memref<!tpu.dma_semaphore, #tpu.memory_space<semaphore_mem>>) src(%dma_wait3A_65 : memref<640x16xf32, #tpu.memory_space<vmem_shared>>) dst(%dma_wait3A_63 : memref<640x16xf32, #tpu.memory_space<hbm>>)
      tpu.yield
    }) : () -> ()
    return
  }
}

#map = affine_map<(d0, d1) -> (0, 0)>
#map1 = affine_map<(d0, d1) -> (0)>
#map2 = affine_map<(d0, d1) -> (0, 0, 0)>
module attributes {stable_mosaic.version = 14 : i64} {
  func.func @agg(%arg0: i32, %arg1: i32, %arg2: memref<10240x16xf32, #tpu.memory_space<hbm>>, %arg3: memref<393216xi32, #tpu.memory_space<hbm>>, %arg4: memref<393216xi32, #tpu.memory_space<hbm>>, %arg5: memref<640x16xf32, #tpu.memory_space<hbm>>, %arg6: memref<2x10240x16xf32, #tpu.memory_space<hbm>>, %arg7: memref<3072xi32, #tpu.memory_space<vmem>>, %arg8: memref<3072xi32, #tpu.memory_space<vmem>>, %arg9: memref<3072xi32, #tpu.memory_space<vmem>>, %arg10: memref<3072xi32, #tpu.memory_space<vmem>>, %arg11: memref<3072x16xf32, #tpu.memory_space<vmem>>, %arg12: memref<3072x16xf32, #tpu.memory_space<vmem>>, %arg13: memref<10240x16xf32, #tpu.memory_space<vmem_shared>>, %arg14: memref<!tpu.dma_semaphore, #tpu.memory_space<semaphore_mem>>, %arg15: memref<!tpu.dma_semaphore, #tpu.memory_space<semaphore_mem>>) attributes {dimension_semantics = [#tpu.dimension_semantics<core_parallel>, #tpu.dimension_semantics<subcore_parallel>], iteration_bounds = array<i64: 2, 16>, scalar_prefetch = 0 : i64, scratch_operands = 9 : i64, tpu.core_type = #tpu.core_type<sc_vector_subcore>, window_params = [{transform_indices = #map}, {transform_indices = #map1}, {transform_indices = #map1}, {transform_indices = #map}, {transform_indices = #map2}]} {
    %mul3A = arith.constant 16 : i32
    %mul3A_0 = arith.muli %arg0, %mul3A : i32
    %add3A = arith.addi %mul3A_0, %arg1 : i32
    %mul3A_1 = arith.constant 12288 : i32
    %mul3A_2 = arith.muli %add3A, %mul3A_1 : i32
    %add3A_3 = arith.constant 0 : i32
    %add3A_4 = arith.addi %mul3A_2, %add3A_3 : i32
    "tpu.region"() ({
      %run_scoped3A = tpu.sem_alloc : memref<!tpu.dma_semaphore, #tpu.memory_space<semaphore_mem>>
      %dma_start3A_56 = tpu.memref_slice %arg3[%add3A_4] : memref<393216xi32, #tpu.memory_space<hbm>> -> memref<3072xi32, #tpu.memory_space<hbm>>
      %dma_start3A_57 = tpu.memref_slice %arg3[%add3A_4] : memref<393216xi32, #tpu.memory_space<hbm>> -> memref<3072xi32, #tpu.memory_space<hbm>>
      tpu.enqueue_dma source(%dma_start3A_57 : memref<3072xi32, #tpu.memory_space<hbm>>) target(%arg7 : memref<3072xi32, #tpu.memory_space<vmem>>) target_semaphore(%run_scoped3A : memref<!tpu.dma_semaphore, #tpu.memory_space<semaphore_mem>>)
      %dma_wait3A_58 = tpu.memref_slice %arg3[%add3A_4] : memref<393216xi32, #tpu.memory_space<hbm>> -> memref<3072xi32, #tpu.memory_space<hbm>>
      %dma_wait3A_59 = tpu.memref_slice %arg3[%add3A_4] : memref<393216xi32, #tpu.memory_space<hbm>> -> memref<3072xi32, #tpu.memory_space<hbm>>
      tpu.wait_dma2 semaphore(%run_scoped3A : memref<!tpu.dma_semaphore, #tpu.memory_space<semaphore_mem>>) src(%dma_wait3A_59 : memref<3072xi32, #tpu.memory_space<hbm>>) dst(%arg7 : memref<3072xi32, #tpu.memory_space<vmem>>)
      tpu.yield
    }) : () -> ()
    "tpu.region"() ({
      %run_scoped3A = tpu.sem_alloc : memref<!tpu.dma_semaphore, #tpu.memory_space<semaphore_mem>>
      %dma_start3A_56 = tpu.memref_slice %arg4[%add3A_4] : memref<393216xi32, #tpu.memory_space<hbm>> -> memref<3072xi32, #tpu.memory_space<hbm>>
      %dma_start3A_57 = tpu.memref_slice %arg4[%add3A_4] : memref<393216xi32, #tpu.memory_space<hbm>> -> memref<3072xi32, #tpu.memory_space<hbm>>
      tpu.enqueue_dma source(%dma_start3A_57 : memref<3072xi32, #tpu.memory_space<hbm>>) target(%arg9 : memref<3072xi32, #tpu.memory_space<vmem>>) target_semaphore(%run_scoped3A : memref<!tpu.dma_semaphore, #tpu.memory_space<semaphore_mem>>)
      %dma_wait3A_58 = tpu.memref_slice %arg4[%add3A_4] : memref<393216xi32, #tpu.memory_space<hbm>> -> memref<3072xi32, #tpu.memory_space<hbm>>
      %dma_wait3A_59 = tpu.memref_slice %arg4[%add3A_4] : memref<393216xi32, #tpu.memory_space<hbm>> -> memref<3072xi32, #tpu.memory_space<hbm>>
      tpu.wait_dma2 semaphore(%run_scoped3A : memref<!tpu.dma_semaphore, #tpu.memory_space<semaphore_mem>>) src(%dma_wait3A_59 : memref<3072xi32, #tpu.memory_space<hbm>>) dst(%arg9 : memref<3072xi32, #tpu.memory_space<vmem>>)
      tpu.yield
    }) : () -> ()
    %dma_start3A = arith.constant 0 : i32
    %dma_start3A_5 = arith.constant 0 : i32
    %dma_start3A_6 = tpu.memref_slice %arg2[%dma_start3A, %dma_start3A_5] : memref<10240x16xf32, #tpu.memory_space<hbm>> -> memref<10240x16xf32, #tpu.memory_space<hbm>>
    tpu.enqueue_indirect_dma source(%dma_start3A_6 : memref<10240x16xf32, #tpu.memory_space<hbm>>) target(%arg11 : memref<3072x16xf32, #tpu.memory_space<vmem>>) offsets(%arg7 : memref<3072xi32, #tpu.memory_space<vmem>>) semaphore(%arg14 : memref<!tpu.dma_semaphore, #tpu.memory_space<semaphore_mem>>)
    %add3A_7 = arith.constant 3072 : i32
    %add3A_8 = arith.addi %mul3A_2, %add3A_7 : i32
    "tpu.region"() ({
      %run_scoped3A = tpu.sem_alloc : memref<!tpu.dma_semaphore, #tpu.memory_space<semaphore_mem>>
      %dma_start3A_56 = tpu.memref_slice %arg3[%add3A_8] : memref<393216xi32, #tpu.memory_space<hbm>> -> memref<3072xi32, #tpu.memory_space<hbm>>
      %dma_start3A_57 = tpu.memref_slice %arg3[%add3A_8] : memref<393216xi32, #tpu.memory_space<hbm>> -> memref<3072xi32, #tpu.memory_space<hbm>>
      tpu.enqueue_dma source(%dma_start3A_57 : memref<3072xi32, #tpu.memory_space<hbm>>) target(%arg8 : memref<3072xi32, #tpu.memory_space<vmem>>) target_semaphore(%run_scoped3A : memref<!tpu.dma_semaphore, #tpu.memory_space<semaphore_mem>>)
      %dma_wait3A_58 = tpu.memref_slice %arg3[%add3A_8] : memref<393216xi32, #tpu.memory_space<hbm>> -> memref<3072xi32, #tpu.memory_space<hbm>>
      %dma_wait3A_59 = tpu.memref_slice %arg3[%add3A_8] : memref<393216xi32, #tpu.memory_space<hbm>> -> memref<3072xi32, #tpu.memory_space<hbm>>
      tpu.wait_dma2 semaphore(%run_scoped3A : memref<!tpu.dma_semaphore, #tpu.memory_space<semaphore_mem>>) src(%dma_wait3A_59 : memref<3072xi32, #tpu.memory_space<hbm>>) dst(%arg8 : memref<3072xi32, #tpu.memory_space<vmem>>)
      tpu.yield
    }) : () -> ()
    "tpu.region"() ({
      %run_scoped3A = tpu.sem_alloc : memref<!tpu.dma_semaphore, #tpu.memory_space<semaphore_mem>>
      %dma_start3A_56 = tpu.memref_slice %arg4[%add3A_8] : memref<393216xi32, #tpu.memory_space<hbm>> -> memref<3072xi32, #tpu.memory_space<hbm>>
      %dma_start3A_57 = tpu.memref_slice %arg4[%add3A_8] : memref<393216xi32, #tpu.memory_space<hbm>> -> memref<3072xi32, #tpu.memory_space<hbm>>
      tpu.enqueue_dma source(%dma_start3A_57 : memref<3072xi32, #tpu.memory_space<hbm>>) target(%arg10 : memref<3072xi32, #tpu.memory_space<vmem>>) target_semaphore(%run_scoped3A : memref<!tpu.dma_semaphore, #tpu.memory_space<semaphore_mem>>)
      %dma_wait3A_58 = tpu.memref_slice %arg4[%add3A_8] : memref<393216xi32, #tpu.memory_space<hbm>> -> memref<3072xi32, #tpu.memory_space<hbm>>
      %dma_wait3A_59 = tpu.memref_slice %arg4[%add3A_8] : memref<393216xi32, #tpu.memory_space<hbm>> -> memref<3072xi32, #tpu.memory_space<hbm>>
      tpu.wait_dma2 semaphore(%run_scoped3A : memref<!tpu.dma_semaphore, #tpu.memory_space<semaphore_mem>>) src(%dma_wait3A_59 : memref<3072xi32, #tpu.memory_space<hbm>>) dst(%arg10 : memref<3072xi32, #tpu.memory_space<vmem>>)
      tpu.yield
    }) : () -> ()
    %dma_start3A_9 = arith.constant 0 : i32
    %dma_start3A_10 = arith.constant 0 : i32
    %dma_start3A_11 = tpu.memref_slice %arg2[%dma_start3A_9, %dma_start3A_10] : memref<10240x16xf32, #tpu.memory_space<hbm>> -> memref<10240x16xf32, #tpu.memory_space<hbm>>
    tpu.enqueue_indirect_dma source(%dma_start3A_11 : memref<10240x16xf32, #tpu.memory_space<hbm>>) target(%arg12 : memref<3072x16xf32, #tpu.memory_space<vmem>>) offsets(%arg8 : memref<3072xi32, #tpu.memory_space<vmem>>) semaphore(%arg15 : memref<!tpu.dma_semaphore, #tpu.memory_space<semaphore_mem>>)
    %mul3A_12 = arith.constant 640 : i32
    %mul3A_13 = arith.muli %arg1, %mul3A_12 : i32
    "tpu.region"() ({
      %run_scoped3A = tpu.sem_alloc : memref<!tpu.dma_semaphore, #tpu.memory_space<semaphore_mem>>
      %dma_start3A_56 = arith.constant 0 : i32
      %dma_start3A_57 = tpu.memref_slice %arg13[%mul3A_13, %dma_start3A_56] : memref<10240x16xf32, #tpu.memory_space<vmem_shared>> -> memref<640x16xf32, #tpu.memory_space<vmem_shared>>
      tpu.enqueue_dma source(%arg5 : memref<640x16xf32, #tpu.memory_space<hbm>>) target(%dma_start3A_57 : memref<640x16xf32, #tpu.memory_space<vmem_shared>>) target_semaphore(%run_scoped3A : memref<!tpu.dma_semaphore, #tpu.memory_space<semaphore_mem>>)
      %dma_wait3A_58 = arith.constant 0 : i32
      %dma_wait3A_59 = tpu.memref_slice %arg13[%mul3A_13, %dma_wait3A_58] : memref<10240x16xf32, #tpu.memory_space<vmem_shared>> -> memref<640x16xf32, #tpu.memory_space<vmem_shared>>
      tpu.wait_dma2 semaphore(%run_scoped3A : memref<!tpu.dma_semaphore, #tpu.memory_space<semaphore_mem>>) src(%arg5 : memref<640x16xf32, #tpu.memory_space<hbm>>) dst(%dma_wait3A_59 : memref<640x16xf32, #tpu.memory_space<vmem_shared>>)
      tpu.yield
    }) : () -> ()
    %barrier3A = arith.constant 0 : index
    tpu.barrier barrier_id(%barrier3A)
    %scan3A = arith.constant 0 : i32
    %scan3A_14 = arith.constant 0 : i32
    %dma_wait3A = arith.constant 0 : i32
    %dma_wait3A_15 = arith.constant 0 : i32
    %dma_wait3A_16 = tpu.memref_slice %arg2[%dma_wait3A, %dma_wait3A_15] : memref<10240x16xf32, #tpu.memory_space<hbm>> -> memref<10240x16xf32, #tpu.memory_space<hbm>>
    tpu.wait_indirect_dma semaphore(%arg14 : memref<!tpu.dma_semaphore, #tpu.memory_space<semaphore_mem>>) src(%dma_wait3A_16 : memref<10240x16xf32, #tpu.memory_space<hbm>>) dst(%arg11 : memref<3072x16xf32, #tpu.memory_space<vmem>>)
    "tpu.region"() ({
      %run_scoped3A = tpu.sem_alloc : memref<!tpu.dma_semaphore, #tpu.memory_space<semaphore_mem>>
      %dma_start3A_56 = arith.constant 0 : i32
      %dma_start3A_57 = arith.constant 0 : i32
      %dma_start3A_58 = tpu.memref_slice %arg13[%dma_start3A_56, %dma_start3A_57] : memref<10240x16xf32, #tpu.memory_space<vmem_shared>> -> memref<10240x16xf32, #tpu.memory_space<vmem_shared>>
      tpu.enqueue_indirect_dma source(%arg11 : memref<3072x16xf32, #tpu.memory_space<vmem>>) target(%dma_start3A_58 : memref<10240x16xf32, #tpu.memory_space<vmem_shared>>) offsets(%arg9 : memref<3072xi32, #tpu.memory_space<vmem>>) semaphore(%run_scoped3A : memref<!tpu.dma_semaphore, #tpu.memory_space<semaphore_mem>>) {add = true}
      %dma_wait3A_59 = arith.constant 0 : i32
      %dma_wait3A_60 = arith.constant 0 : i32
      %dma_wait3A_61 = tpu.memref_slice %arg13[%dma_wait3A_59, %dma_wait3A_60] : memref<10240x16xf32, #tpu.memory_space<vmem_shared>> -> memref<10240x16xf32, #tpu.memory_space<vmem_shared>>
      tpu.wait_indirect_dma semaphore(%run_scoped3A : memref<!tpu.dma_semaphore, #tpu.memory_space<semaphore_mem>>) src(%arg11 : memref<3072x16xf32, #tpu.memory_space<vmem>>) dst(%dma_wait3A_61 : memref<10240x16xf32, #tpu.memory_space<vmem_shared>>)
      tpu.yield
    }) : () -> ()
    %add3A_17 = arith.constant 1 : i32
    %add3A_18 = arith.addi %scan3A_14, %add3A_17 : i32
    %mul3A_19 = arith.constant 2 : i32
    %mul3A_20 = arith.muli %add3A_18, %mul3A_19 : i32
    %add3A_21 = arith.constant 0 : i32
    %add3A_22 = arith.addi %mul3A_20, %add3A_21 : i32
    %mul3A_23 = arith.constant 3072 : i32
    %mul3A_24 = arith.muli %add3A_22, %mul3A_23 : i32
    %add3A_25 = arith.addi %mul3A_2, %mul3A_24 : i32
    "tpu.region"() ({
      %run_scoped3A = tpu.sem_alloc : memref<!tpu.dma_semaphore, #tpu.memory_space<semaphore_mem>>
      %dma_start3A_56 = tpu.memref_slice %arg3[%add3A_25] : memref<393216xi32, #tpu.memory_space<hbm>> -> memref<3072xi32, #tpu.memory_space<hbm>>
      %dma_start3A_57 = tpu.memref_slice %arg3[%add3A_25] : memref<393216xi32, #tpu.memory_space<hbm>> -> memref<3072xi32, #tpu.memory_space<hbm>>
      tpu.enqueue_dma source(%dma_start3A_57 : memref<3072xi32, #tpu.memory_space<hbm>>) target(%arg7 : memref<3072xi32, #tpu.memory_space<vmem>>) target_semaphore(%run_scoped3A : memref<!tpu.dma_semaphore, #tpu.memory_space<semaphore_mem>>)
      %dma_wait3A_58 = tpu.memref_slice %arg3[%add3A_25] : memref<393216xi32, #tpu.memory_space<hbm>> -> memref<3072xi32, #tpu.memory_space<hbm>>
      %dma_wait3A_59 = tpu.memref_slice %arg3[%add3A_25] : memref<393216xi32, #tpu.memory_space<hbm>> -> memref<3072xi32, #tpu.memory_space<hbm>>
      tpu.wait_dma2 semaphore(%run_scoped3A : memref<!tpu.dma_semaphore, #tpu.memory_space<semaphore_mem>>) src(%dma_wait3A_59 : memref<3072xi32, #tpu.memory_space<hbm>>) dst(%arg7 : memref<3072xi32, #tpu.memory_space<vmem>>)
      tpu.yield
    }) : () -> ()
    "tpu.region"() ({
      %run_scoped3A = tpu.sem_alloc : memref<!tpu.dma_semaphore, #tpu.memory_space<semaphore_mem>>
      %dma_start3A_56 = tpu.memref_slice %arg4[%add3A_25] : memref<393216xi32, #tpu.memory_space<hbm>> -> memref<3072xi32, #tpu.memory_space<hbm>>
      %dma_start3A_57 = tpu.memref_slice %arg4[%add3A_25] : memref<393216xi32, #tpu.memory_space<hbm>> -> memref<3072xi32, #tpu.memory_space<hbm>>
      tpu.enqueue_dma source(%dma_start3A_57 : memref<3072xi32, #tpu.memory_space<hbm>>) target(%arg9 : memref<3072xi32, #tpu.memory_space<vmem>>) target_semaphore(%run_scoped3A : memref<!tpu.dma_semaphore, #tpu.memory_space<semaphore_mem>>)
      %dma_wait3A_58 = tpu.memref_slice %arg4[%add3A_25] : memref<393216xi32, #tpu.memory_space<hbm>> -> memref<3072xi32, #tpu.memory_space<hbm>>
      %dma_wait3A_59 = tpu.memref_slice %arg4[%add3A_25] : memref<393216xi32, #tpu.memory_space<hbm>> -> memref<3072xi32, #tpu.memory_space<hbm>>
      tpu.wait_dma2 semaphore(%run_scoped3A : memref<!tpu.dma_semaphore, #tpu.memory_space<semaphore_mem>>) src(%dma_wait3A_59 : memref<3072xi32, #tpu.memory_space<hbm>>) dst(%arg9 : memref<3072xi32, #tpu.memory_space<vmem>>)
      tpu.yield
    }) : () -> ()
    %dma_start3A_26 = arith.constant 0 : i32
    %dma_start3A_27 = arith.constant 0 : i32
    %dma_start3A_28 = tpu.memref_slice %arg2[%dma_start3A_26, %dma_start3A_27] : memref<10240x16xf32, #tpu.memory_space<hbm>> -> memref<10240x16xf32, #tpu.memory_space<hbm>>
    tpu.enqueue_indirect_dma source(%dma_start3A_28 : memref<10240x16xf32, #tpu.memory_space<hbm>>) target(%arg11 : memref<3072x16xf32, #tpu.memory_space<vmem>>) offsets(%arg7 : memref<3072xi32, #tpu.memory_space<vmem>>) semaphore(%arg14 : memref<!tpu.dma_semaphore, #tpu.memory_space<semaphore_mem>>)
    %dma_wait3A_29 = arith.constant 0 : i32
    %dma_wait3A_30 = arith.constant 0 : i32
    %dma_wait3A_31 = tpu.memref_slice %arg2[%dma_wait3A_29, %dma_wait3A_30] : memref<10240x16xf32, #tpu.memory_space<hbm>> -> memref<10240x16xf32, #tpu.memory_space<hbm>>
    tpu.wait_indirect_dma semaphore(%arg15 : memref<!tpu.dma_semaphore, #tpu.memory_space<semaphore_mem>>) src(%dma_wait3A_31 : memref<10240x16xf32, #tpu.memory_space<hbm>>) dst(%arg12 : memref<3072x16xf32, #tpu.memory_space<vmem>>)
    "tpu.region"() ({
      %run_scoped3A = tpu.sem_alloc : memref<!tpu.dma_semaphore, #tpu.memory_space<semaphore_mem>>
      %dma_start3A_56 = arith.constant 0 : i32
      %dma_start3A_57 = arith.constant 0 : i32
      %dma_start3A_58 = tpu.memref_slice %arg13[%dma_start3A_56, %dma_start3A_57] : memref<10240x16xf32, #tpu.memory_space<vmem_shared>> -> memref<10240x16xf32, #tpu.memory_space<vmem_shared>>
      tpu.enqueue_indirect_dma source(%arg12 : memref<3072x16xf32, #tpu.memory_space<vmem>>) target(%dma_start3A_58 : memref<10240x16xf32, #tpu.memory_space<vmem_shared>>) offsets(%arg10 : memref<3072xi32, #tpu.memory_space<vmem>>) semaphore(%run_scoped3A : memref<!tpu.dma_semaphore, #tpu.memory_space<semaphore_mem>>) {add = true}
      %dma_wait3A_59 = arith.constant 0 : i32
      %dma_wait3A_60 = arith.constant 0 : i32
      %dma_wait3A_61 = tpu.memref_slice %arg13[%dma_wait3A_59, %dma_wait3A_60] : memref<10240x16xf32, #tpu.memory_space<vmem_shared>> -> memref<10240x16xf32, #tpu.memory_space<vmem_shared>>
      tpu.wait_indirect_dma semaphore(%run_scoped3A : memref<!tpu.dma_semaphore, #tpu.memory_space<semaphore_mem>>) src(%arg12 : memref<3072x16xf32, #tpu.memory_space<vmem>>) dst(%dma_wait3A_61 : memref<10240x16xf32, #tpu.memory_space<vmem_shared>>)
      tpu.yield
    }) : () -> ()
    %add3A_32 = arith.constant 1 : i32
    %add3A_33 = arith.addi %scan3A_14, %add3A_32 : i32
    %mul3A_34 = arith.constant 2 : i32
    %mul3A_35 = arith.muli %add3A_33, %mul3A_34 : i32
    %add3A_36 = arith.constant 1 : i32
    %add3A_37 = arith.addi %mul3A_35, %add3A_36 : i32
    %mul3A_38 = arith.constant 3072 : i32
    %mul3A_39 = arith.muli %add3A_37, %mul3A_38 : i32
    %add3A_40 = arith.addi %mul3A_2, %mul3A_39 : i32
    "tpu.region"() ({
      %run_scoped3A = tpu.sem_alloc : memref<!tpu.dma_semaphore, #tpu.memory_space<semaphore_mem>>
      %dma_start3A_56 = tpu.memref_slice %arg3[%add3A_40] : memref<393216xi32, #tpu.memory_space<hbm>> -> memref<3072xi32, #tpu.memory_space<hbm>>
      %dma_start3A_57 = tpu.memref_slice %arg3[%add3A_40] : memref<393216xi32, #tpu.memory_space<hbm>> -> memref<3072xi32, #tpu.memory_space<hbm>>
      tpu.enqueue_dma source(%dma_start3A_57 : memref<3072xi32, #tpu.memory_space<hbm>>) target(%arg8 : memref<3072xi32, #tpu.memory_space<vmem>>) target_semaphore(%run_scoped3A : memref<!tpu.dma_semaphore, #tpu.memory_space<semaphore_mem>>)
      %dma_wait3A_58 = tpu.memref_slice %arg3[%add3A_40] : memref<393216xi32, #tpu.memory_space<hbm>> -> memref<3072xi32, #tpu.memory_space<hbm>>
      %dma_wait3A_59 = tpu.memref_slice %arg3[%add3A_40] : memref<393216xi32, #tpu.memory_space<hbm>> -> memref<3072xi32, #tpu.memory_space<hbm>>
      tpu.wait_dma2 semaphore(%run_scoped3A : memref<!tpu.dma_semaphore, #tpu.memory_space<semaphore_mem>>) src(%dma_wait3A_59 : memref<3072xi32, #tpu.memory_space<hbm>>) dst(%arg8 : memref<3072xi32, #tpu.memory_space<vmem>>)
      tpu.yield
    }) : () -> ()
    "tpu.region"() ({
      %run_scoped3A = tpu.sem_alloc : memref<!tpu.dma_semaphore, #tpu.memory_space<semaphore_mem>>
      %dma_start3A_56 = tpu.memref_slice %arg4[%add3A_40] : memref<393216xi32, #tpu.memory_space<hbm>> -> memref<3072xi32, #tpu.memory_space<hbm>>
      %dma_start3A_57 = tpu.memref_slice %arg4[%add3A_40] : memref<393216xi32, #tpu.memory_space<hbm>> -> memref<3072xi32, #tpu.memory_space<hbm>>
      tpu.enqueue_dma source(%dma_start3A_57 : memref<3072xi32, #tpu.memory_space<hbm>>) target(%arg10 : memref<3072xi32, #tpu.memory_space<vmem>>) target_semaphore(%run_scoped3A : memref<!tpu.dma_semaphore, #tpu.memory_space<semaphore_mem>>)
      %dma_wait3A_58 = tpu.memref_slice %arg4[%add3A_40] : memref<393216xi32, #tpu.memory_space<hbm>> -> memref<3072xi32, #tpu.memory_space<hbm>>
      %dma_wait3A_59 = tpu.memref_slice %arg4[%add3A_40] : memref<393216xi32, #tpu.memory_space<hbm>> -> memref<3072xi32, #tpu.memory_space<hbm>>
      tpu.wait_dma2 semaphore(%run_scoped3A : memref<!tpu.dma_semaphore, #tpu.memory_space<semaphore_mem>>) src(%dma_wait3A_59 : memref<3072xi32, #tpu.memory_space<hbm>>) dst(%arg10 : memref<3072xi32, #tpu.memory_space<vmem>>)
      tpu.yield
    }) : () -> ()
    %dma_start3A_41 = arith.constant 0 : i32
    %dma_start3A_42 = arith.constant 0 : i32
    %dma_start3A_43 = tpu.memref_slice %arg2[%dma_start3A_41, %dma_start3A_42] : memref<10240x16xf32, #tpu.memory_space<hbm>> -> memref<10240x16xf32, #tpu.memory_space<hbm>>
    tpu.enqueue_indirect_dma source(%dma_start3A_43 : memref<10240x16xf32, #tpu.memory_space<hbm>>) target(%arg12 : memref<3072x16xf32, #tpu.memory_space<vmem>>) offsets(%arg8 : memref<3072xi32, #tpu.memory_space<vmem>>) semaphore(%arg15 : memref<!tpu.dma_semaphore, #tpu.memory_space<semaphore_mem>>)
    %scan3A_44 = arith.constant 1 : i32
    %dma_wait3A_45 = arith.constant 0 : i32
    %dma_wait3A_46 = arith.constant 0 : i32
    %dma_wait3A_47 = tpu.memref_slice %arg2[%dma_wait3A_45, %dma_wait3A_46] : memref<10240x16xf32, #tpu.memory_space<hbm>> -> memref<10240x16xf32, #tpu.memory_space<hbm>>
    tpu.wait_indirect_dma semaphore(%arg14 : memref<!tpu.dma_semaphore, #tpu.memory_space<semaphore_mem>>) src(%dma_wait3A_47 : memref<10240x16xf32, #tpu.memory_space<hbm>>) dst(%arg11 : memref<3072x16xf32, #tpu.memory_space<vmem>>)
    "tpu.region"() ({
      %run_scoped3A = tpu.sem_alloc : memref<!tpu.dma_semaphore, #tpu.memory_space<semaphore_mem>>
      %dma_start3A_56 = arith.constant 0 : i32
      %dma_start3A_57 = arith.constant 0 : i32
      %dma_start3A_58 = tpu.memref_slice %arg13[%dma_start3A_56, %dma_start3A_57] : memref<10240x16xf32, #tpu.memory_space<vmem_shared>> -> memref<10240x16xf32, #tpu.memory_space<vmem_shared>>
      tpu.enqueue_indirect_dma source(%arg11 : memref<3072x16xf32, #tpu.memory_space<vmem>>) target(%dma_start3A_58 : memref<10240x16xf32, #tpu.memory_space<vmem_shared>>) offsets(%arg9 : memref<3072xi32, #tpu.memory_space<vmem>>) semaphore(%run_scoped3A : memref<!tpu.dma_semaphore, #tpu.memory_space<semaphore_mem>>) {add = true}
      %dma_wait3A_59 = arith.constant 0 : i32
      %dma_wait3A_60 = arith.constant 0 : i32
      %dma_wait3A_61 = tpu.memref_slice %arg13[%dma_wait3A_59, %dma_wait3A_60] : memref<10240x16xf32, #tpu.memory_space<vmem_shared>> -> memref<10240x16xf32, #tpu.memory_space<vmem_shared>>
      tpu.wait_indirect_dma semaphore(%run_scoped3A : memref<!tpu.dma_semaphore, #tpu.memory_space<semaphore_mem>>) src(%arg11 : memref<3072x16xf32, #tpu.memory_space<vmem>>) dst(%dma_wait3A_61 : memref<10240x16xf32, #tpu.memory_space<vmem_shared>>)
      tpu.yield
    }) : () -> ()
    %dma_wait3A_48 = arith.constant 0 : i32
    %dma_wait3A_49 = arith.constant 0 : i32
    %dma_wait3A_50 = tpu.memref_slice %arg2[%dma_wait3A_48, %dma_wait3A_49] : memref<10240x16xf32, #tpu.memory_space<hbm>> -> memref<10240x16xf32, #tpu.memory_space<hbm>>
    tpu.wait_indirect_dma semaphore(%arg15 : memref<!tpu.dma_semaphore, #tpu.memory_space<semaphore_mem>>) src(%dma_wait3A_50 : memref<10240x16xf32, #tpu.memory_space<hbm>>) dst(%arg12 : memref<3072x16xf32, #tpu.memory_space<vmem>>)
    "tpu.region"() ({
      %run_scoped3A = tpu.sem_alloc : memref<!tpu.dma_semaphore, #tpu.memory_space<semaphore_mem>>
      %dma_start3A_56 = arith.constant 0 : i32
      %dma_start3A_57 = arith.constant 0 : i32
      %dma_start3A_58 = tpu.memref_slice %arg13[%dma_start3A_56, %dma_start3A_57] : memref<10240x16xf32, #tpu.memory_space<vmem_shared>> -> memref<10240x16xf32, #tpu.memory_space<vmem_shared>>
      tpu.enqueue_indirect_dma source(%arg12 : memref<3072x16xf32, #tpu.memory_space<vmem>>) target(%dma_start3A_58 : memref<10240x16xf32, #tpu.memory_space<vmem_shared>>) offsets(%arg10 : memref<3072xi32, #tpu.memory_space<vmem>>) semaphore(%run_scoped3A : memref<!tpu.dma_semaphore, #tpu.memory_space<semaphore_mem>>) {add = true}
      %dma_wait3A_59 = arith.constant 0 : i32
      %dma_wait3A_60 = arith.constant 0 : i32
      %dma_wait3A_61 = tpu.memref_slice %arg13[%dma_wait3A_59, %dma_wait3A_60] : memref<10240x16xf32, #tpu.memory_space<vmem_shared>> -> memref<10240x16xf32, #tpu.memory_space<vmem_shared>>
      tpu.wait_indirect_dma semaphore(%run_scoped3A : memref<!tpu.dma_semaphore, #tpu.memory_space<semaphore_mem>>) src(%arg12 : memref<3072x16xf32, #tpu.memory_space<vmem>>) dst(%dma_wait3A_61 : memref<10240x16xf32, #tpu.memory_space<vmem_shared>>)
      tpu.yield
    }) : () -> ()
    %barrier3A_51 = arith.constant 0 : index
    tpu.barrier barrier_id(%barrier3A_51)
    %mul3A_52 = arith.constant 640 : i32
    %mul3A_53 = arith.muli %arg1, %mul3A_52 : i32
    %mul3A_54 = arith.constant 640 : i32
    %mul3A_55 = arith.muli %arg1, %mul3A_54 : i32
    "tpu.region"() ({
      %run_scoped3A = tpu.sem_alloc : memref<!tpu.dma_semaphore, #tpu.memory_space<semaphore_mem>>
      %dma_start3A_56 = arith.constant 0 : i32
      %dma_start3A_57 = tpu.memref_slice %arg6[%arg0, %mul3A_55, %dma_start3A_56] : memref<2x10240x16xf32, #tpu.memory_space<hbm>> -> memref<1x640x16xf32, #tpu.memory_space<hbm>>
      %dma_start3A_58 = tpu.memref_squeeze %dma_start3A_57 : memref<1x640x16xf32, #tpu.memory_space<hbm>> -> memref<640x16xf32, #tpu.memory_space<hbm>>
      %dma_start3A_59 = arith.constant 0 : i32
      %dma_start3A_60 = tpu.memref_slice %arg13[%mul3A_53, %dma_start3A_59] : memref<10240x16xf32, #tpu.memory_space<vmem_shared>> -> memref<640x16xf32, #tpu.memory_space<vmem_shared>>
      tpu.enqueue_dma source(%dma_start3A_60 : memref<640x16xf32, #tpu.memory_space<vmem_shared>>) target(%dma_start3A_58 : memref<640x16xf32, #tpu.memory_space<hbm>>) target_semaphore(%run_scoped3A : memref<!tpu.dma_semaphore, #tpu.memory_space<semaphore_mem>>)
      %dma_wait3A_61 = arith.constant 0 : i32
      %dma_wait3A_62 = tpu.memref_slice %arg6[%arg0, %mul3A_55, %dma_wait3A_61] : memref<2x10240x16xf32, #tpu.memory_space<hbm>> -> memref<1x640x16xf32, #tpu.memory_space<hbm>>
      %dma_wait3A_63 = tpu.memref_squeeze %dma_wait3A_62 : memref<1x640x16xf32, #tpu.memory_space<hbm>> -> memref<640x16xf32, #tpu.memory_space<hbm>>
      %dma_wait3A_64 = arith.constant 0 : i32
      %dma_wait3A_65 = tpu.memref_slice %arg13[%mul3A_53, %dma_wait3A_64] : memref<10240x16xf32, #tpu.memory_space<vmem_shared>> -> memref<640x16xf32, #tpu.memory_space<vmem_shared>>
      tpu.wait_dma2 semaphore(%run_scoped3A : memref<!tpu.dma_semaphore, #tpu.memory_space<semaphore_mem>>) src(%dma_wait3A_65 : memref<640x16xf32, #tpu.memory_space<vmem_shared>>) dst(%dma_wait3A_63 : memref<640x16xf32, #tpu.memory_space<hbm>>)
      tpu.yield
    }) : () -> ()
    return
  }
}

module attributes {stable_mosaic.version = 14 : i64} {
  func.func @body(%arg0: memref<10240x128xf32, #tpu.memory_space<vmem>>, %arg1: memref<10240x16xf32, #tpu.memory_space<vmem>>, %arg2: memref<10240x16xf32, #tpu.memory_space<vmem>>, %arg3: memref<128x128xf32, #tpu.memory_space<vmem>>, %arg4: memref<10240x1xf32, #tpu.memory_space<vmem>>, %arg5: memref<10240x128xf32, #tpu.memory_space<vmem>>) attributes {dimension_semantics = [], scalar_prefetch = 0 : i64, scratch_operands = 0 : i64, tpu.core_type = #tpu.core_type<tc>} {
    %get3A = arith.constant 0 : index
    %get3A_0 = arith.constant 0 : index
    %get3A_1 = vector.load %arg1[%get3A, %get3A_0] : memref<10240x16xf32, #tpu.memory_space<vmem>>, vector<10240x16xf32>
    %get3A_2 = arith.constant 0 : index
    %get3A_3 = arith.constant 0 : index
    %get3A_4 = vector.load %arg2[%get3A_2, %get3A_3] : memref<10240x16xf32, #tpu.memory_space<vmem>>, vector<10240x16xf32>
    %add3A = arith.addf %get3A_1, %get3A_4 : vector<10240x16xf32>
    %slice3A = vector.extract_strided_slice %add3A {offsets = [0, 0], sizes = [10240, 1], strides = [1, 1]} : vector<10240x16xf32> to vector<10240x1xf32>
    %iota3A = tpu.iota {dimensions = array<i32: 0>} : vector<10240x1xi32>
    %lt3A = arith.constant 10000 : i32
    %lt3A_5 = vector.broadcast %lt3A : i32 to vector<10240x1xi32>
    %lt3A_6 = arith.cmpi slt, %iota3A, %lt3A_5 : vector<10240x1xi32>
    %convert_element_type3A = arith.extui %lt3A_6 : vector<10240x1xi1> to vector<10240x1xi32>
    %convert_element_type3A_7 = arith.sitofp %convert_element_type3A : vector<10240x1xi32> to vector<10240x1xf32>
    %max3A = arith.constant 1.000000e+00 : f32
    %max3A_8 = vector.broadcast %max3A : f32 to vector<10240x1xf32>
    %max3A_9 = arith.maximumf %slice3A, %max3A_8 : vector<10240x1xf32>
    %rsqrt3A = math.rsqrt %max3A_9 : vector<10240x1xf32>
    %mul3A = arith.mulf %convert_element_type3A_7, %rsqrt3A : vector<10240x1xf32>
    %swap3A = arith.constant 0 : index
    %swap3A_10 = arith.constant 0 : index
    %swap3A_11 = vector.load %arg4[%swap3A, %swap3A_10] : memref<10240x1xf32, #tpu.memory_space<vmem>>, vector<10240x1xf32>
    tpu.vector_store %arg4[%swap3A, %swap3A_10], %mul3A {strides = array<i32>} : memref<10240x1xf32, #tpu.memory_space<vmem>>, vector<10240x1xf32>,
    %get3A_12 = arith.constant 0 : index
    %get3A_13 = arith.constant 0 : index
    %get3A_14 = vector.load %arg0[%get3A_12, %get3A_13] : memref<10240x128xf32, #tpu.memory_space<vmem>>, vector<10240x128xf32>
    %get3A_15 = arith.constant 0 : index
    %get3A_16 = arith.constant 0 : index
    %get3A_17 = vector.load %arg3[%get3A_15, %get3A_16] : memref<128x128xf32, #tpu.memory_space<vmem>>, vector<128x128xf32>
    %dot_general3A = arith.constant dense<0.000000e+00> : vector<10240x128xf32>
    %dot_general3A_18 = tpu.matmul %get3A_14, %get3A_17, %dot_general3A {dimension_numbers = #tpu.dot_dimension_numbers<[1], [0], [0], [1], [0, 0, 1, 1], [], []>, transpose_lhs_hint = false} : vector<10240x128xf32>, vector<128x128xf32>, vector<10240x128xf32> -> vector<10240x128xf32>
    %mul3A_19 = vector.broadcast %mul3A : vector<10240x1xf32> to vector<10240x128xf32>
    %mul3A_20 = arith.mulf %dot_general3A_18, %mul3A_19 : vector<10240x128xf32>
    %swap3A_21 = arith.constant 0 : index
    %swap3A_22 = arith.constant 0 : index
    %swap3A_23 = vector.load %arg5[%swap3A_21, %swap3A_22] : memref<10240x128xf32, #tpu.memory_space<vmem>>, vector<10240x128xf32>
    tpu.vector_store %arg5[%swap3A_21, %swap3A_22], %mul3A_20 {strides = array<i32>} : memref<10240x128xf32, #tpu.memory_space<vmem>>, vector<10240x128xf32>,
    return
  }
}

module attributes {stable_mosaic.version = 14 : i64} {
  func.func @body(%arg0: memref<10240x128xf32, #tpu.memory_space<vmem>>, %arg1: memref<10240x128xf32, #tpu.memory_space<vmem>>, %arg2: memref<10240x1xf32, #tpu.memory_space<vmem>>, %arg3: memref<1x128xf32, #tpu.memory_space<vmem>>, %arg4: memref<128x64xf32, #tpu.memory_space<vmem>>, %arg5: memref<10240x64xf32, #tpu.memory_space<vmem>>) attributes {dimension_semantics = [], scalar_prefetch = 0 : i64, scratch_operands = 0 : i64, tpu.core_type = #tpu.core_type<tc>} {
    %get3A = arith.constant 0 : index
    %get3A_0 = arith.constant 0 : index
    %get3A_1 = vector.load %arg2[%get3A, %get3A_0] : memref<10240x1xf32, #tpu.memory_space<vmem>>, vector<10240x1xf32>
    %get3A_2 = arith.constant 0 : index
    %get3A_3 = arith.constant 0 : index
    %get3A_4 = vector.load %arg0[%get3A_2, %get3A_3] : memref<10240x128xf32, #tpu.memory_space<vmem>>, vector<10240x128xf32>
    %get3A_5 = arith.constant 0 : index
    %get3A_6 = arith.constant 0 : index
    %get3A_7 = vector.load %arg1[%get3A_5, %get3A_6] : memref<10240x128xf32, #tpu.memory_space<vmem>>, vector<10240x128xf32>
    %add3A = arith.addf %get3A_4, %get3A_7 : vector<10240x128xf32>
    %mul3A = vector.broadcast %get3A_1 : vector<10240x1xf32> to vector<10240x128xf32>
    %mul3A_8 = arith.mulf %add3A, %mul3A : vector<10240x128xf32>
    %get3A_9 = arith.constant 0 : index
    %get3A_10 = arith.constant 0 : index
    %get3A_11 = vector.load %arg3[%get3A_9, %get3A_10] : memref<1x128xf32, #tpu.memory_space<vmem>>, vector<1x128xf32>
    %add3A_12 = vector.broadcast %get3A_11 : vector<1x128xf32> to vector<10240x128xf32>
    %add3A_13 = arith.addf %mul3A_8, %add3A_12 : vector<10240x128xf32>
    %max3A = arith.constant 0.000000e+00 : f32
    %max3A_14 = vector.broadcast %max3A : f32 to vector<10240x128xf32>
    %max3A_15 = arith.maximumf %add3A_13, %max3A_14 : vector<10240x128xf32>
    %get3A_16 = arith.constant 0 : index
    %get3A_17 = arith.constant 0 : index
    %get3A_18 = vector.load %arg4[%get3A_16, %get3A_17] : memref<128x64xf32, #tpu.memory_space<vmem>>, vector<128x64xf32>
    %dot_general3A = arith.constant dense<0.000000e+00> : vector<10240x64xf32>
    %dot_general3A_19 = tpu.matmul %max3A_15, %get3A_18, %dot_general3A {dimension_numbers = #tpu.dot_dimension_numbers<[1], [0], [0], [1], [0, 0, 1, 1], [], []>, transpose_lhs_hint = false} : vector<10240x128xf32>, vector<128x64xf32>, vector<10240x64xf32> -> vector<10240x64xf32>
    %mul3A_20 = vector.broadcast %get3A_1 : vector<10240x1xf32> to vector<10240x64xf32>
    %mul3A_21 = arith.mulf %dot_general3A_19, %mul3A_20 : vector<10240x64xf32>
    %swap3A = arith.constant 0 : index
    %swap3A_22 = arith.constant 0 : index
    %swap3A_23 = vector.load %arg5[%swap3A, %swap3A_22] : memref<10240x64xf32, #tpu.memory_space<vmem>>, vector<10240x64xf32>
    tpu.vector_store %arg5[%swap3A, %swap3A_22], %mul3A_21 {strides = array<i32>} : memref<10240x64xf32, #tpu.memory_space<vmem>>, vector<10240x64xf32>,
    return
  }
}

module attributes {stable_mosaic.version = 14 : i64} {
  func.func @body(%arg0: memref<10240x64xf32, #tpu.memory_space<vmem>>, %arg1: memref<10240x64xf32, #tpu.memory_space<vmem>>, %arg2: memref<10240x1xf32, #tpu.memory_space<vmem>>, %arg3: memref<1x64xf32, #tpu.memory_space<vmem>>, %arg4: memref<64x32xf32, #tpu.memory_space<vmem>>, %arg5: memref<10240x32xf32, #tpu.memory_space<vmem>>) attributes {dimension_semantics = [], scalar_prefetch = 0 : i64, scratch_operands = 0 : i64, tpu.core_type = #tpu.core_type<tc>} {
    %get3A = arith.constant 0 : index
    %get3A_0 = arith.constant 0 : index
    %get3A_1 = vector.load %arg2[%get3A, %get3A_0] : memref<10240x1xf32, #tpu.memory_space<vmem>>, vector<10240x1xf32>
    %get3A_2 = arith.constant 0 : index
    %get3A_3 = arith.constant 0 : index
    %get3A_4 = vector.load %arg0[%get3A_2, %get3A_3] : memref<10240x64xf32, #tpu.memory_space<vmem>>, vector<10240x64xf32>
    %get3A_5 = arith.constant 0 : index
    %get3A_6 = arith.constant 0 : index
    %get3A_7 = vector.load %arg1[%get3A_5, %get3A_6] : memref<10240x64xf32, #tpu.memory_space<vmem>>, vector<10240x64xf32>
    %add3A = arith.addf %get3A_4, %get3A_7 : vector<10240x64xf32>
    %mul3A = vector.broadcast %get3A_1 : vector<10240x1xf32> to vector<10240x64xf32>
    %mul3A_8 = arith.mulf %add3A, %mul3A : vector<10240x64xf32>
    %get3A_9 = arith.constant 0 : index
    %get3A_10 = arith.constant 0 : index
    %get3A_11 = vector.load %arg3[%get3A_9, %get3A_10] : memref<1x64xf32, #tpu.memory_space<vmem>>, vector<1x64xf32>
    %add3A_12 = vector.broadcast %get3A_11 : vector<1x64xf32> to vector<10240x64xf32>
    %add3A_13 = arith.addf %mul3A_8, %add3A_12 : vector<10240x64xf32>
    %max3A = arith.constant 0.000000e+00 : f32
    %max3A_14 = vector.broadcast %max3A : f32 to vector<10240x64xf32>
    %max3A_15 = arith.maximumf %add3A_13, %max3A_14 : vector<10240x64xf32>
    %get3A_16 = arith.constant 0 : index
    %get3A_17 = arith.constant 0 : index
    %get3A_18 = vector.load %arg4[%get3A_16, %get3A_17] : memref<64x32xf32, #tpu.memory_space<vmem>>, vector<64x32xf32>
    %dot_general3A = arith.constant dense<0.000000e+00> : vector<10240x32xf32>
    %dot_general3A_19 = tpu.matmul %max3A_15, %get3A_18, %dot_general3A {dimension_numbers = #tpu.dot_dimension_numbers<[1], [0], [0], [1], [0, 0, 1, 1], [], []>, transpose_lhs_hint = false} : vector<10240x64xf32>, vector<64x32xf32>, vector<10240x32xf32> -> vector<10240x32xf32>
    %mul3A_20 = vector.broadcast %get3A_1 : vector<10240x1xf32> to vector<10240x32xf32>
    %mul3A_21 = arith.mulf %dot_general3A_19, %mul3A_20 : vector<10240x32xf32>
    %swap3A = arith.constant 0 : index
    %swap3A_22 = arith.constant 0 : index
    %swap3A_23 = vector.load %arg5[%swap3A, %swap3A_22] : memref<10240x32xf32, #tpu.memory_space<vmem>>, vector<10240x32xf32>
    tpu.vector_store %arg5[%swap3A, %swap3A_22], %mul3A_21 {strides = array<i32>} : memref<10240x32xf32, #tpu.memory_space<vmem>>, vector<10240x32xf32>,
    return
  }
}

module attributes {stable_mosaic.version = 14 : i64} {
  func.func @body(%arg0: memref<10240x32xf32, #tpu.memory_space<vmem>>, %arg1: memref<10240x32xf32, #tpu.memory_space<vmem>>, %arg2: memref<10240x1xf32, #tpu.memory_space<vmem>>, %arg3: memref<1x32xf32, #tpu.memory_space<vmem>>, %arg4: memref<32x16xf32, #tpu.memory_space<vmem>>, %arg5: memref<10240x16xf32, #tpu.memory_space<vmem>>) attributes {dimension_semantics = [], scalar_prefetch = 0 : i64, scratch_operands = 0 : i64, tpu.core_type = #tpu.core_type<tc>} {
    %get3A = arith.constant 0 : index
    %get3A_0 = arith.constant 0 : index
    %get3A_1 = vector.load %arg2[%get3A, %get3A_0] : memref<10240x1xf32, #tpu.memory_space<vmem>>, vector<10240x1xf32>
    %get3A_2 = arith.constant 0 : index
    %get3A_3 = arith.constant 0 : index
    %get3A_4 = vector.load %arg0[%get3A_2, %get3A_3] : memref<10240x32xf32, #tpu.memory_space<vmem>>, vector<10240x32xf32>
    %get3A_5 = arith.constant 0 : index
    %get3A_6 = arith.constant 0 : index
    %get3A_7 = vector.load %arg1[%get3A_5, %get3A_6] : memref<10240x32xf32, #tpu.memory_space<vmem>>, vector<10240x32xf32>
    %add3A = arith.addf %get3A_4, %get3A_7 : vector<10240x32xf32>
    %mul3A = vector.broadcast %get3A_1 : vector<10240x1xf32> to vector<10240x32xf32>
    %mul3A_8 = arith.mulf %add3A, %mul3A : vector<10240x32xf32>
    %get3A_9 = arith.constant 0 : index
    %get3A_10 = arith.constant 0 : index
    %get3A_11 = vector.load %arg3[%get3A_9, %get3A_10] : memref<1x32xf32, #tpu.memory_space<vmem>>, vector<1x32xf32>
    %add3A_12 = vector.broadcast %get3A_11 : vector<1x32xf32> to vector<10240x32xf32>
    %add3A_13 = arith.addf %mul3A_8, %add3A_12 : vector<10240x32xf32>
    %max3A = arith.constant 0.000000e+00 : f32
    %max3A_14 = vector.broadcast %max3A : f32 to vector<10240x32xf32>
    %max3A_15 = arith.maximumf %add3A_13, %max3A_14 : vector<10240x32xf32>
    %get3A_16 = arith.constant 0 : index
    %get3A_17 = arith.constant 0 : index
    %get3A_18 = vector.load %arg4[%get3A_16, %get3A_17] : memref<32x16xf32, #tpu.memory_space<vmem>>, vector<32x16xf32>
    %dot_general3A = arith.constant dense<0.000000e+00> : vector<10240x16xf32>
    %dot_general3A_19 = tpu.matmul %max3A_15, %get3A_18, %dot_general3A {dimension_numbers = #tpu.dot_dimension_numbers<[1], [0], [0], [1], [0, 0, 1, 1], [], []>, transpose_lhs_hint = false} : vector<10240x32xf32>, vector<32x16xf32>, vector<10240x16xf32> -> vector<10240x16xf32>
    %mul3A_20 = vector.broadcast %get3A_1 : vector<10240x1xf32> to vector<10240x16xf32>
    %mul3A_21 = arith.mulf %dot_general3A_19, %mul3A_20 : vector<10240x16xf32>
    %swap3A = arith.constant 0 : index
    %swap3A_22 = arith.constant 0 : index
    %swap3A_23 = vector.load %arg5[%swap3A, %swap3A_22] : memref<10240x16xf32, #tpu.memory_space<vmem>>, vector<10240x16xf32>
    tpu.vector_store %arg5[%swap3A, %swap3A_22], %mul3A_21 {strides = array<i32>} : memref<10240x16xf32, #tpu.memory_space<vmem>>, vector<10240x16xf32>,
    return
  }
}

module attributes {stable_mosaic.version = 14 : i64} {
  func.func @body(%arg0: memref<10240x16xf32, #tpu.memory_space<vmem>>, %arg1: memref<10240x16xf32, #tpu.memory_space<vmem>>, %arg2: memref<10240x1xf32, #tpu.memory_space<vmem>>, %arg3: memref<1x16xf32, #tpu.memory_space<vmem>>, %arg4: memref<16x16xf32, #tpu.memory_space<vmem>>, %arg5: memref<10240x16xf32, #tpu.memory_space<vmem>>) attributes {dimension_semantics = [], scalar_prefetch = 0 : i64, scratch_operands = 0 : i64, tpu.core_type = #tpu.core_type<tc>} {
    %get3A = arith.constant 0 : index
    %get3A_0 = arith.constant 0 : index
    %get3A_1 = vector.load %arg2[%get3A, %get3A_0] : memref<10240x1xf32, #tpu.memory_space<vmem>>, vector<10240x1xf32>
    %get3A_2 = arith.constant 0 : index
    %get3A_3 = arith.constant 0 : index
    %get3A_4 = vector.load %arg0[%get3A_2, %get3A_3] : memref<10240x16xf32, #tpu.memory_space<vmem>>, vector<10240x16xf32>
    %get3A_5 = arith.constant 0 : index
    %get3A_6 = arith.constant 0 : index
    %get3A_7 = vector.load %arg1[%get3A_5, %get3A_6] : memref<10240x16xf32, #tpu.memory_space<vmem>>, vector<10240x16xf32>
    %add3A = arith.addf %get3A_4, %get3A_7 : vector<10240x16xf32>
    %mul3A = vector.broadcast %get3A_1 : vector<10240x1xf32> to vector<10240x16xf32>
    %mul3A_8 = arith.mulf %add3A, %mul3A : vector<10240x16xf32>
    %get3A_9 = arith.constant 0 : index
    %get3A_10 = arith.constant 0 : index
    %get3A_11 = vector.load %arg3[%get3A_9, %get3A_10] : memref<1x16xf32, #tpu.memory_space<vmem>>, vector<1x16xf32>
    %add3A_12 = vector.broadcast %get3A_11 : vector<1x16xf32> to vector<10240x16xf32>
    %add3A_13 = arith.addf %mul3A_8, %add3A_12 : vector<10240x16xf32>
    %max3A = arith.constant 0.000000e+00 : f32
    %max3A_14 = vector.broadcast %max3A : f32 to vector<10240x16xf32>
    %max3A_15 = arith.maximumf %add3A_13, %max3A_14 : vector<10240x16xf32>
    %get3A_16 = arith.constant 0 : index
    %get3A_17 = arith.constant 0 : index
    %get3A_18 = vector.load %arg4[%get3A_16, %get3A_17] : memref<16x16xf32, #tpu.memory_space<vmem>>, vector<16x16xf32>
    %dot_general3A = arith.constant dense<0.000000e+00> : vector<10240x16xf32>
    %dot_general3A_19 = tpu.matmul %max3A_15, %get3A_18, %dot_general3A {dimension_numbers = #tpu.dot_dimension_numbers<[1], [0], [0], [1], [0, 0, 1, 1], [], []>, transpose_lhs_hint = false} : vector<10240x16xf32>, vector<16x16xf32>, vector<10240x16xf32> -> vector<10240x16xf32>
    %mul3A_20 = vector.broadcast %get3A_1 : vector<10240x1xf32> to vector<10240x16xf32>
    %mul3A_21 = arith.mulf %dot_general3A_19, %mul3A_20 : vector<10240x16xf32>
    %swap3A = arith.constant 0 : index
    %swap3A_22 = arith.constant 0 : index
    %swap3A_23 = vector.load %arg5[%swap3A, %swap3A_22] : memref<10240x16xf32, #tpu.memory_space<vmem>>, vector<10240x16xf32>
    tpu.vector_store %arg5[%swap3A, %swap3A_22], %mul3A_21 {strides = array<i32>} : memref<10240x16xf32, #tpu.memory_space<vmem>>, vector<10240x16xf32>,
    return
  }
}

module attributes {stable_mosaic.version = 14 : i64} {
  func.func @body(%arg0: memref<10240x16xf32, #tpu.memory_space<vmem>>, %arg1: memref<10240x16xf32, #tpu.memory_space<vmem>>, %arg2: memref<10240x1xf32, #tpu.memory_space<vmem>>, %arg3: memref<1x16xf32, #tpu.memory_space<vmem>>, %arg4: memref<10240x16xf32, #tpu.memory_space<vmem>>) attributes {dimension_semantics = [], scalar_prefetch = 0 : i64, scratch_operands = 0 : i64, tpu.core_type = #tpu.core_type<tc>} {
    %get3A = arith.constant 0 : index
    %get3A_0 = arith.constant 0 : index
    %get3A_1 = vector.load %arg0[%get3A, %get3A_0] : memref<10240x16xf32, #tpu.memory_space<vmem>>, vector<10240x16xf32>
    %get3A_2 = arith.constant 0 : index
    %get3A_3 = arith.constant 0 : index
    %get3A_4 = vector.load %arg1[%get3A_2, %get3A_3] : memref<10240x16xf32, #tpu.memory_space<vmem>>, vector<10240x16xf32>
    %add3A = arith.addf %get3A_1, %get3A_4 : vector<10240x16xf32>
    %get3A_5 = arith.constant 0 : index
    %get3A_6 = arith.constant 0 : index
    %get3A_7 = vector.load %arg2[%get3A_5, %get3A_6] : memref<10240x1xf32, #tpu.memory_space<vmem>>, vector<10240x1xf32>
    %mul3A = vector.broadcast %get3A_7 : vector<10240x1xf32> to vector<10240x16xf32>
    %mul3A_8 = arith.mulf %add3A, %mul3A : vector<10240x16xf32>
    %get3A_9 = arith.constant 0 : index
    %get3A_10 = arith.constant 0 : index
    %get3A_11 = vector.load %arg3[%get3A_9, %get3A_10] : memref<1x16xf32, #tpu.memory_space<vmem>>, vector<1x16xf32>
    %add3A_12 = vector.broadcast %get3A_11 : vector<1x16xf32> to vector<10240x16xf32>
    %add3A_13 = arith.addf %mul3A_8, %add3A_12 : vector<10240x16xf32>
    %swap3A = arith.constant 0 : index
    %swap3A_14 = arith.constant 0 : index
    %swap3A_15 = vector.load %arg4[%swap3A, %swap3A_14] : memref<10240x16xf32, #tpu.memory_space<vmem>>, vector<10240x16xf32>
    tpu.vector_store %arg4[%swap3A, %swap3A_14], %add3A_13 {strides = array<i32>} : memref<10240x16xf32, #tpu.memory_space<vmem>>, vector<10240x16xf32>,
    return
  }
}

</mosaic_0001>

<sc_bundles>
// kernel: kernel.14.cloned.1.call-start
scs
__scs_entry_jumppad:
0x0: {  	(pc) =	sbr.rel $0x88, $3  }
0x1: {  	(tag) =	ssettag $0x0;
	lr =	simm.s32 $0x1  }
0x2: {  	[smem:$0x3F95] =	sst lr;
	_ =	strace $0xD0000000  }
0x3: {  	_ = 	snop  }
0x4: {  	_ = 	snop  }
0x5: {  	_ = 	snop  }
0x6: {  	_ = 	snop  }
0x7: {  	_ = 	snop  }
__scs_overlays_trampoline_lowered:
0x8: {  	[smem:$0x3FA4] =	sst s0  }
0x9: {  	[smem:$0x3FA5] =	sst s1  }
0xa: {  	[smem:$0x3FA6] =	sst s2  }
0xb: {  	[smem:$0x3FA7] =	sst s3  }
0xc: {  	[smem:$0x3FA8] =	sst s4  }
0xd: {  	[smem:$0x3FA9] =	sst s5  }
0xe: {  	[smem:$0x3FAA] =	sst s6  }
0xf: {  	[smem:$0x3FAB] =	sst s7  }
0x10: {  	[smem:$0x3FAC] =	sst s8  }
0x11: {  	[smem:$0x3FAD] =	sst s9;
	s0 =	simm.s32 @!p0 $0x0  }
0x12: {  	s1 =	sld [smem:$0x3F93];
	s0 =	simm.s32 @p0 $0x1  }
0x13: {  	[smem:$0x3FAE] =	sst s0;
	s0 =	simm.s32 @!p1 $0x0  }
0x14: {  	s2 =	sld [smem:$0x3F92];
	s0 =	simm.s32 @p1 $0x1  }
0x15: {  	[smem:$0x3FAF] =	sst s0;
	s0 =	simm.s32 @!p2 $0x0  }
0x16: {  	s3 =	sld [smem:$0x3FDB];
	s0 =	simm.s32 @p2 $0x1  }
0x17: {  	s4 =	simm.s32 $0x1BF5;
	[smem:$0x3FB1] =	sst s0  }
0x18: {  	s0 =	sld [smem:$0x3F94];
	_ =	swait.ge [sflag:s4], $0x0  }
0x19: {  	s7 =	sld [smem:$0x3F95]  }
0x1a: {  	s8 =	sadd.s32 $0xFFFFE003, lr  }
0x1b: {  	s9 =	sadd.s32 $0xFFFFFEF7, lr;
	s5 =	simm.s32 $0xFFFFFFFF;
	p2 =	slt.u32 s8, $0xFFFFF086  }
0x1c: {  	p1 =	slt.u32 s9, $0xF7A;
	s5 =	simm.s32 @!p2 $0x0  }
0x1d: {  	s5 =	simm.s32 @p1 $0x1;
	p0 =	seq.s32 s7, s2  }
0x1e: {  	s7 =	smul.u32 @!p0 $0xF7A, s2;
	p2 =	seq.s32 @!p0 s5, $0x0  }
0x1f: {  	s9 =	smul.u32 $0xF7A, s1;
	s8 =	simm.s32 @!p0 $0x1BF5;
	p2 =	por !p2, p0  }
0x20: {  	[sflag:s8] =	ssyncset.s32 @!p0 $0xFFFFF086;
	s6 =	sadd.s32 @!p0 s3, s7;
	s7 =	simm.s32 @!p0 $0x108  }
0x21: {  	s3 =	sadd.s32 s3, s9;
	s6 =	sadd.s32 @!p0 $0x88, s6;
	s7 =	simm.s32 @p2 $0x1082  }
0x22: {  	[simem:s7], [sflag:s8] =	dma.local @!p0 [hbm:s6], $0xF7A  }
0x23: {  	s9 =	sor.u32 $0xD0000000, s2;
	s6 =	simm.s32 $0x108;
	_ =	swait.ge @!p0 [sflag:s8], $0x0  }
0x24: {  	s3 =	sadd.s32 $0x88, s3;
	s6 =	simm.s32 @!p1 $0x1082;
	[sflag:s4] =	ssyncset.s32 $0xFFFFF086  }
0x25: {  	[simem:s6], [sflag:s4] =	dma.local [hbm:s3], $0xF7A  }
0x26: {  	[smem:$0x3F95] =	sst s1;
	(tag) =	ssettag s2;
	_ =	strace s9  }
0x27: {  	s1 =	sld [smem:$0x3FA5]  }
0x28: {  	s2 =	sld [smem:$0x3FA6]  }
0x29: {  	s4 =	sld [smem:$0x3FA8]  }
0x2a: {  	p0 =	seq.s32 s5, $0x0;
	s5 =	sld [smem:$0x3FA9]  }
0x2b: {  	s6 =	sld [smem:$0x3FAA]  }
0x2c: {  	s7 =	sld [smem:$0x3FAB]  }
0x2d: {  	s3 =	simm.s32 $0x108;
	s8 =	sld [smem:$0x3FAC]  }
0x2e: {  	s3 =	simm.s32 @!p0 $0x1082;
	s9 =	sld [smem:$0x3FAD]  }
0x2f: {  	lr =	sadd.s32 s0, s3;
	s0 =	sld [smem:$0x3FA4]  }
0x30: {  	s3 =	sld [smem:$0x3FA7]  }
0x31: {  	[smem:$0x3FB0] =	sst s10  }
0x32: {  	s10 =	sld [smem:$0x3FAE];
	_ =	sdelay $0x3  }
0x33: {  	p0 =	seq.s32 s10, $0x1;
	s10 =	sld [smem:$0x3FB0];
	_ =	sdelay $0x3  }
0x34: {  	[smem:$0x3FB0] =	sst s10  }
0x35: {  	s10 =	sld [smem:$0x3FAF];
	_ =	sdelay $0x3  }
0x36: {  	p1 =	seq.s32 s10, $0x1;
	s10 =	sld [smem:$0x3FB0];
	_ =	sdelay $0x3  }
0x37: {  	[smem:$0x3FB0] =	sst s10  }
0x38: {  	s10 =	sld [smem:$0x3FB1]  }
0x39: {  	_ = 	snop;
	(pc) =	sbr.ind lr, $3  }
0x3a: {  	_ = 	snop  }
0x3b: {  	_ = 	snop  }
0x3c: {  	p2 =	seq.s32 s10, $0x1;
	s10 =	sld [smem:$0x3FB0]  }
0x3d: {  	_ =	shalt  }
0x3e: {  	_ =	shalt  }
0x3f: {  	_ =	shalt  }
0x40: {  	_ =	shalt  }
0x41: {  	_ =	shalt  }
0x42: {  	_ =	shalt  }
0x43: {  	_ =	shalt  }
0x44: {  	_ =	shalt  }
0x45: {  	_ =	shalt  }
0x46: {  	_ =	shalt  }
0x47: {  	_ =	shalt  }
0x48: {  	_ =	shalt  }
0x49: {  	_ =	shalt  }
0x4a: {  	_ =	shalt  }
0x4b: {  	_ =	shalt  }
0x4c: {  	_ =	shalt  }
0x4d: {  	_ =	shalt  }
0x4e: {  	_ =	shalt  }
0x4f: {  	_ =	shalt  }
0x50: {  	_ =	shalt  }
0x51: {  	_ =	shalt  }
0x52: {  	_ =	shalt  }
0x53: {  	_ =	shalt  }
0x54: {  	_ =	shalt  }
0x55: {  	_ =	shalt  }
0x56: {  	_ =	shalt  }
0x57: {  	_ =	shalt  }
0x58: {  	_ =	shalt  }
0x59: {  	_ =	shalt  }
0x5a: {  	_ =	shalt  }
0x5b: {  	_ =	shalt  }
0x5c: {  	_ =	shalt  }
0x5d: {  	_ =	shalt  }
0x5e: {  	_ =	shalt  }
0x5f: {  	_ =	shalt  }
0x60: {  	_ =	shalt  }
0x61: {  	_ =	shalt  }
0x62: {  	_ =	shalt  }
0x63: {  	_ =	shalt  }
0x64: {  	_ =	shalt  }
0x65: {  	_ =	shalt  }
0x66: {  	_ =	shalt  }
0x67: {  	_ =	shalt  }
0x68: {  	_ =	shalt  }
0x69: {  	_ =	shalt  }
0x6a: {  	_ =	shalt  }
0x6b: {  	_ =	shalt  }
0x6c: {  	_ =	shalt  }
0x6d: {  	_ =	shalt  }
0x6e: {  	_ =	shalt  }
0x6f: {  	_ =	shalt  }
0x70: {  	_ =	shalt  }
0x71: {  	_ =	shalt  }
0x72: {  	_ =	shalt  }
0x73: {  	_ =	shalt  }
0x74: {  	_ =	shalt  }
0x75: {  	_ =	shalt  }
0x76: {  	_ =	shalt  }
0x77: {  	_ =	shalt  }
0x78: {  	_ =	shalt  }
0x79: {  	_ =	shalt  }
0x7a: {  	_ =	shalt  }
0x7b: {  	_ =	shalt  }
0x7c: {  	_ =	shalt  }
0x7d: {  	_ =	shalt  }
0x7e: {  	_ =	shalt  }
0x7f: {  	_ =	shalt  }
0x80: {  	_ =	shalt  }
0x81: {  	_ =	shalt  }
0x82: {  	_ =	shalt  }
0x83: {  	_ =	shalt  }
0x84: {  	_ =	shalt  }
0x85: {  	_ =	shalt  }
0x86: {  	_ =	shalt  }
0x87: {  	_ =	shalt  }
.Lfunc_end0:
.L_simem_size_0:
called_computation_lowered:
.L_overlay_start_0:
0x88: {  	s2 =	sld [smem:$0x3FD9]  }
0x89: {  	s3 =	sld [smem:$0x3FFE];
	_ =	sdelay $0x1  }
0x8a: {  	s1 =	srdreg.scid  }
0x8b: {  	s0 =	sand.u32 $0x1, s1  }
0x8c: {  	s17 =	sshll.u32 s0, $0xA;
	s2 =	sadd.s32 s3, s2  }
0x8d: {  	s2 =	sadd.s32 s2, s17  }
0x8e: {  	[smem:$0x3FBC] =	sst s2  }
0x8f: {  	_ = 	snop  }
0x90: {  	s2 =	sld [smem:$0x3FD0];
	(tm) =	ssettm $0x1  }
0x91: {  	s18 =	sld [smem:$0x3FFB];
	_ =	sdelay $0x3  }
0x92: {  	_ =	strace s18  }
0x93: {  	s3 =	sld [smem:$0x3FFC];
	_ =	sdelay $0x3  }
0x94: {  	_ =	strace s3  }
0x95: {  	s3 =	sld [smem:$0x3FFD];
	_ =	sdelay $0x3  }
0x96: {  	_ =	strace s3  }
0x97: {  	_ =	strace $0x8FFFFFFF  }
0x98: {  	s19 =	sld [smem:$0x3FDB];
	_ =	sdelay $0x1  }
0x99: {  	s4 =	simm.s32 $_scs_section_size  }
0x9a: {  	s5 =	simm.s32 $_size__tile_overlayer_lowered;
	s6 =	simm.s32 $_tile_overlayer_lowered  }
0x9b: {  	s22 =	simm.s32 $0x1BFF;
	s21 =	sshll.u32 s6, $0x1;
	s3 =	sadd.s32 s4, s19  }
0x9c: {  	s7 =	simm.s32 $0x0;
	s20 =	sshll.u32 s5, $0x1;
	s5 =	sadd.s32 s21, s3  }
0x9d: {  	[timem:s7], [sflag:s22] =	dma.local [hbm:s5], s20  }
0x9e: {  	_ =	swait.ge [sflag:s22], s20  }
0x9f: {  	s4 =	ssub.s32 $0x0, s20;
	[sflag:s22] =	ssyncset.done $0x0  }
0xa0: {  	[sflag:s22] =	ssyncadd.s32 s4;
	_ =	sdelay $0x1  }
0xa1: {  	s23 =	simm.s32 $0x1B8B  }
0xa2: {  	_ =	swait.ge [sflag:s23], $0x1  }
0xa3: {  	[sflag:s23] =	ssyncset.done $0x0  }
0xa4: {  	s25 =	simm.s32 $0x1B8E;
	s24 =	sld [smem:$0x3FFE];
	[sflag:s23] =	ssyncadd.s32 $0xFFFFFFFF  }
0xa5: {  	s26 =	simm.s32 $execute0_lowered;
	[smem:$0x3FD2] =	sst s25  }
0xa6: {  	s5 =	sshll.u32 s26, $0x1;
	_ =	strace $0x80000046;
	[dreg:$0x1] =	wrdreg $0xFFFFFFFF  }
0xa7: {  	s28 =	simm.s32 $_size_execute0_lowered;
	s3 =	sadd.s32 s3, s5;
	[dreg:$0x0] =	wrdreg $0x0  }
0xa8: {  	s5 =	sshll.u32 s28, $0x1;
	[dreg:$0x2] =	wrdreg s3  }
0xa9: {  	[dreg:$0x3] =	wrdreg s5  }
0xaa: {  	[dreg:$0x4] =	wrdreg $0xC0  }
0xab: {  	_ =	task [dreg:s7], $0x5FFFF  }
0xac: {  	[dreg:$0x1] =	wrdreg $0xFFFFFFFF  }
0xad: {  	[dreg:$0x0] =	wrdreg $0x60  }
0xae: {  	[dreg:$0x2] =	wrdreg s24  }
0xaf: {  	[dreg:$0x3] =	wrdreg s2  }
0xb0: {  	[dreg:$0x4] =	wrdreg $0x48000  }
0xb1: {  	[dreg:$0x5] =	wrdreg $0x9  }
0xb2: {  	_ =	task.clear_ibuf [dreg:s7], $0x6FFFF;
	_ =	strace $0x90000046  }
0xb3: {  	s29 =	simm.s32 $0x9;
	_ =	strace $0x80000048  }
0xb4: {  	_ =	swait.ge [sflag:s29], $0x1  }
0xb5: {  	[sflag:s29] =	ssyncadd.s32 $0xFFFFFFFF  }
0xb6: {  	_ =	strace $0x90000048  }
0xb7: {  	_ =	sfence  }
0xb8: {  	s30 =	sld [smem:$0x0];
	_ =	sdelay $0x2  }
0xb9: {  	s31 =	sshll.u32 s1, $0xD;
	s1 =	sshrl.u32 s1, $0x2  }
0xba: {  	s3 =	sand.u32 $0x4000, s31;
	s1 =	sadd.s32 s1, s30  }
0xbb: {  	s0 =	sor.u32 s3, s0;
	s1 =	sshll.u32 s1, $0x11  }
0xbc: {  	s0 =	sor.u32 s1, s0  }
0xbd: {  	s0 =	sadd.s32 $0x8F2B, s0  }
0xbe: {  	[sflag:s0] =	ssyncadd.remote.s32 $0x1  }
0xbf: {  	_ =	sfence.sel $0xFFFF  }
0xc0: {  	[dreg:$0x0] =	wrdreg $0xFFFFFFFF;
	(pc) =	sbr.abs _section_cstart, $3  }
0xc1: {  	[dreg:$0x1] =	wrdreg $0xFFFFFFFF  }
0xc2: {  	_ =	task.clear_ibuf [dreg:s7], $0x2FFFF;
	_ =	strace $0x9FFFFFFF  }
0xc3: {  	(tm) =	ssettm $0x7FFFFFFF  }
tec
execute0_lowered:
.L_overlay_start_1:
0x0: {  	(tag) =	ssettag $0x1  }
0x1: {  	s0 =	srdreg.scid  }
0x2: {  	s26 =	sand.u32 $0x1, s0  }
0x3: {  	s25 =	rddreg [dreg:$0x0];
	s0 =	stileid.u32;
	s1 =	sshll.u32 s26, $0x4  }
0x4: {  	s2 =	rddreg [dreg:$0x1];
	s1 =	sor.u32 s0, s1  }
0x5: {  	s3 =	rddreg [dreg:$0x2];
	s4 =	simm.s32 $0x0;
	s5 =	smul.u32 $0x3000, s1  }
0x6: {  	s9 =	simm.s32 $0x400;
	s28 =	smul.u32 $0x2800, s0;
	s8 =	sshll.u32 s0, $0x6  }
0x7: {  	[smem:$0x7FF] =	sst s4;
	s8 =	sor.u32 $0x1C03, s8;
	s5 =	sshrl.u32 s5, $0x3  }
0x8: {  	s1 =	rddreg [dreg:$0x3];
	s10 =	sadd.s32 s28, s3;
	s24 =	sadd.s32 s5, s25  }
0x9: {  	_ =	strace $0x80000047;
	s11 =	sshrl.u32 s10, $0x3;
	s6 =	sadd.s32 $0x3C00, s24  }
0xa: {  	[tilespmem:s4], [sflag:$0x1] =	stream.linear.gather [hbm4b:s6+s4], $0x400, $0x38;
	[tilespmem:$0x7000] =	vst v63  }
0xb: {  	s10 =	simm.s32 $0x3;
	s5 =	sadd.s32 $0xFC00, s25;
	s7 =	sadd.s32 $0x3C80, s24  }
0xc: {  	[tilespmem:s9], [sflag:$0x2] =	stream.linear.gather [hbm4b:s7+s4], $0x400, $0x38;
	[tilespmem:$0x7000] =	vst v63  }
0xd: {  	[spmem:s11], [sflag:s8] =	dma.local [hbm:s5], $0x500  }
0xe: {  	_ =	swait.ge [sflag:s10], $0x500  }
0xf: {  	[sflag:s10] =	ssyncset.done $0x0  }
0x10: {  	s12 =	simm.s32 $0x800;
	[sflag:s10] =	ssyncadd.s32 $0xFFFFFB00  }
0x11: {  	[tilespmem:s12], [sflag:$0x3] =	stream.linear.gather [hbm4b:s2+s4], $0x4000, $0x38;
	[tilespmem:$0x7000] =	vst v63  }
0x12: {  	_ =	swait.ge [sflag:s10], $0x4000  }
0x13: {  	[sflag:s10] =	ssyncset.done $0x0  }
0x14: {  	[sflag:s10] =	ssyncadd.s32 $0xFFFFC000  }
0x15: {  	s13 =	simm.s32 $0x1;
	[bflag:$0x0] =	sbarrier.arrive $0xFFFF  }
0x16: {  	_ =	swait.ge [sflag:s13], $0x400  }
0x17: {  	[sflag:s13] =	ssyncset.done $0x0  }
0x18: {  	[sflag:s13] =	ssyncadd.s32 $0xFFFFFC00  }
0x19: {  	[spmem:s3] =	stream.indirect.scatter.add.f32 [tilespmem:s12], [sflag:$0x3], $0x10, s4, s9, $0xb8;
	[tilespmem:$0x7000] =	vst v63  }
0x1a: {  	_ =	swait.ge [sflag:s10], $0x4000  }
0x1b: {  	[sflag:s10] =	ssyncset.done $0x0  }
0x1c: {  	s15 =	simm.s32 $0x2;
	s14 =	sadd.s32 $0x3D00, s24;
	[sflag:s10] =	ssyncadd.s32 $0xFFFFC000  }
0x1d: {  	[tilespmem:s4], [sflag:$0x1] =	stream.linear.gather [hbm4b:s14+s4], $0x400, $0x38;
	[tilespmem:$0x7000] =	vst v63  }
0x1e: {  	_ =	swait.ge [sflag:s15], $0x400  }
0x1f: {  	[sflag:s15] =	ssyncset.done $0x0  }
0x20: {  	[sflag:s15] =	ssyncadd.s32 $0xFFFFFC00  }
0x21: {  	[spmem:s3] =	stream.indirect.scatter.add.f32 [tilespmem:s12], [sflag:$0x3], $0x10, s9, s9, $0xb8;
	[tilespmem:$0x7000] =	vst v63  }
0x22: {  	_ =	swait.ge [sflag:s10], $0x4000  }
0x23: {  	[sflag:s10] =	ssyncset.done $0x0  }
0x24: {  	s16 =	sadd.s32 $0x3D80, s24;
	[sflag:s10] =	ssyncadd.s32 $0xFFFFC000  }
0x25: {  	[tilespmem:s9], [sflag:$0x2] =	stream.linear.gather [hbm4b:s16+s4], $0x400, $0x38;
	[tilespmem:$0x7000] =	vst v63  }
0x26: {  	_ =	swait.ge [sflag:s13], $0x400  }
0x27: {  	[sflag:s13] =	ssyncset.done $0x0  }
0x28: {  	[sflag:s13] =	ssyncadd.s32 $0xFFFFFC00  }
0x29: {  	[spmem:s3] =	stream.indirect.scatter.add.f32 [tilespmem:s12], [sflag:$0x3], $0x10, s4, s9, $0xb8;
	[tilespmem:$0x7000] =	vst v63  }
0x2a: {  	_ =	swait.ge [sflag:s10], $0x4000  }
0x2b: {  	[sflag:s10] =	ssyncset.done $0x0  }
0x2c: {  	s17 =	sadd.s32 $0x3E00, s24;
	[sflag:s10] =	ssyncadd.s32 $0xFFFFC000  }
0x2d: {  	[tilespmem:s4], [sflag:$0x1] =	stream.linear.gather [hbm4b:s17+s4], $0x400, $0x38;
	[tilespmem:$0x7000] =	vst v63  }
0x2e: {  	_ =	swait.ge [sflag:s15], $0x400  }
0x2f: {  	[sflag:s15] =	ssyncset.done $0x0  }
0x30: {  	[sflag:s15] =	ssyncadd.s32 $0xFFFFFC00  }
0x31: {  	[spmem:s3] =	stream.indirect.scatter.add.f32 [tilespmem:s12], [sflag:$0x3], $0x10, s9, s9, $0xb8;
	[tilespmem:$0x7000] =	vst v63  }
0x32: {  	_ =	swait.ge [sflag:s10], $0x4000  }
0x33: {  	[sflag:s10] =	ssyncset.done $0x0  }
0x34: {  	s18 =	sadd.s32 $0x3E80, s24;
	[sflag:s10] =	ssyncadd.s32 $0xFFFFC000  }
0x35: {  	[tilespmem:s9], [sflag:$0x2] =	stream.linear.gather [hbm4b:s18+s4], $0x400, $0x38;
	[tilespmem:$0x7000] =	vst v63  }
0x36: {  	_ =	swait.ge [sflag:s13], $0x400  }
0x37: {  	[sflag:s13] =	ssyncset.done $0x0  }
0x38: {  	[sflag:s13] =	ssyncadd.s32 $0xFFFFFC00  }
0x39: {  	[spmem:s3] =	stream.indirect.scatter.add.f32 [tilespmem:s12], [sflag:$0x3], $0x10, s4, s9, $0xb8;
	[tilespmem:$0x7000] =	vst v63  }
0x3a: {  	_ =	swait.ge [sflag:s10], $0x4000  }
0x3b: {  	[sflag:s10] =	ssyncset.done $0x0  }
0x3c: {  	s19 =	sadd.s32 $0x3F00, s24;
	[sflag:s10] =	ssyncadd.s32 $0xFFFFC000  }
0x3d: {  	[tilespmem:s4], [sflag:$0x1] =	stream.linear.gather [hbm4b:s19+s4], $0x400, $0x38;
	[tilespmem:$0x7000] =	vst v63  }
0x3e: {  	_ =	swait.ge [sflag:s15], $0x400  }
0x3f: {  	[sflag:s15] =	ssyncset.done $0x0  }
0x40: {  	[sflag:s15] =	ssyncadd.s32 $0xFFFFFC00  }
0x41: {  	[spmem:s3] =	stream.indirect.scatter.add.f32 [tilespmem:s12], [sflag:$0x3], $0x10, s9, s9, $0xb8;
	[tilespmem:$0x7000] =	vst v63  }
0x42: {  	_ =	swait.ge [sflag:s10], $0x4000  }
0x43: {  	[sflag:s10] =	ssyncset.done $0x0  }
0x44: {  	s20 =	sadd.s32 $0x3F80, s24;
	[sflag:s10] =	ssyncadd.s32 $0xFFFFC000  }
0x45: {  	[tilespmem:s9], [sflag:$0x2] =	stream.linear.gather [hbm4b:s20+s4], $0x400, $0x38;
	[tilespmem:$0x7000] =	vst v63  }
0x46: {  	_ =	swait.ge [sflag:s13], $0x400  }
0x47: {  	[sflag:s13] =	ssyncset.done $0x0  }
0x48: {  	[sflag:s13] =	ssyncadd.s32 $0xFFFFFC00  }
0x49: {  	[spmem:s3] =	stream.indirect.scatter.add.f32 [tilespmem:s12], [sflag:$0x3], $0x10, s4, s9, $0xb8;
	[tilespmem:$0x7000] =	vst v63  }
0x4a: {  	_ =	swait.ge [sflag:s10], $0x4000  }
0x4b: {  	[sflag:s10] =	ssyncset.done $0x0  }
0x4c: {  	s21 =	sadd.s32 $0x4000, s24;
	[sflag:s10] =	ssyncadd.s32 $0xFFFFC000  }
0x4d: {  	[tilespmem:s4], [sflag:$0x1] =	stream.linear.gather [hbm4b:s21+s4], $0x400, $0x38;
	[tilespmem:$0x7000] =	vst v63  }
0x4e: {  	_ =	swait.ge [sflag:s15], $0x400  }
0x4f: {  	[sflag:s15] =	ssyncset.done $0x0  }
0x50: {  	[sflag:s15] =	ssyncadd.s32 $0xFFFFFC00  }
0x51: {  	[spmem:s3] =	stream.indirect.scatter.add.f32 [tilespmem:s12], [sflag:$0x3], $0x10, s9, s9, $0xb8;
	[tilespmem:$0x7000] =	vst v63  }
0x52: {  	_ =	swait.ge [sflag:s10], $0x4000  }
0x53: {  	[sflag:s10] =	ssyncset.done $0x0  }
0x54: {  	s22 =	sadd.s32 $0x4080, s24;
	[sflag:s10] =	ssyncadd.s32 $0xFFFFC000  }
0x55: {  	[tilespmem:s9], [sflag:$0x2] =	stream.linear.gather [hbm4b:s22+s4], $0x400, $0x38;
	[tilespmem:$0x7000] =	vst v63  }
0x56: {  	_ =	swait.ge [sflag:s13], $0x400  }
0x57: {  	[sflag:s13] =	ssyncset.done $0x0  }
0x58: {  	[sflag:s13] =	ssyncadd.s32 $0xFFFFFC00  }
0x59: {  	[spmem:s3] =	stream.indirect.scatter.add.f32 [tilespmem:s12], [sflag:$0x3], $0x10, s4, s9, $0xb8;
	[tilespmem:$0x7000] =	vst v63  }
0x5a: {  	_ =	swait.ge [sflag:s10], $0x4000  }
0x5b: {  	[sflag:s10] =	ssyncset.done $0x0  }
0x5c: {  	s23 =	sadd.s32 $0x4100, s24;
	[sflag:s10] =	ssyncadd.s32 $0xFFFFC000  }
0x5d: {  	[tilespmem:s4], [sflag:$0x1] =	stream.linear.gather [hbm4b:s23+s4], $0x400, $0x38;
	[tilespmem:$0x7000] =	vst v63  }
0x5e: {  	_ =	swait.ge [sflag:s15], $0x400  }
0x5f: {  	[sflag:s15] =	ssyncset.done $0x0  }
0x60: {  	[sflag:s15] =	ssyncadd.s32 $0xFFFFFC00  }
0x61: {  	[spmem:s3] =	stream.indirect.scatter.add.f32 [tilespmem:s12], [sflag:$0x3], $0x10, s9, s9, $0xb8;
	[tilespmem:$0x7000] =	vst v63  }
0x62: {  	_ =	swait.ge [sflag:s10], $0x4000  }
0x63: {  	[sflag:s10] =	ssyncset.done $0x0  }
0x64: {  	s24 =	sadd.s32 $0x4180, s24;
	[sflag:s10] =	ssyncadd.s32 $0xFFFFC000  }
0x65: {  	[tilespmem:s9], [sflag:$0x2] =	stream.linear.gather [hbm4b:s24+s4], $0x400, $0x38;
	[tilespmem:$0x7000] =	vst v63  }
0x66: {  	_ =	swait.ge [sflag:s13], $0x400  }
0x67: {  	[sflag:s13] =	ssyncset.done $0x0  }
0x68: {  	[sflag:s13] =	ssyncadd.s32 $0xFFFFFC00  }
0x69: {  	[spmem:s3] =	stream.indirect.scatter.add.f32 [tilespmem:s12], [sflag:$0x3], $0x10, s4, s9, $0xb8;
	[tilespmem:$0x7000] =	vst v63  }
0x6a: {  	_ =	swait.ge [sflag:s10], $0x4000  }
0x6b: {  	[sflag:s10] =	ssyncset.done $0x0  }
0x6c: {  	[sflag:s10] =	ssyncadd.s32 $0xFFFFC000  }
0x6d: {  	s29 =	smul.u32 $0x28000, s26;
	s26 =	ssub.s32 $0x2, s26;
	_ =	swait.ge [sflag:s15], $0x400  }
0x6e: {  	s31 =	sshrl.u32 s26, $0x1;
	[sflag:s15] =	ssyncset.done $0x0  }
0x6f: {  	s26 =	ssub.s32 s26, s31;
	[sflag:s15] =	ssyncadd.s32 $0xFFFFFC00  }
0x70: {  	[spmem:s3] =	stream.indirect.scatter.add.f32 [tilespmem:s12], [sflag:$0x3], $0x10, s9, s9, $0xb8;
	[tilespmem:$0x7000] =	vst v63  }
0x71: {  	s28 =	sadd.s32 s28, s29;
	s26 =	smax.u32 s26, $0x1;
	_ =	swait.ge [sflag:s10], $0x4000  }
0x72: {  	s28 =	sshrl.u32 s28, $0x3;
	p0 =	sne.s32 s26, $0x1;
	[sflag:s10] =	ssyncset.done $0x0  }
.Ltmp0:
0x73: {  	s25 =	sadd.s32 s28, s25;
	[sflag:s10] =	ssyncadd.s32 $0xFFFFC000;
	(pc) =	sbr.rel @!p0 .LBB2_2-.Ltmp0, $4  }
0x74: {  	s25 =	sadd.s32 $0x10200, s25;
	[bflag:$0x0] =	sbarrier.arrive $0xFFFF  }
0x75: {  	[hbm:s25], [sflag:s8] =	dma.local [spmem:s11], $0x500  }
0x76: {  	_ =	swait.ge [sflag:s10], $0x500  }
0x77: {  	s26 =	sadd.s32 $0xFFFFFFFF, s26;
	[sflag:s10] =	ssyncset.done $0x0  }
.LBB2_1:
0x78: {  	p0 =	sne.s32 s26, $0x1;
	s26 =	sadd.s32 $0xFFFFFFFF, s26;
	[sflag:s10] =	ssyncadd.s32 $0xFFFFFB00  }
0x79: {  	[tilespmem:s4], [sflag:$0x1] =	stream.linear.gather [hbm4b:s6+s4], $0x400, $0x38;
	[tilespmem:$0x7000] =	vst v63  }
0x7a: {  	_ = 	snop  }
0x7b: {  	[tilespmem:s9], [sflag:$0x2] =	stream.linear.gather [hbm4b:s7+s4], $0x400, $0x38;
	[tilespmem:$0x7000] =	vst v63  }
0x7c: {  	[spmem:s11], [sflag:s8] =	dma.local [hbm:s5], $0x500  }
0x7d: {  	_ =	swait.ge [sflag:s10], $0x500  }
0x7e: {  	[sflag:s10] =	ssyncset.done $0x0  }
0x7f: {  	[sflag:s10] =	ssyncadd.s32 $0xFFFFFB00  }
0x80: {  	[tilespmem:s12], [sflag:$0x3] =	stream.linear.gather [hbm4b:s2+s4], $0x4000, $0x38;
	[tilespmem:$0x7000] =	vst v63  }
0x81: {  	_ =	swait.ge [sflag:s10], $0x4000  }
0x82: {  	[sflag:s10] =	ssyncset.done $0x0  }
0x83: {  	[sflag:s10] =	ssyncadd.s32 $0xFFFFC000  }
0x84: {  	[bflag:$0x0] =	sbarrier.arrive $0xFFFF  }
0x85: {  	_ =	swait.ge [sflag:s13], $0x400  }
0x86: {  	[sflag:s13] =	ssyncset.done $0x0  }
0x87: {  	[sflag:s13] =	ssyncadd.s32 $0xFFFFFC00  }
0x88: {  	[spmem:s3] =	stream.indirect.scatter.add.f32 [tilespmem:s12], [sflag:$0x3], $0x10, s4, s9, $0xb8;
	[tilespmem:$0x7000] =	vst v63  }
0x89: {  	_ =	swait.ge [sflag:s10], $0x4000  }
0x8a: {  	[sflag:s10] =	ssyncset.done $0x0  }
0x8b: {  	[sflag:s10] =	ssyncadd.s32 $0xFFFFC000  }
0x8c: {  	[tilespmem:s4], [sflag:$0x1] =	stream.linear.gather [hbm4b:s14+s4], $0x400, $0x38;
	[tilespmem:$0x7000] =	vst v63  }
0x8d: {  	_ =	swait.ge [sflag:s15], $0x400  }
0x8e: {  	[sflag:s15] =	ssyncset.done $0x0  }
0x8f: {  	[sflag:s15] =	ssyncadd.s32 $0xFFFFFC00  }
0x90: {  	[spmem:s3] =	stream.indirect.scatter.add.f32 [tilespmem:s12], [sflag:$0x3], $0x10, s9, s9, $0xb8;
	[tilespmem:$0x7000] =	vst v63  }
0x91: {  	_ =	swait.ge [sflag:s10], $0x4000  }
0x92: {  	[sflag:s10] =	ssyncset.done $0x0  }
0x93: {  	[sflag:s10] =	ssyncadd.s32 $0xFFFFC000  }
0x94: {  	[tilespmem:s9], [sflag:$0x2] =	stream.linear.gather [hbm4b:s16+s4], $0x400, $0x38;
	[tilespmem:$0x7000] =	vst v63  }
0x95: {  	_ =	swait.ge [sflag:s13], $0x400  }
0x96: {  	[sflag:s13] =	ssyncset.done $0x0  }
0x97: {  	[sflag:s13] =	ssyncadd.s32 $0xFFFFFC00  }
0x98: {  	[spmem:s3] =	stream.indirect.scatter.add.f32 [tilespmem:s12], [sflag:$0x3], $0x10, s4, s9, $0xb8;
	[tilespmem:$0x7000] =	vst v63  }
0x99: {  	_ =	swait.ge [sflag:s10], $0x4000  }
0x9a: {  	[sflag:s10] =	ssyncset.done $0x0  }
0x9b: {  	[sflag:s10] =	ssyncadd.s32 $0xFFFFC000  }
0x9c: {  	[tilespmem:s4], [sflag:$0x1] =	stream.linear.gather [hbm4b:s17+s4], $0x400, $0x38;
	[tilespmem:$0x7000] =	vst v63  }
0x9d: {  	_ =	swait.ge [sflag:s15], $0x400  }
0x9e: {  	[sflag:s15] =	ssyncset.done $0x0  }
0x9f: {  	[sflag:s15] =	ssyncadd.s32 $0xFFFFFC00  }
0xa0: {  	[spmem:s3] =	stream.indirect.scatter.add.f32 [tilespmem:s12], [sflag:$0x3], $0x10, s9, s9, $0xb8;
	[tilespmem:$0x7000] =	vst v63  }
0xa1: {  	_ =	swait.ge [sflag:s10], $0x4000  }
0xa2: {  	[sflag:s10] =	ssyncset.done $0x0  }
0xa3: {  	[sflag:s10] =	ssyncadd.s32 $0xFFFFC000  }
0xa4: {  	[tilespmem:s9], [sflag:$0x2] =	stream.linear.gather [hbm4b:s18+s4], $0x400, $0x38;
	[tilespmem:$0x7000] =	vst v63  }
0xa5: {  	_ =	swait.ge [sflag:s13], $0x400  }
0xa6: {  	[sflag:s13] =	ssyncset.done $0x0  }
0xa7: {  	[sflag:s13] =	ssyncadd.s32 $0xFFFFFC00  }
0xa8: {  	[spmem:s3] =	stream.indirect.scatter.add.f32 [tilespmem:s12], [sflag:$0x3], $0x10, s4, s9, $0xb8;
	[tilespmem:$0x7000] =	vst v63  }
0xa9: {  	_ =	swait.ge [sflag:s10], $0x4000  }
0xaa: {  	[sflag:s10] =	ssyncset.done $0x0  }
0xab: {  	[sflag:s10] =	ssyncadd.s32 $0xFFFFC000  }
0xac: {  	[tilespmem:s4], [sflag:$0x1] =	stream.linear.gather [hbm4b:s19+s4], $0x400, $0x38;
	[tilespmem:$0x7000] =	vst v63  }
0xad: {  	_ =	swait.ge [sflag:s15], $0x400  }
0xae: {  	[sflag:s15] =	ssyncset.done $0x0  }
0xaf: {  	[sflag:s15] =	ssyncadd.s32 $0xFFFFFC00  }
0xb0: {  	[spmem:s3] =	stream.indirect.scatter.add.f32 [tilespmem:s12], [sflag:$0x3], $0x10, s9, s9, $0xb8;
	[tilespmem:$0x7000] =	vst v63  }
0xb1: {  	_ =	swait.ge [sflag:s10], $0x4000  }
0xb2: {  	[sflag:s10] =	ssyncset.done $0x0  }
0xb3: {  	[sflag:s10] =	ssyncadd.s32 $0xFFFFC000  }
0xb4: {  	[tilespmem:s9], [sflag:$0x2] =	stream.linear.gather [hbm4b:s20+s4], $0x400, $0x38;
	[tilespmem:$0x7000] =	vst v63  }
0xb5: {  	_ =	swait.ge [sflag:s13], $0x400  }
0xb6: {  	[sflag:s13] =	ssyncset.done $0x0  }
0xb7: {  	[sflag:s13] =	ssyncadd.s32 $0xFFFFFC00  }
0xb8: {  	[spmem:s3] =	stream.indirect.scatter.add.f32 [tilespmem:s12], [sflag:$0x3], $0x10, s4, s9, $0xb8;
	[tilespmem:$0x7000] =	vst v63  }
0xb9: {  	_ =	swait.ge [sflag:s10], $0x4000  }
0xba: {  	[sflag:s10] =	ssyncset.done $0x0  }
0xbb: {  	[sflag:s10] =	ssyncadd.s32 $0xFFFFC000  }
0xbc: {  	[tilespmem:s4], [sflag:$0x1] =	stream.linear.gather [hbm4b:s21+s4], $0x400, $0x38;
	[tilespmem:$0x7000] =	vst v63  }
0xbd: {  	_ =	swait.ge [sflag:s15], $0x400  }
0xbe: {  	[sflag:s15] =	ssyncset.done $0x0  }
0xbf: {  	[sflag:s15] =	ssyncadd.s32 $0xFFFFFC00  }
0xc0: {  	[spmem:s3] =	stream.indirect.scatter.add.f32 [tilespmem:s12], [sflag:$0x3], $0x10, s9, s9, $0xb8;
	[tilespmem:$0x7000] =	vst v63  }
0xc1: {  	_ =	swait.ge [sflag:s10], $0x4000  }
0xc2: {  	[sflag:s10] =	ssyncset.done $0x0  }
0xc3: {  	[sflag:s10] =	ssyncadd.s32 $0xFFFFC000  }
0xc4: {  	[tilespmem:s9], [sflag:$0x2] =	stream.linear.gather [hbm4b:s22+s4], $0x400, $0x38;
	[tilespmem:$0x7000] =	vst v63  }
0xc5: {  	_ =	swait.ge [sflag:s13], $0x400  }
0xc6: {  	[sflag:s13] =	ssyncset.done $0x0  }
0xc7: {  	[sflag:s13] =	ssyncadd.s32 $0xFFFFFC00  }
0xc8: {  	[spmem:s3] =	stream.indirect.scatter.add.f32 [tilespmem:s12], [sflag:$0x3], $0x10, s4, s9, $0xb8;
	[tilespmem:$0x7000] =	vst v63  }
0xc9: {  	_ =	swait.ge [sflag:s10], $0x4000  }
0xca: {  	[sflag:s10] =	ssyncset.done $0x0  }
0xcb: {  	[sflag:s10] =	ssyncadd.s32 $0xFFFFC000  }
0xcc: {  	[tilespmem:s4], [sflag:$0x1] =	stream.linear.gather [hbm4b:s23+s4], $0x400, $0x38;
	[tilespmem:$0x7000] =	vst v63  }
0xcd: {  	_ =	swait.ge [sflag:s15], $0x400  }
0xce: {  	[sflag:s15] =	ssyncset.done $0x0  }
0xcf: {  	[sflag:s15] =	ssyncadd.s32 $0xFFFFFC00  }
0xd0: {  	[spmem:s3] =	stream.indirect.scatter.add.f32 [tilespmem:s12], [sflag:$0x3], $0x10, s9, s9, $0xb8;
	[tilespmem:$0x7000] =	vst v63  }
0xd1: {  	_ =	swait.ge [sflag:s10], $0x4000  }
0xd2: {  	[sflag:s10] =	ssyncset.done $0x0  }
0xd3: {  	[sflag:s10] =	ssyncadd.s32 $0xFFFFC000  }
0xd4: {  	[tilespmem:s9], [sflag:$0x2] =	stream.linear.gather [hbm4b:s24+s4], $0x400, $0x38;
	[tilespmem:$0x7000] =	vst v63  }
0xd5: {  	_ =	swait.ge [sflag:s13], $0x400  }
0xd6: {  	[sflag:s13] =	ssyncset.done $0x0  }
0xd7: {  	[sflag:s13] =	ssyncadd.s32 $0xFFFFFC00  }
0xd8: {  	[spmem:s3] =	stream.indirect.scatter.add.f32 [tilespmem:s12], [sflag:$0x3], $0x10, s4, s9, $0xb8;
	[tilespmem:$0x7000] =	vst v63  }
0xd9: {  	_ =	swait.ge [sflag:s10], $0x4000  }
0xda: {  	[sflag:s10] =	ssyncset.done $0x0  }
0xdb: {  	[sflag:s10] =	ssyncadd.s32 $0xFFFFC000  }
0xdc: {  	_ =	swait.ge [sflag:s15], $0x400  }
0xdd: {  	[sflag:s15] =	ssyncset.done $0x0  }
0xde: {  	[sflag:s15] =	ssyncadd.s32 $0xFFFFFC00  }
0xdf: {  	[spmem:s3] =	stream.indirect.scatter.add.f32 [tilespmem:s12], [sflag:$0x3], $0x10, s9, s9, $0xb8;
	[tilespmem:$0x7000] =	vst v63  }
0xe0: {  	_ =	swait.ge [sflag:s10], $0x4000  }
0xe1: {  	[sflag:s10] =	ssyncset.done $0x0  }
.Ltmp1:
0xe2: {  	[sflag:s10] =	ssyncadd.s32 $0xFFFFC000;
	(pc) =	sbr.rel @p0 .LBB2_1-.Ltmp1, $4  }
0xe3: {  	[bflag:$0x0] =	sbarrier.arrive $0xFFFF  }
0xe4: {  	[hbm:s25], [sflag:s8] =	dma.local [spmem:s11], $0x500  }
0xe5: {  	_ =	swait.ge [sflag:s10], $0x500  }
0xe6: {  	[sflag:s10] =	ssyncset.done $0x0  }
.LBB2_2:
0xe7: {  	[sflag:s10] =	ssyncadd.s32 $0xFFFFFB00  }
0xe8: {  	_ =	sfence.sel $0x180000  }
0xe9: {  	[bflag:$0x0] =	sbarrier.arrive $0xFFFF  }
0xea: {  	p0 =	sne.s32 s0, $0x0;
	_ =	strace $0x90000047  }
0xeb: {  	s0 =	sadd.s32 @!p0 $0x100000, s1;
	[bflag:$0x2] =	sbarrier.arrive $0xFFFF  }
0xec: {  	[sflag:s0] =	ssyncadd.tile.s32 @!p0 $0x1;
	_ =	shalt  }
.Lfunc_end2:
_tile_overlayer_lowered:
.L_overlay_start_2:
0xed: {  	(tag) =	ssettag $0x2  }
0xee: {  	s0 =	rddreg [dreg:$0x0];
	s2 =	stileid.u32  }
0xef: {  	s1 =	rddreg [dreg:$0x1];
	p0 =	sne.s32 s2, $0x0  }
0xf0: {  	s3 =	rddreg [dreg:$0x2];
	[bflag:$0x3] =	sbarrier.arrive $0xFFFF;
	s2 =	simm.s32 @!p0 $0x1C03  }
0xf1: {  	[timem:s3], [sflag:s2] =	dma.local @!p0 [hbm:s0], s1  }
0xf2: {  	s0 =	simm.s32 @!p0 $0x3  }
0xf3: {  	_ =	swait.ge @!p0 [sflag:s0], s1  }
0xf4: {  	s1 =	ssub.s32 @!p0 $0x0, s1;
	[sflag:s0] =	ssyncset.done @!p0 $0x0  }
0xf5: {  	[sflag:s0] =	ssyncadd.s32 @!p0 s1  }
0xf6: {  	[bflag:$0x3] =	sbarrier.arrive $0xFFFF  }
0xf7: {  	_ =	shalt  }

// kernel: kernel.17.cloned.1.call-start
scs
__scs_entry_jumppad:
0x0: {  	(pc) =	sbr.rel $0x88, $3  }
0x1: {  	(tag) =	ssettag $0x0;
	lr =	simm.s32 $0x1  }
0x2: {  	[smem:$0x3F95] =	sst lr;
	_ =	strace $0xD0000000  }
0x3: {  	_ = 	snop  }
0x4: {  	_ = 	snop  }
0x5: {  	_ = 	snop  }
0x6: {  	_ = 	snop  }
0x7: {  	_ = 	snop  }
__scs_overlays_trampoline_lowered:
0x8: {  	[smem:$0x3FA4] =	sst s0  }
0x9: {  	[smem:$0x3FA5] =	sst s1  }
0xa: {  	[smem:$0x3FA6] =	sst s2  }
0xb: {  	[smem:$0x3FA7] =	sst s3  }
0xc: {  	[smem:$0x3FA8] =	sst s4  }
0xd: {  	[smem:$0x3FA9] =	sst s5  }
0xe: {  	[smem:$0x3FAA] =	sst s6  }
0xf: {  	[smem:$0x3FAB] =	sst s7  }
0x10: {  	[smem:$0x3FAC] =	sst s8  }
0x11: {  	[smem:$0x3FAD] =	sst s9;
	s0 =	simm.s32 @!p0 $0x0  }
0x12: {  	s1 =	sld [smem:$0x3F93];
	s0 =	simm.s32 @p0 $0x1  }
0x13: {  	[smem:$0x3FAE] =	sst s0;
	s0 =	simm.s32 @!p1 $0x0  }
0x14: {  	s2 =	sld [smem:$0x3F92];
	s0 =	simm.s32 @p1 $0x1  }
0x15: {  	[smem:$0x3FAF] =	sst s0;
	s0 =	simm.s32 @!p2 $0x0  }
0x16: {  	s3 =	sld [smem:$0x3FDB];
	s0 =	simm.s32 @p2 $0x1  }
0x17: {  	s4 =	simm.s32 $0x1BF5;
	[smem:$0x3FB1] =	sst s0  }
0x18: {  	s0 =	sld [smem:$0x3F94];
	_ =	swait.ge [sflag:s4], $0x0  }
0x19: {  	s7 =	sld [smem:$0x3F95]  }
0x1a: {  	s8 =	sadd.s32 $0xFFFFE003, lr  }
0x1b: {  	s9 =	sadd.s32 $0xFFFFFEF7, lr;
	s5 =	simm.s32 $0xFFFFFFFF;
	p2 =	slt.u32 s8, $0xFFFFF086  }
0x1c: {  	p1 =	slt.u32 s9, $0xF7A;
	s5 =	simm.s32 @!p2 $0x0  }
0x1d: {  	s5 =	simm.s32 @p1 $0x1;
	p0 =	seq.s32 s7, s2  }
0x1e: {  	s7 =	smul.u32 @!p0 $0xF7A, s2;
	p2 =	seq.s32 @!p0 s5, $0x0  }
0x1f: {  	s9 =	smul.u32 $0xF7A, s1;
	s8 =	simm.s32 @!p0 $0x1BF5;
	p2 =	por !p2, p0  }
0x20: {  	[sflag:s8] =	ssyncset.s32 @!p0 $0xFFFFF086;
	s6 =	sadd.s32 @!p0 s3, s7;
	s7 =	simm.s32 @!p0 $0x108  }
0x21: {  	s3 =	sadd.s32 s3, s9;
	s6 =	sadd.s32 @!p0 $0x88, s6;
	s7 =	simm.s32 @p2 $0x1082  }
0x22: {  	[simem:s7], [sflag:s8] =	dma.local @!p0 [hbm:s6], $0xF7A  }
0x23: {  	s9 =	sor.u32 $0xD0000000, s2;
	s6 =	simm.s32 $0x108;
	_ =	swait.ge @!p0 [sflag:s8], $0x0  }
0x24: {  	s3 =	sadd.s32 $0x88, s3;
	s6 =	simm.s32 @!p1 $0x1082;
	[sflag:s4] =	ssyncset.s32 $0xFFFFF086  }
0x25: {  	[simem:s6], [sflag:s4] =	dma.local [hbm:s3], $0xF7A  }
0x26: {  	[smem:$0x3F95] =	sst s1;
	(tag) =	ssettag s2;
	_ =	strace s9  }
0x27: {  	s1 =	sld [smem:$0x3FA5]  }
0x28: {  	s2 =	sld [smem:$0x3FA6]  }
0x29: {  	s4 =	sld [smem:$0x3FA8]  }
0x2a: {  	p0 =	seq.s32 s5, $0x0;
	s5 =	sld [smem:$0x3FA9]  }
0x2b: {  	s6 =	sld [smem:$0x3FAA]  }
0x2c: {  	s7 =	sld [smem:$0x3FAB]  }
0x2d: {  	s3 =	simm.s32 $0x108;
	s8 =	sld [smem:$0x3FAC]  }
0x2e: {  	s3 =	simm.s32 @!p0 $0x1082;
	s9 =	sld [smem:$0x3FAD]  }
0x2f: {  	lr =	sadd.s32 s0, s3;
	s0 =	sld [smem:$0x3FA4]  }
0x30: {  	s3 =	sld [smem:$0x3FA7]  }
0x31: {  	[smem:$0x3FB0] =	sst s10  }
0x32: {  	s10 =	sld [smem:$0x3FAE];
	_ =	sdelay $0x3  }
0x33: {  	p0 =	seq.s32 s10, $0x1;
	s10 =	sld [smem:$0x3FB0];
	_ =	sdelay $0x3  }
0x34: {  	[smem:$0x3FB0] =	sst s10  }
0x35: {  	s10 =	sld [smem:$0x3FAF];
	_ =	sdelay $0x3  }
0x36: {  	p1 =	seq.s32 s10, $0x1;
	s10 =	sld [smem:$0x3FB0];
	_ =	sdelay $0x3  }
0x37: {  	[smem:$0x3FB0] =	sst s10  }
0x38: {  	s10 =	sld [smem:$0x3FB1]  }
0x39: {  	_ = 	snop;
	(pc) =	sbr.ind lr, $3  }
0x3a: {  	_ = 	snop  }
0x3b: {  	_ = 	snop  }
0x3c: {  	p2 =	seq.s32 s10, $0x1;
	s10 =	sld [smem:$0x3FB0]  }
0x3d: {  	_ =	shalt  }
0x3e: {  	_ =	shalt  }
0x3f: {  	_ =	shalt  }
0x40: {  	_ =	shalt  }
0x41: {  	_ =	shalt  }
0x42: {  	_ =	shalt  }
0x43: {  	_ =	shalt  }
0x44: {  	_ =	shalt  }
0x45: {  	_ =	shalt  }
0x46: {  	_ =	shalt  }
0x47: {  	_ =	shalt  }
0x48: {  	_ =	shalt  }
0x49: {  	_ =	shalt  }
0x4a: {  	_ =	shalt  }
0x4b: {  	_ =	shalt  }
0x4c: {  	_ =	shalt  }
0x4d: {  	_ =	shalt  }
0x4e: {  	_ =	shalt  }
0x4f: {  	_ =	shalt  }
0x50: {  	_ =	shalt  }
0x51: {  	_ =	shalt  }
0x52: {  	_ =	shalt  }
0x53: {  	_ =	shalt  }
0x54: {  	_ =	shalt  }
0x55: {  	_ =	shalt  }
0x56: {  	_ =	shalt  }
0x57: {  	_ =	shalt  }
0x58: {  	_ =	shalt  }
0x59: {  	_ =	shalt  }
0x5a: {  	_ =	shalt  }
0x5b: {  	_ =	shalt  }
0x5c: {  	_ =	shalt  }
0x5d: {  	_ =	shalt  }
0x5e: {  	_ =	shalt  }
0x5f: {  	_ =	shalt  }
0x60: {  	_ =	shalt  }
0x61: {  	_ =	shalt  }
0x62: {  	_ =	shalt  }
0x63: {  	_ =	shalt  }
0x64: {  	_ =	shalt  }
0x65: {  	_ =	shalt  }
0x66: {  	_ =	shalt  }
0x67: {  	_ =	shalt  }
0x68: {  	_ =	shalt  }
0x69: {  	_ =	shalt  }
0x6a: {  	_ =	shalt  }
0x6b: {  	_ =	shalt  }
0x6c: {  	_ =	shalt  }
0x6d: {  	_ =	shalt  }
0x6e: {  	_ =	shalt  }
0x6f: {  	_ =	shalt  }
0x70: {  	_ =	shalt  }
0x71: {  	_ =	shalt  }
0x72: {  	_ =	shalt  }
0x73: {  	_ =	shalt  }
0x74: {  	_ =	shalt  }
0x75: {  	_ =	shalt  }
0x76: {  	_ =	shalt  }
0x77: {  	_ =	shalt  }
0x78: {  	_ =	shalt  }
0x79: {  	_ =	shalt  }
0x7a: {  	_ =	shalt  }
0x7b: {  	_ =	shalt  }
0x7c: {  	_ =	shalt  }
0x7d: {  	_ =	shalt  }
0x7e: {  	_ =	shalt  }
0x7f: {  	_ =	shalt  }
0x80: {  	_ =	shalt  }
0x81: {  	_ =	shalt  }
0x82: {  	_ =	shalt  }
0x83: {  	_ =	shalt  }
0x84: {  	_ =	shalt  }
0x85: {  	_ =	shalt  }
0x86: {  	_ =	shalt  }
0x87: {  	_ =	shalt  }
.Lfunc_end0:
.L_simem_size_0:
called_computation.1_lowered:
.L_overlay_start_0:
0x88: {  	s2 =	sld [smem:$0x3FD9]  }
0x89: {  	s3 =	sld [smem:$0x3FFE];
	_ =	sdelay $0x1  }
0x8a: {  	s1 =	srdreg.scid  }
0x8b: {  	s0 =	sand.u32 $0x1, s1  }
0x8c: {  	s17 =	sshll.u32 s0, $0xA;
	s2 =	sadd.s32 s3, s2  }
0x8d: {  	s2 =	sadd.s32 s2, s17  }
0x8e: {  	[smem:$0x3FBC] =	sst s2  }
0x8f: {  	_ = 	snop  }
0x90: {  	s2 =	sld [smem:$0x3FD0];
	(tm) =	ssettm $0x1  }
0x91: {  	s18 =	sld [smem:$0x3FFB];
	_ =	sdelay $0x3  }
0x92: {  	_ =	strace s18  }
0x93: {  	s3 =	sld [smem:$0x3FFC];
	_ =	sdelay $0x3  }
0x94: {  	_ =	strace s3  }
0x95: {  	s3 =	sld [smem:$0x3FFD];
	_ =	sdelay $0x3  }
0x96: {  	_ =	strace s3  }
0x97: {  	_ =	strace $0x8FFFFFFF  }
0x98: {  	s19 =	sld [smem:$0x3FDB];
	_ =	sdelay $0x1  }
0x99: {  	s4 =	simm.s32 $_scs_section_size  }
0x9a: {  	s5 =	simm.s32 $_size__tile_overlayer_lowered;
	s6 =	simm.s32 $_tile_overlayer_lowered  }
0x9b: {  	s22 =	simm.s32 $0x1BFF;
	s21 =	sshll.u32 s6, $0x1;
	s3 =	sadd.s32 s4, s19  }
0x9c: {  	s7 =	simm.s32 $0x0;
	s20 =	sshll.u32 s5, $0x1;
	s5 =	sadd.s32 s21, s3  }
0x9d: {  	[timem:s7], [sflag:s22] =	dma.local [hbm:s5], s20  }
0x9e: {  	_ =	swait.ge [sflag:s22], s20  }
0x9f: {  	s4 =	ssub.s32 $0x0, s20;
	[sflag:s22] =	ssyncset.done $0x0  }
0xa0: {  	[sflag:s22] =	ssyncadd.s32 s4;
	_ =	sdelay $0x1  }
0xa1: {  	s23 =	simm.s32 $0x1B8B  }
0xa2: {  	_ =	swait.ge [sflag:s23], $0x1  }
0xa3: {  	[sflag:s23] =	ssyncset.done $0x0  }
0xa4: {  	s25 =	simm.s32 $0x1B8E;
	s24 =	sld [smem:$0x3FFE];
	[sflag:s23] =	ssyncadd.s32 $0xFFFFFFFF  }
0xa5: {  	s26 =	simm.s32 $execute0_lowered;
	[smem:$0x3FD2] =	sst s25  }
0xa6: {  	s5 =	sshll.u32 s26, $0x1;
	_ =	strace $0x80000049;
	[dreg:$0x1] =	wrdreg $0xFFFFFFFF  }
0xa7: {  	s28 =	simm.s32 $_size_execute0_lowered;
	s3 =	sadd.s32 s3, s5;
	[dreg:$0x0] =	wrdreg $0x0  }
0xa8: {  	s5 =	sshll.u32 s28, $0x1;
	[dreg:$0x2] =	wrdreg s3  }
0xa9: {  	[dreg:$0x3] =	wrdreg s5  }
0xaa: {  	[dreg:$0x4] =	wrdreg $0xC0  }
0xab: {  	_ =	task [dreg:s7], $0x5FFFF  }
0xac: {  	[dreg:$0x1] =	wrdreg $0xFFFFFFFF  }
0xad: {  	[dreg:$0x0] =	wrdreg $0x60  }
0xae: {  	[dreg:$0x2] =	wrdreg s24  }
0xaf: {  	[dreg:$0x3] =	wrdreg s2  }
0xb0: {  	[dreg:$0x4] =	wrdreg $0xA2800  }
0xb1: {  	[dreg:$0x5] =	wrdreg $0x9  }
0xb2: {  	_ =	task.clear_ibuf [dreg:s7], $0x6FFFF;
	_ =	strace $0x90000049  }
0xb3: {  	s29 =	simm.s32 $0x9;
	_ =	strace $0x8000004B  }
0xb4: {  	_ =	swait.ge [sflag:s29], $0x1  }
0xb5: {  	[sflag:s29] =	ssyncadd.s32 $0xFFFFFFFF  }
0xb6: {  	_ =	strace $0x9000004B  }
0xb7: {  	_ =	sfence  }
0xb8: {  	s30 =	sld [smem:$0x0];
	_ =	sdelay $0x2  }
0xb9: {  	s31 =	sshll.u32 s1, $0xD;
	s1 =	sshrl.u32 s1, $0x2  }
0xba: {  	s3 =	sand.u32 $0x4000, s31;
	s1 =	sadd.s32 s1, s30  }
0xbb: {  	s0 =	sor.u32 s3, s0;
	s1 =	sshll.u32 s1, $0x11  }
0xbc: {  	s0 =	sor.u32 s1, s0  }
0xbd: {  	s0 =	sadd.s32 $0x8F2B, s0  }
0xbe: {  	[sflag:s0] =	ssyncadd.remote.s32 $0x1  }
0xbf: {  	_ =	sfence.sel $0xFFFF  }
0xc0: {  	[dreg:$0x0] =	wrdreg $0xFFFFFFFF;
	(pc) =	sbr.abs _section_cstart, $3  }
0xc1: {  	[dreg:$0x1] =	wrdreg $0xFFFFFFFF  }
0xc2: {  	_ =	task.clear_ibuf [dreg:s7], $0x2FFFF;
	_ =	strace $0x9FFFFFFF  }
0xc3: {  	(tm) =	ssettm $0x7FFFFFFF  }
tec
execute0_lowered:
.L_overlay_start_1:
0x0: {  	(tag) =	ssettag $0x1  }
0x1: {  	s8 =	rddreg [dreg:$0x0]  }
0x2: {  	s3 =	rddreg [dreg:$0x2];
	s5 =	srdreg.scid  }
0x3: {  	s0 =	stileid.u32;
	s4 =	simm.s32 $0x0;
	s18 =	simm.s32 $0x3  }
0x4: {  	s19 =	simm.s32 $0x140;
	s20 =	simm.s32 $0xA0;
	s21 =	simm.s32 $0x280  }
0x5: {  	s22 =	simm.s32 $0x1E0;
	s23 =	simm.s32 $0x5280;
	s24 =	simm.s32 $0x1  }
0x6: {  	s25 =	simm.s32 $0x2;
	s26 =	simm.s32 $0x0;
	s12 =	smul.u32 $0x14000, s0  }
0x7: {  	s9 =	sand.u32 $0x1, s5;
	[smem:$0x7FF] =	sst s4;
	s14 =	smul.u32 $0x2940, s0  }
0x8: {  	s5 =	sadd.s32 $0x26200, s8;
	s6 =	sadd.s32 $0x1A200, s8;
	s7 =	smul.u32 $0x140000, s9  }
0x9: {  	_ =	strace $0x8000004A;
	s10 =	sshll.u32 s9, $0x4;
	s28 =	ssub.s32 $0x2, s9  }
0xa: {  	s29 =	smul.u32 $0x29400, s9;
	s10 =	sor.u32 s0, s10;
	s30 =	sshrl.u32 s28, $0x1  }
0xb: {  	s11 =	sadd.s32 s12, s7;
	s7 =	sadd.s32 $0x3C00, s8;
	s10 =	smul.u32 $0x2940, s10  }
0xc: {  	s15 =	ssub.s32 s28, s30;
	s17 =	sadd.s32 s14, s29;
	s12 =	sadd.s32 s12, s3  }
0xd: {  	s11 =	sshrl.u32 s11, $0x3;
	s31 =	sadd.s32 $0x1E0, s17;
	s14 =	smax.u32 s15, $0x1  }
0xe: {  	s17 =	sadd.s32 $0x140, s17;
	s13 =	sadd.s32 s11, s8;
	s10 =	sshrl.u32 s10, $0x3  }
0xf: {  	s8 =	sadd.s32 s6, s10;
	s16 =	sadd.s32 $0x14, s10;
	s9 =	sadd.s32 s7, s10  }
0x10: {  	s10 =	sadd.s32 s6, s16;
	s11 =	sadd.s32 s7, s16;
	s16 =	sshrl.u32 s31, $0x3  }
0x11: {  	s13 =	sadd.s32 $0x4E200, s13;
	s15 =	sadd.s32 s16, s7;
	s16 =	sadd.s32 s16, s6  }
.LBB2_1:
0x12: {  	[tilespmem:s4], [sflag:$0x3] =	stream.linear.gather [hbm4b:s8+s4], $0xA0, $0x38;
	[tilespmem:$0x1E280] =	vst v63  }
0x13: {  	_ =	swait.ge [sflag:s18], $0xA0  }
0x14: {  	[sflag:s18] =	ssyncset.done $0x0  }
0x15: {  	[sflag:s18] =	ssyncadd.s32 $0xFFFFFF60  }
0x16: {  	[tilespmem:s19], [sflag:$0x3] =	stream.linear.gather [hbm4b:s9+s4], $0xA0, $0x38;
	[tilespmem:$0x1E280] =	vst v63  }
0x17: {  	_ =	swait.ge [sflag:s18], $0xA0  }
0x18: {  	[sflag:s18] =	ssyncset.done $0x0  }
0x19: {  	[sflag:s18] =	ssyncadd.s32 $0xFFFFFF60  }
0x1a: {  	[tilespmem:s21], [sflag:$0x1] =	stream.indirect.gather [hbm4b:s5+s20], $0x80, s4, s20, $0xb8;
	[tilespmem:$0x1E280] =	vst v63  }
0x1b: {  	_ = 	snop  }
0x1c: {  	[tilespmem:s20], [sflag:$0x3] =	stream.linear.gather [hbm4b:s10+s4], $0xA0, $0x38;
	[tilespmem:$0x1E280] =	vst v63  }
0x1d: {  	_ =	swait.ge [sflag:s18], $0xA0  }
0x1e: {  	[sflag:s18] =	ssyncset.done $0x0  }
0x1f: {  	[sflag:s18] =	ssyncadd.s32 $0xFFFFFF60  }
0x20: {  	[tilespmem:s22], [sflag:$0x3] =	stream.linear.gather [hbm4b:s11+s4], $0xA0, $0x38;
	[tilespmem:$0x1E280] =	vst v63  }
0x21: {  	_ =	swait.ge [sflag:s18], $0xA0  }
0x22: {  	s0 =	stileid.u32;
	[sflag:s18] =	ssyncset.done $0x0  }
0x23: {  	s28 =	sshll.u32 s0, $0x6;
	[sflag:s18] =	ssyncadd.s32 $0xFFFFFF60  }
0x24: {  	[tilespmem:s23], [sflag:$0x2] =	stream.indirect.gather [hbm4b:s5+s20], $0x80, s20, s20, $0xb8;
	[tilespmem:$0x1E280] =	vst v63  }
0x25: {  	s29 =	sshrl.u32 s12, $0x3;
	s28 =	sor.u32 $0x1C03, s28;
	s2 =	rddreg [dreg:$0x1]  }
0x26: {  	[spmem:s29], [sflag:s28] =	dma.local [hbm:s2], $0x2800  }
0x27: {  	_ =	swait.ge [sflag:s18], $0x2800  }
0x28: {  	[sflag:s18] =	ssyncset.done $0x0  }
0x29: {  	[sflag:s18] =	ssyncadd.s32 $0xFFFFD800  }
0x2a: {  	[bflag:$0x0] =	sbarrier.arrive $0xFFFF  }
0x2b: {  	_ =	swait.ge [sflag:s24], $0x5000  }
0x2c: {  	[sflag:s24] =	ssyncset.done $0x0  }
0x2d: {  	[sflag:s24] =	ssyncadd.s32 $0xFFFFB000  }
0x2e: {  	[spmem:s3] =	stream.indirect.scatter.add.f32 [tilespmem:s21], [sflag:$0x3], $0x80, s19, s20, $0xb8;
	[tilespmem:$0x1E280] =	vst v63  }
0x2f: {  	_ =	swait.ge [sflag:s18], $0x5000  }
0x30: {  	s30 =	sshrl.u32 s17, $0x3;
	[sflag:s18] =	ssyncset.done $0x0  }
0x31: {  	s31 =	sadd.s32 s6, s30;
	[sflag:s18] =	ssyncadd.s32 $0xFFFFB000  }
0x32: {  	[tilespmem:s4], [sflag:$0x3] =	stream.linear.gather [hbm4b:s31+s4], $0xA0, $0x38;
	[tilespmem:$0x1E280] =	vst v63  }
0x33: {  	_ =	swait.ge [sflag:s18], $0xA0  }
0x34: {  	[sflag:s18] =	ssyncset.done $0x0  }
0x35: {  	s30 =	sadd.s32 s7, s30;
	[sflag:s18] =	ssyncadd.s32 $0xFFFFFF60  }
0x36: {  	[tilespmem:s19], [sflag:$0x3] =	stream.linear.gather [hbm4b:s30+s4], $0xA0, $0x38;
	[tilespmem:$0x1E280] =	vst v63  }
0x37: {  	_ =	swait.ge [sflag:s18], $0xA0  }
0x38: {  	[sflag:s18] =	ssyncset.done $0x0  }
0x39: {  	[sflag:s18] =	ssyncadd.s32 $0xFFFFFF60  }
0x3a: {  	[tilespmem:s21], [sflag:$0x1] =	stream.indirect.gather [hbm4b:s5+s20], $0x80, s4, s20, $0xb8;
	[tilespmem:$0x1E280] =	vst v63  }
0x3b: {  	_ =	swait.ge [sflag:s25], $0x5000  }
0x3c: {  	[sflag:s25] =	ssyncset.done $0x0  }
0x3d: {  	[sflag:s25] =	ssyncadd.s32 $0xFFFFB000  }
0x3e: {  	[spmem:s3] =	stream.indirect.scatter.add.f32 [tilespmem:s23], [sflag:$0x3], $0x80, s22, s20, $0xb8;
	[tilespmem:$0x1E280] =	vst v63  }
0x3f: {  	_ =	swait.ge [sflag:s18], $0x5000  }
0x40: {  	[sflag:s18] =	ssyncset.done $0x0  }
0x41: {  	s30 =	sadd.s32 $0x0, s16;
	[sflag:s18] =	ssyncadd.s32 $0xFFFFB000  }
0x42: {  	[tilespmem:s20], [sflag:$0x3] =	stream.linear.gather [hbm4b:s30+s4], $0xA0, $0x38;
	[tilespmem:$0x1E280] =	vst v63  }
0x43: {  	_ =	swait.ge [sflag:s18], $0xA0  }
0x44: {  	[sflag:s18] =	ssyncset.done $0x0  }
0x45: {  	s30 =	sadd.s32 $0x0, s15;
	[sflag:s18] =	ssyncadd.s32 $0xFFFFFF60  }
0x46: {  	[tilespmem:s22], [sflag:$0x3] =	stream.linear.gather [hbm4b:s30+s4], $0xA0, $0x38;
	[tilespmem:$0x1E280] =	vst v63  }
0x47: {  	_ =	swait.ge [sflag:s18], $0xA0  }
0x48: {  	[sflag:s18] =	ssyncset.done $0x0  }
0x49: {  	s31 =	sadd.s32 $0x140, s17;
	s30 =	simm.s32 $0x28;
	[sflag:s18] =	ssyncadd.s32 $0xFFFFFF60  }
.LBB2_2:
0x4a: {  	[tilespmem:s23], [sflag:$0x2] =	stream.indirect.gather [hbm4b:s5+s20], $0x80, s20, s20, $0xb8;
	[tilespmem:$0x1E280] =	vst v63  }
0x4b: {  	s0 =	smov.u32 s30  }
0x4c: {  	p0 =	sne.s32 s30, $0x4D8;
	s30 =	sadd.s32 $0x28, s30;
	_ =	swait.ge [sflag:s24], $0x5000  }
0x4d: {  	[sflag:s24] =	ssyncset.done $0x0  }
0x4e: {  	[sflag:s24] =	ssyncadd.s32 $0xFFFFB000  }
0x4f: {  	[spmem:s3] =	stream.indirect.scatter.add.f32 [tilespmem:s21], [sflag:$0x3], $0x80, s19, s20, $0xb8;
	[tilespmem:$0x1E280] =	vst v63  }
0x50: {  	_ =	swait.ge [sflag:s18], $0x5000  }
0x51: {  	s2 =	sshrl.u32 s31, $0x3;
	[sflag:s18] =	ssyncset.done $0x0  }
0x52: {  	s1 =	sadd.s32 s6, s2;
	[sflag:s18] =	ssyncadd.s32 $0xFFFFB000  }
0x53: {  	[tilespmem:s4], [sflag:$0x3] =	stream.linear.gather [hbm4b:s1+s4], $0xA0, $0x38;
	[tilespmem:$0x1E280] =	vst v63  }
0x54: {  	_ =	swait.ge [sflag:s18], $0xA0  }
0x55: {  	[sflag:s18] =	ssyncset.done $0x0  }
0x56: {  	s1 =	sadd.s32 s7, s2;
	[sflag:s18] =	ssyncadd.s32 $0xFFFFFF60  }
0x57: {  	[tilespmem:s19], [sflag:$0x3] =	stream.linear.gather [hbm4b:s1+s4], $0xA0, $0x38;
	[tilespmem:$0x1E280] =	vst v63  }
0x58: {  	_ =	swait.ge [sflag:s18], $0xA0  }
0x59: {  	[sflag:s18] =	ssyncset.done $0x0  }
0x5a: {  	[sflag:s18] =	ssyncadd.s32 $0xFFFFFF60  }
0x5b: {  	[tilespmem:s21], [sflag:$0x1] =	stream.indirect.gather [hbm4b:s5+s20], $0x80, s4, s20, $0xb8;
	[tilespmem:$0x1E280] =	vst v63  }
0x5c: {  	_ =	swait.ge [sflag:s25], $0x5000  }
0x5d: {  	[sflag:s25] =	ssyncset.done $0x0  }
0x5e: {  	[sflag:s25] =	ssyncadd.s32 $0xFFFFB000  }
0x5f: {  	[spmem:s3] =	stream.indirect.scatter.add.f32 [tilespmem:s23], [sflag:$0x3], $0x80, s22, s20, $0xb8;
	[tilespmem:$0x1E280] =	vst v63  }
0x60: {  	_ =	swait.ge [sflag:s18], $0x5000  }
0x61: {  	[sflag:s18] =	ssyncset.done $0x0  }
0x62: {  	s1 =	sadd.s32 s0, s16;
	[sflag:s18] =	ssyncadd.s32 $0xFFFFB000  }
0x63: {  	[tilespmem:s20], [sflag:$0x3] =	stream.linear.gather [hbm4b:s1+s4], $0xA0, $0x38;
	[tilespmem:$0x1E280] =	vst v63  }
0x64: {  	_ =	swait.ge [sflag:s18], $0xA0  }
0x65: {  	[sflag:s18] =	ssyncset.done $0x0  }
.Ltmp0:
0x66: {  	s0 =	sadd.s32 s0, s15;
	[sflag:s18] =	ssyncadd.s32 $0xFFFFFF60;
	(pc) =	sbr.rel @p0 .LBB2_2-.Ltmp0, $4  }
0x67: {  	[tilespmem:s22], [sflag:$0x3] =	stream.linear.gather [hbm4b:s0+s4], $0xA0, $0x38;
	[tilespmem:$0x1E280] =	vst v63  }
0x68: {  	_ =	swait.ge [sflag:s18], $0xA0  }
0x69: {  	[sflag:s18] =	ssyncset.done $0x0  }
0x6a: {  	s31 =	sadd.s32 $0x140, s31;
	[sflag:s18] =	ssyncadd.s32 $0xFFFFFF60  }
0x6b: {  	[tilespmem:s23], [sflag:$0x2] =	stream.indirect.gather [hbm4b:s5+s20], $0x80, s20, s20, $0xb8;
	[tilespmem:$0x1E280] =	vst v63  }
0x6c: {  	_ =	swait.ge [sflag:s24], $0x5000  }
0x6d: {  	[sflag:s24] =	ssyncset.done $0x0  }
0x6e: {  	[sflag:s24] =	ssyncadd.s32 $0xFFFFB000  }
0x6f: {  	[spmem:s3] =	stream.indirect.scatter.add.f32 [tilespmem:s21], [sflag:$0x3], $0x80, s19, s20, $0xb8;
	[tilespmem:$0x1E280] =	vst v63  }
0x70: {  	_ =	swait.ge [sflag:s18], $0x5000  }
0x71: {  	[sflag:s18] =	ssyncset.done $0x0  }
0x72: {  	[sflag:s18] =	ssyncadd.s32 $0xFFFFB000  }
0x73: {  	_ =	swait.ge [sflag:s25], $0x5000  }
0x74: {  	[sflag:s25] =	ssyncset.done $0x0  }
0x75: {  	[sflag:s25] =	ssyncadd.s32 $0xFFFFB000  }
0x76: {  	[spmem:s3] =	stream.indirect.scatter.add.f32 [tilespmem:s23], [sflag:$0x3], $0x80, s22, s20, $0xb8;
	[tilespmem:$0x1E280] =	vst v63  }
0x77: {  	_ =	swait.ge [sflag:s18], $0x5000  }
0x78: {  	s26 =	sadd.s32 $0x1, s26;
	[sflag:s18] =	ssyncset.done $0x0  }
0x79: {  	p0 =	sne.s32 s26, s14;
	[sflag:s18] =	ssyncadd.s32 $0xFFFFB000  }
.Ltmp1:
0x7a: {  	[bflag:$0x0] =	sbarrier.arrive $0xFFFF;
	(pc) =	sbr.rel @p0 .LBB2_1-.Ltmp1, $4  }
0x7b: {  	[hbm:s13], [sflag:s28] =	dma.local [spmem:s29], $0x2800  }
0x7c: {  	_ =	swait.ge [sflag:s18], $0x2800  }
0x7d: {  	[sflag:s18] =	ssyncset.done $0x0  }
0x7e: {  	[sflag:s18] =	ssyncadd.s32 $0xFFFFD800  }
0x7f: {  	_ =	sfence.sel $0x180000  }
0x80: {  	[bflag:$0x0] =	sbarrier.arrive $0xFFFF  }
0x81: {  	_ =	strace $0x9000004A  }
0x82: {  	s0 =	stileid.u32;
	[bflag:$0x2] =	sbarrier.arrive $0xFFFF  }
0x83: {  	p0 =	sne.s32 s0, $0x0;
	s0 =	rddreg [dreg:$0x3]  }
0x84: {  	s0 =	sadd.s32 @!p0 $0x100000, s0  }
0x85: {  	[sflag:s0] =	ssyncadd.tile.s32 @!p0 $0x1;
	_ =	shalt  }
.Lfunc_end2:
_tile_overlayer_lowered:
.L_overlay_start_2:
0x86: {  	(tag) =	ssettag $0x2  }
0x87: {  	s0 =	rddreg [dreg:$0x0];
	s2 =	stileid.u32  }
0x88: {  	s1 =	rddreg [dreg:$0x1];
	p0 =	sne.s32 s2, $0x0  }
0x89: {  	s3 =	rddreg [dreg:$0x2];
	[bflag:$0x3] =	sbarrier.arrive $0xFFFF;
	s2 =	simm.s32 @!p0 $0x1C03  }
0x8a: {  	[timem:s3], [sflag:s2] =	dma.local @!p0 [hbm:s0], s1  }
0x8b: {  	s0 =	simm.s32 @!p0 $0x3  }
0x8c: {  	_ =	swait.ge @!p0 [sflag:s0], s1  }
0x8d: {  	s1 =	ssub.s32 @!p0 $0x0, s1;
	[sflag:s0] =	ssyncset.done @!p0 $0x0  }
0x8e: {  	[sflag:s0] =	ssyncadd.s32 @!p0 s1  }
0x8f: {  	[bflag:$0x3] =	sbarrier.arrive $0xFFFF  }
0x90: {  	_ =	shalt  }

// kernel: kernel.20.cloned.1.call-start
scs
__scs_entry_jumppad:
0x0: {  	(pc) =	sbr.rel $0x88, $3  }
0x1: {  	(tag) =	ssettag $0x0;
	lr =	simm.s32 $0x1  }
0x2: {  	[smem:$0x3F95] =	sst lr;
	_ =	strace $0xD0000000  }
0x3: {  	_ = 	snop  }
0x4: {  	_ = 	snop  }
0x5: {  	_ = 	snop  }
0x6: {  	_ = 	snop  }
0x7: {  	_ = 	snop  }
__scs_overlays_trampoline_lowered:
0x8: {  	[smem:$0x3FA4] =	sst s0  }
0x9: {  	[smem:$0x3FA5] =	sst s1  }
0xa: {  	[smem:$0x3FA6] =	sst s2  }
0xb: {  	[smem:$0x3FA7] =	sst s3  }
0xc: {  	[smem:$0x3FA8] =	sst s4  }
0xd: {  	[smem:$0x3FA9] =	sst s5  }
0xe: {  	[smem:$0x3FAA] =	sst s6  }
0xf: {  	[smem:$0x3FAB] =	sst s7  }
0x10: {  	[smem:$0x3FAC] =	sst s8  }
0x11: {  	[smem:$0x3FAD] =	sst s9;
	s0 =	simm.s32 @!p0 $0x0  }
0x12: {  	s1 =	sld [smem:$0x3F93];
	s0 =	simm.s32 @p0 $0x1  }
0x13: {  	[smem:$0x3FAE] =	sst s0;
	s0 =	simm.s32 @!p1 $0x0  }
0x14: {  	s2 =	sld [smem:$0x3F92];
	s0 =	simm.s32 @p1 $0x1  }
0x15: {  	[smem:$0x3FAF] =	sst s0;
	s0 =	simm.s32 @!p2 $0x0  }
0x16: {  	s3 =	sld [smem:$0x3FDB];
	s0 =	simm.s32 @p2 $0x1  }
0x17: {  	s4 =	simm.s32 $0x1BF5;
	[smem:$0x3FB1] =	sst s0  }
0x18: {  	s0 =	sld [smem:$0x3F94];
	_ =	swait.ge [sflag:s4], $0x0  }
0x19: {  	s7 =	sld [smem:$0x3F95]  }
0x1a: {  	s8 =	sadd.s32 $0xFFFFE003, lr  }
0x1b: {  	s9 =	sadd.s32 $0xFFFFFEF7, lr;
	s5 =	simm.s32 $0xFFFFFFFF;
	p2 =	slt.u32 s8, $0xFFFFF086  }
0x1c: {  	p1 =	slt.u32 s9, $0xF7A;
	s5 =	simm.s32 @!p2 $0x0  }
0x1d: {  	s5 =	simm.s32 @p1 $0x1;
	p0 =	seq.s32 s7, s2  }
0x1e: {  	s7 =	smul.u32 @!p0 $0xF7A, s2;
	p2 =	seq.s32 @!p0 s5, $0x0  }
0x1f: {  	s9 =	smul.u32 $0xF7A, s1;
	s8 =	simm.s32 @!p0 $0x1BF5;
	p2 =	por !p2, p0  }
0x20: {  	[sflag:s8] =	ssyncset.s32 @!p0 $0xFFFFF086;
	s6 =	sadd.s32 @!p0 s3, s7;
	s7 =	simm.s32 @!p0 $0x108  }
0x21: {  	s3 =	sadd.s32 s3, s9;
	s6 =	sadd.s32 @!p0 $0x88, s6;
	s7 =	simm.s32 @p2 $0x1082  }
0x22: {  	[simem:s7], [sflag:s8] =	dma.local @!p0 [hbm:s6], $0xF7A  }
0x23: {  	s9 =	sor.u32 $0xD0000000, s2;
	s6 =	simm.s32 $0x108;
	_ =	swait.ge @!p0 [sflag:s8], $0x0  }
0x24: {  	s3 =	sadd.s32 $0x88, s3;
	s6 =	simm.s32 @!p1 $0x1082;
	[sflag:s4] =	ssyncset.s32 $0xFFFFF086  }
0x25: {  	[simem:s6], [sflag:s4] =	dma.local [hbm:s3], $0xF7A  }
0x26: {  	[smem:$0x3F95] =	sst s1;
	(tag) =	ssettag s2;
	_ =	strace s9  }
0x27: {  	s1 =	sld [smem:$0x3FA5]  }
0x28: {  	s2 =	sld [smem:$0x3FA6]  }
0x29: {  	s4 =	sld [smem:$0x3FA8]  }
0x2a: {  	p0 =	seq.s32 s5, $0x0;
	s5 =	sld [smem:$0x3FA9]  }
0x2b: {  	s6 =	sld [smem:$0x3FAA]  }
0x2c: {  	s7 =	sld [smem:$0x3FAB]  }
0x2d: {  	s3 =	simm.s32 $0x108;
	s8 =	sld [smem:$0x3FAC]  }
0x2e: {  	s3 =	simm.s32 @!p0 $0x1082;
	s9 =	sld [smem:$0x3FAD]  }
0x2f: {  	lr =	sadd.s32 s0, s3;
	s0 =	sld [smem:$0x3FA4]  }
0x30: {  	s3 =	sld [smem:$0x3FA7]  }
0x31: {  	[smem:$0x3FB0] =	sst s10  }
0x32: {  	s10 =	sld [smem:$0x3FAE];
	_ =	sdelay $0x3  }
0x33: {  	p0 =	seq.s32 s10, $0x1;
	s10 =	sld [smem:$0x3FB0];
	_ =	sdelay $0x3  }
0x34: {  	[smem:$0x3FB0] =	sst s10  }
0x35: {  	s10 =	sld [smem:$0x3FAF];
	_ =	sdelay $0x3  }
0x36: {  	p1 =	seq.s32 s10, $0x1;
	s10 =	sld [smem:$0x3FB0];
	_ =	sdelay $0x3  }
0x37: {  	[smem:$0x3FB0] =	sst s10  }
0x38: {  	s10 =	sld [smem:$0x3FB1]  }
0x39: {  	_ = 	snop;
	(pc) =	sbr.ind lr, $3  }
0x3a: {  	_ = 	snop  }
0x3b: {  	_ = 	snop  }
0x3c: {  	p2 =	seq.s32 s10, $0x1;
	s10 =	sld [smem:$0x3FB0]  }
0x3d: {  	_ =	shalt  }
0x3e: {  	_ =	shalt  }
0x3f: {  	_ =	shalt  }
0x40: {  	_ =	shalt  }
0x41: {  	_ =	shalt  }
0x42: {  	_ =	shalt  }
0x43: {  	_ =	shalt  }
0x44: {  	_ =	shalt  }
0x45: {  	_ =	shalt  }
0x46: {  	_ =	shalt  }
0x47: {  	_ =	shalt  }
0x48: {  	_ =	shalt  }
0x49: {  	_ =	shalt  }
0x4a: {  	_ =	shalt  }
0x4b: {  	_ =	shalt  }
0x4c: {  	_ =	shalt  }
0x4d: {  	_ =	shalt  }
0x4e: {  	_ =	shalt  }
0x4f: {  	_ =	shalt  }
0x50: {  	_ =	shalt  }
0x51: {  	_ =	shalt  }
0x52: {  	_ =	shalt  }
0x53: {  	_ =	shalt  }
0x54: {  	_ =	shalt  }
0x55: {  	_ =	shalt  }
0x56: {  	_ =	shalt  }
0x57: {  	_ =	shalt  }
0x58: {  	_ =	shalt  }
0x59: {  	_ =	shalt  }
0x5a: {  	_ =	shalt  }
0x5b: {  	_ =	shalt  }
0x5c: {  	_ =	shalt  }
0x5d: {  	_ =	shalt  }
0x5e: {  	_ =	shalt  }
0x5f: {  	_ =	shalt  }
0x60: {  	_ =	shalt  }
0x61: {  	_ =	shalt  }
0x62: {  	_ =	shalt  }
0x63: {  	_ =	shalt  }
0x64: {  	_ =	shalt  }
0x65: {  	_ =	shalt  }
0x66: {  	_ =	shalt  }
0x67: {  	_ =	shalt  }
0x68: {  	_ =	shalt  }
0x69: {  	_ =	shalt  }
0x6a: {  	_ =	shalt  }
0x6b: {  	_ =	shalt  }
0x6c: {  	_ =	shalt  }
0x6d: {  	_ =	shalt  }
0x6e: {  	_ =	shalt  }
0x6f: {  	_ =	shalt  }
0x70: {  	_ =	shalt  }
0x71: {  	_ =	shalt  }
0x72: {  	_ =	shalt  }
0x73: {  	_ =	shalt  }
0x74: {  	_ =	shalt  }
0x75: {  	_ =	shalt  }
0x76: {  	_ =	shalt  }
0x77: {  	_ =	shalt  }
0x78: {  	_ =	shalt  }
0x79: {  	_ =	shalt  }
0x7a: {  	_ =	shalt  }
0x7b: {  	_ =	shalt  }
0x7c: {  	_ =	shalt  }
0x7d: {  	_ =	shalt  }
0x7e: {  	_ =	shalt  }
0x7f: {  	_ =	shalt  }
0x80: {  	_ =	shalt  }
0x81: {  	_ =	shalt  }
0x82: {  	_ =	shalt  }
0x83: {  	_ =	shalt  }
0x84: {  	_ =	shalt  }
0x85: {  	_ =	shalt  }
0x86: {  	_ =	shalt  }
0x87: {  	_ =	shalt  }
.Lfunc_end0:
.L_simem_size_0:
called_computation.2_lowered:
.L_overlay_start_0:
0x88: {  	s2 =	sld [smem:$0x3FD9]  }
0x89: {  	s3 =	sld [smem:$0x3FFE];
	_ =	sdelay $0x1  }
0x8a: {  	s1 =	srdreg.scid  }
0x8b: {  	s0 =	sand.u32 $0x1, s1  }
0x8c: {  	s17 =	sshll.u32 s0, $0xA;
	s2 =	sadd.s32 s3, s2  }
0x8d: {  	s2 =	sadd.s32 s2, s17  }
0x8e: {  	[smem:$0x3FBC] =	sst s2  }
0x8f: {  	_ = 	snop  }
0x90: {  	s2 =	sld [smem:$0x3FD0];
	(tm) =	ssettm $0x1  }
0x91: {  	s18 =	sld [smem:$0x3FFB];
	_ =	sdelay $0x3  }
0x92: {  	_ =	strace s18  }
0x93: {  	s3 =	sld [smem:$0x3FFC];
	_ =	sdelay $0x3  }
0x94: {  	_ =	strace s3  }
0x95: {  	s3 =	sld [smem:$0x3FFD];
	_ =	sdelay $0x3  }
0x96: {  	_ =	strace s3  }
0x97: {  	_ =	strace $0x8FFFFFFF  }
0x98: {  	s19 =	sld [smem:$0x3FDB];
	_ =	sdelay $0x1  }
0x99: {  	s4 =	simm.s32 $_scs_section_size  }
0x9a: {  	s5 =	simm.s32 $_size__tile_overlayer_lowered;
	s6 =	simm.s32 $_tile_overlayer_lowered  }
0x9b: {  	s22 =	simm.s32 $0x1BFF;
	s21 =	sshll.u32 s6, $0x1;
	s3 =	sadd.s32 s4, s19  }
0x9c: {  	s7 =	simm.s32 $0x0;
	s20 =	sshll.u32 s5, $0x1;
	s5 =	sadd.s32 s21, s3  }
0x9d: {  	[timem:s7], [sflag:s22] =	dma.local [hbm:s5], s20  }
0x9e: {  	_ =	swait.ge [sflag:s22], s20  }
0x9f: {  	s4 =	ssub.s32 $0x0, s20;
	[sflag:s22] =	ssyncset.done $0x0  }
0xa0: {  	[sflag:s22] =	ssyncadd.s32 s4;
	_ =	sdelay $0x1  }
0xa1: {  	s23 =	simm.s32 $0x1B8B  }
0xa2: {  	_ =	swait.ge [sflag:s23], $0x1  }
0xa3: {  	[sflag:s23] =	ssyncset.done $0x0  }
0xa4: {  	s25 =	simm.s32 $0x1B8E;
	s24 =	sld [smem:$0x3FFE];
	[sflag:s23] =	ssyncadd.s32 $0xFFFFFFFF  }
0xa5: {  	s26 =	simm.s32 $execute0_lowered;
	[smem:$0x3FD2] =	sst s25  }
0xa6: {  	s5 =	sshll.u32 s26, $0x1;
	_ =	strace $0x8000004C;
	[dreg:$0x1] =	wrdreg $0xFFFFFFFF  }
0xa7: {  	s28 =	simm.s32 $_size_execute0_lowered;
	s3 =	sadd.s32 s3, s5;
	[dreg:$0x0] =	wrdreg $0x0  }
0xa8: {  	s5 =	sshll.u32 s28, $0x1;
	[dreg:$0x2] =	wrdreg s3  }
0xa9: {  	[dreg:$0x3] =	wrdreg s5  }
0xaa: {  	[dreg:$0x4] =	wrdreg $0xC0  }
0xab: {  	_ =	task [dreg:s7], $0x5FFFF  }
0xac: {  	[dreg:$0x1] =	wrdreg $0xFFFFFFFF  }
0xad: {  	[dreg:$0x0] =	wrdreg $0x60  }
0xae: {  	[dreg:$0x2] =	wrdreg s24  }
0xaf: {  	[dreg:$0x3] =	wrdreg s2  }
0xb0: {  	[dreg:$0x4] =	wrdreg $0x108000  }
0xb1: {  	[dreg:$0x5] =	wrdreg $0x9  }
0xb2: {  	_ =	task.clear_ibuf [dreg:s7], $0x6FFFF;
	_ =	strace $0x9000004C  }
0xb3: {  	s29 =	simm.s32 $0x9;
	_ =	strace $0x8000004E  }
0xb4: {  	_ =	swait.ge [sflag:s29], $0x1  }
0xb5: {  	[sflag:s29] =	ssyncadd.s32 $0xFFFFFFFF  }
0xb6: {  	_ =	strace $0x9000004E  }
0xb7: {  	_ =	sfence  }
0xb8: {  	s30 =	sld [smem:$0x0];
	_ =	sdelay $0x2  }
0xb9: {  	s31 =	sshll.u32 s1, $0xD;
	s1 =	sshrl.u32 s1, $0x2  }
0xba: {  	s3 =	sand.u32 $0x4000, s31;
	s1 =	sadd.s32 s1, s30  }
0xbb: {  	s0 =	sor.u32 s3, s0;
	s1 =	sshll.u32 s1, $0x11  }
0xbc: {  	s0 =	sor.u32 s1, s0  }
0xbd: {  	s0 =	sadd.s32 $0x8F2B, s0  }
0xbe: {  	[sflag:s0] =	ssyncadd.remote.s32 $0x1  }
0xbf: {  	_ =	sfence.sel $0xFFFF  }
0xc0: {  	[dreg:$0x0] =	wrdreg $0xFFFFFFFF;
	(pc) =	sbr.abs _section_cstart, $3  }
0xc1: {  	[dreg:$0x1] =	wrdreg $0xFFFFFFFF  }
0xc2: {  	_ =	task.clear_ibuf [dreg:s7], $0x2FFFF;
	_ =	strace $0x9FFFFFFF  }
0xc3: {  	(tm) =	ssettm $0x7FFFFFFF  }
tec
execute0_lowered:
.L_overlay_start_1:
0x0: {  	(tag) =	ssettag $0x1  }
0x1: {  	s8 =	rddreg [dreg:$0x0]  }
0x2: {  	s3 =	rddreg [dreg:$0x2];
	s5 =	srdreg.scid  }
0x3: {  	s0 =	stileid.u32;
	s4 =	simm.s32 $0x0;
	s18 =	simm.s32 $0x3  }
0x4: {  	s19 =	simm.s32 $0x400;
	s20 =	simm.s32 $0x200;
	s21 =	simm.s32 $0x800  }
0x5: {  	s22 =	simm.s32 $0x600;
	s23 =	simm.s32 $0x8800;
	s24 =	simm.s32 $0x1  }
0x6: {  	s25 =	simm.s32 $0x2;
	s26 =	simm.s32 $0x0;
	s12 =	smul.u32 $0xA000, s0  }
0x7: {  	s9 =	sand.u32 $0x1, s5;
	[smem:$0x7FF] =	sst s4;
	s14 =	smul.u32 $0x2C00, s0  }
0x8: {  	s5 =	sadd.s32 $0x26200, s8;
	s6 =	sadd.s32 $0x1A200, s8;
	s7 =	smul.u32 $0xA0000, s9  }
0x9: {  	_ =	strace $0x8000004D;
	s10 =	sshll.u32 s9, $0x4;
	s28 =	ssub.s32 $0x2, s9  }
0xa: {  	s29 =	smul.u32 $0x2C000, s9;
	s10 =	sor.u32 s0, s10;
	s30 =	sshrl.u32 s28, $0x1  }
0xb: {  	s11 =	sadd.s32 s12, s7;
	s7 =	sadd.s32 $0x3C00, s8;
	s10 =	smul.u32 $0x2C00, s10  }
0xc: {  	s15 =	ssub.s32 s28, s30;
	s17 =	sadd.s32 s14, s29;
	s12 =	sadd.s32 s12, s3  }
0xd: {  	s11 =	sshrl.u32 s11, $0x3;
	s31 =	sadd.s32 $0x600, s17;
	s14 =	smax.u32 s15, $0x1  }
0xe: {  	s17 =	sadd.s32 $0x400, s17;
	s13 =	sadd.s32 s11, s8;
	s10 =	sshrl.u32 s10, $0x3  }
0xf: {  	s8 =	sadd.s32 s6, s10;
	s16 =	sor.u32 $0x40, s10;
	s9 =	sadd.s32 s7, s10  }
0x10: {  	s10 =	sadd.s32 s6, s16;
	s11 =	sadd.s32 s7, s16;
	s16 =	sshrl.u32 s31, $0x3  }
0x11: {  	s13 =	sadd.s32 $0x3A200, s13;
	s15 =	sadd.s32 s16, s7;
	s16 =	sadd.s32 s16, s6  }
.LBB2_1:
0x12: {  	[tilespmem:s4], [sflag:$0x3] =	stream.linear.gather [hbm4b:s8+s4], $0x200, $0x38;
	[tilespmem:$0x1A800] =	vst v63  }
0x13: {  	_ =	swait.ge [sflag:s18], $0x200  }
0x14: {  	[sflag:s18] =	ssyncset.done $0x0  }
0x15: {  	[sflag:s18] =	ssyncadd.s32 $0xFFFFFE00  }
0x16: {  	[tilespmem:s19], [sflag:$0x3] =	stream.linear.gather [hbm4b:s9+s4], $0x200, $0x38;
	[tilespmem:$0x1A800] =	vst v63  }
0x17: {  	_ =	swait.ge [sflag:s18], $0x200  }
0x18: {  	[sflag:s18] =	ssyncset.done $0x0  }
0x19: {  	[sflag:s18] =	ssyncadd.s32 $0xFFFFFE00  }
0x1a: {  	[tilespmem:s21], [sflag:$0x1] =	stream.indirect.gather [hbm4b:s5+s20], $0x40, s4, s20, $0xb8;
	[tilespmem:$0x1A800] =	vst v63  }
0x1b: {  	_ = 	snop  }
0x1c: {  	[tilespmem:s20], [sflag:$0x3] =	stream.linear.gather [hbm4b:s10+s4], $0x200, $0x38;
	[tilespmem:$0x1A800] =	vst v63  }
0x1d: {  	_ =	swait.ge [sflag:s18], $0x200  }
0x1e: {  	[sflag:s18] =	ssyncset.done $0x0  }
0x1f: {  	[sflag:s18] =	ssyncadd.s32 $0xFFFFFE00  }
0x20: {  	[tilespmem:s22], [sflag:$0x3] =	stream.linear.gather [hbm4b:s11+s4], $0x200, $0x38;
	[tilespmem:$0x1A800] =	vst v63  }
0x21: {  	_ =	swait.ge [sflag:s18], $0x200  }
0x22: {  	s0 =	stileid.u32;
	[sflag:s18] =	ssyncset.done $0x0  }
0x23: {  	s28 =	sshll.u32 s0, $0x6;
	[sflag:s18] =	ssyncadd.s32 $0xFFFFFE00  }
0x24: {  	[tilespmem:s23], [sflag:$0x2] =	stream.indirect.gather [hbm4b:s5+s20], $0x40, s20, s20, $0xb8;
	[tilespmem:$0x1A800] =	vst v63  }
0x25: {  	s29 =	sshrl.u32 s12, $0x3;
	s28 =	sor.u32 $0x1C03, s28;
	s2 =	rddreg [dreg:$0x1]  }
0x26: {  	[spmem:s29], [sflag:s28] =	dma.local [hbm:s2], $0x1400  }
0x27: {  	_ =	swait.ge [sflag:s18], $0x1400  }
0x28: {  	[sflag:s18] =	ssyncset.done $0x0  }
0x29: {  	[sflag:s18] =	ssyncadd.s32 $0xFFFFEC00  }
0x2a: {  	[bflag:$0x0] =	sbarrier.arrive $0xFFFF  }
0x2b: {  	_ =	swait.ge [sflag:s24], $0x8000  }
0x2c: {  	[sflag:s24] =	ssyncset.done $0x0  }
0x2d: {  	[sflag:s24] =	ssyncadd.s32 $0xFFFF8000  }
0x2e: {  	[spmem:s3] =	stream.indirect.scatter.add.f32 [tilespmem:s21], [sflag:$0x3], $0x40, s19, s20, $0xb8;
	[tilespmem:$0x1A800] =	vst v63  }
0x2f: {  	_ =	swait.ge [sflag:s18], $0x8000  }
0x30: {  	s30 =	sshrl.u32 s17, $0x3;
	[sflag:s18] =	ssyncset.done $0x0  }
0x31: {  	s31 =	sadd.s32 s6, s30;
	[sflag:s18] =	ssyncadd.s32 $0xFFFF8000  }
0x32: {  	[tilespmem:s4], [sflag:$0x3] =	stream.linear.gather [hbm4b:s31+s4], $0x200, $0x38;
	[tilespmem:$0x1A800] =	vst v63  }
0x33: {  	_ =	swait.ge [sflag:s18], $0x200  }
0x34: {  	[sflag:s18] =	ssyncset.done $0x0  }
0x35: {  	s30 =	sadd.s32 s7, s30;
	[sflag:s18] =	ssyncadd.s32 $0xFFFFFE00  }
0x36: {  	[tilespmem:s19], [sflag:$0x3] =	stream.linear.gather [hbm4b:s30+s4], $0x200, $0x38;
	[tilespmem:$0x1A800] =	vst v63  }
0x37: {  	_ =	swait.ge [sflag:s18], $0x200  }
0x38: {  	[sflag:s18] =	ssyncset.done $0x0  }
0x39: {  	[sflag:s18] =	ssyncadd.s32 $0xFFFFFE00  }
0x3a: {  	[tilespmem:s21], [sflag:$0x1] =	stream.indirect.gather [hbm4b:s5+s20], $0x40, s4, s20, $0xb8;
	[tilespmem:$0x1A800] =	vst v63  }
0x3b: {  	_ =	swait.ge [sflag:s25], $0x8000  }
0x3c: {  	[sflag:s25] =	ssyncset.done $0x0  }
0x3d: {  	[sflag:s25] =	ssyncadd.s32 $0xFFFF8000  }
0x3e: {  	[spmem:s3] =	stream.indirect.scatter.add.f32 [tilespmem:s23], [sflag:$0x3], $0x40, s22, s20, $0xb8;
	[tilespmem:$0x1A800] =	vst v63  }
0x3f: {  	_ =	swait.ge [sflag:s18], $0x8000  }
0x40: {  	[sflag:s18] =	ssyncset.done $0x0  }
0x41: {  	s30 =	sadd.s32 $0x0, s16;
	[sflag:s18] =	ssyncadd.s32 $0xFFFF8000  }
0x42: {  	[tilespmem:s20], [sflag:$0x3] =	stream.linear.gather [hbm4b:s30+s4], $0x200, $0x38;
	[tilespmem:$0x1A800] =	vst v63  }
0x43: {  	_ =	swait.ge [sflag:s18], $0x200  }
0x44: {  	[sflag:s18] =	ssyncset.done $0x0  }
0x45: {  	s30 =	sadd.s32 $0x0, s15;
	[sflag:s18] =	ssyncadd.s32 $0xFFFFFE00  }
0x46: {  	[tilespmem:s22], [sflag:$0x3] =	stream.linear.gather [hbm4b:s30+s4], $0x200, $0x38;
	[tilespmem:$0x1A800] =	vst v63  }
0x47: {  	_ =	swait.ge [sflag:s18], $0x200  }
0x48: {  	[sflag:s18] =	ssyncset.done $0x0  }
0x49: {  	s31 =	sadd.s32 $0x400, s17;
	s30 =	simm.s32 $0x80;
	[sflag:s18] =	ssyncadd.s32 $0xFFFFFE00  }
.LBB2_2:
0x4a: {  	[tilespmem:s23], [sflag:$0x2] =	stream.indirect.gather [hbm4b:s5+s20], $0x40, s20, s20, $0xb8;
	[tilespmem:$0x1A800] =	vst v63  }
0x4b: {  	s0 =	smov.u32 s30  }
0x4c: {  	p0 =	sne.s32 s30, $0x480;
	s30 =	sadd.s32 $0x80, s30;
	_ =	swait.ge [sflag:s24], $0x8000  }
0x4d: {  	[sflag:s24] =	ssyncset.done $0x0  }
0x4e: {  	[sflag:s24] =	ssyncadd.s32 $0xFFFF8000  }
0x4f: {  	[spmem:s3] =	stream.indirect.scatter.add.f32 [tilespmem:s21], [sflag:$0x3], $0x40, s19, s20, $0xb8;
	[tilespmem:$0x1A800] =	vst v63  }
0x50: {  	_ =	swait.ge [sflag:s18], $0x8000  }
0x51: {  	s2 =	sshrl.u32 s31, $0x3;
	[sflag:s18] =	ssyncset.done $0x0  }
0x52: {  	s1 =	sadd.s32 s6, s2;
	[sflag:s18] =	ssyncadd.s32 $0xFFFF8000  }
0x53: {  	[tilespmem:s4], [sflag:$0x3] =	stream.linear.gather [hbm4b:s1+s4], $0x200, $0x38;
	[tilespmem:$0x1A800] =	vst v63  }
0x54: {  	_ =	swait.ge [sflag:s18], $0x200  }
0x55: {  	[sflag:s18] =	ssyncset.done $0x0  }
0x56: {  	s1 =	sadd.s32 s7, s2;
	[sflag:s18] =	ssyncadd.s32 $0xFFFFFE00  }
0x57: {  	[tilespmem:s19], [sflag:$0x3] =	stream.linear.gather [hbm4b:s1+s4], $0x200, $0x38;
	[tilespmem:$0x1A800] =	vst v63  }
0x58: {  	_ =	swait.ge [sflag:s18], $0x200  }
0x59: {  	[sflag:s18] =	ssyncset.done $0x0  }
0x5a: {  	[sflag:s18] =	ssyncadd.s32 $0xFFFFFE00  }
0x5b: {  	[tilespmem:s21], [sflag:$0x1] =	stream.indirect.gather [hbm4b:s5+s20], $0x40, s4, s20, $0xb8;
	[tilespmem:$0x1A800] =	vst v63  }
0x5c: {  	_ =	swait.ge [sflag:s25], $0x8000  }
0x5d: {  	[sflag:s25] =	ssyncset.done $0x0  }
0x5e: {  	[sflag:s25] =	ssyncadd.s32 $0xFFFF8000  }
0x5f: {  	[spmem:s3] =	stream.indirect.scatter.add.f32 [tilespmem:s23], [sflag:$0x3], $0x40, s22, s20, $0xb8;
	[tilespmem:$0x1A800] =	vst v63  }
0x60: {  	_ =	swait.ge [sflag:s18], $0x8000  }
0x61: {  	[sflag:s18] =	ssyncset.done $0x0  }
0x62: {  	s1 =	sadd.s32 s0, s16;
	[sflag:s18] =	ssyncadd.s32 $0xFFFF8000  }
0x63: {  	[tilespmem:s20], [sflag:$0x3] =	stream.linear.gather [hbm4b:s1+s4], $0x200, $0x38;
	[tilespmem:$0x1A800] =	vst v63  }
0x64: {  	_ =	swait.ge [sflag:s18], $0x200  }
0x65: {  	[sflag:s18] =	ssyncset.done $0x0  }
.Ltmp0:
0x66: {  	s0 =	sadd.s32 s0, s15;
	[sflag:s18] =	ssyncadd.s32 $0xFFFFFE00;
	(pc) =	sbr.rel @p0 .LBB2_2-.Ltmp0, $4  }
0x67: {  	[tilespmem:s22], [sflag:$0x3] =	stream.linear.gather [hbm4b:s0+s4], $0x200, $0x38;
	[tilespmem:$0x1A800] =	vst v63  }
0x68: {  	_ =	swait.ge [sflag:s18], $0x200  }
0x69: {  	[sflag:s18] =	ssyncset.done $0x0  }
0x6a: {  	s31 =	sadd.s32 $0x400, s31;
	[sflag:s18] =	ssyncadd.s32 $0xFFFFFE00  }
0x6b: {  	[tilespmem:s23], [sflag:$0x2] =	stream.indirect.gather [hbm4b:s5+s20], $0x40, s20, s20, $0xb8;
	[tilespmem:$0x1A800] =	vst v63  }
0x6c: {  	_ =	swait.ge [sflag:s24], $0x8000  }
0x6d: {  	[sflag:s24] =	ssyncset.done $0x0  }
0x6e: {  	[sflag:s24] =	ssyncadd.s32 $0xFFFF8000  }
0x6f: {  	[spmem:s3] =	stream.indirect.scatter.add.f32 [tilespmem:s21], [sflag:$0x3], $0x40, s19, s20, $0xb8;
	[tilespmem:$0x1A800] =	vst v63  }
0x70: {  	_ =	swait.ge [sflag:s18], $0x8000  }
0x71: {  	[sflag:s18] =	ssyncset.done $0x0  }
0x72: {  	[sflag:s18] =	ssyncadd.s32 $0xFFFF8000  }
0x73: {  	_ =	swait.ge [sflag:s25], $0x8000  }
0x74: {  	[sflag:s25] =	ssyncset.done $0x0  }
0x75: {  	[sflag:s25] =	ssyncadd.s32 $0xFFFF8000  }
0x76: {  	[spmem:s3] =	stream.indirect.scatter.add.f32 [tilespmem:s23], [sflag:$0x3], $0x40, s22, s20, $0xb8;
	[tilespmem:$0x1A800] =	vst v63  }
0x77: {  	_ =	swait.ge [sflag:s18], $0x8000  }
0x78: {  	s26 =	sadd.s32 $0x1, s26;
	[sflag:s18] =	ssyncset.done $0x0  }
0x79: {  	p0 =	sne.s32 s26, s14;
	[sflag:s18] =	ssyncadd.s32 $0xFFFF8000  }
.Ltmp1:
0x7a: {  	[bflag:$0x0] =	sbarrier.arrive $0xFFFF;
	(pc) =	sbr.rel @p0 .LBB2_1-.Ltmp1, $4  }
0x7b: {  	[hbm:s13], [sflag:s28] =	dma.local [spmem:s29], $0x1400  }
0x7c: {  	_ =	swait.ge [sflag:s18], $0x1400  }
0x7d: {  	[sflag:s18] =	ssyncset.done $0x0  }
0x7e: {  	[sflag:s18] =	ssyncadd.s32 $0xFFFFEC00  }
0x7f: {  	_ =	sfence.sel $0x180000  }
0x80: {  	[bflag:$0x0] =	sbarrier.arrive $0xFFFF  }
0x81: {  	_ =	strace $0x9000004D  }
0x82: {  	s0 =	stileid.u32;
	[bflag:$0x2] =	sbarrier.arrive $0xFFFF  }
0x83: {  	p0 =	sne.s32 s0, $0x0;
	s0 =	rddreg [dreg:$0x3]  }
0x84: {  	s0 =	sadd.s32 @!p0 $0x100000, s0  }
0x85: {  	[sflag:s0] =	ssyncadd.tile.s32 @!p0 $0x1;
	_ =	shalt  }
.Lfunc_end2:
_tile_overlayer_lowered:
.L_overlay_start_2:
0x86: {  	(tag) =	ssettag $0x2  }
0x87: {  	s0 =	rddreg [dreg:$0x0];
	s2 =	stileid.u32  }
0x88: {  	s1 =	rddreg [dreg:$0x1];
	p0 =	sne.s32 s2, $0x0  }
0x89: {  	s3 =	rddreg [dreg:$0x2];
	[bflag:$0x3] =	sbarrier.arrive $0xFFFF;
	s2 =	simm.s32 @!p0 $0x1C03  }
0x8a: {  	[timem:s3], [sflag:s2] =	dma.local @!p0 [hbm:s0], s1  }
0x8b: {  	s0 =	simm.s32 @!p0 $0x3  }
0x8c: {  	_ =	swait.ge @!p0 [sflag:s0], s1  }
0x8d: {  	s1 =	ssub.s32 @!p0 $0x0, s1;
	[sflag:s0] =	ssyncset.done @!p0 $0x0  }
0x8e: {  	[sflag:s0] =	ssyncadd.s32 @!p0 s1  }
0x8f: {  	[bflag:$0x3] =	sbarrier.arrive $0xFFFF  }
0x90: {  	_ =	shalt  }

// kernel: kernel.23.cloned.1.call-start
scs
__scs_entry_jumppad:
0x0: {  	(pc) =	sbr.rel $0x88, $3  }
0x1: {  	(tag) =	ssettag $0x0;
	lr =	simm.s32 $0x1  }
0x2: {  	[smem:$0x3F95] =	sst lr;
	_ =	strace $0xD0000000  }
0x3: {  	_ = 	snop  }
0x4: {  	_ = 	snop  }
0x5: {  	_ = 	snop  }
0x6: {  	_ = 	snop  }
0x7: {  	_ = 	snop  }
__scs_overlays_trampoline_lowered:
0x8: {  	[smem:$0x3FA4] =	sst s0  }
0x9: {  	[smem:$0x3FA5] =	sst s1  }
0xa: {  	[smem:$0x3FA6] =	sst s2  }
0xb: {  	[smem:$0x3FA7] =	sst s3  }
0xc: {  	[smem:$0x3FA8] =	sst s4  }
0xd: {  	[smem:$0x3FA9] =	sst s5  }
0xe: {  	[smem:$0x3FAA] =	sst s6  }
0xf: {  	[smem:$0x3FAB] =	sst s7  }
0x10: {  	[smem:$0x3FAC] =	sst s8  }
0x11: {  	[smem:$0x3FAD] =	sst s9;
	s0 =	simm.s32 @!p0 $0x0  }
0x12: {  	s1 =	sld [smem:$0x3F93];
	s0 =	simm.s32 @p0 $0x1  }
0x13: {  	[smem:$0x3FAE] =	sst s0;
	s0 =	simm.s32 @!p1 $0x0  }
0x14: {  	s2 =	sld [smem:$0x3F92];
	s0 =	simm.s32 @p1 $0x1  }
0x15: {  	[smem:$0x3FAF] =	sst s0;
	s0 =	simm.s32 @!p2 $0x0  }
0x16: {  	s3 =	sld [smem:$0x3FDB];
	s0 =	simm.s32 @p2 $0x1  }
0x17: {  	s4 =	simm.s32 $0x1BF5;
	[smem:$0x3FB1] =	sst s0  }
0x18: {  	s0 =	sld [smem:$0x3F94];
	_ =	swait.ge [sflag:s4], $0x0  }
0x19: {  	s7 =	sld [smem:$0x3F95]  }
0x1a: {  	s8 =	sadd.s32 $0xFFFFE003, lr  }
0x1b: {  	s9 =	sadd.s32 $0xFFFFFEF7, lr;
	s5 =	simm.s32 $0xFFFFFFFF;
	p2 =	slt.u32 s8, $0xFFFFF086  }
0x1c: {  	p1 =	slt.u32 s9, $0xF7A;
	s5 =	simm.s32 @!p2 $0x0  }
0x1d: {  	s5 =	simm.s32 @p1 $0x1;
	p0 =	seq.s32 s7, s2  }
0x1e: {  	s7 =	smul.u32 @!p0 $0xF7A, s2;
	p2 =	seq.s32 @!p0 s5, $0x0  }
0x1f: {  	s9 =	smul.u32 $0xF7A, s1;
	s8 =	simm.s32 @!p0 $0x1BF5;
	p2 =	por !p2, p0  }
0x20: {  	[sflag:s8] =	ssyncset.s32 @!p0 $0xFFFFF086;
	s6 =	sadd.s32 @!p0 s3, s7;
	s7 =	simm.s32 @!p0 $0x108  }
0x21: {  	s3 =	sadd.s32 s3, s9;
	s6 =	sadd.s32 @!p0 $0x88, s6;
	s7 =	simm.s32 @p2 $0x1082  }
0x22: {  	[simem:s7], [sflag:s8] =	dma.local @!p0 [hbm:s6], $0xF7A  }
0x23: {  	s9 =	sor.u32 $0xD0000000, s2;
	s6 =	simm.s32 $0x108;
	_ =	swait.ge @!p0 [sflag:s8], $0x0  }
0x24: {  	s3 =	sadd.s32 $0x88, s3;
	s6 =	simm.s32 @!p1 $0x1082;
	[sflag:s4] =	ssyncset.s32 $0xFFFFF086  }
0x25: {  	[simem:s6], [sflag:s4] =	dma.local [hbm:s3], $0xF7A  }
0x26: {  	[smem:$0x3F95] =	sst s1;
	(tag) =	ssettag s2;
	_ =	strace s9  }
0x27: {  	s1 =	sld [smem:$0x3FA5]  }
0x28: {  	s2 =	sld [smem:$0x3FA6]  }
0x29: {  	s4 =	sld [smem:$0x3FA8]  }
0x2a: {  	p0 =	seq.s32 s5, $0x0;
	s5 =	sld [smem:$0x3FA9]  }
0x2b: {  	s6 =	sld [smem:$0x3FAA]  }
0x2c: {  	s7 =	sld [smem:$0x3FAB]  }
0x2d: {  	s3 =	simm.s32 $0x108;
	s8 =	sld [smem:$0x3FAC]  }
0x2e: {  	s3 =	simm.s32 @!p0 $0x1082;
	s9 =	sld [smem:$0x3FAD]  }
0x2f: {  	lr =	sadd.s32 s0, s3;
	s0 =	sld [smem:$0x3FA4]  }
0x30: {  	s3 =	sld [smem:$0x3FA7]  }
0x31: {  	[smem:$0x3FB0] =	sst s10  }
0x32: {  	s10 =	sld [smem:$0x3FAE];
	_ =	sdelay $0x3  }
0x33: {  	p0 =	seq.s32 s10, $0x1;
	s10 =	sld [smem:$0x3FB0];
	_ =	sdelay $0x3  }
0x34: {  	[smem:$0x3FB0] =	sst s10  }
0x35: {  	s10 =	sld [smem:$0x3FAF];
	_ =	sdelay $0x3  }
0x36: {  	p1 =	seq.s32 s10, $0x1;
	s10 =	sld [smem:$0x3FB0];
	_ =	sdelay $0x3  }
0x37: {  	[smem:$0x3FB0] =	sst s10  }
0x38: {  	s10 =	sld [smem:$0x3FB1]  }
0x39: {  	_ = 	snop;
	(pc) =	sbr.ind lr, $3  }
0x3a: {  	_ = 	snop  }
0x3b: {  	_ = 	snop  }
0x3c: {  	p2 =	seq.s32 s10, $0x1;
	s10 =	sld [smem:$0x3FB0]  }
0x3d: {  	_ =	shalt  }
0x3e: {  	_ =	shalt  }
0x3f: {  	_ =	shalt  }
0x40: {  	_ =	shalt  }
0x41: {  	_ =	shalt  }
0x42: {  	_ =	shalt  }
0x43: {  	_ =	shalt  }
0x44: {  	_ =	shalt  }
0x45: {  	_ =	shalt  }
0x46: {  	_ =	shalt  }
0x47: {  	_ =	shalt  }
0x48: {  	_ =	shalt  }
0x49: {  	_ =	shalt  }
0x4a: {  	_ =	shalt  }
0x4b: {  	_ =	shalt  }
0x4c: {  	_ =	shalt  }
0x4d: {  	_ =	shalt  }
0x4e: {  	_ =	shalt  }
0x4f: {  	_ =	shalt  }
0x50: {  	_ =	shalt  }
0x51: {  	_ =	shalt  }
0x52: {  	_ =	shalt  }
0x53: {  	_ =	shalt  }
0x54: {  	_ =	shalt  }
0x55: {  	_ =	shalt  }
0x56: {  	_ =	shalt  }
0x57: {  	_ =	shalt  }
0x58: {  	_ =	shalt  }
0x59: {  	_ =	shalt  }
0x5a: {  	_ =	shalt  }
0x5b: {  	_ =	shalt  }
0x5c: {  	_ =	shalt  }
0x5d: {  	_ =	shalt  }
0x5e: {  	_ =	shalt  }
0x5f: {  	_ =	shalt  }
0x60: {  	_ =	shalt  }
0x61: {  	_ =	shalt  }
0x62: {  	_ =	shalt  }
0x63: {  	_ =	shalt  }
0x64: {  	_ =	shalt  }
0x65: {  	_ =	shalt  }
0x66: {  	_ =	shalt  }
0x67: {  	_ =	shalt  }
0x68: {  	_ =	shalt  }
0x69: {  	_ =	shalt  }
0x6a: {  	_ =	shalt  }
0x6b: {  	_ =	shalt  }
0x6c: {  	_ =	shalt  }
0x6d: {  	_ =	shalt  }
0x6e: {  	_ =	shalt  }
0x6f: {  	_ =	shalt  }
0x70: {  	_ =	shalt  }
0x71: {  	_ =	shalt  }
0x72: {  	_ =	shalt  }
0x73: {  	_ =	shalt  }
0x74: {  	_ =	shalt  }
0x75: {  	_ =	shalt  }
0x76: {  	_ =	shalt  }
0x77: {  	_ =	shalt  }
0x78: {  	_ =	shalt  }
0x79: {  	_ =	shalt  }
0x7a: {  	_ =	shalt  }
0x7b: {  	_ =	shalt  }
0x7c: {  	_ =	shalt  }
0x7d: {  	_ =	shalt  }
0x7e: {  	_ =	shalt  }
0x7f: {  	_ =	shalt  }
0x80: {  	_ =	shalt  }
0x81: {  	_ =	shalt  }
0x82: {  	_ =	shalt  }
0x83: {  	_ =	shalt  }
0x84: {  	_ =	shalt  }
0x85: {  	_ =	shalt  }
0x86: {  	_ =	shalt  }
0x87: {  	_ =	shalt  }
.Lfunc_end0:
.L_simem_size_0:
called_computation.3_lowered:
.L_overlay_start_0:
0x88: {  	s2 =	sld [smem:$0x3FD9]  }
0x89: {  	s3 =	sld [smem:$0x3FFE];
	_ =	sdelay $0x1  }
0x8a: {  	s1 =	srdreg.scid  }
0x8b: {  	s0 =	sand.u32 $0x1, s1  }
0x8c: {  	s17 =	sshll.u32 s0, $0xA;
	s2 =	sadd.s32 s3, s2  }
0x8d: {  	s2 =	sadd.s32 s2, s17  }
0x8e: {  	[smem:$0x3FBC] =	sst s2  }
0x8f: {  	_ = 	snop  }
0x90: {  	s2 =	sld [smem:$0x3FD0];
	(tm) =	ssettm $0x1  }
0x91: {  	s18 =	sld [smem:$0x3FFB];
	_ =	sdelay $0x3  }
0x92: {  	_ =	strace s18  }
0x93: {  	s3 =	sld [smem:$0x3FFC];
	_ =	sdelay $0x3  }
0x94: {  	_ =	strace s3  }
0x95: {  	s3 =	sld [smem:$0x3FFD];
	_ =	sdelay $0x3  }
0x96: {  	_ =	strace s3  }
0x97: {  	_ =	strace $0x8FFFFFFF  }
0x98: {  	s19 =	sld [smem:$0x3FDB];
	_ =	sdelay $0x1  }
0x99: {  	s4 =	simm.s32 $_scs_section_size  }
0x9a: {  	s5 =	simm.s32 $_size__tile_overlayer_lowered;
	s6 =	simm.s32 $_tile_overlayer_lowered  }
0x9b: {  	s22 =	simm.s32 $0x1BFF;
	s21 =	sshll.u32 s6, $0x1;
	s3 =	sadd.s32 s4, s19  }
0x9c: {  	s7 =	simm.s32 $0x0;
	s20 =	sshll.u32 s5, $0x1;
	s5 =	sadd.s32 s21, s3  }
0x9d: {  	[timem:s7], [sflag:s22] =	dma.local [hbm:s5], s20  }
0x9e: {  	_ =	swait.ge [sflag:s22], s20  }
0x9f: {  	s4 =	ssub.s32 $0x0, s20;
	[sflag:s22] =	ssyncset.done $0x0  }
0xa0: {  	[sflag:s22] =	ssyncadd.s32 s4;
	_ =	sdelay $0x1  }
0xa1: {  	s23 =	simm.s32 $0x1B8B  }
0xa2: {  	_ =	swait.ge [sflag:s23], $0x1  }
0xa3: {  	[sflag:s23] =	ssyncset.done $0x0  }
0xa4: {  	s25 =	simm.s32 $0x1B8E;
	s24 =	sld [smem:$0x3FFE];
	[sflag:s23] =	ssyncadd.s32 $0xFFFFFFFF  }
0xa5: {  	s26 =	simm.s32 $execute0_lowered;
	[smem:$0x3FD2] =	sst s25  }
0xa6: {  	s5 =	sshll.u32 s26, $0x1;
	_ =	strace $0x8000004F;
	[dreg:$0x1] =	wrdreg $0xFFFFFFFF  }
0xa7: {  	s28 =	simm.s32 $_size_execute0_lowered;
	s3 =	sadd.s32 s3, s5;
	[dreg:$0x0] =	wrdreg $0x0  }
0xa8: {  	s5 =	sshll.u32 s28, $0x1;
	[dreg:$0x2] =	wrdreg s3  }
0xa9: {  	[dreg:$0x3] =	wrdreg s5  }
0xaa: {  	[dreg:$0x4] =	wrdreg $0xC0  }
0xab: {  	_ =	task [dreg:s7], $0x5FFFF  }
0xac: {  	[dreg:$0x1] =	wrdreg $0xFFFFFFFF  }
0xad: {  	[dreg:$0x0] =	wrdreg $0x60  }
0xae: {  	[dreg:$0x2] =	wrdreg s24  }
0xaf: {  	[dreg:$0x3] =	wrdreg s2  }
0xb0: {  	[dreg:$0x4] =	wrdreg $0x198000  }
0xb1: {  	[dreg:$0x5] =	wrdreg $0x9  }
0xb2: {  	_ =	task.clear_ibuf [dreg:s7], $0x6FFFF;
	_ =	strace $0x9000004F  }
0xb3: {  	s29 =	simm.s32 $0x9;
	_ =	strace $0x80000051  }
0xb4: {  	_ =	swait.ge [sflag:s29], $0x1  }
0xb5: {  	[sflag:s29] =	ssyncadd.s32 $0xFFFFFFFF  }
0xb6: {  	_ =	strace $0x90000051  }
0xb7: {  	_ =	sfence  }
0xb8: {  	s30 =	sld [smem:$0x0];
	_ =	sdelay $0x2  }
0xb9: {  	s31 =	sshll.u32 s1, $0xD;
	s1 =	sshrl.u32 s1, $0x2  }
0xba: {  	s3 =	sand.u32 $0x4000, s31;
	s1 =	sadd.s32 s1, s30  }
0xbb: {  	s0 =	sor.u32 s3, s0;
	s1 =	sshll.u32 s1, $0x11  }
0xbc: {  	s0 =	sor.u32 s1, s0  }
0xbd: {  	s0 =	sadd.s32 $0x8F2B, s0  }
0xbe: {  	[sflag:s0] =	ssyncadd.remote.s32 $0x1  }
0xbf: {  	_ =	sfence.sel $0xFFFF  }
0xc0: {  	[dreg:$0x0] =	wrdreg $0xFFFFFFFF;
	(pc) =	sbr.abs _section_cstart, $3  }
0xc1: {  	[dreg:$0x1] =	wrdreg $0xFFFFFFFF  }
0xc2: {  	_ =	task.clear_ibuf [dreg:s7], $0x2FFFF;
	_ =	strace $0x9FFFFFFF  }
0xc3: {  	(tm) =	ssettm $0x7FFFFFFF  }
tec
execute0_lowered:
.L_overlay_start_1:
0x0: {  	(tag) =	ssettag $0x1  }
0x1: {  	s0 =	srdreg.scid  }
0x2: {  	s30 =	sand.u32 $0x1, s0  }
0x3: {  	s0 =	stileid.u32;
	s2 =	sshll.u32 s30, $0x4  }
0x4: {  	s1 =	rddreg [dreg:$0x1];
	s21 =	sor.u32 s0, s2  }
0x5: {  	[dreg:$0x4] =	wrdreg s1;
	s1 =	smul.u32 $0x3000, s21  }
0x6: {  	s29 =	rddreg [dreg:$0x0];
	s3 =	simm.s32 $0x0  }
0x7: {  	[smem:$0x7FF] =	sst s3;
	s26 =	sadd.s32 $0x1A200, s29;
	s31 =	sshrl.u32 s1, $0x3  }
0x8: {  	s28 =	sadd.s32 $0x3C00, s29;
	s2 =	rddreg [dreg:$0x2];
	s1 =	sadd.s32 s26, s31  }
0x9: {  	_ =	strace $0x80000050;
	s22 =	sadd.s32 s28, s31;
	[dreg:$0x5] =	wrdreg s1  }
0xa: {  	s9 =	sor.u32 $0xC0, s31;
	[dreg:$0x6] =	wrdreg s22  }
0xb: {  	s23 =	sadd.s32 s26, s9;
	s5 =	rddreg [dreg:$0x5]  }
0xc: {  	s4 =	simm.s32 $0x3;
	[dreg:$0x7] =	wrdreg s23  }
0xd: {  	[tilespmem:s3], [sflag:$0x3] =	stream.linear.gather [hbm4b:s5+s3], $0x600, $0x38;
	[tilespmem:$0x1E800] =	vst v63  }
0xe: {  	_ =	swait.ge [sflag:s4], $0x600  }
0xf: {  	[sflag:s4] =	ssyncset.done $0x0  }
0x10: {  	s5 =	simm.s32 $0xC00;
	s24 =	rddreg [dreg:$0x6];
	[sflag:s4] =	ssyncadd.s32 $0xFFFFFA00  }
0x11: {  	[tilespmem:s5], [sflag:$0x3] =	stream.linear.gather [hbm4b:s24+s3], $0x600, $0x38;
	[tilespmem:$0x1E800] =	vst v63  }
0x12: {  	_ =	swait.ge [sflag:s4], $0x600  }
0x13: {  	s7 =	simm.s32 $0x600;
	[sflag:s4] =	ssyncset.done $0x0  }
0x14: {  	s8 =	simm.s32 $0x1800;
	s6 =	sadd.s32 $0x10200, s29;
	[sflag:s4] =	ssyncadd.s32 $0xFFFFFA00  }
0x15: {  	[tilespmem:s8], [sflag:$0x1] =	stream.indirect.gather [hbm4b:s6+s7], $0x20, s3, s7, $0xb8;
	[tilespmem:$0x1E800] =	vst v63  }
0x16: {  	s25 =	rddreg [dreg:$0x7]  }
0x17: {  	[tilespmem:s7], [sflag:$0x3] =	stream.linear.gather [hbm4b:s25+s3], $0x600, $0x38;
	[tilespmem:$0x1E800] =	vst v63  }
0x18: {  	_ =	swait.ge [sflag:s4], $0x600  }
0x19: {  	s10 =	simm.s32 $0x1200;
	[sflag:s4] =	ssyncset.done $0x0  }
0x1a: {  	s1 =	smul.u32 $0x5000, s0;
	s9 =	sadd.s32 s28, s9;
	[sflag:s4] =	ssyncadd.s32 $0xFFFFFA00  }
0x1b: {  	[tilespmem:s10], [sflag:$0x3] =	stream.linear.gather [hbm4b:s9+s3], $0x600, $0x38;
	[tilespmem:$0x1E800] =	vst v63  }
0x1c: {  	s11 =	simm.s32 $0xD800;
	s13 =	sshll.u32 s0, $0x6;
	_ =	swait.ge [sflag:s4], $0x600  }
0x1d: {  	s13 =	sor.u32 $0x1C03, s13;
	s12 =	sadd.s32 s1, s2;
	[sflag:s4] =	ssyncset.done $0x0  }
0x1e: {  	s12 =	sshrl.u32 s12, $0x3;
	s14 =	rddreg [dreg:$0x4];
	[sflag:s4] =	ssyncadd.s32 $0xFFFFFA00  }
0x1f: {  	[tilespmem:s11], [sflag:$0x2] =	stream.indirect.gather [hbm4b:s6+s7], $0x20, s7, s7, $0xb8;
	[tilespmem:$0x1E800] =	vst v63  }
0x20: {  	[spmem:s12], [sflag:s13] =	dma.local [hbm:s14], $0xA00  }
0x21: {  	_ =	swait.ge [sflag:s4], $0xA00  }
0x22: {  	[sflag:s4] =	ssyncset.done $0x0  }
0x23: {  	[sflag:s4] =	ssyncadd.s32 $0xFFFFF600  }
0x24: {  	s14 =	simm.s32 $0x1;
	[bflag:$0x0] =	sbarrier.arrive $0xFFFF  }
0x25: {  	_ =	swait.ge [sflag:s14], $0xC000  }
0x26: {  	[sflag:s14] =	ssyncset.done $0x0  }
0x27: {  	[sflag:s14] =	ssyncadd.s32 $0xFFFF4000  }
0x28: {  	[spmem:s2] =	stream.indirect.scatter.add.f32 [tilespmem:s8], [sflag:$0x3], $0x20, s5, s7, $0xb8;
	[tilespmem:$0x1E800] =	vst v63  }
0x29: {  	_ =	swait.ge [sflag:s4], $0xC000  }
0x2a: {  	s16 =	sor.u32 $0x180, s31;
	[sflag:s4] =	ssyncset.done $0x0  }
0x2b: {  	s15 =	sadd.s32 s26, s16;
	[sflag:s4] =	ssyncadd.s32 $0xFFFF4000  }
0x2c: {  	[tilespmem:s3], [sflag:$0x3] =	stream.linear.gather [hbm4b:s15+s3], $0x600, $0x38;
	[tilespmem:$0x1E800] =	vst v63  }
0x2d: {  	_ =	swait.ge [sflag:s4], $0x600  }
0x2e: {  	[sflag:s4] =	ssyncset.done $0x0  }
0x2f: {  	s16 =	sadd.s32 s28, s16;
	[sflag:s4] =	ssyncadd.s32 $0xFFFFFA00  }
0x30: {  	[tilespmem:s5], [sflag:$0x3] =	stream.linear.gather [hbm4b:s16+s3], $0x600, $0x38;
	[tilespmem:$0x1E800] =	vst v63  }
0x31: {  	_ =	swait.ge [sflag:s4], $0x600  }
0x32: {  	[sflag:s4] =	ssyncset.done $0x0  }
0x33: {  	s17 =	simm.s32 $0x2;
	[sflag:s4] =	ssyncadd.s32 $0xFFFFFA00  }
0x34: {  	[tilespmem:s8], [sflag:$0x1] =	stream.indirect.gather [hbm4b:s6+s7], $0x20, s3, s7, $0xb8;
	[tilespmem:$0x1E800] =	vst v63  }
0x35: {  	_ =	swait.ge [sflag:s17], $0xC000  }
0x36: {  	[sflag:s17] =	ssyncset.done $0x0  }
0x37: {  	[sflag:s17] =	ssyncadd.s32 $0xFFFF4000  }
0x38: {  	[spmem:s2] =	stream.indirect.scatter.add.f32 [tilespmem:s11], [sflag:$0x3], $0x20, s10, s7, $0xb8;
	[tilespmem:$0x1E800] =	vst v63  }
0x39: {  	_ =	swait.ge [sflag:s4], $0xC000  }
0x3a: {  	s19 =	sadd.s32 $0x240, s31;
	[sflag:s4] =	ssyncset.done $0x0  }
0x3b: {  	s18 =	sadd.s32 s26, s19;
	[sflag:s4] =	ssyncadd.s32 $0xFFFF4000  }
0x3c: {  	[tilespmem:s7], [sflag:$0x3] =	stream.linear.gather [hbm4b:s18+s3], $0x600, $0x38;
	[tilespmem:$0x1E800] =	vst v63  }
0x3d: {  	_ =	swait.ge [sflag:s4], $0x600  }
0x3e: {  	[sflag:s4] =	ssyncset.done $0x0  }
0x3f: {  	s19 =	sadd.s32 s28, s19;
	[sflag:s4] =	ssyncadd.s32 $0xFFFFFA00  }
0x40: {  	[tilespmem:s10], [sflag:$0x3] =	stream.linear.gather [hbm4b:s19+s3], $0x600, $0x38;
	[tilespmem:$0x1E800] =	vst v63  }
0x41: {  	_ =	swait.ge [sflag:s4], $0x600  }
0x42: {  	[sflag:s4] =	ssyncset.done $0x0  }
0x43: {  	[sflag:s4] =	ssyncadd.s32 $0xFFFFFA00  }
0x44: {  	[tilespmem:s11], [sflag:$0x2] =	stream.indirect.gather [hbm4b:s6+s7], $0x20, s7, s7, $0xb8;
	[tilespmem:$0x1E800] =	vst v63  }
0x45: {  	_ =	swait.ge [sflag:s14], $0xC000  }
0x46: {  	[sflag:s14] =	ssyncset.done $0x0  }
0x47: {  	[sflag:s14] =	ssyncadd.s32 $0xFFFF4000  }
0x48: {  	[spmem:s2] =	stream.indirect.scatter.add.f32 [tilespmem:s8], [sflag:$0x3], $0x20, s5, s7, $0xb8;
	[tilespmem:$0x1E800] =	vst v63  }
0x49: {  	_ =	swait.ge [sflag:s4], $0xC000  }
0x4a: {  	s21 =	sadd.s32 $0x300, s31;
	[sflag:s4] =	ssyncset.done $0x0  }
0x4b: {  	s20 =	sadd.s32 s26, s21;
	[sflag:s4] =	ssyncadd.s32 $0xFFFF4000  }
0x4c: {  	[tilespmem:s3], [sflag:$0x3] =	stream.linear.gather [hbm4b:s20+s3], $0x600, $0x38;
	[tilespmem:$0x1E800] =	vst v63  }
0x4d: {  	_ =	swait.ge [sflag:s4], $0x600  }
0x4e: {  	[sflag:s4] =	ssyncset.done $0x0  }
0x4f: {  	s21 =	sadd.s32 s28, s21;
	[sflag:s4] =	ssyncadd.s32 $0xFFFFFA00  }
0x50: {  	[tilespmem:s5], [sflag:$0x3] =	stream.linear.gather [hbm4b:s21+s3], $0x600, $0x38;
	[tilespmem:$0x1E800] =	vst v63  }
0x51: {  	_ =	swait.ge [sflag:s4], $0x600  }
0x52: {  	[sflag:s4] =	ssyncset.done $0x0  }
0x53: {  	[sflag:s4] =	ssyncadd.s32 $0xFFFFFA00  }
0x54: {  	[tilespmem:s8], [sflag:$0x1] =	stream.indirect.gather [hbm4b:s6+s7], $0x20, s3, s7, $0xb8;
	[tilespmem:$0x1E800] =	vst v63  }
0x55: {  	_ =	swait.ge [sflag:s17], $0xC000  }
0x56: {  	[sflag:s17] =	ssyncset.done $0x0  }
0x57: {  	[sflag:s17] =	ssyncadd.s32 $0xFFFF4000  }
0x58: {  	[spmem:s2] =	stream.indirect.scatter.add.f32 [tilespmem:s11], [sflag:$0x3], $0x20, s10, s7, $0xb8;
	[tilespmem:$0x1E800] =	vst v63  }
0x59: {  	_ =	swait.ge [sflag:s4], $0xC000  }
0x5a: {  	s23 =	sadd.s32 $0x3C0, s31;
	[sflag:s4] =	ssyncset.done $0x0  }
0x5b: {  	s22 =	sadd.s32 s26, s23;
	[sflag:s4] =	ssyncadd.s32 $0xFFFF4000  }
0x5c: {  	[tilespmem:s7], [sflag:$0x3] =	stream.linear.gather [hbm4b:s22+s3], $0x600, $0x38;
	[tilespmem:$0x1E800] =	vst v63  }
0x5d: {  	_ =	swait.ge [sflag:s4], $0x600  }
0x5e: {  	[sflag:s4] =	ssyncset.done $0x0  }
0x5f: {  	s23 =	sadd.s32 s28, s23;
	[sflag:s4] =	ssyncadd.s32 $0xFFFFFA00  }
0x60: {  	[tilespmem:s10], [sflag:$0x3] =	stream.linear.gather [hbm4b:s23+s3], $0x600, $0x38;
	[tilespmem:$0x1E800] =	vst v63  }
0x61: {  	_ =	swait.ge [sflag:s4], $0x600  }
0x62: {  	[sflag:s4] =	ssyncset.done $0x0  }
0x63: {  	[sflag:s4] =	ssyncadd.s32 $0xFFFFFA00  }
0x64: {  	[tilespmem:s11], [sflag:$0x2] =	stream.indirect.gather [hbm4b:s6+s7], $0x20, s7, s7, $0xb8;
	[tilespmem:$0x1E800] =	vst v63  }
0x65: {  	_ =	swait.ge [sflag:s14], $0xC000  }
0x66: {  	[sflag:s14] =	ssyncset.done $0x0  }
0x67: {  	[sflag:s14] =	ssyncadd.s32 $0xFFFF4000  }
0x68: {  	[spmem:s2] =	stream.indirect.scatter.add.f32 [tilespmem:s8], [sflag:$0x3], $0x20, s5, s7, $0xb8;
	[tilespmem:$0x1E800] =	vst v63  }
0x69: {  	_ =	swait.ge [sflag:s4], $0xC000  }
0x6a: {  	s25 =	sadd.s32 $0x480, s31;
	[sflag:s4] =	ssyncset.done $0x0  }
0x6b: {  	s24 =	sadd.s32 s26, s25;
	[sflag:s4] =	ssyncadd.s32 $0xFFFF4000  }
0x6c: {  	[tilespmem:s3], [sflag:$0x3] =	stream.linear.gather [hbm4b:s24+s3], $0x600, $0x38;
	[tilespmem:$0x1E800] =	vst v63  }
0x6d: {  	_ =	swait.ge [sflag:s4], $0x600  }
0x6e: {  	[sflag:s4] =	ssyncset.done $0x0  }
0x6f: {  	s25 =	sadd.s32 s28, s25;
	[sflag:s4] =	ssyncadd.s32 $0xFFFFFA00  }
0x70: {  	[tilespmem:s5], [sflag:$0x3] =	stream.linear.gather [hbm4b:s25+s3], $0x600, $0x38;
	[tilespmem:$0x1E800] =	vst v63  }
0x71: {  	_ =	swait.ge [sflag:s4], $0x600  }
0x72: {  	[sflag:s4] =	ssyncset.done $0x0  }
0x73: {  	[sflag:s4] =	ssyncadd.s32 $0xFFFFFA00  }
0x74: {  	[tilespmem:s8], [sflag:$0x1] =	stream.indirect.gather [hbm4b:s6+s7], $0x20, s3, s7, $0xb8;
	[tilespmem:$0x1E800] =	vst v63  }
0x75: {  	_ =	swait.ge [sflag:s17], $0xC000  }
0x76: {  	[sflag:s17] =	ssyncset.done $0x0  }
0x77: {  	[sflag:s17] =	ssyncadd.s32 $0xFFFF4000  }
0x78: {  	[spmem:s2] =	stream.indirect.scatter.add.f32 [tilespmem:s11], [sflag:$0x3], $0x20, s10, s7, $0xb8;
	[tilespmem:$0x1E800] =	vst v63  }
0x79: {  	_ =	swait.ge [sflag:s4], $0xC000  }
0x7a: {  	s31 =	sadd.s32 $0x540, s31;
	[sflag:s4] =	ssyncset.done $0x0  }
0x7b: {  	s26 =	sadd.s32 s26, s31;
	[sflag:s4] =	ssyncadd.s32 $0xFFFF4000  }
0x7c: {  	[tilespmem:s7], [sflag:$0x3] =	stream.linear.gather [hbm4b:s26+s3], $0x600, $0x38;
	[tilespmem:$0x1E800] =	vst v63  }
0x7d: {  	_ =	swait.ge [sflag:s4], $0x600  }
0x7e: {  	[sflag:s4] =	ssyncset.done $0x0  }
0x7f: {  	s28 =	sadd.s32 s28, s31;
	[sflag:s4] =	ssyncadd.s32 $0xFFFFFA00  }
0x80: {  	[tilespmem:s10], [sflag:$0x3] =	stream.linear.gather [hbm4b:s28+s3], $0x600, $0x38;
	[tilespmem:$0x1E800] =	vst v63  }
0x81: {  	_ =	swait.ge [sflag:s4], $0x600  }
0x82: {  	[sflag:s4] =	ssyncset.done $0x0  }
0x83: {  	[sflag:s4] =	ssyncadd.s32 $0xFFFFFA00  }
0x84: {  	[tilespmem:s11], [sflag:$0x2] =	stream.indirect.gather [hbm4b:s6+s7], $0x20, s7, s7, $0xb8;
	[tilespmem:$0x1E800] =	vst v63  }
0x85: {  	_ =	swait.ge [sflag:s14], $0xC000  }
0x86: {  	[sflag:s14] =	ssyncset.done $0x0  }
0x87: {  	[sflag:s14] =	ssyncadd.s32 $0xFFFF4000  }
0x88: {  	[spmem:s2] =	stream.indirect.scatter.add.f32 [tilespmem:s8], [sflag:$0x3], $0x20, s5, s7, $0xb8;
	[tilespmem:$0x1E800] =	vst v63  }
0x89: {  	s31 =	smul.u32 $0x50000, s30;
	_ =	swait.ge [sflag:s4], $0xC000  }
0x8a: {  	s30 =	ssub.s32 $0x2, s30;
	[sflag:s4] =	ssyncset.done $0x0  }
0x8b: {  	s1 =	sadd.s32 s1, s31;
	s31 =	sshrl.u32 s30, $0x1;
	[sflag:s4] =	ssyncadd.s32 $0xFFFF4000  }
0x8c: {  	s30 =	ssub.s32 s30, s31;
	_ =	swait.ge [sflag:s17], $0xC000  }
0x8d: {  	s31 =	smax.u32 s30, $0x1;
	[sflag:s17] =	ssyncset.done $0x0  }
0x8e: {  	p0 =	sne.s32 s31, $0x1;
	[sflag:s17] =	ssyncadd.s32 $0xFFFF4000  }
0x8f: {  	[spmem:s2] =	stream.indirect.scatter.add.f32 [tilespmem:s11], [sflag:$0x3], $0x20, s10, s7, $0xb8;
	[tilespmem:$0x1E800] =	vst v63  }
.Ltmp0:
0x90: {  	_ =	swait.ge [sflag:s4], $0xC000;
	(pc) =	sbr.rel @!p0 .LBB2_2-.Ltmp0, $4  }
0x91: {  	s1 =	sshrl.u32 s1, $0x3;
	[sflag:s4] =	ssyncset.done $0x0  }
0x92: {  	s1 =	sadd.s32 s1, s29;
	[sflag:s4] =	ssyncadd.s32 $0xFFFF4000  }
0x93: {  	s29 =	sadd.s32 $0x26200, s1;
	s30 =	sadd.s32 $0xFFFFFFFF, s31;
	[bflag:$0x0] =	sbarrier.arrive $0xFFFF  }
0x94: {  	[hbm:s29], [sflag:s13] =	dma.local [spmem:s12], $0xA00  }
.LBB2_1:
0x95: {  	_ =	swait.ge [sflag:s4], $0xA00  }
0x96: {  	[sflag:s4] =	ssyncset.done $0x0  }
0x97: {  	s1 =	rddreg [dreg:$0x5];
	[sflag:s4] =	ssyncadd.s32 $0xFFFFF600  }
0x98: {  	[tilespmem:s3], [sflag:$0x3] =	stream.linear.gather [hbm4b:s1+s3], $0x600, $0x38;
	[tilespmem:$0x1E800] =	vst v63  }
0x99: {  	_ =	swait.ge [sflag:s4], $0x600  }
0x9a: {  	[sflag:s4] =	ssyncset.done $0x0  }
0x9b: {  	s31 =	rddreg [dreg:$0x6];
	[sflag:s4] =	ssyncadd.s32 $0xFFFFFA00  }
0x9c: {  	[tilespmem:s5], [sflag:$0x3] =	stream.linear.gather [hbm4b:s31+s3], $0x600, $0x38;
	[tilespmem:$0x1E800] =	vst v63  }
0x9d: {  	_ =	swait.ge [sflag:s4], $0x600  }
0x9e: {  	[sflag:s4] =	ssyncset.done $0x0  }
0x9f: {  	[sflag:s4] =	ssyncadd.s32 $0xFFFFFA00  }
0xa0: {  	[tilespmem:s8], [sflag:$0x1] =	stream.indirect.gather [hbm4b:s6+s7], $0x20, s3, s7, $0xb8;
	[tilespmem:$0x1E800] =	vst v63  }
0xa1: {  	s31 =	rddreg [dreg:$0x7]  }
0xa2: {  	[tilespmem:s7], [sflag:$0x3] =	stream.linear.gather [hbm4b:s31+s3], $0x600, $0x38;
	[tilespmem:$0x1E800] =	vst v63  }
0xa3: {  	_ =	swait.ge [sflag:s4], $0x600  }
0xa4: {  	[sflag:s4] =	ssyncset.done $0x0  }
0xa5: {  	[sflag:s4] =	ssyncadd.s32 $0xFFFFFA00  }
0xa6: {  	[tilespmem:s10], [sflag:$0x3] =	stream.linear.gather [hbm4b:s9+s3], $0x600, $0x38;
	[tilespmem:$0x1E800] =	vst v63  }
0xa7: {  	_ =	swait.ge [sflag:s4], $0x600  }
0xa8: {  	[sflag:s4] =	ssyncset.done $0x0  }
0xa9: {  	s31 =	rddreg [dreg:$0x4];
	[sflag:s4] =	ssyncadd.s32 $0xFFFFFA00  }
0xaa: {  	[tilespmem:s11], [sflag:$0x2] =	stream.indirect.gather [hbm4b:s6+s7], $0x20, s7, s7, $0xb8;
	[tilespmem:$0x1E800] =	vst v63  }
0xab: {  	[spmem:s12], [sflag:s13] =	dma.local [hbm:s31], $0xA00  }
0xac: {  	_ =	swait.ge [sflag:s4], $0xA00  }
0xad: {  	[sflag:s4] =	ssyncset.done $0x0  }
0xae: {  	[sflag:s4] =	ssyncadd.s32 $0xFFFFF600  }
0xaf: {  	[bflag:$0x0] =	sbarrier.arrive $0xFFFF  }
0xb0: {  	_ =	swait.ge [sflag:s14], $0xC000  }
0xb1: {  	[sflag:s14] =	ssyncset.done $0x0  }
0xb2: {  	[sflag:s14] =	ssyncadd.s32 $0xFFFF4000  }
0xb3: {  	[spmem:s2] =	stream.indirect.scatter.add.f32 [tilespmem:s8], [sflag:$0x3], $0x20, s5, s7, $0xb8;
	[tilespmem:$0x1E800] =	vst v63  }
0xb4: {  	_ =	swait.ge [sflag:s4], $0xC000  }
0xb5: {  	[sflag:s4] =	ssyncset.done $0x0  }
0xb6: {  	[sflag:s4] =	ssyncadd.s32 $0xFFFF4000  }
0xb7: {  	[tilespmem:s3], [sflag:$0x3] =	stream.linear.gather [hbm4b:s15+s3], $0x600, $0x38;
	[tilespmem:$0x1E800] =	vst v63  }
0xb8: {  	_ =	swait.ge [sflag:s4], $0x600  }
0xb9: {  	[sflag:s4] =	ssyncset.done $0x0  }
0xba: {  	[sflag:s4] =	ssyncadd.s32 $0xFFFFFA00  }
0xbb: {  	[tilespmem:s5], [sflag:$0x3] =	stream.linear.gather [hbm4b:s16+s3], $0x600, $0x38;
	[tilespmem:$0x1E800] =	vst v63  }
0xbc: {  	_ =	swait.ge [sflag:s4], $0x600  }
0xbd: {  	[sflag:s4] =	ssyncset.done $0x0  }
0xbe: {  	[sflag:s4] =	ssyncadd.s32 $0xFFFFFA00  }
0xbf: {  	[tilespmem:s8], [sflag:$0x1] =	stream.indirect.gather [hbm4b:s6+s7], $0x20, s3, s7, $0xb8;
	[tilespmem:$0x1E800] =	vst v63  }
0xc0: {  	_ =	swait.ge [sflag:s17], $0xC000  }
0xc1: {  	[sflag:s17] =	ssyncset.done $0x0  }
0xc2: {  	[sflag:s17] =	ssyncadd.s32 $0xFFFF4000  }
0xc3: {  	[spmem:s2] =	stream.indirect.scatter.add.f32 [tilespmem:s11], [sflag:$0x3], $0x20, s10, s7, $0xb8;
	[tilespmem:$0x1E800] =	vst v63  }
0xc4: {  	_ =	swait.ge [sflag:s4], $0xC000  }
0xc5: {  	[sflag:s4] =	ssyncset.done $0x0  }
0xc6: {  	[sflag:s4] =	ssyncadd.s32 $0xFFFF4000  }
0xc7: {  	[tilespmem:s7], [sflag:$0x3] =	stream.linear.gather [hbm4b:s18+s3], $0x600, $0x38;
	[tilespmem:$0x1E800] =	vst v63  }
0xc8: {  	_ =	swait.ge [sflag:s4], $0x600  }
0xc9: {  	[sflag:s4] =	ssyncset.done $0x0  }
0xca: {  	[sflag:s4] =	ssyncadd.s32 $0xFFFFFA00  }
0xcb: {  	[tilespmem:s10], [sflag:$0x3] =	stream.linear.gather [hbm4b:s19+s3], $0x600, $0x38;
	[tilespmem:$0x1E800] =	vst v63  }
0xcc: {  	_ =	swait.ge [sflag:s4], $0x600  }
0xcd: {  	[sflag:s4] =	ssyncset.done $0x0  }
0xce: {  	[sflag:s4] =	ssyncadd.s32 $0xFFFFFA00  }
0xcf: {  	[tilespmem:s11], [sflag:$0x2] =	stream.indirect.gather [hbm4b:s6+s7], $0x20, s7, s7, $0xb8;
	[tilespmem:$0x1E800] =	vst v63  }
0xd0: {  	_ =	swait.ge [sflag:s14], $0xC000  }
0xd1: {  	[sflag:s14] =	ssyncset.done $0x0  }
0xd2: {  	[sflag:s14] =	ssyncadd.s32 $0xFFFF4000  }
0xd3: {  	[spmem:s2] =	stream.indirect.scatter.add.f32 [tilespmem:s8], [sflag:$0x3], $0x20, s5, s7, $0xb8;
	[tilespmem:$0x1E800] =	vst v63  }
0xd4: {  	_ =	swait.ge [sflag:s4], $0xC000  }
0xd5: {  	[sflag:s4] =	ssyncset.done $0x0  }
0xd6: {  	[sflag:s4] =	ssyncadd.s32 $0xFFFF4000  }
0xd7: {  	[tilespmem:s3], [sflag:$0x3] =	stream.linear.gather [hbm4b:s20+s3], $0x600, $0x38;
	[tilespmem:$0x1E800] =	vst v63  }
0xd8: {  	_ =	swait.ge [sflag:s4], $0x600  }
0xd9: {  	[sflag:s4] =	ssyncset.done $0x0  }
0xda: {  	[sflag:s4] =	ssyncadd.s32 $0xFFFFFA00  }
0xdb: {  	[tilespmem:s5], [sflag:$0x3] =	stream.linear.gather [hbm4b:s21+s3], $0x600, $0x38;
	[tilespmem:$0x1E800] =	vst v63  }
0xdc: {  	_ =	swait.ge [sflag:s4], $0x600  }
0xdd: {  	[sflag:s4] =	ssyncset.done $0x0  }
0xde: {  	[sflag:s4] =	ssyncadd.s32 $0xFFFFFA00  }
0xdf: {  	[tilespmem:s8], [sflag:$0x1] =	stream.indirect.gather [hbm4b:s6+s7], $0x20, s3, s7, $0xb8;
	[tilespmem:$0x1E800] =	vst v63  }
0xe0: {  	_ =	swait.ge [sflag:s17], $0xC000  }
0xe1: {  	[sflag:s17] =	ssyncset.done $0x0  }
0xe2: {  	[sflag:s17] =	ssyncadd.s32 $0xFFFF4000  }
0xe3: {  	[spmem:s2] =	stream.indirect.scatter.add.f32 [tilespmem:s11], [sflag:$0x3], $0x20, s10, s7, $0xb8;
	[tilespmem:$0x1E800] =	vst v63  }
0xe4: {  	_ =	swait.ge [sflag:s4], $0xC000  }
0xe5: {  	[sflag:s4] =	ssyncset.done $0x0  }
0xe6: {  	[sflag:s4] =	ssyncadd.s32 $0xFFFF4000  }
0xe7: {  	[tilespmem:s7], [sflag:$0x3] =	stream.linear.gather [hbm4b:s22+s3], $0x600, $0x38;
	[tilespmem:$0x1E800] =	vst v63  }
0xe8: {  	_ =	swait.ge [sflag:s4], $0x600  }
0xe9: {  	[sflag:s4] =	ssyncset.done $0x0  }
0xea: {  	[sflag:s4] =	ssyncadd.s32 $0xFFFFFA00  }
0xeb: {  	[tilespmem:s10], [sflag:$0x3] =	stream.linear.gather [hbm4b:s23+s3], $0x600, $0x38;
	[tilespmem:$0x1E800] =	vst v63  }
0xec: {  	_ =	swait.ge [sflag:s4], $0x600  }
0xed: {  	[sflag:s4] =	ssyncset.done $0x0  }
0xee: {  	[sflag:s4] =	ssyncadd.s32 $0xFFFFFA00  }
0xef: {  	[tilespmem:s11], [sflag:$0x2] =	stream.indirect.gather [hbm4b:s6+s7], $0x20, s7, s7, $0xb8;
	[tilespmem:$0x1E800] =	vst v63  }
0xf0: {  	_ =	swait.ge [sflag:s14], $0xC000  }
0xf1: {  	[sflag:s14] =	ssyncset.done $0x0  }
0xf2: {  	[sflag:s14] =	ssyncadd.s32 $0xFFFF4000  }
0xf3: {  	[spmem:s2] =	stream.indirect.scatter.add.f32 [tilespmem:s8], [sflag:$0x3], $0x20, s5, s7, $0xb8;
	[tilespmem:$0x1E800] =	vst v63  }
0xf4: {  	_ =	swait.ge [sflag:s4], $0xC000  }
0xf5: {  	[sflag:s4] =	ssyncset.done $0x0  }
0xf6: {  	[sflag:s4] =	ssyncadd.s32 $0xFFFF4000  }
0xf7: {  	[tilespmem:s3], [sflag:$0x3] =	stream.linear.gather [hbm4b:s24+s3], $0x600, $0x38;
	[tilespmem:$0x1E800] =	vst v63  }
0xf8: {  	_ =	swait.ge [sflag:s4], $0x600  }
0xf9: {  	[sflag:s4] =	ssyncset.done $0x0  }
0xfa: {  	[sflag:s4] =	ssyncadd.s32 $0xFFFFFA00  }
0xfb: {  	[tilespmem:s5], [sflag:$0x3] =	stream.linear.gather [hbm4b:s25+s3], $0x600, $0x38;
	[tilespmem:$0x1E800] =	vst v63  }
0xfc: {  	_ =	swait.ge [sflag:s4], $0x600  }
0xfd: {  	[sflag:s4] =	ssyncset.done $0x0  }
0xfe: {  	[sflag:s4] =	ssyncadd.s32 $0xFFFFFA00  }
0xff: {  	[tilespmem:s8], [sflag:$0x1] =	stream.indirect.gather [hbm4b:s6+s7], $0x20, s3, s7, $0xb8;
	[tilespmem:$0x1E800] =	vst v63  }
0x100: {  	_ =	swait.ge [sflag:s17], $0xC000  }
0x101: {  	[sflag:s17] =	ssyncset.done $0x0  }
0x102: {  	[sflag:s17] =	ssyncadd.s32 $0xFFFF4000  }
0x103: {  	[spmem:s2] =	stream.indirect.scatter.add.f32 [tilespmem:s11], [sflag:$0x3], $0x20, s10, s7, $0xb8;
	[tilespmem:$0x1E800] =	vst v63  }
0x104: {  	_ =	swait.ge [sflag:s4], $0xC000  }
0x105: {  	[sflag:s4] =	ssyncset.done $0x0  }
0x106: {  	[sflag:s4] =	ssyncadd.s32 $0xFFFF4000  }
0x107: {  	[tilespmem:s7], [sflag:$0x3] =	stream.linear.gather [hbm4b:s26+s3], $0x600, $0x38;
	[tilespmem:$0x1E800] =	vst v63  }
0x108: {  	_ =	swait.ge [sflag:s4], $0x600  }
0x109: {  	[sflag:s4] =	ssyncset.done $0x0  }
0x10a: {  	[sflag:s4] =	ssyncadd.s32 $0xFFFFFA00  }
0x10b: {  	[tilespmem:s10], [sflag:$0x3] =	stream.linear.gather [hbm4b:s28+s3], $0x600, $0x38;
	[tilespmem:$0x1E800] =	vst v63  }
0x10c: {  	_ =	swait.ge [sflag:s4], $0x600  }
0x10d: {  	[sflag:s4] =	ssyncset.done $0x0  }
0x10e: {  	[sflag:s4] =	ssyncadd.s32 $0xFFFFFA00  }
0x10f: {  	[tilespmem:s11], [sflag:$0x2] =	stream.indirect.gather [hbm4b:s6+s7], $0x20, s7, s7, $0xb8;
	[tilespmem:$0x1E800] =	vst v63  }
0x110: {  	_ =	swait.ge [sflag:s14], $0xC000  }
0x111: {  	[sflag:s14] =	ssyncset.done $0x0  }
0x112: {  	[sflag:s14] =	ssyncadd.s32 $0xFFFF4000  }
0x113: {  	[spmem:s2] =	stream.indirect.scatter.add.f32 [tilespmem:s8], [sflag:$0x3], $0x20, s5, s7, $0xb8;
	[tilespmem:$0x1E800] =	vst v63  }
0x114: {  	_ =	swait.ge [sflag:s4], $0xC000  }
0x115: {  	[sflag:s4] =	ssyncset.done $0x0  }
0x116: {  	[sflag:s4] =	ssyncadd.s32 $0xFFFF4000  }
0x117: {  	_ =	swait.ge [sflag:s17], $0xC000  }
0x118: {  	[sflag:s17] =	ssyncset.done $0x0  }
0x119: {  	p0 =	sne.s32 s30, $0x1;
	[sflag:s17] =	ssyncadd.s32 $0xFFFF4000  }
0x11a: {  	[spmem:s2] =	stream.indirect.scatter.add.f32 [tilespmem:s11], [sflag:$0x3], $0x20, s10, s7, $0xb8;
	[tilespmem:$0x1E800] =	vst v63  }
.Ltmp1:
0x11b: {  	_ =	swait.ge [sflag:s4], $0xC000;
	(pc) =	sbr.rel @p0 .LBB2_1-.Ltmp1, $4  }
0x11c: {  	[sflag:s4] =	ssyncset.done $0x0  }
0x11d: {  	[sflag:s4] =	ssyncadd.s32 $0xFFFF4000  }
0x11e: {  	s30 =	sadd.s32 $0xFFFFFFFF, s30;
	[bflag:$0x0] =	sbarrier.arrive $0xFFFF  }
0x11f: {  	[hbm:s29], [sflag:s13] =	dma.local [spmem:s12], $0xA00  }
.LBB2_2:
0x120: {  	_ =	swait.ge [sflag:s4], $0xA00  }
0x121: {  	[sflag:s4] =	ssyncset.done $0x0  }
0x122: {  	[sflag:s4] =	ssyncadd.s32 $0xFFFFF600  }
0x123: {  	_ =	sfence.sel $0x180000  }
0x124: {  	[bflag:$0x0] =	sbarrier.arrive $0xFFFF  }
0x125: {  	_ =	strace $0x90000050  }
0x126: {  	[bflag:$0x2] =	sbarrier.arrive $0xFFFF  }
0x127: {  	p0 =	sne.s32 s0, $0x0;
	s0 =	rddreg [dreg:$0x3]  }
0x128: {  	s0 =	sadd.s32 @!p0 $0x100000, s0  }
0x129: {  	[sflag:s0] =	ssyncadd.tile.s32 @!p0 $0x1;
	_ =	shalt  }
.Lfunc_end2:
_tile_overlayer_lowered:
.L_overlay_start_2:
0x12a: {  	(tag) =	ssettag $0x2  }
0x12b: {  	s0 =	rddreg [dreg:$0x0];
	s2 =	stileid.u32  }
0x12c: {  	s1 =	rddreg [dreg:$0x1];
	p0 =	sne.s32 s2, $0x0  }
0x12d: {  	s3 =	rddreg [dreg:$0x2];
	[bflag:$0x3] =	sbarrier.arrive $0xFFFF;
	s2 =	simm.s32 @!p0 $0x1C03  }
0x12e: {  	[timem:s3], [sflag:s2] =	dma.local @!p0 [hbm:s0], s1  }
0x12f: {  	s0 =	simm.s32 @!p0 $0x3  }
0x130: {  	_ =	swait.ge @!p0 [sflag:s0], s1  }
0x131: {  	s1 =	ssub.s32 @!p0 $0x0, s1;
	[sflag:s0] =	ssyncset.done @!p0 $0x0  }
0x132: {  	[sflag:s0] =	ssyncadd.s32 @!p0 s1  }
0x133: {  	[bflag:$0x3] =	sbarrier.arrive $0xFFFF  }
0x134: {  	_ =	shalt  }

// kernel: kernel.26.cloned.1.call-start
scs
__scs_entry_jumppad:
0x0: {  	(pc) =	sbr.rel $0x88, $3  }
0x1: {  	(tag) =	ssettag $0x0;
	lr =	simm.s32 $0x1  }
0x2: {  	[smem:$0x3F95] =	sst lr;
	_ =	strace $0xD0000000  }
0x3: {  	_ = 	snop  }
0x4: {  	_ = 	snop  }
0x5: {  	_ = 	snop  }
0x6: {  	_ = 	snop  }
0x7: {  	_ = 	snop  }
__scs_overlays_trampoline_lowered:
0x8: {  	[smem:$0x3FA4] =	sst s0  }
0x9: {  	[smem:$0x3FA5] =	sst s1  }
0xa: {  	[smem:$0x3FA6] =	sst s2  }
0xb: {  	[smem:$0x3FA7] =	sst s3  }
0xc: {  	[smem:$0x3FA8] =	sst s4  }
0xd: {  	[smem:$0x3FA9] =	sst s5  }
0xe: {  	[smem:$0x3FAA] =	sst s6  }
0xf: {  	[smem:$0x3FAB] =	sst s7  }
0x10: {  	[smem:$0x3FAC] =	sst s8  }
0x11: {  	[smem:$0x3FAD] =	sst s9;
	s0 =	simm.s32 @!p0 $0x0  }
0x12: {  	s1 =	sld [smem:$0x3F93];
	s0 =	simm.s32 @p0 $0x1  }
0x13: {  	[smem:$0x3FAE] =	sst s0;
	s0 =	simm.s32 @!p1 $0x0  }
0x14: {  	s2 =	sld [smem:$0x3F92];
	s0 =	simm.s32 @p1 $0x1  }
0x15: {  	[smem:$0x3FAF] =	sst s0;
	s0 =	simm.s32 @!p2 $0x0  }
0x16: {  	s3 =	sld [smem:$0x3FDB];
	s0 =	simm.s32 @p2 $0x1  }
0x17: {  	s4 =	simm.s32 $0x1BF5;
	[smem:$0x3FB1] =	sst s0  }
0x18: {  	s0 =	sld [smem:$0x3F94];
	_ =	swait.ge [sflag:s4], $0x0  }
0x19: {  	s7 =	sld [smem:$0x3F95]  }
0x1a: {  	s8 =	sadd.s32 $0xFFFFE003, lr  }
0x1b: {  	s9 =	sadd.s32 $0xFFFFFEF7, lr;
	s5 =	simm.s32 $0xFFFFFFFF;
	p2 =	slt.u32 s8, $0xFFFFF086  }
0x1c: {  	p1 =	slt.u32 s9, $0xF7A;
	s5 =	simm.s32 @!p2 $0x0  }
0x1d: {  	s5 =	simm.s32 @p1 $0x1;
	p0 =	seq.s32 s7, s2  }
0x1e: {  	s7 =	smul.u32 @!p0 $0xF7A, s2;
	p2 =	seq.s32 @!p0 s5, $0x0  }
0x1f: {  	s9 =	smul.u32 $0xF7A, s1;
	s8 =	simm.s32 @!p0 $0x1BF5;
	p2 =	por !p2, p0  }
0x20: {  	[sflag:s8] =	ssyncset.s32 @!p0 $0xFFFFF086;
	s6 =	sadd.s32 @!p0 s3, s7;
	s7 =	simm.s32 @!p0 $0x108  }
0x21: {  	s3 =	sadd.s32 s3, s9;
	s6 =	sadd.s32 @!p0 $0x88, s6;
	s7 =	simm.s32 @p2 $0x1082  }
0x22: {  	[simem:s7], [sflag:s8] =	dma.local @!p0 [hbm:s6], $0xF7A  }
0x23: {  	s9 =	sor.u32 $0xD0000000, s2;
	s6 =	simm.s32 $0x108;
	_ =	swait.ge @!p0 [sflag:s8], $0x0  }
0x24: {  	s3 =	sadd.s32 $0x88, s3;
	s6 =	simm.s32 @!p1 $0x1082;
	[sflag:s4] =	ssyncset.s32 $0xFFFFF086  }
0x25: {  	[simem:s6], [sflag:s4] =	dma.local [hbm:s3], $0xF7A  }
0x26: {  	[smem:$0x3F95] =	sst s1;
	(tag) =	ssettag s2;
	_ =	strace s9  }
0x27: {  	s1 =	sld [smem:$0x3FA5]  }
0x28: {  	s2 =	sld [smem:$0x3FA6]  }
0x29: {  	s4 =	sld [smem:$0x3FA8]  }
0x2a: {  	p0 =	seq.s32 s5, $0x0;
	s5 =	sld [smem:$0x3FA9]  }
0x2b: {  	s6 =	sld [smem:$0x3FAA]  }
0x2c: {  	s7 =	sld [smem:$0x3FAB]  }
0x2d: {  	s3 =	simm.s32 $0x108;
	s8 =	sld [smem:$0x3FAC]  }
0x2e: {  	s3 =	simm.s32 @!p0 $0x1082;
	s9 =	sld [smem:$0x3FAD]  }
0x2f: {  	lr =	sadd.s32 s0, s3;
	s0 =	sld [smem:$0x3FA4]  }
0x30: {  	s3 =	sld [smem:$0x3FA7]  }
0x31: {  	[smem:$0x3FB0] =	sst s10  }
0x32: {  	s10 =	sld [smem:$0x3FAE];
	_ =	sdelay $0x3  }
0x33: {  	p0 =	seq.s32 s10, $0x1;
	s10 =	sld [smem:$0x3FB0];
	_ =	sdelay $0x3  }
0x34: {  	[smem:$0x3FB0] =	sst s10  }
0x35: {  	s10 =	sld [smem:$0x3FAF];
	_ =	sdelay $0x3  }
0x36: {  	p1 =	seq.s32 s10, $0x1;
	s10 =	sld [smem:$0x3FB0];
	_ =	sdelay $0x3  }
0x37: {  	[smem:$0x3FB0] =	sst s10  }
0x38: {  	s10 =	sld [smem:$0x3FB1]  }
0x39: {  	_ = 	snop;
	(pc) =	sbr.ind lr, $3  }
0x3a: {  	_ = 	snop  }
0x3b: {  	_ = 	snop  }
0x3c: {  	p2 =	seq.s32 s10, $0x1;
	s10 =	sld [smem:$0x3FB0]  }
0x3d: {  	_ =	shalt  }
0x3e: {  	_ =	shalt  }
0x3f: {  	_ =	shalt  }
0x40: {  	_ =	shalt  }
0x41: {  	_ =	shalt  }
0x42: {  	_ =	shalt  }
0x43: {  	_ =	shalt  }
0x44: {  	_ =	shalt  }
0x45: {  	_ =	shalt  }
0x46: {  	_ =	shalt  }
0x47: {  	_ =	shalt  }
0x48: {  	_ =	shalt  }
0x49: {  	_ =	shalt  }
0x4a: {  	_ =	shalt  }
0x4b: {  	_ =	shalt  }
0x4c: {  	_ =	shalt  }
0x4d: {  	_ =	shalt  }
0x4e: {  	_ =	shalt  }
0x4f: {  	_ =	shalt  }
0x50: {  	_ =	shalt  }
0x51: {  	_ =	shalt  }
0x52: {  	_ =	shalt  }
0x53: {  	_ =	shalt  }
0x54: {  	_ =	shalt  }
0x55: {  	_ =	shalt  }
0x56: {  	_ =	shalt  }
0x57: {  	_ =	shalt  }
0x58: {  	_ =	shalt  }
0x59: {  	_ =	shalt  }
0x5a: {  	_ =	shalt  }
0x5b: {  	_ =	shalt  }
0x5c: {  	_ =	shalt  }
0x5d: {  	_ =	shalt  }
0x5e: {  	_ =	shalt  }
0x5f: {  	_ =	shalt  }
0x60: {  	_ =	shalt  }
0x61: {  	_ =	shalt  }
0x62: {  	_ =	shalt  }
0x63: {  	_ =	shalt  }
0x64: {  	_ =	shalt  }
0x65: {  	_ =	shalt  }
0x66: {  	_ =	shalt  }
0x67: {  	_ =	shalt  }
0x68: {  	_ =	shalt  }
0x69: {  	_ =	shalt  }
0x6a: {  	_ =	shalt  }
0x6b: {  	_ =	shalt  }
0x6c: {  	_ =	shalt  }
0x6d: {  	_ =	shalt  }
0x6e: {  	_ =	shalt  }
0x6f: {  	_ =	shalt  }
0x70: {  	_ =	shalt  }
0x71: {  	_ =	shalt  }
0x72: {  	_ =	shalt  }
0x73: {  	_ =	shalt  }
0x74: {  	_ =	shalt  }
0x75: {  	_ =	shalt  }
0x76: {  	_ =	shalt  }
0x77: {  	_ =	shalt  }
0x78: {  	_ =	shalt  }
0x79: {  	_ =	shalt  }
0x7a: {  	_ =	shalt  }
0x7b: {  	_ =	shalt  }
0x7c: {  	_ =	shalt  }
0x7d: {  	_ =	shalt  }
0x7e: {  	_ =	shalt  }
0x7f: {  	_ =	shalt  }
0x80: {  	_ =	shalt  }
0x81: {  	_ =	shalt  }
0x82: {  	_ =	shalt  }
0x83: {  	_ =	shalt  }
0x84: {  	_ =	shalt  }
0x85: {  	_ =	shalt  }
0x86: {  	_ =	shalt  }
0x87: {  	_ =	shalt  }
.Lfunc_end0:
.L_simem_size_0:
called_computation.4_lowered:
.L_overlay_start_0:
0x88: {  	s2 =	sld [smem:$0x3FD9]  }
0x89: {  	s3 =	sld [smem:$0x3FFE];
	_ =	sdelay $0x1  }
0x8a: {  	s1 =	srdreg.scid  }
0x8b: {  	s0 =	sand.u32 $0x1, s1  }
0x8c: {  	s16 =	sshll.u32 s0, $0xA;
	s2 =	sadd.s32 s3, s2  }
0x8d: {  	s2 =	sadd.s32 s2, s16  }
0x8e: {  	[smem:$0x3FBC] =	sst s2  }
0x8f: {  	_ = 	snop  }
0x90: {  	(tm) =	ssettm $0x1  }
0x91: {  	s17 =	sld [smem:$0x3FFB];
	_ =	sdelay $0x3  }
0x92: {  	_ =	strace s17  }
0x93: {  	s2 =	sld [smem:$0x3FFC];
	_ =	sdelay $0x3  }
0x94: {  	_ =	strace s2  }
0x95: {  	s2 =	sld [smem:$0x3FFD];
	_ =	sdelay $0x3  }
0x96: {  	_ =	strace s2  }
0x97: {  	_ =	strace $0x8FFFFFFF  }
0x98: {  	s18 =	sld [smem:$0x3FDB];
	_ =	sdelay $0x1  }
0x99: {  	s19 =	simm.s32 $_scs_section_size  }
0x9a: {  	s4 =	simm.s32 $_size__tile_overlayer_lowered;
	s5 =	simm.s32 $_tile_overlayer_lowered  }
0x9b: {  	s22 =	simm.s32 $0x1BFF;
	s21 =	sshll.u32 s5, $0x1;
	s2 =	sadd.s32 s19, s18  }
0x9c: {  	s6 =	simm.s32 $0x0;
	s20 =	sshll.u32 s4, $0x1;
	s4 =	sadd.s32 s21, s2  }
0x9d: {  	[timem:s6], [sflag:s22] =	dma.local [hbm:s4], s20  }
0x9e: {  	_ =	swait.ge [sflag:s22], s20  }
0x9f: {  	s3 =	ssub.s32 $0x0, s20;
	[sflag:s22] =	ssyncset.done $0x0  }
0xa0: {  	[sflag:s22] =	ssyncadd.s32 s3;
	_ =	sdelay $0x1  }
0xa1: {  	s23 =	simm.s32 $0x1B8B  }
0xa2: {  	_ =	swait.ge [sflag:s23], $0x1  }
0xa3: {  	[sflag:s23] =	ssyncset.done $0x0  }
0xa4: {  	s25 =	simm.s32 $0x1B8E;
	s24 =	sld [smem:$0x3FFE];
	[sflag:s23] =	ssyncadd.s32 $0xFFFFFFFF  }
0xa5: {  	s26 =	simm.s32 $execute0_lowered;
	[smem:$0x3FD2] =	sst s25  }
0xa6: {  	s4 =	sshll.u32 s26, $0x1;
	_ =	strace $0x80000052;
	[dreg:$0x1] =	wrdreg $0xFFFFFFFF  }
0xa7: {  	s28 =	simm.s32 $_size_execute0_lowered;
	s2 =	sadd.s32 s2, s4;
	[dreg:$0x0] =	wrdreg $0x0  }
0xa8: {  	s4 =	sshll.u32 s28, $0x1;
	[dreg:$0x2] =	wrdreg s2  }
0xa9: {  	[dreg:$0x3] =	wrdreg s4  }
0xaa: {  	[dreg:$0x4] =	wrdreg $0xC0  }
0xab: {  	_ =	task [dreg:s6], $0x5FFFF  }
0xac: {  	[dreg:$0x1] =	wrdreg $0xFFFFFFFF  }
0xad: {  	[dreg:$0x0] =	wrdreg $0x60  }
0xae: {  	[dreg:$0x2] =	wrdreg s24  }
0xaf: {  	[dreg:$0x3] =	wrdreg $0x1B0000  }
0xb0: {  	[dreg:$0x4] =	wrdreg $0x9  }
0xb1: {  	_ =	task.clear_ibuf [dreg:s6], $0x5FFFF;
	_ =	strace $0x90000052  }
0xb2: {  	s29 =	simm.s32 $0x9;
	_ =	strace $0x80000054  }
0xb3: {  	_ =	swait.ge [sflag:s29], $0x1  }
0xb4: {  	[sflag:s29] =	ssyncadd.s32 $0xFFFFFFFF  }
0xb5: {  	_ =	strace $0x90000054  }
0xb6: {  	_ =	sfence  }
0xb7: {  	s30 =	sld [smem:$0x0];
	_ =	sdelay $0x2  }
0xb8: {  	s31 =	sshll.u32 s1, $0xD;
	s1 =	sshrl.u32 s1, $0x2  }
0xb9: {  	s3 =	sand.u32 $0x4000, s31;
	s1 =	sadd.s32 s1, s30  }
0xba: {  	s0 =	sor.u32 s3, s0;
	s1 =	sshll.u32 s1, $0x11  }
0xbb: {  	s0 =	sor.u32 s1, s0  }
0xbc: {  	s0 =	sadd.s32 $0x8F2B, s0  }
0xbd: {  	[sflag:s0] =	ssyncadd.remote.s32 $0x1  }
0xbe: {  	_ =	sfence.sel $0xFFFF  }
0xbf: {  	[dreg:$0x0] =	wrdreg $0xFFFFFFFF;
	(pc) =	sbr.abs _section_cstart, $3  }
0xc0: {  	[dreg:$0x1] =	wrdreg $0xFFFFFFFF  }
0xc1: {  	_ =	task.clear_ibuf [dreg:s6], $0x2FFFF;
	_ =	strace $0x9FFFFFFF  }
0xc2: {  	(tm) =	ssettm $0x7FFFFFFF  }
0xc3: {  	_ =	shalt  }
tec
execute0_lowered:
.L_overlay_start_1:
0x0: {  	(tag) =	ssettag $0x1  }
0x1: {  	s0 =	srdreg.scid  }
0x2: {  	s25 =	sand.u32 $0x1, s0  }
0x3: {  	s0 =	stileid.u32;
	s1 =	sshll.u32 s25, $0x4  }
0x4: {  	s24 =	rddreg [dreg:$0x0];
	s1 =	sor.u32 s0, s1  }
0x5: {  	s2 =	rddreg [dreg:$0x1];
	s3 =	simm.s32 $0x0;
	s4 =	smul.u32 $0x3000, s1  }
0x6: {  	[smem:$0x7FF] =	sst s3  }
0x7: {  	s22 =	sadd.s32 $0x1A200, s24;
	s1 =	rddreg [dreg:$0x2];
	s28 =	sshrl.u32 s4, $0x3  }
0x8: {  	_ =	strace $0x80000053;
	s4 =	simm.s32 $0x3;
	s5 =	sadd.s32 s22, s28  }
0x9: {  	[tilespmem:s3], [sflag:$0x3] =	stream.linear.gather [hbm4b:s5+s3], $0xC00, $0x38;
	[tilespmem:$0x1D800] =	vst v63  }
0xa: {  	_ =	swait.ge [sflag:s4], $0xC00  }
0xb: {  	s23 =	sadd.s32 $0x3C00, s24;
	[sflag:s4] =	ssyncset.done $0x0  }
0xc: {  	s7 =	simm.s32 $0x1800;
	s6 =	sadd.s32 s23, s28;
	[sflag:s4] =	ssyncadd.s32 $0xFFFFF400  }
0xd: {  	[tilespmem:s7], [sflag:$0x3] =	stream.linear.gather [hbm4b:s6+s3], $0xC00, $0x38;
	[tilespmem:$0x1D800] =	vst v63  }
0xe: {  	_ =	swait.ge [sflag:s4], $0xC00  }
0xf: {  	s9 =	simm.s32 $0xC00;
	s10 =	simm.s32 $0x3000;
	[sflag:s4] =	ssyncset.done $0x0  }
0x10: {  	s8 =	sadd.s32 $0x10200, s24;
	s12 =	sor.u32 $0x180, s28;
	[sflag:s4] =	ssyncadd.s32 $0xFFFFF400  }
0x11: {  	[tilespmem:s10], [sflag:$0x1] =	stream.indirect.gather [hbm4b:s8+s9], $0x10, s3, s9, $0xb8;
	[tilespmem:$0x1D800] =	vst v63  }
0x12: {  	s11 =	sadd.s32 s22, s12  }
0x13: {  	[tilespmem:s9], [sflag:$0x3] =	stream.linear.gather [hbm4b:s11+s3], $0xC00, $0x38;
	[tilespmem:$0x1D800] =	vst v63  }
0x14: {  	_ =	swait.ge [sflag:s4], $0xC00  }
0x15: {  	s13 =	simm.s32 $0x2400;
	[sflag:s4] =	ssyncset.done $0x0  }
0x16: {  	s26 =	smul.u32 $0x2800, s0;
	s12 =	sadd.s32 s23, s12;
	[sflag:s4] =	ssyncadd.s32 $0xFFFFF400  }
0x17: {  	[tilespmem:s13], [sflag:$0x3] =	stream.linear.gather [hbm4b:s12+s3], $0xC00, $0x38;
	[tilespmem:$0x1D800] =	vst v63  }
0x18: {  	s15 =	simm.s32 $0xF000;
	s14 =	sadd.s32 $0xFC00, s24;
	_ =	swait.ge [sflag:s4], $0xC00  }
0x19: {  	s17 =	sshll.u32 s0, $0x6;
	s16 =	sadd.s32 s26, s2;
	[sflag:s4] =	ssyncset.done $0x0  }
0x1a: {  	s17 =	sor.u32 $0x1C03, s17;
	s16 =	sshrl.u32 s16, $0x3;
	[sflag:s4] =	ssyncadd.s32 $0xFFFFF400  }
0x1b: {  	[tilespmem:s15], [sflag:$0x2] =	stream.indirect.gather [hbm4b:s8+s9], $0x10, s9, s9, $0xb8;
	[tilespmem:$0x1D800] =	vst v63  }
0x1c: {  	[spmem:s16], [sflag:s17] =	dma.local [hbm:s14], $0x500  }
0x1d: {  	_ =	swait.ge [sflag:s4], $0x500  }
0x1e: {  	[sflag:s4] =	ssyncset.done $0x0  }
0x1f: {  	[sflag:s4] =	ssyncadd.s32 $0xFFFFFB00  }
0x20: {  	s18 =	simm.s32 $0x1;
	[bflag:$0x0] =	sbarrier.arrive $0xFFFF  }
0x21: {  	_ =	swait.ge [sflag:s18], $0xC000  }
0x22: {  	[sflag:s18] =	ssyncset.done $0x0  }
0x23: {  	[sflag:s18] =	ssyncadd.s32 $0xFFFF4000  }
0x24: {  	[spmem:s2] =	stream.indirect.scatter.add.f32 [tilespmem:s10], [sflag:$0x3], $0x10, s7, s9, $0xb8;
	[tilespmem:$0x1D800] =	vst v63  }
0x25: {  	_ =	swait.ge [sflag:s4], $0xC000  }
0x26: {  	s20 =	sadd.s32 $0x300, s28;
	[sflag:s4] =	ssyncset.done $0x0  }
0x27: {  	s19 =	sadd.s32 s22, s20;
	[sflag:s4] =	ssyncadd.s32 $0xFFFF4000  }
0x28: {  	[tilespmem:s3], [sflag:$0x3] =	stream.linear.gather [hbm4b:s19+s3], $0xC00, $0x38;
	[tilespmem:$0x1D800] =	vst v63  }
0x29: {  	_ =	swait.ge [sflag:s4], $0xC00  }
0x2a: {  	[sflag:s4] =	ssyncset.done $0x0  }
0x2b: {  	s20 =	sadd.s32 s23, s20;
	[sflag:s4] =	ssyncadd.s32 $0xFFFFF400  }
0x2c: {  	[tilespmem:s7], [sflag:$0x3] =	stream.linear.gather [hbm4b:s20+s3], $0xC00, $0x38;
	[tilespmem:$0x1D800] =	vst v63  }
0x2d: {  	_ =	swait.ge [sflag:s4], $0xC00  }
0x2e: {  	[sflag:s4] =	ssyncset.done $0x0  }
0x2f: {  	s21 =	simm.s32 $0x2;
	[sflag:s4] =	ssyncadd.s32 $0xFFFFF400  }
0x30: {  	[tilespmem:s10], [sflag:$0x1] =	stream.indirect.gather [hbm4b:s8+s9], $0x10, s3, s9, $0xb8;
	[tilespmem:$0x1D800] =	vst v63  }
0x31: {  	_ =	swait.ge [sflag:s21], $0xC000  }
0x32: {  	[sflag:s21] =	ssyncset.done $0x0  }
0x33: {  	[sflag:s21] =	ssyncadd.s32 $0xFFFF4000  }
0x34: {  	[spmem:s2] =	stream.indirect.scatter.add.f32 [tilespmem:s15], [sflag:$0x3], $0x10, s13, s9, $0xb8;
	[tilespmem:$0x1D800] =	vst v63  }
0x35: {  	_ =	swait.ge [sflag:s4], $0xC000  }
0x36: {  	s28 =	sadd.s32 $0x480, s28;
	[sflag:s4] =	ssyncset.done $0x0  }
0x37: {  	s22 =	sadd.s32 s22, s28;
	[sflag:s4] =	ssyncadd.s32 $0xFFFF4000  }
0x38: {  	[tilespmem:s9], [sflag:$0x3] =	stream.linear.gather [hbm4b:s22+s3], $0xC00, $0x38;
	[tilespmem:$0x1D800] =	vst v63  }
0x39: {  	_ =	swait.ge [sflag:s4], $0xC00  }
0x3a: {  	[sflag:s4] =	ssyncset.done $0x0  }
0x3b: {  	s23 =	sadd.s32 s23, s28;
	[sflag:s4] =	ssyncadd.s32 $0xFFFFF400  }
0x3c: {  	[tilespmem:s13], [sflag:$0x3] =	stream.linear.gather [hbm4b:s23+s3], $0xC00, $0x38;
	[tilespmem:$0x1D800] =	vst v63  }
0x3d: {  	_ =	swait.ge [sflag:s4], $0xC00  }
0x3e: {  	[sflag:s4] =	ssyncset.done $0x0  }
0x3f: {  	[sflag:s4] =	ssyncadd.s32 $0xFFFFF400  }
0x40: {  	[tilespmem:s15], [sflag:$0x2] =	stream.indirect.gather [hbm4b:s8+s9], $0x10, s9, s9, $0xb8;
	[tilespmem:$0x1D800] =	vst v63  }
0x41: {  	_ =	swait.ge [sflag:s18], $0xC000  }
0x42: {  	[sflag:s18] =	ssyncset.done $0x0  }
0x43: {  	[sflag:s18] =	ssyncadd.s32 $0xFFFF4000  }
0x44: {  	[spmem:s2] =	stream.indirect.scatter.add.f32 [tilespmem:s10], [sflag:$0x3], $0x10, s7, s9, $0xb8;
	[tilespmem:$0x1D800] =	vst v63  }
0x45: {  	_ =	swait.ge [sflag:s4], $0xC000  }
0x46: {  	[sflag:s4] =	ssyncset.done $0x0  }
0x47: {  	s30 =	smul.u32 $0x28000, s25;
	s25 =	ssub.s32 $0x2, s25;
	[sflag:s4] =	ssyncadd.s32 $0xFFFF4000  }
0x48: {  	s31 =	sshrl.u32 s25, $0x1;
	_ =	swait.ge [sflag:s21], $0xC000  }
0x49: {  	s25 =	ssub.s32 s25, s31;
	[sflag:s21] =	ssyncset.done $0x0  }
0x4a: {  	s25 =	smax.u32 s25, $0x1;
	[sflag:s21] =	ssyncadd.s32 $0xFFFF4000  }
0x4b: {  	[spmem:s2] =	stream.indirect.scatter.add.f32 [tilespmem:s15], [sflag:$0x3], $0x10, s13, s9, $0xb8;
	[tilespmem:$0x1D800] =	vst v63  }
0x4c: {  	s26 =	sadd.s32 s26, s30;
	p0 =	sne.s32 s25, $0x1;
	_ =	swait.ge [sflag:s4], $0xC000  }
.Ltmp0:
0x4d: {  	s26 =	sshrl.u32 s26, $0x3;
	[sflag:s4] =	ssyncset.done $0x0;
	(pc) =	sbr.rel @!p0 .LBB2_2-.Ltmp0, $4  }
0x4e: {  	s24 =	sadd.s32 s26, s24;
	[sflag:s4] =	ssyncadd.s32 $0xFFFF4000  }
0x4f: {  	s24 =	sadd.s32 $0x26200, s24;
	[bflag:$0x0] =	sbarrier.arrive $0xFFFF  }
0x50: {  	[hbm:s24], [sflag:s17] =	dma.local [spmem:s16], $0x500  }
0x51: {  	s25 =	sadd.s32 $0xFFFFFFFF, s25;
	_ =	swait.ge [sflag:s4], $0x500  }
.LBB2_1:
0x52: {  	p0 =	sne.s32 s25, $0x1;
	s25 =	sadd.s32 $0xFFFFFFFF, s25;
	[sflag:s4] =	ssyncset.done $0x0  }
0x53: {  	[sflag:s4] =	ssyncadd.s32 $0xFFFFFB00  }
0x54: {  	[tilespmem:s3], [sflag:$0x3] =	stream.linear.gather [hbm4b:s5+s3], $0xC00, $0x38;
	[tilespmem:$0x1D800] =	vst v63  }
0x55: {  	_ =	swait.ge [sflag:s4], $0xC00  }
0x56: {  	[sflag:s4] =	ssyncset.done $0x0  }
0x57: {  	[sflag:s4] =	ssyncadd.s32 $0xFFFFF400  }
0x58: {  	[tilespmem:s7], [sflag:$0x3] =	stream.linear.gather [hbm4b:s6+s3], $0xC00, $0x38;
	[tilespmem:$0x1D800] =	vst v63  }
0x59: {  	_ =	swait.ge [sflag:s4], $0xC00  }
0x5a: {  	[sflag:s4] =	ssyncset.done $0x0  }
0x5b: {  	[sflag:s4] =	ssyncadd.s32 $0xFFFFF400  }
0x5c: {  	[tilespmem:s10], [sflag:$0x1] =	stream.indirect.gather [hbm4b:s8+s9], $0x10, s3, s9, $0xb8;
	[tilespmem:$0x1D800] =	vst v63  }
0x5d: {  	_ = 	snop  }
0x5e: {  	[tilespmem:s9], [sflag:$0x3] =	stream.linear.gather [hbm4b:s11+s3], $0xC00, $0x38;
	[tilespmem:$0x1D800] =	vst v63  }
0x5f: {  	_ =	swait.ge [sflag:s4], $0xC00  }
0x60: {  	[sflag:s4] =	ssyncset.done $0x0  }
0x61: {  	[sflag:s4] =	ssyncadd.s32 $0xFFFFF400  }
0x62: {  	[tilespmem:s13], [sflag:$0x3] =	stream.linear.gather [hbm4b:s12+s3], $0xC00, $0x38;
	[tilespmem:$0x1D800] =	vst v63  }
0x63: {  	_ =	swait.ge [sflag:s4], $0xC00  }
0x64: {  	[sflag:s4] =	ssyncset.done $0x0  }
0x65: {  	[sflag:s4] =	ssyncadd.s32 $0xFFFFF400  }
0x66: {  	[tilespmem:s15], [sflag:$0x2] =	stream.indirect.gather [hbm4b:s8+s9], $0x10, s9, s9, $0xb8;
	[tilespmem:$0x1D800] =	vst v63  }
0x67: {  	[spmem:s16], [sflag:s17] =	dma.local [hbm:s14], $0x500  }
0x68: {  	_ =	swait.ge [sflag:s4], $0x500  }
0x69: {  	[sflag:s4] =	ssyncset.done $0x0  }
0x6a: {  	[sflag:s4] =	ssyncadd.s32 $0xFFFFFB00  }
0x6b: {  	[bflag:$0x0] =	sbarrier.arrive $0xFFFF  }
0x6c: {  	_ =	swait.ge [sflag:s18], $0xC000  }
0x6d: {  	[sflag:s18] =	ssyncset.done $0x0  }
0x6e: {  	[sflag:s18] =	ssyncadd.s32 $0xFFFF4000  }
0x6f: {  	[spmem:s2] =	stream.indirect.scatter.add.f32 [tilespmem:s10], [sflag:$0x3], $0x10, s7, s9, $0xb8;
	[tilespmem:$0x1D800] =	vst v63  }
0x70: {  	_ =	swait.ge [sflag:s4], $0xC000  }
0x71: {  	[sflag:s4] =	ssyncset.done $0x0  }
0x72: {  	[sflag:s4] =	ssyncadd.s32 $0xFFFF4000  }
0x73: {  	[tilespmem:s3], [sflag:$0x3] =	stream.linear.gather [hbm4b:s19+s3], $0xC00, $0x38;
	[tilespmem:$0x1D800] =	vst v63  }
0x74: {  	_ =	swait.ge [sflag:s4], $0xC00  }
0x75: {  	[sflag:s4] =	ssyncset.done $0x0  }
0x76: {  	[sflag:s4] =	ssyncadd.s32 $0xFFFFF400  }
0x77: {  	[tilespmem:s7], [sflag:$0x3] =	stream.linear.gather [hbm4b:s20+s3], $0xC00, $0x38;
	[tilespmem:$0x1D800] =	vst v63  }
0x78: {  	_ =	swait.ge [sflag:s4], $0xC00  }
0x79: {  	[sflag:s4] =	ssyncset.done $0x0  }
0x7a: {  	[sflag:s4] =	ssyncadd.s32 $0xFFFFF400  }
0x7b: {  	[tilespmem:s10], [sflag:$0x1] =	stream.indirect.gather [hbm4b:s8+s9], $0x10, s3, s9, $0xb8;
	[tilespmem:$0x1D800] =	vst v63  }
0x7c: {  	_ =	swait.ge [sflag:s21], $0xC000  }
0x7d: {  	[sflag:s21] =	ssyncset.done $0x0  }
0x7e: {  	[sflag:s21] =	ssyncadd.s32 $0xFFFF4000  }
0x7f: {  	[spmem:s2] =	stream.indirect.scatter.add.f32 [tilespmem:s15], [sflag:$0x3], $0x10, s13, s9, $0xb8;
	[tilespmem:$0x1D800] =	vst v63  }
0x80: {  	_ =	swait.ge [sflag:s4], $0xC000  }
0x81: {  	[sflag:s4] =	ssyncset.done $0x0  }
0x82: {  	[sflag:s4] =	ssyncadd.s32 $0xFFFF4000  }
0x83: {  	[tilespmem:s9], [sflag:$0x3] =	stream.linear.gather [hbm4b:s22+s3], $0xC00, $0x38;
	[tilespmem:$0x1D800] =	vst v63  }
0x84: {  	_ =	swait.ge [sflag:s4], $0xC00  }
0x85: {  	[sflag:s4] =	ssyncset.done $0x0  }
0x86: {  	[sflag:s4] =	ssyncadd.s32 $0xFFFFF400  }
0x87: {  	[tilespmem:s13], [sflag:$0x3] =	stream.linear.gather [hbm4b:s23+s3], $0xC00, $0x38;
	[tilespmem:$0x1D800] =	vst v63  }
0x88: {  	_ =	swait.ge [sflag:s4], $0xC00  }
0x89: {  	[sflag:s4] =	ssyncset.done $0x0  }
0x8a: {  	[sflag:s4] =	ssyncadd.s32 $0xFFFFF400  }
0x8b: {  	[tilespmem:s15], [sflag:$0x2] =	stream.indirect.gather [hbm4b:s8+s9], $0x10, s9, s9, $0xb8;
	[tilespmem:$0x1D800] =	vst v63  }
0x8c: {  	_ =	swait.ge [sflag:s18], $0xC000  }
0x8d: {  	[sflag:s18] =	ssyncset.done $0x0  }
0x8e: {  	[sflag:s18] =	ssyncadd.s32 $0xFFFF4000  }
0x8f: {  	[spmem:s2] =	stream.indirect.scatter.add.f32 [tilespmem:s10], [sflag:$0x3], $0x10, s7, s9, $0xb8;
	[tilespmem:$0x1D800] =	vst v63  }
0x90: {  	_ =	swait.ge [sflag:s4], $0xC000  }
0x91: {  	[sflag:s4] =	ssyncset.done $0x0  }
0x92: {  	[sflag:s4] =	ssyncadd.s32 $0xFFFF4000  }
0x93: {  	_ =	swait.ge [sflag:s21], $0xC000  }
0x94: {  	[sflag:s21] =	ssyncset.done $0x0  }
0x95: {  	[sflag:s21] =	ssyncadd.s32 $0xFFFF4000  }
0x96: {  	[spmem:s2] =	stream.indirect.scatter.add.f32 [tilespmem:s15], [sflag:$0x3], $0x10, s13, s9, $0xb8;
	[tilespmem:$0x1D800] =	vst v63  }
0x97: {  	_ =	swait.ge [sflag:s4], $0xC000  }
.Ltmp1:
0x98: {  	[sflag:s4] =	ssyncset.done $0x0;
	(pc) =	sbr.rel @p0 .LBB2_1-.Ltmp1, $4  }
0x99: {  	[sflag:s4] =	ssyncadd.s32 $0xFFFF4000  }
0x9a: {  	[bflag:$0x0] =	sbarrier.arrive $0xFFFF  }
0x9b: {  	[hbm:s24], [sflag:s17] =	dma.local [spmem:s16], $0x500  }
0x9c: {  	_ =	swait.ge [sflag:s4], $0x500  }
.LBB2_2:
0x9d: {  	[sflag:s4] =	ssyncset.done $0x0  }
0x9e: {  	[sflag:s4] =	ssyncadd.s32 $0xFFFFFB00  }
0x9f: {  	_ =	sfence.sel $0x180000  }
0xa0: {  	[bflag:$0x0] =	sbarrier.arrive $0xFFFF  }
0xa1: {  	p0 =	sne.s32 s0, $0x0;
	_ =	strace $0x90000053  }
0xa2: {  	s0 =	sadd.s32 @!p0 $0x100000, s1;
	[bflag:$0x2] =	sbarrier.arrive $0xFFFF  }
0xa3: {  	[sflag:s0] =	ssyncadd.tile.s32 @!p0 $0x1;
	_ =	shalt  }
.Lfunc_end2:
_tile_overlayer_lowered:
.L_overlay_start_2:
0xa4: {  	(tag) =	ssettag $0x2  }
0xa5: {  	s0 =	rddreg [dreg:$0x0];
	s2 =	stileid.u32  }
0xa6: {  	s1 =	rddreg [dreg:$0x1];
	p0 =	sne.s32 s2, $0x0  }
0xa7: {  	s3 =	rddreg [dreg:$0x2];
	[bflag:$0x3] =	sbarrier.arrive $0xFFFF;
	s2 =	simm.s32 @!p0 $0x1C03  }
0xa8: {  	[timem:s3], [sflag:s2] =	dma.local @!p0 [hbm:s0], s1  }
0xa9: {  	s0 =	simm.s32 @!p0 $0x3  }
0xaa: {  	_ =	swait.ge @!p0 [sflag:s0], s1  }
0xab: {  	s1 =	ssub.s32 @!p0 $0x0, s1;
	[sflag:s0] =	ssyncset.done @!p0 $0x0  }
0xac: {  	[sflag:s0] =	ssyncadd.s32 @!p0 s1  }
0xad: {  	[bflag:$0x3] =	sbarrier.arrive $0xFFFF  }
0xae: {  	_ =	shalt  }

// kernel: kernel.29.cloned.1.call-start
scs
__scs_entry_jumppad:
0x0: {  	(pc) =	sbr.rel $0x88, $3  }
0x1: {  	(tag) =	ssettag $0x0;
	lr =	simm.s32 $0x1  }
0x2: {  	[smem:$0x3F95] =	sst lr;
	_ =	strace $0xD0000000  }
0x3: {  	_ = 	snop  }
0x4: {  	_ = 	snop  }
0x5: {  	_ = 	snop  }
0x6: {  	_ = 	snop  }
0x7: {  	_ = 	snop  }
__scs_overlays_trampoline_lowered:
0x8: {  	[smem:$0x3FA4] =	sst s0  }
0x9: {  	[smem:$0x3FA5] =	sst s1  }
0xa: {  	[smem:$0x3FA6] =	sst s2  }
0xb: {  	[smem:$0x3FA7] =	sst s3  }
0xc: {  	[smem:$0x3FA8] =	sst s4  }
0xd: {  	[smem:$0x3FA9] =	sst s5  }
0xe: {  	[smem:$0x3FAA] =	sst s6  }
0xf: {  	[smem:$0x3FAB] =	sst s7  }
0x10: {  	[smem:$0x3FAC] =	sst s8  }
0x11: {  	[smem:$0x3FAD] =	sst s9;
	s0 =	simm.s32 @!p0 $0x0  }
0x12: {  	s1 =	sld [smem:$0x3F93];
	s0 =	simm.s32 @p0 $0x1  }
0x13: {  	[smem:$0x3FAE] =	sst s0;
	s0 =	simm.s32 @!p1 $0x0  }
0x14: {  	s2 =	sld [smem:$0x3F92];
	s0 =	simm.s32 @p1 $0x1  }
0x15: {  	[smem:$0x3FAF] =	sst s0;
	s0 =	simm.s32 @!p2 $0x0  }
0x16: {  	s3 =	sld [smem:$0x3FDB];
	s0 =	simm.s32 @p2 $0x1  }
0x17: {  	s4 =	simm.s32 $0x1BF5;
	[smem:$0x3FB1] =	sst s0  }
0x18: {  	s0 =	sld [smem:$0x3F94];
	_ =	swait.ge [sflag:s4], $0x0  }
0x19: {  	s7 =	sld [smem:$0x3F95]  }
0x1a: {  	s8 =	sadd.s32 $0xFFFFE003, lr  }
0x1b: {  	s9 =	sadd.s32 $0xFFFFFEF7, lr;
	s5 =	simm.s32 $0xFFFFFFFF;
	p2 =	slt.u32 s8, $0xFFFFF086  }
0x1c: {  	p1 =	slt.u32 s9, $0xF7A;
	s5 =	simm.s32 @!p2 $0x0  }
0x1d: {  	s5 =	simm.s32 @p1 $0x1;
	p0 =	seq.s32 s7, s2  }
0x1e: {  	s7 =	smul.u32 @!p0 $0xF7A, s2;
	p2 =	seq.s32 @!p0 s5, $0x0  }
0x1f: {  	s9 =	smul.u32 $0xF7A, s1;
	s8 =	simm.s32 @!p0 $0x1BF5;
	p2 =	por !p2, p0  }
0x20: {  	[sflag:s8] =	ssyncset.s32 @!p0 $0xFFFFF086;
	s6 =	sadd.s32 @!p0 s3, s7;
	s7 =	simm.s32 @!p0 $0x108  }
0x21: {  	s3 =	sadd.s32 s3, s9;
	s6 =	sadd.s32 @!p0 $0x88, s6;
	s7 =	simm.s32 @p2 $0x1082  }
0x22: {  	[simem:s7], [sflag:s8] =	dma.local @!p0 [hbm:s6], $0xF7A  }
0x23: {  	s9 =	sor.u32 $0xD0000000, s2;
	s6 =	simm.s32 $0x108;
	_ =	swait.ge @!p0 [sflag:s8], $0x0  }
0x24: {  	s3 =	sadd.s32 $0x88, s3;
	s6 =	simm.s32 @!p1 $0x1082;
	[sflag:s4] =	ssyncset.s32 $0xFFFFF086  }
0x25: {  	[simem:s6], [sflag:s4] =	dma.local [hbm:s3], $0xF7A  }
0x26: {  	[smem:$0x3F95] =	sst s1;
	(tag) =	ssettag s2;
	_ =	strace s9  }
0x27: {  	s1 =	sld [smem:$0x3FA5]  }
0x28: {  	s2 =	sld [smem:$0x3FA6]  }
0x29: {  	s4 =	sld [smem:$0x3FA8]  }
0x2a: {  	p0 =	seq.s32 s5, $0x0;
	s5 =	sld [smem:$0x3FA9]  }
0x2b: {  	s6 =	sld [smem:$0x3FAA]  }
0x2c: {  	s7 =	sld [smem:$0x3FAB]  }
0x2d: {  	s3 =	simm.s32 $0x108;
	s8 =	sld [smem:$0x3FAC]  }
0x2e: {  	s3 =	simm.s32 @!p0 $0x1082;
	s9 =	sld [smem:$0x3FAD]  }
0x2f: {  	lr =	sadd.s32 s0, s3;
	s0 =	sld [smem:$0x3FA4]  }
0x30: {  	s3 =	sld [smem:$0x3FA7]  }
0x31: {  	[smem:$0x3FB0] =	sst s10  }
0x32: {  	s10 =	sld [smem:$0x3FAE];
	_ =	sdelay $0x3  }
0x33: {  	p0 =	seq.s32 s10, $0x1;
	s10 =	sld [smem:$0x3FB0];
	_ =	sdelay $0x3  }
0x34: {  	[smem:$0x3FB0] =	sst s10  }
0x35: {  	s10 =	sld [smem:$0x3FAF];
	_ =	sdelay $0x3  }
0x36: {  	p1 =	seq.s32 s10, $0x1;
	s10 =	sld [smem:$0x3FB0];
	_ =	sdelay $0x3  }
0x37: {  	[smem:$0x3FB0] =	sst s10  }
0x38: {  	s10 =	sld [smem:$0x3FB1]  }
0x39: {  	_ = 	snop;
	(pc) =	sbr.ind lr, $3  }
0x3a: {  	_ = 	snop  }
0x3b: {  	_ = 	snop  }
0x3c: {  	p2 =	seq.s32 s10, $0x1;
	s10 =	sld [smem:$0x3FB0]  }
0x3d: {  	_ =	shalt  }
0x3e: {  	_ =	shalt  }
0x3f: {  	_ =	shalt  }
0x40: {  	_ =	shalt  }
0x41: {  	_ =	shalt  }
0x42: {  	_ =	shalt  }
0x43: {  	_ =	shalt  }
0x44: {  	_ =	shalt  }
0x45: {  	_ =	shalt  }
0x46: {  	_ =	shalt  }
0x47: {  	_ =	shalt  }
0x48: {  	_ =	shalt  }
0x49: {  	_ =	shalt  }
0x4a: {  	_ =	shalt  }
0x4b: {  	_ =	shalt  }
0x4c: {  	_ =	shalt  }
0x4d: {  	_ =	shalt  }
0x4e: {  	_ =	shalt  }
0x4f: {  	_ =	shalt  }
0x50: {  	_ =	shalt  }
0x51: {  	_ =	shalt  }
0x52: {  	_ =	shalt  }
0x53: {  	_ =	shalt  }
0x54: {  	_ =	shalt  }
0x55: {  	_ =	shalt  }
0x56: {  	_ =	shalt  }
0x57: {  	_ =	shalt  }
0x58: {  	_ =	shalt  }
0x59: {  	_ =	shalt  }
0x5a: {  	_ =	shalt  }
0x5b: {  	_ =	shalt  }
0x5c: {  	_ =	shalt  }
0x5d: {  	_ =	shalt  }
0x5e: {  	_ =	shalt  }
0x5f: {  	_ =	shalt  }
0x60: {  	_ =	shalt  }
0x61: {  	_ =	shalt  }
0x62: {  	_ =	shalt  }
0x63: {  	_ =	shalt  }
0x64: {  	_ =	shalt  }
0x65: {  	_ =	shalt  }
0x66: {  	_ =	shalt  }
0x67: {  	_ =	shalt  }
0x68: {  	_ =	shalt  }
0x69: {  	_ =	shalt  }
0x6a: {  	_ =	shalt  }
0x6b: {  	_ =	shalt  }
0x6c: {  	_ =	shalt  }
0x6d: {  	_ =	shalt  }
0x6e: {  	_ =	shalt  }
0x6f: {  	_ =	shalt  }
0x70: {  	_ =	shalt  }
0x71: {  	_ =	shalt  }
0x72: {  	_ =	shalt  }
0x73: {  	_ =	shalt  }
0x74: {  	_ =	shalt  }
0x75: {  	_ =	shalt  }
0x76: {  	_ =	shalt  }
0x77: {  	_ =	shalt  }
0x78: {  	_ =	shalt  }
0x79: {  	_ =	shalt  }
0x7a: {  	_ =	shalt  }
0x7b: {  	_ =	shalt  }
0x7c: {  	_ =	shalt  }
0x7d: {  	_ =	shalt  }
0x7e: {  	_ =	shalt  }
0x7f: {  	_ =	shalt  }
0x80: {  	_ =	shalt  }
0x81: {  	_ =	shalt  }
0x82: {  	_ =	shalt  }
0x83: {  	_ =	shalt  }
0x84: {  	_ =	shalt  }
0x85: {  	_ =	shalt  }
0x86: {  	_ =	shalt  }
0x87: {  	_ =	shalt  }
.Lfunc_end0:
.L_simem_size_0:
called_computation.5_lowered:
.L_overlay_start_0:
0x88: {  	s2 =	sld [smem:$0x3FD9]  }
0x89: {  	s3 =	sld [smem:$0x3FFE];
	_ =	sdelay $0x1  }
0x8a: {  	s1 =	srdreg.scid  }
0x8b: {  	s0 =	sand.u32 $0x1, s1  }
0x8c: {  	s16 =	sshll.u32 s0, $0xA;
	s2 =	sadd.s32 s3, s2  }
0x8d: {  	s2 =	sadd.s32 s2, s16  }
0x8e: {  	[smem:$0x3FBC] =	sst s2  }
0x8f: {  	_ = 	snop  }
0x90: {  	(tm) =	ssettm $0x1  }
0x91: {  	s17 =	sld [smem:$0x3FFB];
	_ =	sdelay $0x3  }
0x92: {  	_ =	strace s17  }
0x93: {  	s2 =	sld [smem:$0x3FFC];
	_ =	sdelay $0x3  }
0x94: {  	_ =	strace s2  }
0x95: {  	s2 =	sld [smem:$0x3FFD];
	_ =	sdelay $0x3  }
0x96: {  	_ =	strace s2  }
0x97: {  	_ =	strace $0x8FFFFFFF  }
0x98: {  	s18 =	sld [smem:$0x3FDB];
	_ =	sdelay $0x1  }
0x99: {  	s19 =	simm.s32 $_scs_section_size  }
0x9a: {  	s4 =	simm.s32 $_size__tile_overlayer_lowered;
	s5 =	simm.s32 $_tile_overlayer_lowered  }
0x9b: {  	s22 =	simm.s32 $0x1BFF;
	s21 =	sshll.u32 s5, $0x1;
	s2 =	sadd.s32 s19, s18  }
0x9c: {  	s6 =	simm.s32 $0x0;
	s20 =	sshll.u32 s4, $0x1;
	s4 =	sadd.s32 s21, s2  }
0x9d: {  	[timem:s6], [sflag:s22] =	dma.local [hbm:s4], s20  }
0x9e: {  	_ =	swait.ge [sflag:s22], s20  }
0x9f: {  	s3 =	ssub.s32 $0x0, s20;
	[sflag:s22] =	ssyncset.done $0x0  }
0xa0: {  	[sflag:s22] =	ssyncadd.s32 s3;
	_ =	sdelay $0x1  }
0xa1: {  	s23 =	simm.s32 $0x1B8B  }
0xa2: {  	_ =	swait.ge [sflag:s23], $0x1  }
0xa3: {  	[sflag:s23] =	ssyncset.done $0x0  }
0xa4: {  	s25 =	simm.s32 $0x1B8E;
	s24 =	sld [smem:$0x3FFE];
	[sflag:s23] =	ssyncadd.s32 $0xFFFFFFFF  }
0xa5: {  	s26 =	simm.s32 $execute0_lowered;
	[smem:$0x3FD2] =	sst s25  }
0xa6: {  	s4 =	sshll.u32 s26, $0x1;
	_ =	strace $0x80000055;
	[dreg:$0x1] =	wrdreg $0xFFFFFFFF  }
0xa7: {  	s28 =	simm.s32 $_size_execute0_lowered;
	s2 =	sadd.s32 s2, s4;
	[dreg:$0x0] =	wrdreg $0x0  }
0xa8: {  	s4 =	sshll.u32 s28, $0x1;
	[dreg:$0x2] =	wrdreg s2  }
0xa9: {  	[dreg:$0x3] =	wrdreg s4  }
0xaa: {  	[dreg:$0x4] =	wrdreg $0xC0  }
0xab: {  	_ =	task [dreg:s6], $0x5FFFF  }
0xac: {  	[dreg:$0x1] =	wrdreg $0xFFFFFFFF  }
0xad: {  	[dreg:$0x0] =	wrdreg $0x60  }
0xae: {  	[dreg:$0x2] =	wrdreg s24  }
0xaf: {  	[dreg:$0x3] =	wrdreg $0x1B0000  }
0xb0: {  	[dreg:$0x4] =	wrdreg $0x9  }
0xb1: {  	_ =	task.clear_ibuf [dreg:s6], $0x5FFFF;
	_ =	strace $0x90000055  }
0xb2: {  	s29 =	simm.s32 $0x9;
	_ =	strace $0x80000057  }
0xb3: {  	_ =	swait.ge [sflag:s29], $0x1  }
0xb4: {  	[sflag:s29] =	ssyncadd.s32 $0xFFFFFFFF  }
0xb5: {  	_ =	strace $0x90000057  }
0xb6: {  	_ =	sfence  }
0xb7: {  	s30 =	sld [smem:$0x0];
	_ =	sdelay $0x2  }
0xb8: {  	s31 =	sshll.u32 s1, $0xD;
	s1 =	sshrl.u32 s1, $0x2  }
0xb9: {  	s3 =	sand.u32 $0x4000, s31;
	s1 =	sadd.s32 s1, s30  }
0xba: {  	s0 =	sor.u32 s3, s0;
	s1 =	sshll.u32 s1, $0x11  }
0xbb: {  	s0 =	sor.u32 s1, s0  }
0xbc: {  	s0 =	sadd.s32 $0x8F2B, s0  }
0xbd: {  	[sflag:s0] =	ssyncadd.remote.s32 $0x1  }
0xbe: {  	_ =	sfence.sel $0xFFFF  }
0xbf: {  	[dreg:$0x0] =	wrdreg $0xFFFFFFFF;
	(pc) =	sbr.abs _section_cstart, $3  }
0xc0: {  	[dreg:$0x1] =	wrdreg $0xFFFFFFFF  }
0xc1: {  	_ =	task.clear_ibuf [dreg:s6], $0x2FFFF;
	_ =	strace $0x9FFFFFFF  }
0xc2: {  	(tm) =	ssettm $0x7FFFFFFF  }
0xc3: {  	_ =	shalt  }
tec
execute0_lowered:
.L_overlay_start_1:
0x0: {  	(tag) =	ssettag $0x1  }
0x1: {  	s0 =	srdreg.scid  }
0x2: {  	s25 =	sand.u32 $0x1, s0  }
0x3: {  	s0 =	stileid.u32;
	s1 =	sshll.u32 s25, $0x4  }
0x4: {  	s24 =	rddreg [dreg:$0x0];
	s1 =	sor.u32 s0, s1  }
0x5: {  	s2 =	rddreg [dreg:$0x1];
	s3 =	simm.s32 $0x0;
	s4 =	smul.u32 $0x3000, s1  }
0x6: {  	[smem:$0x7FF] =	sst s3  }
0x7: {  	s22 =	sadd.s32 $0x1A200, s24;
	s1 =	rddreg [dreg:$0x2];
	s28 =	sshrl.u32 s4, $0x3  }
0x8: {  	_ =	strace $0x80000056;
	s4 =	simm.s32 $0x3;
	s5 =	sadd.s32 s22, s28  }
0x9: {  	[tilespmem:s3], [sflag:$0x3] =	stream.linear.gather [hbm4b:s5+s3], $0xC00, $0x38;
	[tilespmem:$0x1D800] =	vst v63  }
0xa: {  	_ =	swait.ge [sflag:s4], $0xC00  }
0xb: {  	s23 =	sadd.s32 $0x3C00, s24;
	[sflag:s4] =	ssyncset.done $0x0  }
0xc: {  	s7 =	simm.s32 $0x1800;
	s6 =	sadd.s32 s23, s28;
	[sflag:s4] =	ssyncadd.s32 $0xFFFFF400  }
0xd: {  	[tilespmem:s7], [sflag:$0x3] =	stream.linear.gather [hbm4b:s6+s3], $0xC00, $0x38;
	[tilespmem:$0x1D800] =	vst v63  }
0xe: {  	_ =	swait.ge [sflag:s4], $0xC00  }
0xf: {  	s9 =	simm.s32 $0xC00;
	s10 =	simm.s32 $0x3000;
	[sflag:s4] =	ssyncset.done $0x0  }
0x10: {  	s8 =	sadd.s32 $0x10200, s24;
	s12 =	sor.u32 $0x180, s28;
	[sflag:s4] =	ssyncadd.s32 $0xFFFFF400  }
0x11: {  	[tilespmem:s10], [sflag:$0x1] =	stream.indirect.gather [hbm4b:s8+s9], $0x10, s3, s9, $0xb8;
	[tilespmem:$0x1D800] =	vst v63  }
0x12: {  	s11 =	sadd.s32 s22, s12  }
0x13: {  	[tilespmem:s9], [sflag:$0x3] =	stream.linear.gather [hbm4b:s11+s3], $0xC00, $0x38;
	[tilespmem:$0x1D800] =	vst v63  }
0x14: {  	_ =	swait.ge [sflag:s4], $0xC00  }
0x15: {  	s13 =	simm.s32 $0x2400;
	[sflag:s4] =	ssyncset.done $0x0  }
0x16: {  	s26 =	smul.u32 $0x2800, s0;
	s12 =	sadd.s32 s23, s12;
	[sflag:s4] =	ssyncadd.s32 $0xFFFFF400  }
0x17: {  	[tilespmem:s13], [sflag:$0x3] =	stream.linear.gather [hbm4b:s12+s3], $0xC00, $0x38;
	[tilespmem:$0x1D800] =	vst v63  }
0x18: {  	s15 =	simm.s32 $0xF000;
	s14 =	sadd.s32 $0xFC00, s24;
	_ =	swait.ge [sflag:s4], $0xC00  }
0x19: {  	s17 =	sshll.u32 s0, $0x6;
	s16 =	sadd.s32 s26, s2;
	[sflag:s4] =	ssyncset.done $0x0  }
0x1a: {  	s17 =	sor.u32 $0x1C03, s17;
	s16 =	sshrl.u32 s16, $0x3;
	[sflag:s4] =	ssyncadd.s32 $0xFFFFF400  }
0x1b: {  	[tilespmem:s15], [sflag:$0x2] =	stream.indirect.gather [hbm4b:s8+s9], $0x10, s9, s9, $0xb8;
	[tilespmem:$0x1D800] =	vst v63  }
0x1c: {  	[spmem:s16], [sflag:s17] =	dma.local [hbm:s14], $0x500  }
0x1d: {  	_ =	swait.ge [sflag:s4], $0x500  }
0x1e: {  	[sflag:s4] =	ssyncset.done $0x0  }
0x1f: {  	[sflag:s4] =	ssyncadd.s32 $0xFFFFFB00  }
0x20: {  	s18 =	simm.s32 $0x1;
	[bflag:$0x0] =	sbarrier.arrive $0xFFFF  }
0x21: {  	_ =	swait.ge [sflag:s18], $0xC000  }
0x22: {  	[sflag:s18] =	ssyncset.done $0x0  }
0x23: {  	[sflag:s18] =	ssyncadd.s32 $0xFFFF4000  }
0x24: {  	[spmem:s2] =	stream.indirect.scatter.add.f32 [tilespmem:s10], [sflag:$0x3], $0x10, s7, s9, $0xb8;
	[tilespmem:$0x1D800] =	vst v63  }
0x25: {  	_ =	swait.ge [sflag:s4], $0xC000  }
0x26: {  	s20 =	sadd.s32 $0x300, s28;
	[sflag:s4] =	ssyncset.done $0x0  }
0x27: {  	s19 =	sadd.s32 s22, s20;
	[sflag:s4] =	ssyncadd.s32 $0xFFFF4000  }
0x28: {  	[tilespmem:s3], [sflag:$0x3] =	stream.linear.gather [hbm4b:s19+s3], $0xC00, $0x38;
	[tilespmem:$0x1D800] =	vst v63  }
0x29: {  	_ =	swait.ge [sflag:s4], $0xC00  }
0x2a: {  	[sflag:s4] =	ssyncset.done $0x0  }
0x2b: {  	s20 =	sadd.s32 s23, s20;
	[sflag:s4] =	ssyncadd.s32 $0xFFFFF400  }
0x2c: {  	[tilespmem:s7], [sflag:$0x3] =	stream.linear.gather [hbm4b:s20+s3], $0xC00, $0x38;
	[tilespmem:$0x1D800] =	vst v63  }
0x2d: {  	_ =	swait.ge [sflag:s4], $0xC00  }
0x2e: {  	[sflag:s4] =	ssyncset.done $0x0  }
0x2f: {  	s21 =	simm.s32 $0x2;
	[sflag:s4] =	ssyncadd.s32 $0xFFFFF400  }
0x30: {  	[tilespmem:s10], [sflag:$0x1] =	stream.indirect.gather [hbm4b:s8+s9], $0x10, s3, s9, $0xb8;
	[tilespmem:$0x1D800] =	vst v63  }
0x31: {  	_ =	swait.ge [sflag:s21], $0xC000  }
0x32: {  	[sflag:s21] =	ssyncset.done $0x0  }
0x33: {  	[sflag:s21] =	ssyncadd.s32 $0xFFFF4000  }
0x34: {  	[spmem:s2] =	stream.indirect.scatter.add.f32 [tilespmem:s15], [sflag:$0x3], $0x10, s13, s9, $0xb8;
	[tilespmem:$0x1D800] =	vst v63  }
0x35: {  	_ =	swait.ge [sflag:s4], $0xC000  }
0x36: {  	s28 =	sadd.s32 $0x480, s28;
	[sflag:s4] =	ssyncset.done $0x0  }
0x37: {  	s22 =	sadd.s32 s22, s28;
	[sflag:s4] =	ssyncadd.s32 $0xFFFF4000  }
0x38: {  	[tilespmem:s9], [sflag:$0x3] =	stream.linear.gather [hbm4b:s22+s3], $0xC00, $0x38;
	[tilespmem:$0x1D800] =	vst v63  }
0x39: {  	_ =	swait.ge [sflag:s4], $0xC00  }
0x3a: {  	[sflag:s4] =	ssyncset.done $0x0  }
0x3b: {  	s23 =	sadd.s32 s23, s28;
	[sflag:s4] =	ssyncadd.s32 $0xFFFFF400  }
0x3c: {  	[tilespmem:s13], [sflag:$0x3] =	stream.linear.gather [hbm4b:s23+s3], $0xC00, $0x38;
	[tilespmem:$0x1D800] =	vst v63  }
0x3d: {  	_ =	swait.ge [sflag:s4], $0xC00  }
0x3e: {  	[sflag:s4] =	ssyncset.done $0x0  }
0x3f: {  	[sflag:s4] =	ssyncadd.s32 $0xFFFFF400  }
0x40: {  	[tilespmem:s15], [sflag:$0x2] =	stream.indirect.gather [hbm4b:s8+s9], $0x10, s9, s9, $0xb8;
	[tilespmem:$0x1D800] =	vst v63  }
0x41: {  	_ =	swait.ge [sflag:s18], $0xC000  }
0x42: {  	[sflag:s18] =	ssyncset.done $0x0  }
0x43: {  	[sflag:s18] =	ssyncadd.s32 $0xFFFF4000  }
0x44: {  	[spmem:s2] =	stream.indirect.scatter.add.f32 [tilespmem:s10], [sflag:$0x3], $0x10, s7, s9, $0xb8;
	[tilespmem:$0x1D800] =	vst v63  }
0x45: {  	_ =	swait.ge [sflag:s4], $0xC000  }
0x46: {  	[sflag:s4] =	ssyncset.done $0x0  }
0x47: {  	s30 =	smul.u32 $0x28000, s25;
	s25 =	ssub.s32 $0x2, s25;
	[sflag:s4] =	ssyncadd.s32 $0xFFFF4000  }
0x48: {  	s31 =	sshrl.u32 s25, $0x1;
	_ =	swait.ge [sflag:s21], $0xC000  }
0x49: {  	s25 =	ssub.s32 s25, s31;
	[sflag:s21] =	ssyncset.done $0x0  }
0x4a: {  	s25 =	smax.u32 s25, $0x1;
	[sflag:s21] =	ssyncadd.s32 $0xFFFF4000  }
0x4b: {  	[spmem:s2] =	stream.indirect.scatter.add.f32 [tilespmem:s15], [sflag:$0x3], $0x10, s13, s9, $0xb8;
	[tilespmem:$0x1D800] =	vst v63  }
0x4c: {  	s26 =	sadd.s32 s26, s30;
	p0 =	sne.s32 s25, $0x1;
	_ =	swait.ge [sflag:s4], $0xC000  }
.Ltmp0:
0x4d: {  	s26 =	sshrl.u32 s26, $0x3;
	[sflag:s4] =	ssyncset.done $0x0;
	(pc) =	sbr.rel @!p0 .LBB2_2-.Ltmp0, $4  }
0x4e: {  	s24 =	sadd.s32 s26, s24;
	[sflag:s4] =	ssyncadd.s32 $0xFFFF4000  }
0x4f: {  	s24 =	sadd.s32 $0x26200, s24;
	[bflag:$0x0] =	sbarrier.arrive $0xFFFF  }
0x50: {  	[hbm:s24], [sflag:s17] =	dma.local [spmem:s16], $0x500  }
0x51: {  	s25 =	sadd.s32 $0xFFFFFFFF, s25;
	_ =	swait.ge [sflag:s4], $0x500  }
.LBB2_1:
0x52: {  	p0 =	sne.s32 s25, $0x1;
	s25 =	sadd.s32 $0xFFFFFFFF, s25;
	[sflag:s4] =	ssyncset.done $0x0  }
0x53: {  	[sflag:s4] =	ssyncadd.s32 $0xFFFFFB00  }
0x54: {  	[tilespmem:s3], [sflag:$0x3] =	stream.linear.gather [hbm4b:s5+s3], $0xC00, $0x38;
	[tilespmem:$0x1D800] =	vst v63  }
0x55: {  	_ =	swait.ge [sflag:s4], $0xC00  }
0x56: {  	[sflag:s4] =	ssyncset.done $0x0  }
0x57: {  	[sflag:s4] =	ssyncadd.s32 $0xFFFFF400  }
0x58: {  	[tilespmem:s7], [sflag:$0x3] =	stream.linear.gather [hbm4b:s6+s3], $0xC00, $0x38;
	[tilespmem:$0x1D800] =	vst v63  }
0x59: {  	_ =	swait.ge [sflag:s4], $0xC00  }
0x5a: {  	[sflag:s4] =	ssyncset.done $0x0  }
0x5b: {  	[sflag:s4] =	ssyncadd.s32 $0xFFFFF400  }
0x5c: {  	[tilespmem:s10], [sflag:$0x1] =	stream.indirect.gather [hbm4b:s8+s9], $0x10, s3, s9, $0xb8;
	[tilespmem:$0x1D800] =	vst v63  }
0x5d: {  	_ = 	snop  }
0x5e: {  	[tilespmem:s9], [sflag:$0x3] =	stream.linear.gather [hbm4b:s11+s3], $0xC00, $0x38;
	[tilespmem:$0x1D800] =	vst v63  }
0x5f: {  	_ =	swait.ge [sflag:s4], $0xC00  }
0x60: {  	[sflag:s4] =	ssyncset.done $0x0  }
0x61: {  	[sflag:s4] =	ssyncadd.s32 $0xFFFFF400  }
0x62: {  	[tilespmem:s13], [sflag:$0x3] =	stream.linear.gather [hbm4b:s12+s3], $0xC00, $0x38;
	[tilespmem:$0x1D800] =	vst v63  }
0x63: {  	_ =	swait.ge [sflag:s4], $0xC00  }
0x64: {  	[sflag:s4] =	ssyncset.done $0x0  }
0x65: {  	[sflag:s4] =	ssyncadd.s32 $0xFFFFF400  }
0x66: {  	[tilespmem:s15], [sflag:$0x2] =	stream.indirect.gather [hbm4b:s8+s9], $0x10, s9, s9, $0xb8;
	[tilespmem:$0x1D800] =	vst v63  }
0x67: {  	[spmem:s16], [sflag:s17] =	dma.local [hbm:s14], $0x500  }
0x68: {  	_ =	swait.ge [sflag:s4], $0x500  }
0x69: {  	[sflag:s4] =	ssyncset.done $0x0  }
0x6a: {  	[sflag:s4] =	ssyncadd.s32 $0xFFFFFB00  }
0x6b: {  	[bflag:$0x0] =	sbarrier.arrive $0xFFFF  }
0x6c: {  	_ =	swait.ge [sflag:s18], $0xC000  }
0x6d: {  	[sflag:s18] =	ssyncset.done $0x0  }
0x6e: {  	[sflag:s18] =	ssyncadd.s32 $0xFFFF4000  }
0x6f: {  	[spmem:s2] =	stream.indirect.scatter.add.f32 [tilespmem:s10], [sflag:$0x3], $0x10, s7, s9, $0xb8;
	[tilespmem:$0x1D800] =	vst v63  }
0x70: {  	_ =	swait.ge [sflag:s4], $0xC000  }
0x71: {  	[sflag:s4] =	ssyncset.done $0x0  }
0x72: {  	[sflag:s4] =	ssyncadd.s32 $0xFFFF4000  }
0x73: {  	[tilespmem:s3], [sflag:$0x3] =	stream.linear.gather [hbm4b:s19+s3], $0xC00, $0x38;
	[tilespmem:$0x1D800] =	vst v63  }
0x74: {  	_ =	swait.ge [sflag:s4], $0xC00  }
0x75: {  	[sflag:s4] =	ssyncset.done $0x0  }
0x76: {  	[sflag:s4] =	ssyncadd.s32 $0xFFFFF400  }
0x77: {  	[tilespmem:s7], [sflag:$0x3] =	stream.linear.gather [hbm4b:s20+s3], $0xC00, $0x38;
	[tilespmem:$0x1D800] =	vst v63  }
0x78: {  	_ =	swait.ge [sflag:s4], $0xC00  }
0x79: {  	[sflag:s4] =	ssyncset.done $0x0  }
0x7a: {  	[sflag:s4] =	ssyncadd.s32 $0xFFFFF400  }
0x7b: {  	[tilespmem:s10], [sflag:$0x1] =	stream.indirect.gather [hbm4b:s8+s9], $0x10, s3, s9, $0xb8;
	[tilespmem:$0x1D800] =	vst v63  }
0x7c: {  	_ =	swait.ge [sflag:s21], $0xC000  }
0x7d: {  	[sflag:s21] =	ssyncset.done $0x0  }
0x7e: {  	[sflag:s21] =	ssyncadd.s32 $0xFFFF4000  }
0x7f: {  	[spmem:s2] =	stream.indirect.scatter.add.f32 [tilespmem:s15], [sflag:$0x3], $0x10, s13, s9, $0xb8;
	[tilespmem:$0x1D800] =	vst v63  }
0x80: {  	_ =	swait.ge [sflag:s4], $0xC000  }
0x81: {  	[sflag:s4] =	ssyncset.done $0x0  }
0x82: {  	[sflag:s4] =	ssyncadd.s32 $0xFFFF4000  }
0x83: {  	[tilespmem:s9], [sflag:$0x3] =	stream.linear.gather [hbm4b:s22+s3], $0xC00, $0x38;
	[tilespmem:$0x1D800] =	vst v63  }
0x84: {  	_ =	swait.ge [sflag:s4], $0xC00  }
0x85: {  	[sflag:s4] =	ssyncset.done $0x0  }
0x86: {  	[sflag:s4] =	ssyncadd.s32 $0xFFFFF400  }
0x87: {  	[tilespmem:s13], [sflag:$0x3] =	stream.linear.gather [hbm4b:s23+s3], $0xC00, $0x38;
	[tilespmem:$0x1D800] =	vst v63  }
0x88: {  	_ =	swait.ge [sflag:s4], $0xC00  }
0x89: {  	[sflag:s4] =	ssyncset.done $0x0  }
0x8a: {  	[sflag:s4] =	ssyncadd.s32 $0xFFFFF400  }
0x8b: {  	[tilespmem:s15], [sflag:$0x2] =	stream.indirect.gather [hbm4b:s8+s9], $0x10, s9, s9, $0xb8;
	[tilespmem:$0x1D800] =	vst v63  }
0x8c: {  	_ =	swait.ge [sflag:s18], $0xC000  }
0x8d: {  	[sflag:s18] =	ssyncset.done $0x0  }
0x8e: {  	[sflag:s18] =	ssyncadd.s32 $0xFFFF4000  }
0x8f: {  	[spmem:s2] =	stream.indirect.scatter.add.f32 [tilespmem:s10], [sflag:$0x3], $0x10, s7, s9, $0xb8;
	[tilespmem:$0x1D800] =	vst v63  }
0x90: {  	_ =	swait.ge [sflag:s4], $0xC000  }
0x91: {  	[sflag:s4] =	ssyncset.done $0x0  }
0x92: {  	[sflag:s4] =	ssyncadd.s32 $0xFFFF4000  }
0x93: {  	_ =	swait.ge [sflag:s21], $0xC000  }
0x94: {  	[sflag:s21] =	ssyncset.done $0x0  }
0x95: {  	[sflag:s21] =	ssyncadd.s32 $0xFFFF4000  }
0x96: {  	[spmem:s2] =	stream.indirect.scatter.add.f32 [tilespmem:s15], [sflag:$0x3], $0x10, s13, s9, $0xb8;
	[tilespmem:$0x1D800] =	vst v63  }
0x97: {  	_ =	swait.ge [sflag:s4], $0xC000  }
.Ltmp1:
0x98: {  	[sflag:s4] =	ssyncset.done $0x0;
	(pc) =	sbr.rel @p0 .LBB2_1-.Ltmp1, $4  }
0x99: {  	[sflag:s4] =	ssyncadd.s32 $0xFFFF4000  }
0x9a: {  	[bflag:$0x0] =	sbarrier.arrive $0xFFFF  }
0x9b: {  	[hbm:s24], [sflag:s17] =	dma.local [spmem:s16], $0x500  }
0x9c: {  	_ =	swait.ge [sflag:s4], $0x500  }
.LBB2_2:
0x9d: {  	[sflag:s4] =	ssyncset.done $0x0  }
0x9e: {  	[sflag:s4] =	ssyncadd.s32 $0xFFFFFB00  }
0x9f: {  	_ =	sfence.sel $0x180000  }
0xa0: {  	[bflag:$0x0] =	sbarrier.arrive $0xFFFF  }
0xa1: {  	p0 =	sne.s32 s0, $0x0;
	_ =	strace $0x90000056  }
0xa2: {  	s0 =	sadd.s32 @!p0 $0x100000, s1;
	[bflag:$0x2] =	sbarrier.arrive $0xFFFF  }
0xa3: {  	[sflag:s0] =	ssyncadd.tile.s32 @!p0 $0x1;
	_ =	shalt  }
.Lfunc_end2:
_tile_overlayer_lowered:
.L_overlay_start_2:
0xa4: {  	(tag) =	ssettag $0x2  }
0xa5: {  	s0 =	rddreg [dreg:$0x0];
	s2 =	stileid.u32  }
0xa6: {  	s1 =	rddreg [dreg:$0x1];
	p0 =	sne.s32 s2, $0x0  }
0xa7: {  	s3 =	rddreg [dreg:$0x2];
	[bflag:$0x3] =	sbarrier.arrive $0xFFFF;
	s2 =	simm.s32 @!p0 $0x1C03  }
0xa8: {  	[timem:s3], [sflag:s2] =	dma.local @!p0 [hbm:s0], s1  }
0xa9: {  	s0 =	simm.s32 @!p0 $0x3  }
0xaa: {  	_ =	swait.ge @!p0 [sflag:s0], s1  }
0xab: {  	s1 =	ssub.s32 @!p0 $0x0, s1;
	[sflag:s0] =	ssyncset.done @!p0 $0x0  }
0xac: {  	[sflag:s0] =	ssyncadd.s32 @!p0 s1  }
0xad: {  	[bflag:$0x3] =	sbarrier.arrive $0xFFFF  }
0xae: {  	_ =	shalt  }

</sc_bundles>
